<compile_context>
chip_gen: v7x
topology: tpu7x:2x2x1
jax: 0.10.2.dev20260603
libtpu: 0.0.44.dev20260713+nightly
codegen_flags: <defaults>
</compile_context>

<pallas_src>
import functools

import jax
import jax.numpy as jnp
from jax import lax
from jax.experimental import pallas as pl
from jax.experimental.pallas import tpu as pltpu
from jax.experimental.pallas import tpu_sc as plsc

_ROWS = 200
_COLS = 16384
_TSIZE = 93
_NC = 2
_NS = 16
_NW = _NC * _NS
_COLS_W = _COLS // _NW
_CCHUNK = 128
_RCHUNK = 40
_NRC = _ROWS // _RCHUNK
_NCHUNK = (_COLS_W // _CCHUNK) * _NRC
_NB = 4
_LANES = 16

_mesh = plsc.VectorSubcoreMesh(core_axis_name="c", subcore_axis_name="s")


def _make(interpret=False):
    return functools.partial(
        pl.kernel,
        mesh=_mesh,
        out_type=jax.ShapeDtypeStruct((_ROWS, _COLS), jnp.int32),
        compiler_params=pltpu.CompilerParams(needs_layout_passes=False),
        scratch_types=[
            pltpu.VMEM((_TSIZE,), jnp.int32),
            pltpu.VMEM((_NB, _RCHUNK, _CCHUNK), jnp.int32),
            pltpu.VMEM((_NB, _RCHUNK, _CCHUNK), jnp.int32),
            pltpu.SemaphoreType.DMA((_NB,)),
            pltpu.SemaphoreType.DMA((_NB,)),
        ],
        interpret=interpret,
    )


def _lookup_body(values_hbm, table_hbm, out_hbm, table_v, in_v, out_v, insem,
                 outsem):
    wid = lax.axis_index("s") * _NC + lax.axis_index("c")
    c0w = wid * _COLS_W
    pltpu.sync_copy(table_hbm, table_v)

    def gather_chunk(b):
        ib = in_v.at[b]
        ob = out_v.at[b]

        @plsc.parallel_loop(0, _RCHUNK, unroll=2)
        def _(r):
            for c0 in range(0, _CCHUNK, _LANES):
                idx = ib[r, pl.ds(c0, _LANES)]
                ob[r, pl.ds(c0, _LANES)] = plsc.load_gather(table_v, [idx])

    def in_slice(g):
        gc = g // _NRC
        gr = g % _NRC
        return values_hbm.at[pl.ds(gr * _RCHUNK, _RCHUNK),
                             pl.ds(c0w + gc * _CCHUNK, _CCHUNK)]

    def out_slice(g):
        gc = g // _NRC
        gr = g % _NRC
        return out_hbm.at[pl.ds(gr * _RCHUNK, _RCHUNK),
                          pl.ds(c0w + gc * _CCHUNK, _CCHUNK)]

    for b in range(_NB):
        pltpu.async_copy(in_slice(b), in_v.at[b], insem.at[b])

    for b in range(_NB):
        pltpu.make_async_copy(in_slice(b), in_v.at[b], insem.at[b]).wait()
        gather_chunk(b)
        pltpu.async_copy(out_v.at[b], out_slice(b), outsem.at[b])
        if b + _NB < _NCHUNK:
            pltpu.async_copy(in_slice(b + _NB), in_v.at[b], insem.at[b])

    @pl.loop(_NB, _NCHUNK, step=_NB)
    def _(g0):
        for b in range(_NB):
            g = g0 + b
            pltpu.make_async_copy(in_slice(g), in_v.at[b], insem.at[b]).wait()
            pltpu.make_async_copy(out_v.at[b], out_slice(g),
                                  outsem.at[b]).wait()
            gather_chunk(b)
            pltpu.async_copy(out_v.at[b], out_slice(g), outsem.at[b])

            @pl.when(g + _NB < _NCHUNK)
            def _():
                pltpu.async_copy(in_slice(g + _NB), in_v.at[b], insem.at[b])

    for b in range(_NB):
        pltpu.make_async_copy(out_v.at[b], out_slice(_NCHUNK - _NB + b),
                              outsem.at[b]).wait()


_lookup = _make()(_lookup_body)


def kernel(values, table):
    out_t = _lookup(jnp.swapaxes(values, 0, 1), table)
    return jnp.swapaxes(out_t, 0, 1)

# --- scband reference (transcript-rebuilt; emitter-appended) ---
"""Pipeline reference for scband-lookup-layer-85246510891492 (READ-ONLY COPY).

The authoritative reference and input builder live on the scoring server;
editing this copy changes nothing except your own understanding.
"""

import jax, jax.numpy as jnp
import numpy as np

VOCAB_SIZE = 92
NUM_OOV_BUCKETS = 1
TABLE_SIZE = VOCAB_SIZE + NUM_OOV_BUCKETS  # 93
BATCH = 16384
SEQ = 200


def setup_inputs(seed: int = 0) -> dict:
    key = jax.random.key(seed)
    k1, _ = jax.random.split(key)
    # In the original TF layer, input strings are hashed/matched against a
    # 92-entry ASCII vocabulary (plus 1 OOV bucket). The JAX rewrite operates
    # post-vocabulary-match: `values` are key positions in [0, 93), and the
    # StaticVocabularyTable is a dense int mapping table of size 93 where
    # entry i holds the integer id assigned to key i (range(92) for in-vocab
    # keys, 92 for the OOV bucket) -- i.e. table = arange(93).
    values = jax.random.randint(k1, (BATCH, SEQ), 0, TABLE_SIZE, dtype=jnp.int32)
    table = jnp.arange(TABLE_SIZE, dtype=jnp.int32)
    return {"values": values, "table": table}


def reference(values, table):
    # table[values] : StaticVocabularyTable lookup == dense gather
    return jnp.take(table, values, axis=0)

if __name__ == "__main__":
    import jax
    _d = setup_inputs()
    print(jax.jit(kernel)(*tuple(_d.values())))

</pallas_src>

<mosaic_0001>
#map = affine_map<(d0, d1) -> (0, 0)>
#map1 = affine_map<(d0, d1) -> (0)>
module attributes {stable_mosaic.version = 14 : i64} {
  func.func @_lookup_body(%arg0: i32, %arg1: i32, %arg2: memref<200x16384xi32, #tpu.memory_space<hbm>>, %arg3: memref<93xi32, #tpu.memory_space<hbm>>, %arg4: memref<200x16384xi32, #tpu.memory_space<hbm>>, %arg5: memref<93xi32, #tpu.memory_space<vmem>>, %arg6: memref<4x40x128xi32, #tpu.memory_space<vmem>>, %arg7: memref<4x40x128xi32, #tpu.memory_space<vmem>>, %arg8: memref<4x!tpu.dma_semaphore, #tpu.memory_space<semaphore_mem>>, %arg9: memref<4x!tpu.dma_semaphore, #tpu.memory_space<semaphore_mem>>) attributes {dimension_semantics = [#tpu.dimension_semantics<core_parallel>, #tpu.dimension_semantics<subcore_parallel>], iteration_bounds = array<i64: 2, 16>, scalar_prefetch = 0 : i64, scratch_operands = 5 : i64, tpu.core_type = #tpu.core_type<sc_vector_subcore>, window_params = [{transform_indices = #map}, {transform_indices = #map1}, {transform_indices = #map}]} {
    %mul3A = arith.constant 2 : i32
    %mul3A_0 = arith.muli %arg1, %mul3A : i32
    %add3A = arith.addi %mul3A_0, %arg0 : i32
    %mul3A_1 = arith.constant 512 : i32
    %mul3A_2 = arith.muli %add3A, %mul3A_1 : i32
    "tpu.region"() ({
      %run_scoped3A = tpu.sem_alloc : memref<!tpu.dma_semaphore, #tpu.memory_space<semaphore_mem>>
      tpu.enqueue_dma source(%arg3 : memref<93xi32, #tpu.memory_space<hbm>>) target(%arg5 : memref<93xi32, #tpu.memory_space<vmem>>) target_semaphore(%run_scoped3A : memref<!tpu.dma_semaphore, #tpu.memory_space<semaphore_mem>>)
      tpu.wait_dma2 semaphore(%run_scoped3A : memref<!tpu.dma_semaphore, #tpu.memory_space<semaphore_mem>>) src(%arg3 : memref<93xi32, #tpu.memory_space<hbm>>) dst(%arg5 : memref<93xi32, #tpu.memory_space<vmem>>)
      tpu.yield
    }) : () -> ()
    %add3A_3 = arith.constant 0 : i32
    %add3A_4 = arith.addi %mul3A_2, %add3A_3 : i32
    %dma_start3A = arith.constant 0 : i32
    %dma_start3A_5 = arith.constant 0 : i32
    %dma_start3A_6 = arith.constant 0 : i32
    %dma_start3A_7 = arith.constant 0 : i32
    %dma_start3A_8 = tpu.memref_slice %arg6[%dma_start3A, %dma_start3A_6, %dma_start3A_7] : memref<4x40x128xi32, #tpu.memory_space<vmem>> -> memref<1x40x128xi32, #tpu.memory_space<vmem>>
    %dma_start3A_9 = tpu.memref_squeeze %dma_start3A_8 : memref<1x40x128xi32, #tpu.memory_space<vmem>> -> memref<40x128xi32, #tpu.memory_space<vmem>>
    %dma_start3A_10 = arith.constant 0 : i32
    %dma_start3A_11 = tpu.memref_slice %arg2[%dma_start3A_10, %add3A_4] : memref<200x16384xi32, #tpu.memory_space<hbm>> -> memref<40x128xi32, #tpu.memory_space<hbm>>
    %dma_start3A_12 = tpu.memref_slice %arg8[%dma_start3A_5] : memref<4x!tpu.dma_semaphore, #tpu.memory_space<semaphore_mem>> -> memref<1x!tpu.dma_semaphore, #tpu.memory_space<semaphore_mem>>
    %dma_start3A_13 = tpu.memref_squeeze %dma_start3A_12 : memref<1x!tpu.dma_semaphore, #tpu.memory_space<semaphore_mem>> -> memref<!tpu.dma_semaphore, #tpu.memory_space<semaphore_mem>>
    %dma_start3A_14 = arith.constant 0 : i32
    %dma_start3A_15 = arith.constant 0 : i32
    %dma_start3A_16 = tpu.memref_slice %arg6[%dma_start3A, %dma_start3A_14, %dma_start3A_15] : memref<4x40x128xi32, #tpu.memory_space<vmem>> -> memref<1x40x128xi32, #tpu.memory_space<vmem>>
    %dma_start3A_17 = tpu.memref_squeeze %dma_start3A_16 : memref<1x40x128xi32, #tpu.memory_space<vmem>> -> memref<40x128xi32, #tpu.memory_space<vmem>>
    %dma_start3A_18 = arith.constant 0 : i32
    %dma_start3A_19 = tpu.memref_slice %arg2[%dma_start3A_18, %add3A_4] : memref<200x16384xi32, #tpu.memory_space<hbm>> -> memref<40x128xi32, #tpu.memory_space<hbm>>
    tpu.enqueue_dma source(%dma_start3A_19 : memref<40x128xi32, #tpu.memory_space<hbm>>) target(%dma_start3A_17 : memref<40x128xi32, #tpu.memory_space<vmem>>) target_semaphore(%dma_start3A_13 : memref<!tpu.dma_semaphore, #tpu.memory_space<semaphore_mem>>)
    %add3A_20 = arith.constant 0 : i32
    %add3A_21 = arith.addi %mul3A_2, %add3A_20 : i32
    %dma_start3A_22 = arith.constant 1 : i32
    %dma_start3A_23 = arith.constant 1 : i32
    %dma_start3A_24 = arith.constant 0 : i32
    %dma_start3A_25 = arith.constant 0 : i32
    %dma_start3A_26 = tpu.memref_slice %arg6[%dma_start3A_22, %dma_start3A_24, %dma_start3A_25] : memref<4x40x128xi32, #tpu.memory_space<vmem>> -> memref<1x40x128xi32, #tpu.memory_space<vmem>>
    %dma_start3A_27 = tpu.memref_squeeze %dma_start3A_26 : memref<1x40x128xi32, #tpu.memory_space<vmem>> -> memref<40x128xi32, #tpu.memory_space<vmem>>
    %dma_start3A_28 = arith.constant 40 : i32
    %dma_start3A_29 = tpu.memref_slice %arg2[%dma_start3A_28, %add3A_21] : memref<200x16384xi32, #tpu.memory_space<hbm>> -> memref<40x128xi32, #tpu.memory_space<hbm>>
    %dma_start3A_30 = tpu.memref_slice %arg8[%dma_start3A_23] : memref<4x!tpu.dma_semaphore, #tpu.memory_space<semaphore_mem>> -> memref<1x!tpu.dma_semaphore, #tpu.memory_space<semaphore_mem>>
    %dma_start3A_31 = tpu.memref_squeeze %dma_start3A_30 : memref<1x!tpu.dma_semaphore, #tpu.memory_space<semaphore_mem>> -> memref<!tpu.dma_semaphore, #tpu.memory_space<semaphore_mem>>
    %dma_start3A_32 = arith.constant 0 : i32
    %dma_start3A_33 = arith.constant 0 : i32
    %dma_start3A_34 = tpu.memref_slice %arg6[%dma_start3A_22, %dma_start3A_32, %dma_start3A_33] : memref<4x40x128xi32, #tpu.memory_space<vmem>> -> memref<1x40x128xi32, #tpu.memory_space<vmem>>
    %dma_start3A_35 = tpu.memref_squeeze %dma_start3A_34 : memref<1x40x128xi32, #tpu.memory_space<vmem>> -> memref<40x128xi32, #tpu.memory_space<vmem>>
    %dma_start3A_36 = arith.constant 40 : i32
    %dma_start3A_37 = tpu.memref_slice %arg2[%dma_start3A_36, %add3A_21] : memref<200x16384xi32, #tpu.memory_space<hbm>> -> memref<40x128xi32, #tpu.memory_space<hbm>>
    tpu.enqueue_dma source(%dma_start3A_37 : memref<40x128xi32, #tpu.memory_space<hbm>>) target(%dma_start3A_35 : memref<40x128xi32, #tpu.memory_space<vmem>>) target_semaphore(%dma_start3A_31 : memref<!tpu.dma_semaphore, #tpu.memory_space<semaphore_mem>>)
    %add3A_38 = arith.constant 0 : i32
    %add3A_39 = arith.addi %mul3A_2, %add3A_38 : i32
    %dma_start3A_40 = arith.constant 2 : i32
    %dma_start3A_41 = arith.constant 2 : i32
    %dma_start3A_42 = arith.constant 0 : i32
    %dma_start3A_43 = arith.constant 0 : i32
    %dma_start3A_44 = tpu.memref_slice %arg6[%dma_start3A_40, %dma_start3A_42, %dma_start3A_43] : memref<4x40x128xi32, #tpu.memory_space<vmem>> -> memref<1x40x128xi32, #tpu.memory_space<vmem>>
    %dma_start3A_45 = tpu.memref_squeeze %dma_start3A_44 : memref<1x40x128xi32, #tpu.memory_space<vmem>> -> memref<40x128xi32, #tpu.memory_space<vmem>>
    %dma_start3A_46 = arith.constant 80 : i32
    %dma_start3A_47 = tpu.memref_slice %arg2[%dma_start3A_46, %add3A_39] : memref<200x16384xi32, #tpu.memory_space<hbm>> -> memref<40x128xi32, #tpu.memory_space<hbm>>
    %dma_start3A_48 = tpu.memref_slice %arg8[%dma_start3A_41] : memref<4x!tpu.dma_semaphore, #tpu.memory_space<semaphore_mem>> -> memref<1x!tpu.dma_semaphore, #tpu.memory_space<semaphore_mem>>
    %dma_start3A_49 = tpu.memref_squeeze %dma_start3A_48 : memref<1x!tpu.dma_semaphore, #tpu.memory_space<semaphore_mem>> -> memref<!tpu.dma_semaphore, #tpu.memory_space<semaphore_mem>>
    %dma_start3A_50 = arith.constant 0 : i32
    %dma_start3A_51 = arith.constant 0 : i32
    %dma_start3A_52 = tpu.memref_slice %arg6[%dma_start3A_40, %dma_start3A_50, %dma_start3A_51] : memref<4x40x128xi32, #tpu.memory_space<vmem>> -> memref<1x40x128xi32, #tpu.memory_space<vmem>>
    %dma_start3A_53 = tpu.memref_squeeze %dma_start3A_52 : memref<1x40x128xi32, #tpu.memory_space<vmem>> -> memref<40x128xi32, #tpu.memory_space<vmem>>
    %dma_start3A_54 = arith.constant 80 : i32
    %dma_start3A_55 = tpu.memref_slice %arg2[%dma_start3A_54, %add3A_39] : memref<200x16384xi32, #tpu.memory_space<hbm>> -> memref<40x128xi32, #tpu.memory_space<hbm>>
    tpu.enqueue_dma source(%dma_start3A_55 : memref<40x128xi32, #tpu.memory_space<hbm>>) target(%dma_start3A_53 : memref<40x128xi32, #tpu.memory_space<vmem>>) target_semaphore(%dma_start3A_49 : memref<!tpu.dma_semaphore, #tpu.memory_space<semaphore_mem>>)
    %add3A_56 = arith.constant 0 : i32
    %add3A_57 = arith.addi %mul3A_2, %add3A_56 : i32
    %dma_start3A_58 = arith.constant 3 : i32
    %dma_start3A_59 = arith.constant 3 : i32
    %dma_start3A_60 = arith.constant 0 : i32
    %dma_start3A_61 = arith.constant 0 : i32
    %dma_start3A_62 = tpu.memref_slice %arg6[%dma_start3A_58, %dma_start3A_60, %dma_start3A_61] : memref<4x40x128xi32, #tpu.memory_space<vmem>> -> memref<1x40x128xi32, #tpu.memory_space<vmem>>
    %dma_start3A_63 = tpu.memref_squeeze %dma_start3A_62 : memref<1x40x128xi32, #tpu.memory_space<vmem>> -> memref<40x128xi32, #tpu.memory_space<vmem>>
    %dma_start3A_64 = arith.constant 120 : i32
    %dma_start3A_65 = tpu.memref_slice %arg2[%dma_start3A_64, %add3A_57] : memref<200x16384xi32, #tpu.memory_space<hbm>> -> memref<40x128xi32, #tpu.memory_space<hbm>>
    %dma_start3A_66 = tpu.memref_slice %arg8[%dma_start3A_59] : memref<4x!tpu.dma_semaphore, #tpu.memory_space<semaphore_mem>> -> memref<1x!tpu.dma_semaphore, #tpu.memory_space<semaphore_mem>>
    %dma_start3A_67 = tpu.memref_squeeze %dma_start3A_66 : memref<1x!tpu.dma_semaphore, #tpu.memory_space<semaphore_mem>> -> memref<!tpu.dma_semaphore, #tpu.memory_space<semaphore_mem>>
    %dma_start3A_68 = arith.constant 0 : i32
    %dma_start3A_69 = arith.constant 0 : i32
    %dma_start3A_70 = tpu.memref_slice %arg6[%dma_start3A_58, %dma_start3A_68, %dma_start3A_69] : memref<4x40x128xi32, #tpu.memory_space<vmem>> -> memref<1x40x128xi32, #tpu.memory_space<vmem>>
    %dma_start3A_71 = tpu.memref_squeeze %dma_start3A_70 : memref<1x40x128xi32, #tpu.memory_space<vmem>> -> memref<40x128xi32, #tpu.memory_space<vmem>>
    %dma_start3A_72 = arith.constant 120 : i32
    %dma_start3A_73 = tpu.memref_slice %arg2[%dma_start3A_72, %add3A_57] : memref<200x16384xi32, #tpu.memory_space<hbm>> -> memref<40x128xi32, #tpu.memory_space<hbm>>
    tpu.enqueue_dma source(%dma_start3A_73 : memref<40x128xi32, #tpu.memory_space<hbm>>) target(%dma_start3A_71 : memref<40x128xi32, #tpu.memory_space<vmem>>) target_semaphore(%dma_start3A_67 : memref<!tpu.dma_semaphore, #tpu.memory_space<semaphore_mem>>)
    %add3A_74 = arith.constant 0 : i32
    %add3A_75 = arith.addi %mul3A_2, %add3A_74 : i32
    %dma_wait3A = arith.constant 0 : i32
    %dma_wait3A_76 = arith.constant 0 : i32
    %dma_wait3A_77 = arith.constant 0 : i32
    %dma_wait3A_78 = arith.constant 0 : i32
    %dma_wait3A_79 = tpu.memref_slice %arg6[%dma_wait3A, %dma_wait3A_77, %dma_wait3A_78] : memref<4x40x128xi32, #tpu.memory_space<vmem>> -> memref<1x40x128xi32, #tpu.memory_space<vmem>>
    %dma_wait3A_80 = tpu.memref_squeeze %dma_wait3A_79 : memref<1x40x128xi32, #tpu.memory_space<vmem>> -> memref<40x128xi32, #tpu.memory_space<vmem>>
    %dma_wait3A_81 = arith.constant 0 : i32
    %dma_wait3A_82 = tpu.memref_slice %arg2[%dma_wait3A_81, %add3A_75] : memref<200x16384xi32, #tpu.memory_space<hbm>> -> memref<40x128xi32, #tpu.memory_space<hbm>>
    %dma_wait3A_83 = tpu.memref_slice %arg8[%dma_wait3A_76] : memref<4x!tpu.dma_semaphore, #tpu.memory_space<semaphore_mem>> -> memref<1x!tpu.dma_semaphore, #tpu.memory_space<semaphore_mem>>
    %dma_wait3A_84 = tpu.memref_squeeze %dma_wait3A_83 : memref<1x!tpu.dma_semaphore, #tpu.memory_space<semaphore_mem>> -> memref<!tpu.dma_semaphore, #tpu.memory_space<semaphore_mem>>
    %dma_wait3A_85 = arith.constant 0 : i32
    %dma_wait3A_86 = arith.constant 0 : i32
    %dma_wait3A_87 = tpu.memref_slice %arg6[%dma_wait3A, %dma_wait3A_85, %dma_wait3A_86] : memref<4x40x128xi32, #tpu.memory_space<vmem>> -> memref<1x40x128xi32, #tpu.memory_space<vmem>>
    %dma_wait3A_88 = tpu.memref_squeeze %dma_wait3A_87 : memref<1x40x128xi32, #tpu.memory_space<vmem>> -> memref<40x128xi32, #tpu.memory_space<vmem>>
    %dma_wait3A_89 = arith.constant 0 : i32
    %dma_wait3A_90 = tpu.memref_slice %arg2[%dma_wait3A_89, %add3A_75] : memref<200x16384xi32, #tpu.memory_space<hbm>> -> memref<40x128xi32, #tpu.memory_space<hbm>>
    tpu.wait_dma2 semaphore(%dma_wait3A_84 : memref<!tpu.dma_semaphore, #tpu.memory_space<semaphore_mem>>) src(%dma_wait3A_90 : memref<40x128xi32, #tpu.memory_space<hbm>>) dst(%dma_wait3A_88 : memref<40x128xi32, #tpu.memory_space<vmem>>)
    %parallel_loop3A = arith.constant 0 : i32
    %parallel_loop3A_91 = arith.constant 40 : i32
    %parallel_loop3A_92 = arith.constant 1 : i32
    %parallel_loop3A_93 = arith.constant 0 : i32
    %parallel_loop3A_94 = arith.constant 0 : i32
    scf.for %parallel_loop3A_384 = %parallel_loop3A to %parallel_loop3A_91 step %parallel_loop3A_92  : i32 {
      %parallel_loop3A_385 = arith.constant 0 : i32
      %parallel_loop3A_386 = arith.constant 0 : i32
      %parallel_loop3A_387 = tpu.memref_slice %arg6[%parallel_loop3A_93, %parallel_loop3A_385, %parallel_loop3A_386] : memref<4x40x128xi32, #tpu.memory_space<vmem>> -> memref<1x40x128xi32, #tpu.memory_space<vmem>>
      %parallel_loop3A_388 = tpu.memref_squeeze %parallel_loop3A_387 : memref<1x40x128xi32, #tpu.memory_space<vmem>> -> memref<40x128xi32, #tpu.memory_space<vmem>>
      %parallel_loop3A_389 = arith.index_cast %parallel_loop3A_384 : i32 to index
      %parallel_loop3A_390 = arith.constant 0 : index
      %parallel_loop3A_391 = tpu.vector_load %parallel_loop3A_388[%parallel_loop3A_389, %parallel_loop3A_390] {strides = array<i32>} : memref<40x128xi32, #tpu.memory_space<vmem>>, vector<16xi32>,
      %parallel_loop3A_392 = tpu.vector_load_idx %arg5[%parallel_loop3A_391] : memref<93xi32, #tpu.memory_space<vmem>>[vector<16xi32>], vector<16xi32>,
      %parallel_loop3A_393 = arith.constant 0 : i32
      %parallel_loop3A_394 = arith.constant 0 : i32
      %parallel_loop3A_395 = tpu.memref_slice %arg7[%parallel_loop3A_94, %parallel_loop3A_393, %parallel_loop3A_394] : memref<4x40x128xi32, #tpu.memory_space<vmem>> -> memref<1x40x128xi32, #tpu.memory_space<vmem>>
      %parallel_loop3A_396 = tpu.memref_squeeze %parallel_loop3A_395 : memref<1x40x128xi32, #tpu.memory_space<vmem>> -> memref<40x128xi32, #tpu.memory_space<vmem>>
      %parallel_loop3A_397 = arith.index_cast %parallel_loop3A_384 : i32 to index
      %parallel_loop3A_398 = arith.constant 0 : index
      %parallel_loop3A_399 = tpu.vector_load %parallel_loop3A_396[%parallel_loop3A_397, %parallel_loop3A_398] {strides = array<i32>} : memref<40x128xi32, #tpu.memory_space<vmem>>, vector<16xi32>,
      tpu.vector_store %parallel_loop3A_396[%parallel_loop3A_397, %parallel_loop3A_398], %parallel_loop3A_392 {strides = array<i32>} : memref<40x128xi32, #tpu.memory_space<vmem>>, vector<16xi32>,
      %parallel_loop3A_400 = arith.constant 0 : i32
      %parallel_loop3A_401 = arith.constant 0 : i32
      %parallel_loop3A_402 = tpu.memref_slice %arg6[%parallel_loop3A_93, %parallel_loop3A_400, %parallel_loop3A_401] : memref<4x40x128xi32, #tpu.memory_space<vmem>> -> memref<1x40x128xi32, #tpu.memory_space<vmem>>
      %parallel_loop3A_403 = tpu.memref_squeeze %parallel_loop3A_402 : memref<1x40x128xi32, #tpu.memory_space<vmem>> -> memref<40x128xi32, #tpu.memory_space<vmem>>
      %parallel_loop3A_404 = arith.index_cast %parallel_loop3A_384 : i32 to index
      %parallel_loop3A_405 = arith.constant 16 : index
      %parallel_loop3A_406 = tpu.vector_load %parallel_loop3A_403[%parallel_loop3A_404, %parallel_loop3A_405] {strides = array<i32>} : memref<40x128xi32, #tpu.memory_space<vmem>>, vector<16xi32>,
      %parallel_loop3A_407 = tpu.vector_load_idx %arg5[%parallel_loop3A_406] : memref<93xi32, #tpu.memory_space<vmem>>[vector<16xi32>], vector<16xi32>,
      %parallel_loop3A_408 = arith.constant 0 : i32
      %parallel_loop3A_409 = arith.constant 0 : i32
      %parallel_loop3A_410 = tpu.memref_slice %arg7[%parallel_loop3A_94, %parallel_loop3A_408, %parallel_loop3A_409] : memref<4x40x128xi32, #tpu.memory_space<vmem>> -> memref<1x40x128xi32, #tpu.memory_space<vmem>>
      %parallel_loop3A_411 = tpu.memref_squeeze %parallel_loop3A_410 : memref<1x40x128xi32, #tpu.memory_space<vmem>> -> memref<40x128xi32, #tpu.memory_space<vmem>>
      %parallel_loop3A_412 = arith.index_cast %parallel_loop3A_384 : i32 to index
      %parallel_loop3A_413 = arith.constant 16 : index
      %parallel_loop3A_414 = tpu.vector_load %parallel_loop3A_411[%parallel_loop3A_412, %parallel_loop3A_413] {strides = array<i32>} : memref<40x128xi32, #tpu.memory_space<vmem>>, vector<16xi32>,
      tpu.vector_store %parallel_loop3A_411[%parallel_loop3A_412, %parallel_loop3A_413], %parallel_loop3A_407 {strides = array<i32>} : memref<40x128xi32, #tpu.memory_space<vmem>>, vector<16xi32>,
      %parallel_loop3A_415 = arith.constant 0 : i32
      %parallel_loop3A_416 = arith.constant 0 : i32
      %parallel_loop3A_417 = tpu.memref_slice %arg6[%parallel_loop3A_93, %parallel_loop3A_415, %parallel_loop3A_416] : memref<4x40x128xi32, #tpu.memory_space<vmem>> -> memref<1x40x128xi32, #tpu.memory_space<vmem>>
      %parallel_loop3A_418 = tpu.memref_squeeze %parallel_loop3A_417 : memref<1x40x128xi32, #tpu.memory_space<vmem>> -> memref<40x128xi32, #tpu.memory_space<vmem>>
      %parallel_loop3A_419 = arith.index_cast %parallel_loop3A_384 : i32 to index
      %parallel_loop3A_420 = arith.constant 32 : index
      %parallel_loop3A_421 = tpu.vector_load %parallel_loop3A_418[%parallel_loop3A_419, %parallel_loop3A_420] {strides = array<i32>} : memref<40x128xi32, #tpu.memory_space<vmem>>, vector<16xi32>,
      %parallel_loop3A_422 = tpu.vector_load_idx %arg5[%parallel_loop3A_421] : memref<93xi32, #tpu.memory_space<vmem>>[vector<16xi32>], vector<16xi32>,
      %parallel_loop3A_423 = arith.constant 0 : i32
      %parallel_loop3A_424 = arith.constant 0 : i32
      %parallel_loop3A_425 = tpu.memref_slice %arg7[%parallel_loop3A_94, %parallel_loop3A_423, %parallel_loop3A_424] : memref<4x40x128xi32, #tpu.memory_space<vmem>> -> memref<1x40x128xi32, #tpu.memory_space<vmem>>
      %parallel_loop3A_426 = tpu.memref_squeeze %parallel_loop3A_425 : memref<1x40x128xi32, #tpu.memory_space<vmem>> -> memref<40x128xi32, #tpu.memory_space<vmem>>
      %parallel_loop3A_427 = arith.index_cast %parallel_loop3A_384 : i32 to index
      %parallel_loop3A_428 = arith.constant 32 : index
      %parallel_loop3A_429 = tpu.vector_load %parallel_loop3A_426[%parallel_loop3A_427, %parallel_loop3A_428] {strides = array<i32>} : memref<40x128xi32, #tpu.memory_space<vmem>>, vector<16xi32>,
      tpu.vector_store %parallel_loop3A_426[%parallel_loop3A_427, %parallel_loop3A_428], %parallel_loop3A_422 {strides = array<i32>} : memref<40x128xi32, #tpu.memory_space<vmem>>, vector<16xi32>,
      %parallel_loop3A_430 = arith.constant 0 : i32
      %parallel_loop3A_431 = arith.constant 0 : i32
      %parallel_loop3A_432 = tpu.memref_slice %arg6[%parallel_loop3A_93, %parallel_loop3A_430, %parallel_loop3A_431] : memref<4x40x128xi32, #tpu.memory_space<vmem>> -> memref<1x40x128xi32, #tpu.memory_space<vmem>>
      %parallel_loop3A_433 = tpu.memref_squeeze %parallel_loop3A_432 : memref<1x40x128xi32, #tpu.memory_space<vmem>> -> memref<40x128xi32, #tpu.memory_space<vmem>>
      %parallel_loop3A_434 = arith.index_cast %parallel_loop3A_384 : i32 to index
      %parallel_loop3A_435 = arith.constant 48 : index
      %parallel_loop3A_436 = tpu.vector_load %parallel_loop3A_433[%parallel_loop3A_434, %parallel_loop3A_435] {strides = array<i32>} : memref<40x128xi32, #tpu.memory_space<vmem>>, vector<16xi32>,
      %parallel_loop3A_437 = tpu.vector_load_idx %arg5[%parallel_loop3A_436] : memref<93xi32, #tpu.memory_space<vmem>>[vector<16xi32>], vector<16xi32>,
      %parallel_loop3A_438 = arith.constant 0 : i32
      %parallel_loop3A_439 = arith.constant 0 : i32
      %parallel_loop3A_440 = tpu.memref_slice %arg7[%parallel_loop3A_94, %parallel_loop3A_438, %parallel_loop3A_439] : memref<4x40x128xi32, #tpu.memory_space<vmem>> -> memref<1x40x128xi32, #tpu.memory_space<vmem>>
      %parallel_loop3A_441 = tpu.memref_squeeze %parallel_loop3A_440 : memref<1x40x128xi32, #tpu.memory_space<vmem>> -> memref<40x128xi32, #tpu.memory_space<vmem>>
      %parallel_loop3A_442 = arith.index_cast %parallel_loop3A_384 : i32 to index
      %parallel_loop3A_443 = arith.constant 48 : index
      %parallel_loop3A_444 = tpu.vector_load %parallel_loop3A_441[%parallel_loop3A_442, %parallel_loop3A_443] {strides = array<i32>} : memref<40x128xi32, #tpu.memory_space<vmem>>, vector<16xi32>,
      tpu.vector_store %parallel_loop3A_441[%parallel_loop3A_442, %parallel_loop3A_443], %parallel_loop3A_437 {strides = array<i32>} : memref<40x128xi32, #tpu.memory_space<vmem>>, vector<16xi32>,
      %parallel_loop3A_445 = arith.constant 0 : i32
      %parallel_loop3A_446 = arith.constant 0 : i32
      %parallel_loop3A_447 = tpu.memref_slice %arg6[%parallel_loop3A_93, %parallel_loop3A_445, %parallel_loop3A_446] : memref<4x40x128xi32, #tpu.memory_space<vmem>> -> memref<1x40x128xi32, #tpu.memory_space<vmem>>
      %parallel_loop3A_448 = tpu.memref_squeeze %parallel_loop3A_447 : memref<1x40x128xi32, #tpu.memory_space<vmem>> -> memref<40x128xi32, #tpu.memory_space<vmem>>
      %parallel_loop3A_449 = arith.index_cast %parallel_loop3A_384 : i32 to index
      %parallel_loop3A_450 = arith.constant 64 : index
      %parallel_loop3A_451 = tpu.vector_load %parallel_loop3A_448[%parallel_loop3A_449, %parallel_loop3A_450] {strides = array<i32>} : memref<40x128xi32, #tpu.memory_space<vmem>>, vector<16xi32>,
      %parallel_loop3A_452 = tpu.vector_load_idx %arg5[%parallel_loop3A_451] : memref<93xi32, #tpu.memory_space<vmem>>[vector<16xi32>], vector<16xi32>,
      %parallel_loop3A_453 = arith.constant 0 : i32
      %parallel_loop3A_454 = arith.constant 0 : i32
      %parallel_loop3A_455 = tpu.memref_slice %arg7[%parallel_loop3A_94, %parallel_loop3A_453, %parallel_loop3A_454] : memref<4x40x128xi32, #tpu.memory_space<vmem>> -> memref<1x40x128xi32, #tpu.memory_space<vmem>>
      %parallel_loop3A_456 = tpu.memref_squeeze %parallel_loop3A_455 : memref<1x40x128xi32, #tpu.memory_space<vmem>> -> memref<40x128xi32, #tpu.memory_space<vmem>>
      %parallel_loop3A_457 = arith.index_cast %parallel_loop3A_384 : i32 to index
      %parallel_loop3A_458 = arith.constant 64 : index
      %parallel_loop3A_459 = tpu.vector_load %parallel_loop3A_456[%parallel_loop3A_457, %parallel_loop3A_458] {strides = array<i32>} : memref<40x128xi32, #tpu.memory_space<vmem>>, vector<16xi32>,
      tpu.vector_store %parallel_loop3A_456[%parallel_loop3A_457, %parallel_loop3A_458], %parallel_loop3A_452 {strides = array<i32>} : memref<40x128xi32, #tpu.memory_space<vmem>>, vector<16xi32>,
      %parallel_loop3A_460 = arith.constant 0 : i32
      %parallel_loop3A_461 = arith.constant 0 : i32
      %parallel_loop3A_462 = tpu.memref_slice %arg6[%parallel_loop3A_93, %parallel_loop3A_460, %parallel_loop3A_461] : memref<4x40x128xi32, #tpu.memory_space<vmem>> -> memref<1x40x128xi32, #tpu.memory_space<vmem>>
      %parallel_loop3A_463 = tpu.memref_squeeze %parallel_loop3A_462 : memref<1x40x128xi32, #tpu.memory_space<vmem>> -> memref<40x128xi32, #tpu.memory_space<vmem>>
      %parallel_loop3A_464 = arith.index_cast %parallel_loop3A_384 : i32 to index
      %parallel_loop3A_465 = arith.constant 80 : index
      %parallel_loop3A_466 = tpu.vector_load %parallel_loop3A_463[%parallel_loop3A_464, %parallel_loop3A_465] {strides = array<i32>} : memref<40x128xi32, #tpu.memory_space<vmem>>, vector<16xi32>,
      %parallel_loop3A_467 = tpu.vector_load_idx %arg5[%parallel_loop3A_466] : memref<93xi32, #tpu.memory_space<vmem>>[vector<16xi32>], vector<16xi32>,
      %parallel_loop3A_468 = arith.constant 0 : i32
      %parallel_loop3A_469 = arith.constant 0 : i32
      %parallel_loop3A_470 = tpu.memref_slice %arg7[%parallel_loop3A_94, %parallel_loop3A_468, %parallel_loop3A_469] : memref<4x40x128xi32, #tpu.memory_space<vmem>> -> memref<1x40x128xi32, #tpu.memory_space<vmem>>
      %parallel_loop3A_471 = tpu.memref_squeeze %parallel_loop3A_470 : memref<1x40x128xi32, #tpu.memory_space<vmem>> -> memref<40x128xi32, #tpu.memory_space<vmem>>
      %parallel_loop3A_472 = arith.index_cast %parallel_loop3A_384 : i32 to index
      %parallel_loop3A_473 = arith.constant 80 : index
      %parallel_loop3A_474 = tpu.vector_load %parallel_loop3A_471[%parallel_loop3A_472, %parallel_loop3A_473] {strides = array<i32>} : memref<40x128xi32, #tpu.memory_space<vmem>>, vector<16xi32>,
      tpu.vector_store %parallel_loop3A_471[%parallel_loop3A_472, %parallel_loop3A_473], %parallel_loop3A_467 {strides = array<i32>} : memref<40x128xi32, #tpu.memory_space<vmem>>, vector<16xi32>,
      %parallel_loop3A_475 = arith.constant 0 : i32
      %parallel_loop3A_476 = arith.constant 0 : i32
      %parallel_loop3A_477 = tpu.memref_slice %arg6[%parallel_loop3A_93, %parallel_loop3A_475, %parallel_loop3A_476] : memref<4x40x128xi32, #tpu.memory_space<vmem>> -> memref<1x40x128xi32, #tpu.memory_space<vmem>>
      %parallel_loop3A_478 = tpu.memref_squeeze %parallel_loop3A_477 : memref<1x40x128xi32, #tpu.memory_space<vmem>> -> memref<40x128xi32, #tpu.memory_space<vmem>>
      %parallel_loop3A_479 = arith.index_cast %parallel_loop3A_384 : i32 to index
      %parallel_loop3A_480 = arith.constant 96 : index
      %parallel_loop3A_481 = tpu.vector_load %parallel_loop3A_478[%parallel_loop3A_479, %parallel_loop3A_480] {strides = array<i32>} : memref<40x128xi32, #tpu.memory_space<vmem>>, vector<16xi32>,
      %parallel_loop3A_482 = tpu.vector_load_idx %arg5[%parallel_loop3A_481] : memref<93xi32, #tpu.memory_space<vmem>>[vector<16xi32>], vector<16xi32>,
      %parallel_loop3A_483 = arith.constant 0 : i32
      %parallel_loop3A_484 = arith.constant 0 : i32
      %parallel_loop3A_485 = tpu.memref_slice %arg7[%parallel_loop3A_94, %parallel_loop3A_483, %parallel_loop3A_484] : memref<4x40x128xi32, #tpu.memory_space<vmem>> -> memref<1x40x128xi32, #tpu.memory_space<vmem>>
      %parallel_loop3A_486 = tpu.memref_squeeze %parallel_loop3A_485 : memref<1x40x128xi32, #tpu.memory_space<vmem>> -> memref<40x128xi32, #tpu.memory_space<vmem>>
      %parallel_loop3A_487 = arith.index_cast %parallel_loop3A_384 : i32 to index
      %parallel_loop3A_488 = arith.constant 96 : index
      %parallel_loop3A_489 = tpu.vector_load %parallel_loop3A_486[%parallel_loop3A_487, %parallel_loop3A_488] {strides = array<i32>} : memref<40x128xi32, #tpu.memory_space<vmem>>, vector<16xi32>,
      tpu.vector_store %parallel_loop3A_486[%parallel_loop3A_487, %parallel_loop3A_488], %parallel_loop3A_482 {strides = array<i32>} : memref<40x128xi32, #tpu.memory_space<vmem>>, vector<16xi32>,
      %parallel_loop3A_490 = arith.constant 0 : i32
      %parallel_loop3A_491 = arith.constant 0 : i32
      %parallel_loop3A_492 = tpu.memref_slice %arg6[%parallel_loop3A_93, %parallel_loop3A_490, %parallel_loop3A_491] : memref<4x40x128xi32, #tpu.memory_space<vmem>> -> memref<1x40x128xi32, #tpu.memory_space<vmem>>
      %parallel_loop3A_493 = tpu.memref_squeeze %parallel_loop3A_492 : memref<1x40x128xi32, #tpu.memory_space<vmem>> -> memref<40x128xi32, #tpu.memory_space<vmem>>
      %parallel_loop3A_494 = arith.index_cast %parallel_loop3A_384 : i32 to index
      %parallel_loop3A_495 = arith.constant 112 : index
      %parallel_loop3A_496 = tpu.vector_load %parallel_loop3A_493[%parallel_loop3A_494, %parallel_loop3A_495] {strides = array<i32>} : memref<40x128xi32, #tpu.memory_space<vmem>>, vector<16xi32>,
      %parallel_loop3A_497 = tpu.vector_load_idx %arg5[%parallel_loop3A_496] : memref<93xi32, #tpu.memory_space<vmem>>[vector<16xi32>], vector<16xi32>,
      %parallel_loop3A_498 = arith.constant 0 : i32
      %parallel_loop3A_499 = arith.constant 0 : i32
      %parallel_loop3A_500 = tpu.memref_slice %arg7[%parallel_loop3A_94, %parallel_loop3A_498, %parallel_loop3A_499] : memref<4x40x128xi32, #tpu.memory_space<vmem>> -> memref<1x40x128xi32, #tpu.memory_space<vmem>>
      %parallel_loop3A_501 = tpu.memref_squeeze %parallel_loop3A_500 : memref<1x40x128xi32, #tpu.memory_space<vmem>> -> memref<40x128xi32, #tpu.memory_space<vmem>>
      %parallel_loop3A_502 = arith.index_cast %parallel_loop3A_384 : i32 to index
      %parallel_loop3A_503 = arith.constant 112 : index
      %parallel_loop3A_504 = tpu.vector_load %parallel_loop3A_501[%parallel_loop3A_502, %parallel_loop3A_503] {strides = array<i32>} : memref<40x128xi32, #tpu.memory_space<vmem>>, vector<16xi32>,
      tpu.vector_store %parallel_loop3A_501[%parallel_loop3A_502, %parallel_loop3A_503], %parallel_loop3A_497 {strides = array<i32>} : memref<40x128xi32, #tpu.memory_space<vmem>>, vector<16xi32>,
    } {sc.loop_unroll_factor = 2 : i64, sc.parallel_access}
    %add3A_95 = arith.constant 0 : i32
    %add3A_96 = arith.addi %mul3A_2, %add3A_95 : i32
    %dma_start3A_97 = arith.constant 0 : i32
    %dma_start3A_98 = arith.constant 0 : i32
    %dma_start3A_99 = arith.constant 0 : i32
    %dma_start3A_100 = arith.constant 0 : i32
    %dma_start3A_101 = tpu.memref_slice %arg7[%dma_start3A_97, %dma_start3A_99, %dma_start3A_100] : memref<4x40x128xi32, #tpu.memory_space<vmem>> -> memref<1x40x128xi32, #tpu.memory_space<vmem>>
    %dma_start3A_102 = tpu.memref_squeeze %dma_start3A_101 : memref<1x40x128xi32, #tpu.memory_space<vmem>> -> memref<40x128xi32, #tpu.memory_space<vmem>>
    %dma_start3A_103 = arith.constant 0 : i32
    %dma_start3A_104 = tpu.memref_slice %arg4[%dma_start3A_103, %add3A_96] : memref<200x16384xi32, #tpu.memory_space<hbm>> -> memref<40x128xi32, #tpu.memory_space<hbm>>
    %dma_start3A_105 = tpu.memref_slice %arg9[%dma_start3A_98] : memref<4x!tpu.dma_semaphore, #tpu.memory_space<semaphore_mem>> -> memref<1x!tpu.dma_semaphore, #tpu.memory_space<semaphore_mem>>
    %dma_start3A_106 = tpu.memref_squeeze %dma_start3A_105 : memref<1x!tpu.dma_semaphore, #tpu.memory_space<semaphore_mem>> -> memref<!tpu.dma_semaphore, #tpu.memory_space<semaphore_mem>>
    %dma_start3A_107 = arith.constant 0 : i32
    %dma_start3A_108 = tpu.memref_slice %arg4[%dma_start3A_107, %add3A_96] : memref<200x16384xi32, #tpu.memory_space<hbm>> -> memref<40x128xi32, #tpu.memory_space<hbm>>
    %dma_start3A_109 = arith.constant 0 : i32
    %dma_start3A_110 = arith.constant 0 : i32
    %dma_start3A_111 = tpu.memref_slice %arg7[%dma_start3A_97, %dma_start3A_109, %dma_start3A_110] : memref<4x40x128xi32, #tpu.memory_space<vmem>> -> memref<1x40x128xi32, #tpu.memory_space<vmem>>
    %dma_start3A_112 = tpu.memref_squeeze %dma_start3A_111 : memref<1x40x128xi32, #tpu.memory_space<vmem>> -> memref<40x128xi32, #tpu.memory_space<vmem>>
    tpu.enqueue_dma source(%dma_start3A_112 : memref<40x128xi32, #tpu.memory_space<vmem>>) target(%dma_start3A_108 : memref<40x128xi32, #tpu.memory_space<hbm>>) target_semaphore(%dma_start3A_106 : memref<!tpu.dma_semaphore, #tpu.memory_space<semaphore_mem>>)
    %add3A_113 = arith.constant 0 : i32
    %add3A_114 = arith.addi %mul3A_2, %add3A_113 : i32
    %dma_start3A_115 = arith.constant 0 : i32
    %dma_start3A_116 = arith.constant 0 : i32
    %dma_start3A_117 = arith.constant 0 : i32
    %dma_start3A_118 = arith.constant 0 : i32
    %dma_start3A_119 = tpu.memref_slice %arg6[%dma_start3A_115, %dma_start3A_117, %dma_start3A_118] : memref<4x40x128xi32, #tpu.memory_space<vmem>> -> memref<1x40x128xi32, #tpu.memory_space<vmem>>
    %dma_start3A_120 = tpu.memref_squeeze %dma_start3A_119 : memref<1x40x128xi32, #tpu.memory_space<vmem>> -> memref<40x128xi32, #tpu.memory_space<vmem>>
    %dma_start3A_121 = arith.constant 160 : i32
    %dma_start3A_122 = tpu.memref_slice %arg2[%dma_start3A_121, %add3A_114] : memref<200x16384xi32, #tpu.memory_space<hbm>> -> memref<40x128xi32, #tpu.memory_space<hbm>>
    %dma_start3A_123 = tpu.memref_slice %arg8[%dma_start3A_116] : memref<4x!tpu.dma_semaphore, #tpu.memory_space<semaphore_mem>> -> memref<1x!tpu.dma_semaphore, #tpu.memory_space<semaphore_mem>>
    %dma_start3A_124 = tpu.memref_squeeze %dma_start3A_123 : memref<1x!tpu.dma_semaphore, #tpu.memory_space<semaphore_mem>> -> memref<!tpu.dma_semaphore, #tpu.memory_space<semaphore_mem>>
    %dma_start3A_125 = arith.constant 0 : i32
    %dma_start3A_126 = arith.constant 0 : i32
    %dma_start3A_127 = tpu.memref_slice %arg6[%dma_start3A_115, %dma_start3A_125, %dma_start3A_126] : memref<4x40x128xi32, #tpu.memory_space<vmem>> -> memref<1x40x128xi32, #tpu.memory_space<vmem>>
    %dma_start3A_128 = tpu.memref_squeeze %dma_start3A_127 : memref<1x40x128xi32, #tpu.memory_space<vmem>> -> memref<40x128xi32, #tpu.memory_space<vmem>>
    %dma_start3A_129 = arith.constant 160 : i32
    %dma_start3A_130 = tpu.memref_slice %arg2[%dma_start3A_129, %add3A_114] : memref<200x16384xi32, #tpu.memory_space<hbm>> -> memref<40x128xi32, #tpu.memory_space<hbm>>
    tpu.enqueue_dma source(%dma_start3A_130 : memref<40x128xi32, #tpu.memory_space<hbm>>) target(%dma_start3A_128 : memref<40x128xi32, #tpu.memory_space<vmem>>) target_semaphore(%dma_start3A_124 : memref<!tpu.dma_semaphore, #tpu.memory_space<semaphore_mem>>)
    %add3A_131 = arith.constant 0 : i32
    %add3A_132 = arith.addi %mul3A_2, %add3A_131 : i32
    %dma_wait3A_133 = arith.constant 1 : i32
    %dma_wait3A_134 = arith.constant 1 : i32
    %dma_wait3A_135 = arith.constant 0 : i32
    %dma_wait3A_136 = arith.constant 0 : i32
    %dma_wait3A_137 = tpu.memref_slice %arg6[%dma_wait3A_133, %dma_wait3A_135, %dma_wait3A_136] : memref<4x40x128xi32, #tpu.memory_space<vmem>> -> memref<1x40x128xi32, #tpu.memory_space<vmem>>
    %dma_wait3A_138 = tpu.memref_squeeze %dma_wait3A_137 : memref<1x40x128xi32, #tpu.memory_space<vmem>> -> memref<40x128xi32, #tpu.memory_space<vmem>>
    %dma_wait3A_139 = arith.constant 40 : i32
    %dma_wait3A_140 = tpu.memref_slice %arg2[%dma_wait3A_139, %add3A_132] : memref<200x16384xi32, #tpu.memory_space<hbm>> -> memref<40x128xi32, #tpu.memory_space<hbm>>
    %dma_wait3A_141 = tpu.memref_slice %arg8[%dma_wait3A_134] : memref<4x!tpu.dma_semaphore, #tpu.memory_space<semaphore_mem>> -> memref<1x!tpu.dma_semaphore, #tpu.memory_space<semaphore_mem>>
    %dma_wait3A_142 = tpu.memref_squeeze %dma_wait3A_141 : memref<1x!tpu.dma_semaphore, #tpu.memory_space<semaphore_mem>> -> memref<!tpu.dma_semaphore, #tpu.memory_space<semaphore_mem>>
    %dma_wait3A_143 = arith.constant 0 : i32
    %dma_wait3A_144 = arith.constant 0 : i32
    %dma_wait3A_145 = tpu.memref_slice %arg6[%dma_wait3A_133, %dma_wait3A_143, %dma_wait3A_144] : memref<4x40x128xi32, #tpu.memory_space<vmem>> -> memref<1x40x128xi32, #tpu.memory_space<vmem>>
    %dma_wait3A_146 = tpu.memref_squeeze %dma_wait3A_145 : memref<1x40x128xi32, #tpu.memory_space<vmem>> -> memref<40x128xi32, #tpu.memory_space<vmem>>
    %dma_wait3A_147 = arith.constant 40 : i32
    %dma_wait3A_148 = tpu.memref_slice %arg2[%dma_wait3A_147, %add3A_132] : memref<200x16384xi32, #tpu.memory_space<hbm>> -> memref<40x128xi32, #tpu.memory_space<hbm>>
    tpu.wait_dma2 semaphore(%dma_wait3A_142 : memref<!tpu.dma_semaphore, #tpu.memory_space<semaphore_mem>>) src(%dma_wait3A_148 : memref<40x128xi32, #tpu.memory_space<hbm>>) dst(%dma_wait3A_146 : memref<40x128xi32, #tpu.memory_space<vmem>>)
    %parallel_loop3A_149 = arith.constant 0 : i32
    %parallel_loop3A_150 = arith.constant 40 : i32
    %parallel_loop3A_151 = arith.constant 1 : i32
    %parallel_loop3A_152 = arith.constant 1 : i32
    %parallel_loop3A_153 = arith.constant 1 : i32
    scf.for %parallel_loop3A_384 = %parallel_loop3A_149 to %parallel_loop3A_150 step %parallel_loop3A_151  : i32 {
      %parallel_loop3A_385 = arith.constant 0 : i32
      %parallel_loop3A_386 = arith.constant 0 : i32
      %parallel_loop3A_387 = tpu.memref_slice %arg6[%parallel_loop3A_152, %parallel_loop3A_385, %parallel_loop3A_386] : memref<4x40x128xi32, #tpu.memory_space<vmem>> -> memref<1x40x128xi32, #tpu.memory_space<vmem>>
      %parallel_loop3A_388 = tpu.memref_squeeze %parallel_loop3A_387 : memref<1x40x128xi32, #tpu.memory_space<vmem>> -> memref<40x128xi32, #tpu.memory_space<vmem>>
      %parallel_loop3A_389 = arith.index_cast %parallel_loop3A_384 : i32 to index
      %parallel_loop3A_390 = arith.constant 0 : index
      %parallel_loop3A_391 = tpu.vector_load %parallel_loop3A_388[%parallel_loop3A_389, %parallel_loop3A_390] {strides = array<i32>} : memref<40x128xi32, #tpu.memory_space<vmem>>, vector<16xi32>,
      %parallel_loop3A_392 = tpu.vector_load_idx %arg5[%parallel_loop3A_391] : memref<93xi32, #tpu.memory_space<vmem>>[vector<16xi32>], vector<16xi32>,
      %parallel_loop3A_393 = arith.constant 0 : i32
      %parallel_loop3A_394 = arith.constant 0 : i32
      %parallel_loop3A_395 = tpu.memref_slice %arg7[%parallel_loop3A_153, %parallel_loop3A_393, %parallel_loop3A_394] : memref<4x40x128xi32, #tpu.memory_space<vmem>> -> memref<1x40x128xi32, #tpu.memory_space<vmem>>
      %parallel_loop3A_396 = tpu.memref_squeeze %parallel_loop3A_395 : memref<1x40x128xi32, #tpu.memory_space<vmem>> -> memref<40x128xi32, #tpu.memory_space<vmem>>
      %parallel_loop3A_397 = arith.index_cast %parallel_loop3A_384 : i32 to index
      %parallel_loop3A_398 = arith.constant 0 : index
      %parallel_loop3A_399 = tpu.vector_load %parallel_loop3A_396[%parallel_loop3A_397, %parallel_loop3A_398] {strides = array<i32>} : memref<40x128xi32, #tpu.memory_space<vmem>>, vector<16xi32>,
      tpu.vector_store %parallel_loop3A_396[%parallel_loop3A_397, %parallel_loop3A_398], %parallel_loop3A_392 {strides = array<i32>} : memref<40x128xi32, #tpu.memory_space<vmem>>, vector<16xi32>,
      %parallel_loop3A_400 = arith.constant 0 : i32
      %parallel_loop3A_401 = arith.constant 0 : i32
      %parallel_loop3A_402 = tpu.memref_slice %arg6[%parallel_loop3A_152, %parallel_loop3A_400, %parallel_loop3A_401] : memref<4x40x128xi32, #tpu.memory_space<vmem>> -> memref<1x40x128xi32, #tpu.memory_space<vmem>>
      %parallel_loop3A_403 = tpu.memref_squeeze %parallel_loop3A_402 : memref<1x40x128xi32, #tpu.memory_space<vmem>> -> memref<40x128xi32, #tpu.memory_space<vmem>>
      %parallel_loop3A_404 = arith.index_cast %parallel_loop3A_384 : i32 to index
      %parallel_loop3A_405 = arith.constant 16 : index
      %parallel_loop3A_406 = tpu.vector_load %parallel_loop3A_403[%parallel_loop3A_404, %parallel_loop3A_405] {strides = array<i32>} : memref<40x128xi32, #tpu.memory_space<vmem>>, vector<16xi32>,
      %parallel_loop3A_407 = tpu.vector_load_idx %arg5[%parallel_loop3A_406] : memref<93xi32, #tpu.memory_space<vmem>>[vector<16xi32>], vector<16xi32>,
      %parallel_loop3A_408 = arith.constant 0 : i32
      %parallel_loop3A_409 = arith.constant 0 : i32
      %parallel_loop3A_410 = tpu.memref_slice %arg7[%parallel_loop3A_153, %parallel_loop3A_408, %parallel_loop3A_409] : memref<4x40x128xi32, #tpu.memory_space<vmem>> -> memref<1x40x128xi32, #tpu.memory_space<vmem>>
      %parallel_loop3A_411 = tpu.memref_squeeze %parallel_loop3A_410 : memref<1x40x128xi32, #tpu.memory_space<vmem>> -> memref<40x128xi32, #tpu.memory_space<vmem>>
      %parallel_loop3A_412 = arith.index_cast %parallel_loop3A_384 : i32 to index
      %parallel_loop3A_413 = arith.constant 16 : index
      %parallel_loop3A_414 = tpu.vector_load %parallel_loop3A_411[%parallel_loop3A_412, %parallel_loop3A_413] {strides = array<i32>} : memref<40x128xi32, #tpu.memory_space<vmem>>, vector<16xi32>,
      tpu.vector_store %parallel_loop3A_411[%parallel_loop3A_412, %parallel_loop3A_413], %parallel_loop3A_407 {strides = array<i32>} : memref<40x128xi32, #tpu.memory_space<vmem>>, vector<16xi32>,
      %parallel_loop3A_415 = arith.constant 0 : i32
      %parallel_loop3A_416 = arith.constant 0 : i32
      %parallel_loop3A_417 = tpu.memref_slice %arg6[%parallel_loop3A_152, %parallel_loop3A_415, %parallel_loop3A_416] : memref<4x40x128xi32, #tpu.memory_space<vmem>> -> memref<1x40x128xi32, #tpu.memory_space<vmem>>
      %parallel_loop3A_418 = tpu.memref_squeeze %parallel_loop3A_417 : memref<1x40x128xi32, #tpu.memory_space<vmem>> -> memref<40x128xi32, #tpu.memory_space<vmem>>
      %parallel_loop3A_419 = arith.index_cast %parallel_loop3A_384 : i32 to index
      %parallel_loop3A_420 = arith.constant 32 : index
      %parallel_loop3A_421 = tpu.vector_load %parallel_loop3A_418[%parallel_loop3A_419, %parallel_loop3A_420] {strides = array<i32>} : memref<40x128xi32, #tpu.memory_space<vmem>>, vector<16xi32>,
      %parallel_loop3A_422 = tpu.vector_load_idx %arg5[%parallel_loop3A_421] : memref<93xi32, #tpu.memory_space<vmem>>[vector<16xi32>], vector<16xi32>,
      %parallel_loop3A_423 = arith.constant 0 : i32
      %parallel_loop3A_424 = arith.constant 0 : i32
      %parallel_loop3A_425 = tpu.memref_slice %arg7[%parallel_loop3A_153, %parallel_loop3A_423, %parallel_loop3A_424] : memref<4x40x128xi32, #tpu.memory_space<vmem>> -> memref<1x40x128xi32, #tpu.memory_space<vmem>>
      %parallel_loop3A_426 = tpu.memref_squeeze %parallel_loop3A_425 : memref<1x40x128xi32, #tpu.memory_space<vmem>> -> memref<40x128xi32, #tpu.memory_space<vmem>>
      %parallel_loop3A_427 = arith.index_cast %parallel_loop3A_384 : i32 to index
      %parallel_loop3A_428 = arith.constant 32 : index
      %parallel_loop3A_429 = tpu.vector_load %parallel_loop3A_426[%parallel_loop3A_427, %parallel_loop3A_428] {strides = array<i32>} : memref<40x128xi32, #tpu.memory_space<vmem>>, vector<16xi32>,
      tpu.vector_store %parallel_loop3A_426[%parallel_loop3A_427, %parallel_loop3A_428], %parallel_loop3A_422 {strides = array<i32>} : memref<40x128xi32, #tpu.memory_space<vmem>>, vector<16xi32>,
      %parallel_loop3A_430 = arith.constant 0 : i32
      %parallel_loop3A_431 = arith.constant 0 : i32
      %parallel_loop3A_432 = tpu.memref_slice %arg6[%parallel_loop3A_152, %parallel_loop3A_430, %parallel_loop3A_431] : memref<4x40x128xi32, #tpu.memory_space<vmem>> -> memref<1x40x128xi32, #tpu.memory_space<vmem>>
      %parallel_loop3A_433 = tpu.memref_squeeze %parallel_loop3A_432 : memref<1x40x128xi32, #tpu.memory_space<vmem>> -> memref<40x128xi32, #tpu.memory_space<vmem>>
      %parallel_loop3A_434 = arith.index_cast %parallel_loop3A_384 : i32 to index
      %parallel_loop3A_435 = arith.constant 48 : index
      %parallel_loop3A_436 = tpu.vector_load %parallel_loop3A_433[%parallel_loop3A_434, %parallel_loop3A_435] {strides = array<i32>} : memref<40x128xi32, #tpu.memory_space<vmem>>, vector<16xi32>,
      %parallel_loop3A_437 = tpu.vector_load_idx %arg5[%parallel_loop3A_436] : memref<93xi32, #tpu.memory_space<vmem>>[vector<16xi32>], vector<16xi32>,
      %parallel_loop3A_438 = arith.constant 0 : i32
      %parallel_loop3A_439 = arith.constant 0 : i32
      %parallel_loop3A_440 = tpu.memref_slice %arg7[%parallel_loop3A_153, %parallel_loop3A_438, %parallel_loop3A_439] : memref<4x40x128xi32, #tpu.memory_space<vmem>> -> memref<1x40x128xi32, #tpu.memory_space<vmem>>
      %parallel_loop3A_441 = tpu.memref_squeeze %parallel_loop3A_440 : memref<1x40x128xi32, #tpu.memory_space<vmem>> -> memref<40x128xi32, #tpu.memory_space<vmem>>
      %parallel_loop3A_442 = arith.index_cast %parallel_loop3A_384 : i32 to index
      %parallel_loop3A_443 = arith.constant 48 : index
      %parallel_loop3A_444 = tpu.vector_load %parallel_loop3A_441[%parallel_loop3A_442, %parallel_loop3A_443] {strides = array<i32>} : memref<40x128xi32, #tpu.memory_space<vmem>>, vector<16xi32>,
      tpu.vector_store %parallel_loop3A_441[%parallel_loop3A_442, %parallel_loop3A_443], %parallel_loop3A_437 {strides = array<i32>} : memref<40x128xi32, #tpu.memory_space<vmem>>, vector<16xi32>,
      %parallel_loop3A_445 = arith.constant 0 : i32
      %parallel_loop3A_446 = arith.constant 0 : i32
      %parallel_loop3A_447 = tpu.memref_slice %arg6[%parallel_loop3A_152, %parallel_loop3A_445, %parallel_loop3A_446] : memref<4x40x128xi32, #tpu.memory_space<vmem>> -> memref<1x40x128xi32, #tpu.memory_space<vmem>>
      %parallel_loop3A_448 = tpu.memref_squeeze %parallel_loop3A_447 : memref<1x40x128xi32, #tpu.memory_space<vmem>> -> memref<40x128xi32, #tpu.memory_space<vmem>>
      %parallel_loop3A_449 = arith.index_cast %parallel_loop3A_384 : i32 to index
      %parallel_loop3A_450 = arith.constant 64 : index
      %parallel_loop3A_451 = tpu.vector_load %parallel_loop3A_448[%parallel_loop3A_449, %parallel_loop3A_450] {strides = array<i32>} : memref<40x128xi32, #tpu.memory_space<vmem>>, vector<16xi32>,
      %parallel_loop3A_452 = tpu.vector_load_idx %arg5[%parallel_loop3A_451] : memref<93xi32, #tpu.memory_space<vmem>>[vector<16xi32>], vector<16xi32>,
      %parallel_loop3A_453 = arith.constant 0 : i32
      %parallel_loop3A_454 = arith.constant 0 : i32
      %parallel_loop3A_455 = tpu.memref_slice %arg7[%parallel_loop3A_153, %parallel_loop3A_453, %parallel_loop3A_454] : memref<4x40x128xi32, #tpu.memory_space<vmem>> -> memref<1x40x128xi32, #tpu.memory_space<vmem>>
      %parallel_loop3A_456 = tpu.memref_squeeze %parallel_loop3A_455 : memref<1x40x128xi32, #tpu.memory_space<vmem>> -> memref<40x128xi32, #tpu.memory_space<vmem>>
      %parallel_loop3A_457 = arith.index_cast %parallel_loop3A_384 : i32 to index
      %parallel_loop3A_458 = arith.constant 64 : index
      %parallel_loop3A_459 = tpu.vector_load %parallel_loop3A_456[%parallel_loop3A_457, %parallel_loop3A_458] {strides = array<i32>} : memref<40x128xi32, #tpu.memory_space<vmem>>, vector<16xi32>,
      tpu.vector_store %parallel_loop3A_456[%parallel_loop3A_457, %parallel_loop3A_458], %parallel_loop3A_452 {strides = array<i32>} : memref<40x128xi32, #tpu.memory_space<vmem>>, vector<16xi32>,
      %parallel_loop3A_460 = arith.constant 0 : i32
      %parallel_loop3A_461 = arith.constant 0 : i32
      %parallel_loop3A_462 = tpu.memref_slice %arg6[%parallel_loop3A_152, %parallel_loop3A_460, %parallel_loop3A_461] : memref<4x40x128xi32, #tpu.memory_space<vmem>> -> memref<1x40x128xi32, #tpu.memory_space<vmem>>
      %parallel_loop3A_463 = tpu.memref_squeeze %parallel_loop3A_462 : memref<1x40x128xi32, #tpu.memory_space<vmem>> -> memref<40x128xi32, #tpu.memory_space<vmem>>
      %parallel_loop3A_464 = arith.index_cast %parallel_loop3A_384 : i32 to index
      %parallel_loop3A_465 = arith.constant 80 : index
      %parallel_loop3A_466 = tpu.vector_load %parallel_loop3A_463[%parallel_loop3A_464, %parallel_loop3A_465] {strides = array<i32>} : memref<40x128xi32, #tpu.memory_space<vmem>>, vector<16xi32>,
      %parallel_loop3A_467 = tpu.vector_load_idx %arg5[%parallel_loop3A_466] : memref<93xi32, #tpu.memory_space<vmem>>[vector<16xi32>], vector<16xi32>,
      %parallel_loop3A_468 = arith.constant 0 : i32
      %parallel_loop3A_469 = arith.constant 0 : i32
      %parallel_loop3A_470 = tpu.memref_slice %arg7[%parallel_loop3A_153, %parallel_loop3A_468, %parallel_loop3A_469] : memref<4x40x128xi32, #tpu.memory_space<vmem>> -> memref<1x40x128xi32, #tpu.memory_space<vmem>>
      %parallel_loop3A_471 = tpu.memref_squeeze %parallel_loop3A_470 : memref<1x40x128xi32, #tpu.memory_space<vmem>> -> memref<40x128xi32, #tpu.memory_space<vmem>>
      %parallel_loop3A_472 = arith.index_cast %parallel_loop3A_384 : i32 to index
      %parallel_loop3A_473 = arith.constant 80 : index
      %parallel_loop3A_474 = tpu.vector_load %parallel_loop3A_471[%parallel_loop3A_472, %parallel_loop3A_473] {strides = array<i32>} : memref<40x128xi32, #tpu.memory_space<vmem>>, vector<16xi32>,
      tpu.vector_store %parallel_loop3A_471[%parallel_loop3A_472, %parallel_loop3A_473], %parallel_loop3A_467 {strides = array<i32>} : memref<40x128xi32, #tpu.memory_space<vmem>>, vector<16xi32>,
      %parallel_loop3A_475 = arith.constant 0 : i32
      %parallel_loop3A_476 = arith.constant 0 : i32
      %parallel_loop3A_477 = tpu.memref_slice %arg6[%parallel_loop3A_152, %parallel_loop3A_475, %parallel_loop3A_476] : memref<4x40x128xi32, #tpu.memory_space<vmem>> -> memref<1x40x128xi32, #tpu.memory_space<vmem>>
      %parallel_loop3A_478 = tpu.memref_squeeze %parallel_loop3A_477 : memref<1x40x128xi32, #tpu.memory_space<vmem>> -> memref<40x128xi32, #tpu.memory_space<vmem>>
      %parallel_loop3A_479 = arith.index_cast %parallel_loop3A_384 : i32 to index
      %parallel_loop3A_480 = arith.constant 96 : index
      %parallel_loop3A_481 = tpu.vector_load %parallel_loop3A_478[%parallel_loop3A_479, %parallel_loop3A_480] {strides = array<i32>} : memref<40x128xi32, #tpu.memory_space<vmem>>, vector<16xi32>,
      %parallel_loop3A_482 = tpu.vector_load_idx %arg5[%parallel_loop3A_481] : memref<93xi32, #tpu.memory_space<vmem>>[vector<16xi32>], vector<16xi32>,
      %parallel_loop3A_483 = arith.constant 0 : i32
      %parallel_loop3A_484 = arith.constant 0 : i32
      %parallel_loop3A_485 = tpu.memref_slice %arg7[%parallel_loop3A_153, %parallel_loop3A_483, %parallel_loop3A_484] : memref<4x40x128xi32, #tpu.memory_space<vmem>> -> memref<1x40x128xi32, #tpu.memory_space<vmem>>
      %parallel_loop3A_486 = tpu.memref_squeeze %parallel_loop3A_485 : memref<1x40x128xi32, #tpu.memory_space<vmem>> -> memref<40x128xi32, #tpu.memory_space<vmem>>
      %parallel_loop3A_487 = arith.index_cast %parallel_loop3A_384 : i32 to index
      %parallel_loop3A_488 = arith.constant 96 : index
      %parallel_loop3A_489 = tpu.vector_load %parallel_loop3A_486[%parallel_loop3A_487, %parallel_loop3A_488] {strides = array<i32>} : memref<40x128xi32, #tpu.memory_space<vmem>>, vector<16xi32>,
      tpu.vector_store %parallel_loop3A_486[%parallel_loop3A_487, %parallel_loop3A_488], %parallel_loop3A_482 {strides = array<i32>} : memref<40x128xi32, #tpu.memory_space<vmem>>, vector<16xi32>,
      %parallel_loop3A_490 = arith.constant 0 : i32
      %parallel_loop3A_491 = arith.constant 0 : i32
      %parallel_loop3A_492 = tpu.memref_slice %arg6[%parallel_loop3A_152, %parallel_loop3A_490, %parallel_loop3A_491] : memref<4x40x128xi32, #tpu.memory_space<vmem>> -> memref<1x40x128xi32, #tpu.memory_space<vmem>>
      %parallel_loop3A_493 = tpu.memref_squeeze %parallel_loop3A_492 : memref<1x40x128xi32, #tpu.memory_space<vmem>> -> memref<40x128xi32, #tpu.memory_space<vmem>>
      %parallel_loop3A_494 = arith.index_cast %parallel_loop3A_384 : i32 to index
      %parallel_loop3A_495 = arith.constant 112 : index
      %parallel_loop3A_496 = tpu.vector_load %parallel_loop3A_493[%parallel_loop3A_494, %parallel_loop3A_495] {strides = array<i32>} : memref<40x128xi32, #tpu.memory_space<vmem>>, vector<16xi32>,
      %parallel_loop3A_497 = tpu.vector_load_idx %arg5[%parallel_loop3A_496] : memref<93xi32, #tpu.memory_space<vmem>>[vector<16xi32>], vector<16xi32>,
      %parallel_loop3A_498 = arith.constant 0 : i32
      %parallel_loop3A_499 = arith.constant 0 : i32
      %parallel_loop3A_500 = tpu.memref_slice %arg7[%parallel_loop3A_153, %parallel_loop3A_498, %parallel_loop3A_499] : memref<4x40x128xi32, #tpu.memory_space<vmem>> -> memref<1x40x128xi32, #tpu.memory_space<vmem>>
      %parallel_loop3A_501 = tpu.memref_squeeze %parallel_loop3A_500 : memref<1x40x128xi32, #tpu.memory_space<vmem>> -> memref<40x128xi32, #tpu.memory_space<vmem>>
      %parallel_loop3A_502 = arith.index_cast %parallel_loop3A_384 : i32 to index
      %parallel_loop3A_503 = arith.constant 112 : index
      %parallel_loop3A_504 = tpu.vector_load %parallel_loop3A_501[%parallel_loop3A_502, %parallel_loop3A_503] {strides = array<i32>} : memref<40x128xi32, #tpu.memory_space<vmem>>, vector<16xi32>,
      tpu.vector_store %parallel_loop3A_501[%parallel_loop3A_502, %parallel_loop3A_503], %parallel_loop3A_497 {strides = array<i32>} : memref<40x128xi32, #tpu.memory_space<vmem>>, vector<16xi32>,
    } {sc.loop_unroll_factor = 2 : i64, sc.parallel_access}
    %add3A_154 = arith.constant 0 : i32
    %add3A_155 = arith.addi %mul3A_2, %add3A_154 : i32
    %dma_start3A_156 = arith.constant 1 : i32
    %dma_start3A_157 = arith.constant 1 : i32
    %dma_start3A_158 = arith.constant 0 : i32
    %dma_start3A_159 = arith.constant 0 : i32
    %dma_start3A_160 = tpu.memref_slice %arg7[%dma_start3A_156, %dma_start3A_158, %dma_start3A_159] : memref<4x40x128xi32, #tpu.memory_space<vmem>> -> memref<1x40x128xi32, #tpu.memory_space<vmem>>
    %dma_start3A_161 = tpu.memref_squeeze %dma_start3A_160 : memref<1x40x128xi32, #tpu.memory_space<vmem>> -> memref<40x128xi32, #tpu.memory_space<vmem>>
    %dma_start3A_162 = arith.constant 40 : i32
    %dma_start3A_163 = tpu.memref_slice %arg4[%dma_start3A_162, %add3A_155] : memref<200x16384xi32, #tpu.memory_space<hbm>> -> memref<40x128xi32, #tpu.memory_space<hbm>>
    %dma_start3A_164 = tpu.memref_slice %arg9[%dma_start3A_157] : memref<4x!tpu.dma_semaphore, #tpu.memory_space<semaphore_mem>> -> memref<1x!tpu.dma_semaphore, #tpu.memory_space<semaphore_mem>>
    %dma_start3A_165 = tpu.memref_squeeze %dma_start3A_164 : memref<1x!tpu.dma_semaphore, #tpu.memory_space<semaphore_mem>> -> memref<!tpu.dma_semaphore, #tpu.memory_space<semaphore_mem>>
    %dma_start3A_166 = arith.constant 40 : i32
    %dma_start3A_167 = tpu.memref_slice %arg4[%dma_start3A_166, %add3A_155] : memref<200x16384xi32, #tpu.memory_space<hbm>> -> memref<40x128xi32, #tpu.memory_space<hbm>>
    %dma_start3A_168 = arith.constant 0 : i32
    %dma_start3A_169 = arith.constant 0 : i32
    %dma_start3A_170 = tpu.memref_slice %arg7[%dma_start3A_156, %dma_start3A_168, %dma_start3A_169] : memref<4x40x128xi32, #tpu.memory_space<vmem>> -> memref<1x40x128xi32, #tpu.memory_space<vmem>>
    %dma_start3A_171 = tpu.memref_squeeze %dma_start3A_170 : memref<1x40x128xi32, #tpu.memory_space<vmem>> -> memref<40x128xi32, #tpu.memory_space<vmem>>
    tpu.enqueue_dma source(%dma_start3A_171 : memref<40x128xi32, #tpu.memory_space<vmem>>) target(%dma_start3A_167 : memref<40x128xi32, #tpu.memory_space<hbm>>) target_semaphore(%dma_start3A_165 : memref<!tpu.dma_semaphore, #tpu.memory_space<semaphore_mem>>)
    %add3A_172 = arith.constant 128 : i32
    %add3A_173 = arith.addi %mul3A_2, %add3A_172 : i32
    %dma_start3A_174 = arith.constant 1 : i32
    %dma_start3A_175 = arith.constant 1 : i32
    %dma_start3A_176 = arith.constant 0 : i32
    %dma_start3A_177 = arith.constant 0 : i32
    %dma_start3A_178 = tpu.memref_slice %arg6[%dma_start3A_174, %dma_start3A_176, %dma_start3A_177] : memref<4x40x128xi32, #tpu.memory_space<vmem>> -> memref<1x40x128xi32, #tpu.memory_space<vmem>>
    %dma_start3A_179 = tpu.memref_squeeze %dma_start3A_178 : memref<1x40x128xi32, #tpu.memory_space<vmem>> -> memref<40x128xi32, #tpu.memory_space<vmem>>
    %dma_start3A_180 = arith.constant 0 : i32
    %dma_start3A_181 = tpu.memref_slice %arg2[%dma_start3A_180, %add3A_173] : memref<200x16384xi32, #tpu.memory_space<hbm>> -> memref<40x128xi32, #tpu.memory_space<hbm>>
    %dma_start3A_182 = tpu.memref_slice %arg8[%dma_start3A_175] : memref<4x!tpu.dma_semaphore, #tpu.memory_space<semaphore_mem>> -> memref<1x!tpu.dma_semaphore, #tpu.memory_space<semaphore_mem>>
    %dma_start3A_183 = tpu.memref_squeeze %dma_start3A_182 : memref<1x!tpu.dma_semaphore, #tpu.memory_space<semaphore_mem>> -> memref<!tpu.dma_semaphore, #tpu.memory_space<semaphore_mem>>
    %dma_start3A_184 = arith.constant 0 : i32
    %dma_start3A_185 = arith.constant 0 : i32
    %dma_start3A_186 = tpu.memref_slice %arg6[%dma_start3A_174, %dma_start3A_184, %dma_start3A_185] : memref<4x40x128xi32, #tpu.memory_space<vmem>> -> memref<1x40x128xi32, #tpu.memory_space<vmem>>
    %dma_start3A_187 = tpu.memref_squeeze %dma_start3A_186 : memref<1x40x128xi32, #tpu.memory_space<vmem>> -> memref<40x128xi32, #tpu.memory_space<vmem>>
    %dma_start3A_188 = arith.constant 0 : i32
    %dma_start3A_189 = tpu.memref_slice %arg2[%dma_start3A_188, %add3A_173] : memref<200x16384xi32, #tpu.memory_space<hbm>> -> memref<40x128xi32, #tpu.memory_space<hbm>>
    tpu.enqueue_dma source(%dma_start3A_189 : memref<40x128xi32, #tpu.memory_space<hbm>>) target(%dma_start3A_187 : memref<40x128xi32, #tpu.memory_space<vmem>>) target_semaphore(%dma_start3A_183 : memref<!tpu.dma_semaphore, #tpu.memory_space<semaphore_mem>>)
    %add3A_190 = arith.constant 0 : i32
    %add3A_191 = arith.addi %mul3A_2, %add3A_190 : i32
    %dma_wait3A_192 = arith.constant 2 : i32
    %dma_wait3A_193 = arith.constant 2 : i32
    %dma_wait3A_194 = arith.constant 0 : i32
    %dma_wait3A_195 = arith.constant 0 : i32
    %dma_wait3A_196 = tpu.memref_slice %arg6[%dma_wait3A_192, %dma_wait3A_194, %dma_wait3A_195] : memref<4x40x128xi32, #tpu.memory_space<vmem>> -> memref<1x40x128xi32, #tpu.memory_space<vmem>>
    %dma_wait3A_197 = tpu.memref_squeeze %dma_wait3A_196 : memref<1x40x128xi32, #tpu.memory_space<vmem>> -> memref<40x128xi32, #tpu.memory_space<vmem>>
    %dma_wait3A_198 = arith.constant 80 : i32
    %dma_wait3A_199 = tpu.memref_slice %arg2[%dma_wait3A_198, %add3A_191] : memref<200x16384xi32, #tpu.memory_space<hbm>> -> memref<40x128xi32, #tpu.memory_space<hbm>>
    %dma_wait3A_200 = tpu.memref_slice %arg8[%dma_wait3A_193] : memref<4x!tpu.dma_semaphore, #tpu.memory_space<semaphore_mem>> -> memref<1x!tpu.dma_semaphore, #tpu.memory_space<semaphore_mem>>
    %dma_wait3A_201 = tpu.memref_squeeze %dma_wait3A_200 : memref<1x!tpu.dma_semaphore, #tpu.memory_space<semaphore_mem>> -> memref<!tpu.dma_semaphore, #tpu.memory_space<semaphore_mem>>
    %dma_wait3A_202 = arith.constant 0 : i32
    %dma_wait3A_203 = arith.constant 0 : i32
    %dma_wait3A_204 = tpu.memref_slice %arg6[%dma_wait3A_192, %dma_wait3A_202, %dma_wait3A_203] : memref<4x40x128xi32, #tpu.memory_space<vmem>> -> memref<1x40x128xi32, #tpu.memory_space<vmem>>
    %dma_wait3A_205 = tpu.memref_squeeze %dma_wait3A_204 : memref<1x40x128xi32, #tpu.memory_space<vmem>> -> memref<40x128xi32, #tpu.memory_space<vmem>>
    %dma_wait3A_206 = arith.constant 80 : i32
    %dma_wait3A_207 = tpu.memref_slice %arg2[%dma_wait3A_206, %add3A_191] : memref<200x16384xi32, #tpu.memory_space<hbm>> -> memref<40x128xi32, #tpu.memory_space<hbm>>
    tpu.wait_dma2 semaphore(%dma_wait3A_201 : memref<!tpu.dma_semaphore, #tpu.memory_space<semaphore_mem>>) src(%dma_wait3A_207 : memref<40x128xi32, #tpu.memory_space<hbm>>) dst(%dma_wait3A_205 : memref<40x128xi32, #tpu.memory_space<vmem>>)
    %parallel_loop3A_208 = arith.constant 0 : i32
    %parallel_loop3A_209 = arith.constant 40 : i32
    %parallel_loop3A_210 = arith.constant 1 : i32
    %parallel_loop3A_211 = arith.constant 2 : i32
    %parallel_loop3A_212 = arith.constant 2 : i32
    scf.for %parallel_loop3A_384 = %parallel_loop3A_208 to %parallel_loop3A_209 step %parallel_loop3A_210  : i32 {
      %parallel_loop3A_385 = arith.constant 0 : i32
      %parallel_loop3A_386 = arith.constant 0 : i32
      %parallel_loop3A_387 = tpu.memref_slice %arg6[%parallel_loop3A_211, %parallel_loop3A_385, %parallel_loop3A_386] : memref<4x40x128xi32, #tpu.memory_space<vmem>> -> memref<1x40x128xi32, #tpu.memory_space<vmem>>
      %parallel_loop3A_388 = tpu.memref_squeeze %parallel_loop3A_387 : memref<1x40x128xi32, #tpu.memory_space<vmem>> -> memref<40x128xi32, #tpu.memory_space<vmem>>
      %parallel_loop3A_389 = arith.index_cast %parallel_loop3A_384 : i32 to index
      %parallel_loop3A_390 = arith.constant 0 : index
      %parallel_loop3A_391 = tpu.vector_load %parallel_loop3A_388[%parallel_loop3A_389, %parallel_loop3A_390] {strides = array<i32>} : memref<40x128xi32, #tpu.memory_space<vmem>>, vector<16xi32>,
      %parallel_loop3A_392 = tpu.vector_load_idx %arg5[%parallel_loop3A_391] : memref<93xi32, #tpu.memory_space<vmem>>[vector<16xi32>], vector<16xi32>,
      %parallel_loop3A_393 = arith.constant 0 : i32
      %parallel_loop3A_394 = arith.constant 0 : i32
      %parallel_loop3A_395 = tpu.memref_slice %arg7[%parallel_loop3A_212, %parallel_loop3A_393, %parallel_loop3A_394] : memref<4x40x128xi32, #tpu.memory_space<vmem>> -> memref<1x40x128xi32, #tpu.memory_space<vmem>>
      %parallel_loop3A_396 = tpu.memref_squeeze %parallel_loop3A_395 : memref<1x40x128xi32, #tpu.memory_space<vmem>> -> memref<40x128xi32, #tpu.memory_space<vmem>>
      %parallel_loop3A_397 = arith.index_cast %parallel_loop3A_384 : i32 to index
      %parallel_loop3A_398 = arith.constant 0 : index
      %parallel_loop3A_399 = tpu.vector_load %parallel_loop3A_396[%parallel_loop3A_397, %parallel_loop3A_398] {strides = array<i32>} : memref<40x128xi32, #tpu.memory_space<vmem>>, vector<16xi32>,
      tpu.vector_store %parallel_loop3A_396[%parallel_loop3A_397, %parallel_loop3A_398], %parallel_loop3A_392 {strides = array<i32>} : memref<40x128xi32, #tpu.memory_space<vmem>>, vector<16xi32>,
      %parallel_loop3A_400 = arith.constant 0 : i32
      %parallel_loop3A_401 = arith.constant 0 : i32
      %parallel_loop3A_402 = tpu.memref_slice %arg6[%parallel_loop3A_211, %parallel_loop3A_400, %parallel_loop3A_401] : memref<4x40x128xi32, #tpu.memory_space<vmem>> -> memref<1x40x128xi32, #tpu.memory_space<vmem>>
      %parallel_loop3A_403 = tpu.memref_squeeze %parallel_loop3A_402 : memref<1x40x128xi32, #tpu.memory_space<vmem>> -> memref<40x128xi32, #tpu.memory_space<vmem>>
      %parallel_loop3A_404 = arith.index_cast %parallel_loop3A_384 : i32 to index
      %parallel_loop3A_405 = arith.constant 16 : index
      %parallel_loop3A_406 = tpu.vector_load %parallel_loop3A_403[%parallel_loop3A_404, %parallel_loop3A_405] {strides = array<i32>} : memref<40x128xi32, #tpu.memory_space<vmem>>, vector<16xi32>,
      %parallel_loop3A_407 = tpu.vector_load_idx %arg5[%parallel_loop3A_406] : memref<93xi32, #tpu.memory_space<vmem>>[vector<16xi32>], vector<16xi32>,
      %parallel_loop3A_408 = arith.constant 0 : i32
      %parallel_loop3A_409 = arith.constant 0 : i32
      %parallel_loop3A_410 = tpu.memref_slice %arg7[%parallel_loop3A_212, %parallel_loop3A_408, %parallel_loop3A_409] : memref<4x40x128xi32, #tpu.memory_space<vmem>> -> memref<1x40x128xi32, #tpu.memory_space<vmem>>
      %parallel_loop3A_411 = tpu.memref_squeeze %parallel_loop3A_410 : memref<1x40x128xi32, #tpu.memory_space<vmem>> -> memref<40x128xi32, #tpu.memory_space<vmem>>
      %parallel_loop3A_412 = arith.index_cast %parallel_loop3A_384 : i32 to index
      %parallel_loop3A_413 = arith.constant 16 : index
      %parallel_loop3A_414 = tpu.vector_load %parallel_loop3A_411[%parallel_loop3A_412, %parallel_loop3A_413] {strides = array<i32>} : memref<40x128xi32, #tpu.memory_space<vmem>>, vector<16xi32>,
      tpu.vector_store %parallel_loop3A_411[%parallel_loop3A_412, %parallel_loop3A_413], %parallel_loop3A_407 {strides = array<i32>} : memref<40x128xi32, #tpu.memory_space<vmem>>, vector<16xi32>,
      %parallel_loop3A_415 = arith.constant 0 : i32
      %parallel_loop3A_416 = arith.constant 0 : i32
      %parallel_loop3A_417 = tpu.memref_slice %arg6[%parallel_loop3A_211, %parallel_loop3A_415, %parallel_loop3A_416] : memref<4x40x128xi32, #tpu.memory_space<vmem>> -> memref<1x40x128xi32, #tpu.memory_space<vmem>>
      %parallel_loop3A_418 = tpu.memref_squeeze %parallel_loop3A_417 : memref<1x40x128xi32, #tpu.memory_space<vmem>> -> memref<40x128xi32, #tpu.memory_space<vmem>>
      %parallel_loop3A_419 = arith.index_cast %parallel_loop3A_384 : i32 to index
      %parallel_loop3A_420 = arith.constant 32 : index
      %parallel_loop3A_421 = tpu.vector_load %parallel_loop3A_418[%parallel_loop3A_419, %parallel_loop3A_420] {strides = array<i32>} : memref<40x128xi32, #tpu.memory_space<vmem>>, vector<16xi32>,
      %parallel_loop3A_422 = tpu.vector_load_idx %arg5[%parallel_loop3A_421] : memref<93xi32, #tpu.memory_space<vmem>>[vector<16xi32>], vector<16xi32>,
      %parallel_loop3A_423 = arith.constant 0 : i32
      %parallel_loop3A_424 = arith.constant 0 : i32
      %parallel_loop3A_425 = tpu.memref_slice %arg7[%parallel_loop3A_212, %parallel_loop3A_423, %parallel_loop3A_424] : memref<4x40x128xi32, #tpu.memory_space<vmem>> -> memref<1x40x128xi32, #tpu.memory_space<vmem>>
      %parallel_loop3A_426 = tpu.memref_squeeze %parallel_loop3A_425 : memref<1x40x128xi32, #tpu.memory_space<vmem>> -> memref<40x128xi32, #tpu.memory_space<vmem>>
      %parallel_loop3A_427 = arith.index_cast %parallel_loop3A_384 : i32 to index
      %parallel_loop3A_428 = arith.constant 32 : index
      %parallel_loop3A_429 = tpu.vector_load %parallel_loop3A_426[%parallel_loop3A_427, %parallel_loop3A_428] {strides = array<i32>} : memref<40x128xi32, #tpu.memory_space<vmem>>, vector<16xi32>,
      tpu.vector_store %parallel_loop3A_426[%parallel_loop3A_427, %parallel_loop3A_428], %parallel_loop3A_422 {strides = array<i32>} : memref<40x128xi32, #tpu.memory_space<vmem>>, vector<16xi32>,
      %parallel_loop3A_430 = arith.constant 0 : i32
      %parallel_loop3A_431 = arith.constant 0 : i32
      %parallel_loop3A_432 = tpu.memref_slice %arg6[%parallel_loop3A_211, %parallel_loop3A_430, %parallel_loop3A_431] : memref<4x40x128xi32, #tpu.memory_space<vmem>> -> memref<1x40x128xi32, #tpu.memory_space<vmem>>
      %parallel_loop3A_433 = tpu.memref_squeeze %parallel_loop3A_432 : memref<1x40x128xi32, #tpu.memory_space<vmem>> -> memref<40x128xi32, #tpu.memory_space<vmem>>
      %parallel_loop3A_434 = arith.index_cast %parallel_loop3A_384 : i32 to index
      %parallel_loop3A_435 = arith.constant 48 : index
      %parallel_loop3A_436 = tpu.vector_load %parallel_loop3A_433[%parallel_loop3A_434, %parallel_loop3A_435] {strides = array<i32>} : memref<40x128xi32, #tpu.memory_space<vmem>>, vector<16xi32>,
      %parallel_loop3A_437 = tpu.vector_load_idx %arg5[%parallel_loop3A_436] : memref<93xi32, #tpu.memory_space<vmem>>[vector<16xi32>], vector<16xi32>,
      %parallel_loop3A_438 = arith.constant 0 : i32
      %parallel_loop3A_439 = arith.constant 0 : i32
      %parallel_loop3A_440 = tpu.memref_slice %arg7[%parallel_loop3A_212, %parallel_loop3A_438, %parallel_loop3A_439] : memref<4x40x128xi32, #tpu.memory_space<vmem>> -> memref<1x40x128xi32, #tpu.memory_space<vmem>>
      %parallel_loop3A_441 = tpu.memref_squeeze %parallel_loop3A_440 : memref<1x40x128xi32, #tpu.memory_space<vmem>> -> memref<40x128xi32, #tpu.memory_space<vmem>>
      %parallel_loop3A_442 = arith.index_cast %parallel_loop3A_384 : i32 to index
      %parallel_loop3A_443 = arith.constant 48 : index
      %parallel_loop3A_444 = tpu.vector_load %parallel_loop3A_441[%parallel_loop3A_442, %parallel_loop3A_443] {strides = array<i32>} : memref<40x128xi32, #tpu.memory_space<vmem>>, vector<16xi32>,
      tpu.vector_store %parallel_loop3A_441[%parallel_loop3A_442, %parallel_loop3A_443], %parallel_loop3A_437 {strides = array<i32>} : memref<40x128xi32, #tpu.memory_space<vmem>>, vector<16xi32>,
      %parallel_loop3A_445 = arith.constant 0 : i32
      %parallel_loop3A_446 = arith.constant 0 : i32
      %parallel_loop3A_447 = tpu.memref_slice %arg6[%parallel_loop3A_211, %parallel_loop3A_445, %parallel_loop3A_446] : memref<4x40x128xi32, #tpu.memory_space<vmem>> -> memref<1x40x128xi32, #tpu.memory_space<vmem>>
      %parallel_loop3A_448 = tpu.memref_squeeze %parallel_loop3A_447 : memref<1x40x128xi32, #tpu.memory_space<vmem>> -> memref<40x128xi32, #tpu.memory_space<vmem>>
      %parallel_loop3A_449 = arith.index_cast %parallel_loop3A_384 : i32 to index
      %parallel_loop3A_450 = arith.constant 64 : index
      %parallel_loop3A_451 = tpu.vector_load %parallel_loop3A_448[%parallel_loop3A_449, %parallel_loop3A_450] {strides = array<i32>} : memref<40x128xi32, #tpu.memory_space<vmem>>, vector<16xi32>,
      %parallel_loop3A_452 = tpu.vector_load_idx %arg5[%parallel_loop3A_451] : memref<93xi32, #tpu.memory_space<vmem>>[vector<16xi32>], vector<16xi32>,
      %parallel_loop3A_453 = arith.constant 0 : i32
      %parallel_loop3A_454 = arith.constant 0 : i32
      %parallel_loop3A_455 = tpu.memref_slice %arg7[%parallel_loop3A_212, %parallel_loop3A_453, %parallel_loop3A_454] : memref<4x40x128xi32, #tpu.memory_space<vmem>> -> memref<1x40x128xi32, #tpu.memory_space<vmem>>
      %parallel_loop3A_456 = tpu.memref_squeeze %parallel_loop3A_455 : memref<1x40x128xi32, #tpu.memory_space<vmem>> -> memref<40x128xi32, #tpu.memory_space<vmem>>
      %parallel_loop3A_457 = arith.index_cast %parallel_loop3A_384 : i32 to index
      %parallel_loop3A_458 = arith.constant 64 : index
      %parallel_loop3A_459 = tpu.vector_load %parallel_loop3A_456[%parallel_loop3A_457, %parallel_loop3A_458] {strides = array<i32>} : memref<40x128xi32, #tpu.memory_space<vmem>>, vector<16xi32>,
      tpu.vector_store %parallel_loop3A_456[%parallel_loop3A_457, %parallel_loop3A_458], %parallel_loop3A_452 {strides = array<i32>} : memref<40x128xi32, #tpu.memory_space<vmem>>, vector<16xi32>,
      %parallel_loop3A_460 = arith.constant 0 : i32
      %parallel_loop3A_461 = arith.constant 0 : i32
      %parallel_loop3A_462 = tpu.memref_slice %arg6[%parallel_loop3A_211, %parallel_loop3A_460, %parallel_loop3A_461] : memref<4x40x128xi32, #tpu.memory_space<vmem>> -> memref<1x40x128xi32, #tpu.memory_space<vmem>>
      %parallel_loop3A_463 = tpu.memref_squeeze %parallel_loop3A_462 : memref<1x40x128xi32, #tpu.memory_space<vmem>> -> memref<40x128xi32, #tpu.memory_space<vmem>>
      %parallel_loop3A_464 = arith.index_cast %parallel_loop3A_384 : i32 to index
      %parallel_loop3A_465 = arith.constant 80 : index
      %parallel_loop3A_466 = tpu.vector_load %parallel_loop3A_463[%parallel_loop3A_464, %parallel_loop3A_465] {strides = array<i32>} : memref<40x128xi32, #tpu.memory_space<vmem>>, vector<16xi32>,
      %parallel_loop3A_467 = tpu.vector_load_idx %arg5[%parallel_loop3A_466] : memref<93xi32, #tpu.memory_space<vmem>>[vector<16xi32>], vector<16xi32>,
      %parallel_loop3A_468 = arith.constant 0 : i32
      %parallel_loop3A_469 = arith.constant 0 : i32
      %parallel_loop3A_470 = tpu.memref_slice %arg7[%parallel_loop3A_212, %parallel_loop3A_468, %parallel_loop3A_469] : memref<4x40x128xi32, #tpu.memory_space<vmem>> -> memref<1x40x128xi32, #tpu.memory_space<vmem>>
      %parallel_loop3A_471 = tpu.memref_squeeze %parallel_loop3A_470 : memref<1x40x128xi32, #tpu.memory_space<vmem>> -> memref<40x128xi32, #tpu.memory_space<vmem>>
      %parallel_loop3A_472 = arith.index_cast %parallel_loop3A_384 : i32 to index
      %parallel_loop3A_473 = arith.constant 80 : index
      %parallel_loop3A_474 = tpu.vector_load %parallel_loop3A_471[%parallel_loop3A_472, %parallel_loop3A_473] {strides = array<i32>} : memref<40x128xi32, #tpu.memory_space<vmem>>, vector<16xi32>,
      tpu.vector_store %parallel_loop3A_471[%parallel_loop3A_472, %parallel_loop3A_473], %parallel_loop3A_467 {strides = array<i32>} : memref<40x128xi32, #tpu.memory_space<vmem>>, vector<16xi32>,
      %parallel_loop3A_475 = arith.constant 0 : i32
      %parallel_loop3A_476 = arith.constant 0 : i32
      %parallel_loop3A_477 = tpu.memref_slice %arg6[%parallel_loop3A_211, %parallel_loop3A_475, %parallel_loop3A_476] : memref<4x40x128xi32, #tpu.memory_space<vmem>> -> memref<1x40x128xi32, #tpu.memory_space<vmem>>
      %parallel_loop3A_478 = tpu.memref_squeeze %parallel_loop3A_477 : memref<1x40x128xi32, #tpu.memory_space<vmem>> -> memref<40x128xi32, #tpu.memory_space<vmem>>
      %parallel_loop3A_479 = arith.index_cast %parallel_loop3A_384 : i32 to index
      %parallel_loop3A_480 = arith.constant 96 : index
      %parallel_loop3A_481 = tpu.vector_load %parallel_loop3A_478[%parallel_loop3A_479, %parallel_loop3A_480] {strides = array<i32>} : memref<40x128xi32, #tpu.memory_space<vmem>>, vector<16xi32>,
      %parallel_loop3A_482 = tpu.vector_load_idx %arg5[%parallel_loop3A_481] : memref<93xi32, #tpu.memory_space<vmem>>[vector<16xi32>], vector<16xi32>,
      %parallel_loop3A_483 = arith.constant 0 : i32
      %parallel_loop3A_484 = arith.constant 0 : i32
      %parallel_loop3A_485 = tpu.memref_slice %arg7[%parallel_loop3A_212, %parallel_loop3A_483, %parallel_loop3A_484] : memref<4x40x128xi32, #tpu.memory_space<vmem>> -> memref<1x40x128xi32, #tpu.memory_space<vmem>>
      %parallel_loop3A_486 = tpu.memref_squeeze %parallel_loop3A_485 : memref<1x40x128xi32, #tpu.memory_space<vmem>> -> memref<40x128xi32, #tpu.memory_space<vmem>>
      %parallel_loop3A_487 = arith.index_cast %parallel_loop3A_384 : i32 to index
      %parallel_loop3A_488 = arith.constant 96 : index
      %parallel_loop3A_489 = tpu.vector_load %parallel_loop3A_486[%parallel_loop3A_487, %parallel_loop3A_488] {strides = array<i32>} : memref<40x128xi32, #tpu.memory_space<vmem>>, vector<16xi32>,
      tpu.vector_store %parallel_loop3A_486[%parallel_loop3A_487, %parallel_loop3A_488], %parallel_loop3A_482 {strides = array<i32>} : memref<40x128xi32, #tpu.memory_space<vmem>>, vector<16xi32>,
      %parallel_loop3A_490 = arith.constant 0 : i32
      %parallel_loop3A_491 = arith.constant 0 : i32
      %parallel_loop3A_492 = tpu.memref_slice %arg6[%parallel_loop3A_211, %parallel_loop3A_490, %parallel_loop3A_491] : memref<4x40x128xi32, #tpu.memory_space<vmem>> -> memref<1x40x128xi32, #tpu.memory_space<vmem>>
      %parallel_loop3A_493 = tpu.memref_squeeze %parallel_loop3A_492 : memref<1x40x128xi32, #tpu.memory_space<vmem>> -> memref<40x128xi32, #tpu.memory_space<vmem>>
      %parallel_loop3A_494 = arith.index_cast %parallel_loop3A_384 : i32 to index
      %parallel_loop3A_495 = arith.constant 112 : index
      %parallel_loop3A_496 = tpu.vector_load %parallel_loop3A_493[%parallel_loop3A_494, %parallel_loop3A_495] {strides = array<i32>} : memref<40x128xi32, #tpu.memory_space<vmem>>, vector<16xi32>,
      %parallel_loop3A_497 = tpu.vector_load_idx %arg5[%parallel_loop3A_496] : memref<93xi32, #tpu.memory_space<vmem>>[vector<16xi32>], vector<16xi32>,
      %parallel_loop3A_498 = arith.constant 0 : i32
      %parallel_loop3A_499 = arith.constant 0 : i32
      %parallel_loop3A_500 = tpu.memref_slice %arg7[%parallel_loop3A_212, %parallel_loop3A_498, %parallel_loop3A_499] : memref<4x40x128xi32, #tpu.memory_space<vmem>> -> memref<1x40x128xi32, #tpu.memory_space<vmem>>
      %parallel_loop3A_501 = tpu.memref_squeeze %parallel_loop3A_500 : memref<1x40x128xi32, #tpu.memory_space<vmem>> -> memref<40x128xi32, #tpu.memory_space<vmem>>
      %parallel_loop3A_502 = arith.index_cast %parallel_loop3A_384 : i32 to index
      %parallel_loop3A_503 = arith.constant 112 : index
      %parallel_loop3A_504 = tpu.vector_load %parallel_loop3A_501[%parallel_loop3A_502, %parallel_loop3A_503] {strides = array<i32>} : memref<40x128xi32, #tpu.memory_space<vmem>>, vector<16xi32>,
      tpu.vector_store %parallel_loop3A_501[%parallel_loop3A_502, %parallel_loop3A_503], %parallel_loop3A_497 {strides = array<i32>} : memref<40x128xi32, #tpu.memory_space<vmem>>, vector<16xi32>,
    } {sc.loop_unroll_factor = 2 : i64, sc.parallel_access}
    %add3A_213 = arith.constant 0 : i32
    %add3A_214 = arith.addi %mul3A_2, %add3A_213 : i32
    %dma_start3A_215 = arith.constant 2 : i32
    %dma_start3A_216 = arith.constant 2 : i32
    %dma_start3A_217 = arith.constant 0 : i32
    %dma_start3A_218 = arith.constant 0 : i32
    %dma_start3A_219 = tpu.memref_slice %arg7[%dma_start3A_215, %dma_start3A_217, %dma_start3A_218] : memref<4x40x128xi32, #tpu.memory_space<vmem>> -> memref<1x40x128xi32, #tpu.memory_space<vmem>>
    %dma_start3A_220 = tpu.memref_squeeze %dma_start3A_219 : memref<1x40x128xi32, #tpu.memory_space<vmem>> -> memref<40x128xi32, #tpu.memory_space<vmem>>
    %dma_start3A_221 = arith.constant 80 : i32
    %dma_start3A_222 = tpu.memref_slice %arg4[%dma_start3A_221, %add3A_214] : memref<200x16384xi32, #tpu.memory_space<hbm>> -> memref<40x128xi32, #tpu.memory_space<hbm>>
    %dma_start3A_223 = tpu.memref_slice %arg9[%dma_start3A_216] : memref<4x!tpu.dma_semaphore, #tpu.memory_space<semaphore_mem>> -> memref<1x!tpu.dma_semaphore, #tpu.memory_space<semaphore_mem>>
    %dma_start3A_224 = tpu.memref_squeeze %dma_start3A_223 : memref<1x!tpu.dma_semaphore, #tpu.memory_space<semaphore_mem>> -> memref<!tpu.dma_semaphore, #tpu.memory_space<semaphore_mem>>
    %dma_start3A_225 = arith.constant 80 : i32
    %dma_start3A_226 = tpu.memref_slice %arg4[%dma_start3A_225, %add3A_214] : memref<200x16384xi32, #tpu.memory_space<hbm>> -> memref<40x128xi32, #tpu.memory_space<hbm>>
    %dma_start3A_227 = arith.constant 0 : i32
    %dma_start3A_228 = arith.constant 0 : i32
    %dma_start3A_229 = tpu.memref_slice %arg7[%dma_start3A_215, %dma_start3A_227, %dma_start3A_228] : memref<4x40x128xi32, #tpu.memory_space<vmem>> -> memref<1x40x128xi32, #tpu.memory_space<vmem>>
    %dma_start3A_230 = tpu.memref_squeeze %dma_start3A_229 : memref<1x40x128xi32, #tpu.memory_space<vmem>> -> memref<40x128xi32, #tpu.memory_space<vmem>>
    tpu.enqueue_dma source(%dma_start3A_230 : memref<40x128xi32, #tpu.memory_space<vmem>>) target(%dma_start3A_226 : memref<40x128xi32, #tpu.memory_space<hbm>>) target_semaphore(%dma_start3A_224 : memref<!tpu.dma_semaphore, #tpu.memory_space<semaphore_mem>>)
    %add3A_231 = arith.constant 128 : i32
    %add3A_232 = arith.addi %mul3A_2, %add3A_231 : i32
    %dma_start3A_233 = arith.constant 2 : i32
    %dma_start3A_234 = arith.constant 2 : i32
    %dma_start3A_235 = arith.constant 0 : i32
    %dma_start3A_236 = arith.constant 0 : i32
    %dma_start3A_237 = tpu.memref_slice %arg6[%dma_start3A_233, %dma_start3A_235, %dma_start3A_236] : memref<4x40x128xi32, #tpu.memory_space<vmem>> -> memref<1x40x128xi32, #tpu.memory_space<vmem>>
    %dma_start3A_238 = tpu.memref_squeeze %dma_start3A_237 : memref<1x40x128xi32, #tpu.memory_space<vmem>> -> memref<40x128xi32, #tpu.memory_space<vmem>>
    %dma_start3A_239 = arith.constant 40 : i32
    %dma_start3A_240 = tpu.memref_slice %arg2[%dma_start3A_239, %add3A_232] : memref<200x16384xi32, #tpu.memory_space<hbm>> -> memref<40x128xi32, #tpu.memory_space<hbm>>
    %dma_start3A_241 = tpu.memref_slice %arg8[%dma_start3A_234] : memref<4x!tpu.dma_semaphore, #tpu.memory_space<semaphore_mem>> -> memref<1x!tpu.dma_semaphore, #tpu.memory_space<semaphore_mem>>
    %dma_start3A_242 = tpu.memref_squeeze %dma_start3A_241 : memref<1x!tpu.dma_semaphore, #tpu.memory_space<semaphore_mem>> -> memref<!tpu.dma_semaphore, #tpu.memory_space<semaphore_mem>>
    %dma_start3A_243 = arith.constant 0 : i32
    %dma_start3A_244 = arith.constant 0 : i32
    %dma_start3A_245 = tpu.memref_slice %arg6[%dma_start3A_233, %dma_start3A_243, %dma_start3A_244] : memref<4x40x128xi32, #tpu.memory_space<vmem>> -> memref<1x40x128xi32, #tpu.memory_space<vmem>>
    %dma_start3A_246 = tpu.memref_squeeze %dma_start3A_245 : memref<1x40x128xi32, #tpu.memory_space<vmem>> -> memref<40x128xi32, #tpu.memory_space<vmem>>
    %dma_start3A_247 = arith.constant 40 : i32
    %dma_start3A_248 = tpu.memref_slice %arg2[%dma_start3A_247, %add3A_232] : memref<200x16384xi32, #tpu.memory_space<hbm>> -> memref<40x128xi32, #tpu.memory_space<hbm>>
    tpu.enqueue_dma source(%dma_start3A_248 : memref<40x128xi32, #tpu.memory_space<hbm>>) target(%dma_start3A_246 : memref<40x128xi32, #tpu.memory_space<vmem>>) target_semaphore(%dma_start3A_242 : memref<!tpu.dma_semaphore, #tpu.memory_space<semaphore_mem>>)
    %add3A_249 = arith.constant 0 : i32
    %add3A_250 = arith.addi %mul3A_2, %add3A_249 : i32
    %dma_wait3A_251 = arith.constant 3 : i32
    %dma_wait3A_252 = arith.constant 3 : i32
    %dma_wait3A_253 = arith.constant 0 : i32
    %dma_wait3A_254 = arith.constant 0 : i32
    %dma_wait3A_255 = tpu.memref_slice %arg6[%dma_wait3A_251, %dma_wait3A_253, %dma_wait3A_254] : memref<4x40x128xi32, #tpu.memory_space<vmem>> -> memref<1x40x128xi32, #tpu.memory_space<vmem>>
    %dma_wait3A_256 = tpu.memref_squeeze %dma_wait3A_255 : memref<1x40x128xi32, #tpu.memory_space<vmem>> -> memref<40x128xi32, #tpu.memory_space<vmem>>
    %dma_wait3A_257 = arith.constant 120 : i32
    %dma_wait3A_258 = tpu.memref_slice %arg2[%dma_wait3A_257, %add3A_250] : memref<200x16384xi32, #tpu.memory_space<hbm>> -> memref<40x128xi32, #tpu.memory_space<hbm>>
    %dma_wait3A_259 = tpu.memref_slice %arg8[%dma_wait3A_252] : memref<4x!tpu.dma_semaphore, #tpu.memory_space<semaphore_mem>> -> memref<1x!tpu.dma_semaphore, #tpu.memory_space<semaphore_mem>>
    %dma_wait3A_260 = tpu.memref_squeeze %dma_wait3A_259 : memref<1x!tpu.dma_semaphore, #tpu.memory_space<semaphore_mem>> -> memref<!tpu.dma_semaphore, #tpu.memory_space<semaphore_mem>>
    %dma_wait3A_261 = arith.constant 0 : i32
    %dma_wait3A_262 = arith.constant 0 : i32
    %dma_wait3A_263 = tpu.memref_slice %arg6[%dma_wait3A_251, %dma_wait3A_261, %dma_wait3A_262] : memref<4x40x128xi32, #tpu.memory_space<vmem>> -> memref<1x40x128xi32, #tpu.memory_space<vmem>>
    %dma_wait3A_264 = tpu.memref_squeeze %dma_wait3A_263 : memref<1x40x128xi32, #tpu.memory_space<vmem>> -> memref<40x128xi32, #tpu.memory_space<vmem>>
    %dma_wait3A_265 = arith.constant 120 : i32
    %dma_wait3A_266 = tpu.memref_slice %arg2[%dma_wait3A_265, %add3A_250] : memref<200x16384xi32, #tpu.memory_space<hbm>> -> memref<40x128xi32, #tpu.memory_space<hbm>>
    tpu.wait_dma2 semaphore(%dma_wait3A_260 : memref<!tpu.dma_semaphore, #tpu.memory_space<semaphore_mem>>) src(%dma_wait3A_266 : memref<40x128xi32, #tpu.memory_space<hbm>>) dst(%dma_wait3A_264 : memref<40x128xi32, #tpu.memory_space<vmem>>)
    %parallel_loop3A_267 = arith.constant 0 : i32
    %parallel_loop3A_268 = arith.constant 40 : i32
    %parallel_loop3A_269 = arith.constant 1 : i32
    %parallel_loop3A_270 = arith.constant 3 : i32
    %parallel_loop3A_271 = arith.constant 3 : i32
    scf.for %parallel_loop3A_384 = %parallel_loop3A_267 to %parallel_loop3A_268 step %parallel_loop3A_269  : i32 {
      %parallel_loop3A_385 = arith.constant 0 : i32
      %parallel_loop3A_386 = arith.constant 0 : i32
      %parallel_loop3A_387 = tpu.memref_slice %arg6[%parallel_loop3A_270, %parallel_loop3A_385, %parallel_loop3A_386] : memref<4x40x128xi32, #tpu.memory_space<vmem>> -> memref<1x40x128xi32, #tpu.memory_space<vmem>>
      %parallel_loop3A_388 = tpu.memref_squeeze %parallel_loop3A_387 : memref<1x40x128xi32, #tpu.memory_space<vmem>> -> memref<40x128xi32, #tpu.memory_space<vmem>>
      %parallel_loop3A_389 = arith.index_cast %parallel_loop3A_384 : i32 to index
      %parallel_loop3A_390 = arith.constant 0 : index
      %parallel_loop3A_391 = tpu.vector_load %parallel_loop3A_388[%parallel_loop3A_389, %parallel_loop3A_390] {strides = array<i32>} : memref<40x128xi32, #tpu.memory_space<vmem>>, vector<16xi32>,
      %parallel_loop3A_392 = tpu.vector_load_idx %arg5[%parallel_loop3A_391] : memref<93xi32, #tpu.memory_space<vmem>>[vector<16xi32>], vector<16xi32>,
      %parallel_loop3A_393 = arith.constant 0 : i32
      %parallel_loop3A_394 = arith.constant 0 : i32
      %parallel_loop3A_395 = tpu.memref_slice %arg7[%parallel_loop3A_271, %parallel_loop3A_393, %parallel_loop3A_394] : memref<4x40x128xi32, #tpu.memory_space<vmem>> -> memref<1x40x128xi32, #tpu.memory_space<vmem>>
      %parallel_loop3A_396 = tpu.memref_squeeze %parallel_loop3A_395 : memref<1x40x128xi32, #tpu.memory_space<vmem>> -> memref<40x128xi32, #tpu.memory_space<vmem>>
      %parallel_loop3A_397 = arith.index_cast %parallel_loop3A_384 : i32 to index
      %parallel_loop3A_398 = arith.constant 0 : index
      %parallel_loop3A_399 = tpu.vector_load %parallel_loop3A_396[%parallel_loop3A_397, %parallel_loop3A_398] {strides = array<i32>} : memref<40x128xi32, #tpu.memory_space<vmem>>, vector<16xi32>,
      tpu.vector_store %parallel_loop3A_396[%parallel_loop3A_397, %parallel_loop3A_398], %parallel_loop3A_392 {strides = array<i32>} : memref<40x128xi32, #tpu.memory_space<vmem>>, vector<16xi32>,
      %parallel_loop3A_400 = arith.constant 0 : i32
      %parallel_loop3A_401 = arith.constant 0 : i32
      %parallel_loop3A_402 = tpu.memref_slice %arg6[%parallel_loop3A_270, %parallel_loop3A_400, %parallel_loop3A_401] : memref<4x40x128xi32, #tpu.memory_space<vmem>> -> memref<1x40x128xi32, #tpu.memory_space<vmem>>
      %parallel_loop3A_403 = tpu.memref_squeeze %parallel_loop3A_402 : memref<1x40x128xi32, #tpu.memory_space<vmem>> -> memref<40x128xi32, #tpu.memory_space<vmem>>
      %parallel_loop3A_404 = arith.index_cast %parallel_loop3A_384 : i32 to index
      %parallel_loop3A_405 = arith.constant 16 : index
      %parallel_loop3A_406 = tpu.vector_load %parallel_loop3A_403[%parallel_loop3A_404, %parallel_loop3A_405] {strides = array<i32>} : memref<40x128xi32, #tpu.memory_space<vmem>>, vector<16xi32>,
      %parallel_loop3A_407 = tpu.vector_load_idx %arg5[%parallel_loop3A_406] : memref<93xi32, #tpu.memory_space<vmem>>[vector<16xi32>], vector<16xi32>,
      %parallel_loop3A_408 = arith.constant 0 : i32
      %parallel_loop3A_409 = arith.constant 0 : i32
      %parallel_loop3A_410 = tpu.memref_slice %arg7[%parallel_loop3A_271, %parallel_loop3A_408, %parallel_loop3A_409] : memref<4x40x128xi32, #tpu.memory_space<vmem>> -> memref<1x40x128xi32, #tpu.memory_space<vmem>>
      %parallel_loop3A_411 = tpu.memref_squeeze %parallel_loop3A_410 : memref<1x40x128xi32, #tpu.memory_space<vmem>> -> memref<40x128xi32, #tpu.memory_space<vmem>>
      %parallel_loop3A_412 = arith.index_cast %parallel_loop3A_384 : i32 to index
      %parallel_loop3A_413 = arith.constant 16 : index
      %parallel_loop3A_414 = tpu.vector_load %parallel_loop3A_411[%parallel_loop3A_412, %parallel_loop3A_413] {strides = array<i32>} : memref<40x128xi32, #tpu.memory_space<vmem>>, vector<16xi32>,
      tpu.vector_store %parallel_loop3A_411[%parallel_loop3A_412, %parallel_loop3A_413], %parallel_loop3A_407 {strides = array<i32>} : memref<40x128xi32, #tpu.memory_space<vmem>>, vector<16xi32>,
      %parallel_loop3A_415 = arith.constant 0 : i32
      %parallel_loop3A_416 = arith.constant 0 : i32
      %parallel_loop3A_417 = tpu.memref_slice %arg6[%parallel_loop3A_270, %parallel_loop3A_415, %parallel_loop3A_416] : memref<4x40x128xi32, #tpu.memory_space<vmem>> -> memref<1x40x128xi32, #tpu.memory_space<vmem>>
      %parallel_loop3A_418 = tpu.memref_squeeze %parallel_loop3A_417 : memref<1x40x128xi32, #tpu.memory_space<vmem>> -> memref<40x128xi32, #tpu.memory_space<vmem>>
      %parallel_loop3A_419 = arith.index_cast %parallel_loop3A_384 : i32 to index
      %parallel_loop3A_420 = arith.constant 32 : index
      %parallel_loop3A_421 = tpu.vector_load %parallel_loop3A_418[%parallel_loop3A_419, %parallel_loop3A_420] {strides = array<i32>} : memref<40x128xi32, #tpu.memory_space<vmem>>, vector<16xi32>,
      %parallel_loop3A_422 = tpu.vector_load_idx %arg5[%parallel_loop3A_421] : memref<93xi32, #tpu.memory_space<vmem>>[vector<16xi32>], vector<16xi32>,
      %parallel_loop3A_423 = arith.constant 0 : i32
      %parallel_loop3A_424 = arith.constant 0 : i32
      %parallel_loop3A_425 = tpu.memref_slice %arg7[%parallel_loop3A_271, %parallel_loop3A_423, %parallel_loop3A_424] : memref<4x40x128xi32, #tpu.memory_space<vmem>> -> memref<1x40x128xi32, #tpu.memory_space<vmem>>
      %parallel_loop3A_426 = tpu.memref_squeeze %parallel_loop3A_425 : memref<1x40x128xi32, #tpu.memory_space<vmem>> -> memref<40x128xi32, #tpu.memory_space<vmem>>
      %parallel_loop3A_427 = arith.index_cast %parallel_loop3A_384 : i32 to index
      %parallel_loop3A_428 = arith.constant 32 : index
      %parallel_loop3A_429 = tpu.vector_load %parallel_loop3A_426[%parallel_loop3A_427, %parallel_loop3A_428] {strides = array<i32>} : memref<40x128xi32, #tpu.memory_space<vmem>>, vector<16xi32>,
      tpu.vector_store %parallel_loop3A_426[%parallel_loop3A_427, %parallel_loop3A_428], %parallel_loop3A_422 {strides = array<i32>} : memref<40x128xi32, #tpu.memory_space<vmem>>, vector<16xi32>,
      %parallel_loop3A_430 = arith.constant 0 : i32
      %parallel_loop3A_431 = arith.constant 0 : i32
      %parallel_loop3A_432 = tpu.memref_slice %arg6[%parallel_loop3A_270, %parallel_loop3A_430, %parallel_loop3A_431] : memref<4x40x128xi32, #tpu.memory_space<vmem>> -> memref<1x40x128xi32, #tpu.memory_space<vmem>>
      %parallel_loop3A_433 = tpu.memref_squeeze %parallel_loop3A_432 : memref<1x40x128xi32, #tpu.memory_space<vmem>> -> memref<40x128xi32, #tpu.memory_space<vmem>>
      %parallel_loop3A_434 = arith.index_cast %parallel_loop3A_384 : i32 to index
      %parallel_loop3A_435 = arith.constant 48 : index
      %parallel_loop3A_436 = tpu.vector_load %parallel_loop3A_433[%parallel_loop3A_434, %parallel_loop3A_435] {strides = array<i32>} : memref<40x128xi32, #tpu.memory_space<vmem>>, vector<16xi32>,
      %parallel_loop3A_437 = tpu.vector_load_idx %arg5[%parallel_loop3A_436] : memref<93xi32, #tpu.memory_space<vmem>>[vector<16xi32>], vector<16xi32>,
      %parallel_loop3A_438 = arith.constant 0 : i32
      %parallel_loop3A_439 = arith.constant 0 : i32
      %parallel_loop3A_440 = tpu.memref_slice %arg7[%parallel_loop3A_271, %parallel_loop3A_438, %parallel_loop3A_439] : memref<4x40x128xi32, #tpu.memory_space<vmem>> -> memref<1x40x128xi32, #tpu.memory_space<vmem>>
      %parallel_loop3A_441 = tpu.memref_squeeze %parallel_loop3A_440 : memref<1x40x128xi32, #tpu.memory_space<vmem>> -> memref<40x128xi32, #tpu.memory_space<vmem>>
      %parallel_loop3A_442 = arith.index_cast %parallel_loop3A_384 : i32 to index
      %parallel_loop3A_443 = arith.constant 48 : index
      %parallel_loop3A_444 = tpu.vector_load %parallel_loop3A_441[%parallel_loop3A_442, %parallel_loop3A_443] {strides = array<i32>} : memref<40x128xi32, #tpu.memory_space<vmem>>, vector<16xi32>,
      tpu.vector_store %parallel_loop3A_441[%parallel_loop3A_442, %parallel_loop3A_443], %parallel_loop3A_437 {strides = array<i32>} : memref<40x128xi32, #tpu.memory_space<vmem>>, vector<16xi32>,
      %parallel_loop3A_445 = arith.constant 0 : i32
      %parallel_loop3A_446 = arith.constant 0 : i32
      %parallel_loop3A_447 = tpu.memref_slice %arg6[%parallel_loop3A_270, %parallel_loop3A_445, %parallel_loop3A_446] : memref<4x40x128xi32, #tpu.memory_space<vmem>> -> memref<1x40x128xi32, #tpu.memory_space<vmem>>
      %parallel_loop3A_448 = tpu.memref_squeeze %parallel_loop3A_447 : memref<1x40x128xi32, #tpu.memory_space<vmem>> -> memref<40x128xi32, #tpu.memory_space<vmem>>
      %parallel_loop3A_449 = arith.index_cast %parallel_loop3A_384 : i32 to index
      %parallel_loop3A_450 = arith.constant 64 : index
      %parallel_loop3A_451 = tpu.vector_load %parallel_loop3A_448[%parallel_loop3A_449, %parallel_loop3A_450] {strides = array<i32>} : memref<40x128xi32, #tpu.memory_space<vmem>>, vector<16xi32>,
      %parallel_loop3A_452 = tpu.vector_load_idx %arg5[%parallel_loop3A_451] : memref<93xi32, #tpu.memory_space<vmem>>[vector<16xi32>], vector<16xi32>,
      %parallel_loop3A_453 = arith.constant 0 : i32
      %parallel_loop3A_454 = arith.constant 0 : i32
      %parallel_loop3A_455 = tpu.memref_slice %arg7[%parallel_loop3A_271, %parallel_loop3A_453, %parallel_loop3A_454] : memref<4x40x128xi32, #tpu.memory_space<vmem>> -> memref<1x40x128xi32, #tpu.memory_space<vmem>>
      %parallel_loop3A_456 = tpu.memref_squeeze %parallel_loop3A_455 : memref<1x40x128xi32, #tpu.memory_space<vmem>> -> memref<40x128xi32, #tpu.memory_space<vmem>>
      %parallel_loop3A_457 = arith.index_cast %parallel_loop3A_384 : i32 to index
      %parallel_loop3A_458 = arith.constant 64 : index
      %parallel_loop3A_459 = tpu.vector_load %parallel_loop3A_456[%parallel_loop3A_457, %parallel_loop3A_458] {strides = array<i32>} : memref<40x128xi32, #tpu.memory_space<vmem>>, vector<16xi32>,
      tpu.vector_store %parallel_loop3A_456[%parallel_loop3A_457, %parallel_loop3A_458], %parallel_loop3A_452 {strides = array<i32>} : memref<40x128xi32, #tpu.memory_space<vmem>>, vector<16xi32>,
      %parallel_loop3A_460 = arith.constant 0 : i32
      %parallel_loop3A_461 = arith.constant 0 : i32
      %parallel_loop3A_462 = tpu.memref_slice %arg6[%parallel_loop3A_270, %parallel_loop3A_460, %parallel_loop3A_461] : memref<4x40x128xi32, #tpu.memory_space<vmem>> -> memref<1x40x128xi32, #tpu.memory_space<vmem>>
      %parallel_loop3A_463 = tpu.memref_squeeze %parallel_loop3A_462 : memref<1x40x128xi32, #tpu.memory_space<vmem>> -> memref<40x128xi32, #tpu.memory_space<vmem>>
      %parallel_loop3A_464 = arith.index_cast %parallel_loop3A_384 : i32 to index
      %parallel_loop3A_465 = arith.constant 80 : index
      %parallel_loop3A_466 = tpu.vector_load %parallel_loop3A_463[%parallel_loop3A_464, %parallel_loop3A_465] {strides = array<i32>} : memref<40x128xi32, #tpu.memory_space<vmem>>, vector<16xi32>,
      %parallel_loop3A_467 = tpu.vector_load_idx %arg5[%parallel_loop3A_466] : memref<93xi32, #tpu.memory_space<vmem>>[vector<16xi32>], vector<16xi32>,
      %parallel_loop3A_468 = arith.constant 0 : i32
      %parallel_loop3A_469 = arith.constant 0 : i32
      %parallel_loop3A_470 = tpu.memref_slice %arg7[%parallel_loop3A_271, %parallel_loop3A_468, %parallel_loop3A_469] : memref<4x40x128xi32, #tpu.memory_space<vmem>> -> memref<1x40x128xi32, #tpu.memory_space<vmem>>
      %parallel_loop3A_471 = tpu.memref_squeeze %parallel_loop3A_470 : memref<1x40x128xi32, #tpu.memory_space<vmem>> -> memref<40x128xi32, #tpu.memory_space<vmem>>
      %parallel_loop3A_472 = arith.index_cast %parallel_loop3A_384 : i32 to index
      %parallel_loop3A_473 = arith.constant 80 : index
      %parallel_loop3A_474 = tpu.vector_load %parallel_loop3A_471[%parallel_loop3A_472, %parallel_loop3A_473] {strides = array<i32>} : memref<40x128xi32, #tpu.memory_space<vmem>>, vector<16xi32>,
      tpu.vector_store %parallel_loop3A_471[%parallel_loop3A_472, %parallel_loop3A_473], %parallel_loop3A_467 {strides = array<i32>} : memref<40x128xi32, #tpu.memory_space<vmem>>, vector<16xi32>,
      %parallel_loop3A_475 = arith.constant 0 : i32
      %parallel_loop3A_476 = arith.constant 0 : i32
      %parallel_loop3A_477 = tpu.memref_slice %arg6[%parallel_loop3A_270, %parallel_loop3A_475, %parallel_loop3A_476] : memref<4x40x128xi32, #tpu.memory_space<vmem>> -> memref<1x40x128xi32, #tpu.memory_space<vmem>>
      %parallel_loop3A_478 = tpu.memref_squeeze %parallel_loop3A_477 : memref<1x40x128xi32, #tpu.memory_space<vmem>> -> memref<40x128xi32, #tpu.memory_space<vmem>>
      %parallel_loop3A_479 = arith.index_cast %parallel_loop3A_384 : i32 to index
      %parallel_loop3A_480 = arith.constant 96 : index
      %parallel_loop3A_481 = tpu.vector_load %parallel_loop3A_478[%parallel_loop3A_479, %parallel_loop3A_480] {strides = array<i32>} : memref<40x128xi32, #tpu.memory_space<vmem>>, vector<16xi32>,
      %parallel_loop3A_482 = tpu.vector_load_idx %arg5[%parallel_loop3A_481] : memref<93xi32, #tpu.memory_space<vmem>>[vector<16xi32>], vector<16xi32>,
      %parallel_loop3A_483 = arith.constant 0 : i32
      %parallel_loop3A_484 = arith.constant 0 : i32
      %parallel_loop3A_485 = tpu.memref_slice %arg7[%parallel_loop3A_271, %parallel_loop3A_483, %parallel_loop3A_484] : memref<4x40x128xi32, #tpu.memory_space<vmem>> -> memref<1x40x128xi32, #tpu.memory_space<vmem>>
      %parallel_loop3A_486 = tpu.memref_squeeze %parallel_loop3A_485 : memref<1x40x128xi32, #tpu.memory_space<vmem>> -> memref<40x128xi32, #tpu.memory_space<vmem>>
      %parallel_loop3A_487 = arith.index_cast %parallel_loop3A_384 : i32 to index
      %parallel_loop3A_488 = arith.constant 96 : index
      %parallel_loop3A_489 = tpu.vector_load %parallel_loop3A_486[%parallel_loop3A_487, %parallel_loop3A_488] {strides = array<i32>} : memref<40x128xi32, #tpu.memory_space<vmem>>, vector<16xi32>,
      tpu.vector_store %parallel_loop3A_486[%parallel_loop3A_487, %parallel_loop3A_488], %parallel_loop3A_482 {strides = array<i32>} : memref<40x128xi32, #tpu.memory_space<vmem>>, vector<16xi32>,
      %parallel_loop3A_490 = arith.constant 0 : i32
      %parallel_loop3A_491 = arith.constant 0 : i32
      %parallel_loop3A_492 = tpu.memref_slice %arg6[%parallel_loop3A_270, %parallel_loop3A_490, %parallel_loop3A_491] : memref<4x40x128xi32, #tpu.memory_space<vmem>> -> memref<1x40x128xi32, #tpu.memory_space<vmem>>
      %parallel_loop3A_493 = tpu.memref_squeeze %parallel_loop3A_492 : memref<1x40x128xi32, #tpu.memory_space<vmem>> -> memref<40x128xi32, #tpu.memory_space<vmem>>
      %parallel_loop3A_494 = arith.index_cast %parallel_loop3A_384 : i32 to index
      %parallel_loop3A_495 = arith.constant 112 : index
      %parallel_loop3A_496 = tpu.vector_load %parallel_loop3A_493[%parallel_loop3A_494, %parallel_loop3A_495] {strides = array<i32>} : memref<40x128xi32, #tpu.memory_space<vmem>>, vector<16xi32>,
      %parallel_loop3A_497 = tpu.vector_load_idx %arg5[%parallel_loop3A_496] : memref<93xi32, #tpu.memory_space<vmem>>[vector<16xi32>], vector<16xi32>,
      %parallel_loop3A_498 = arith.constant 0 : i32
      %parallel_loop3A_499 = arith.constant 0 : i32
      %parallel_loop3A_500 = tpu.memref_slice %arg7[%parallel_loop3A_271, %parallel_loop3A_498, %parallel_loop3A_499] : memref<4x40x128xi32, #tpu.memory_space<vmem>> -> memref<1x40x128xi32, #tpu.memory_space<vmem>>
      %parallel_loop3A_501 = tpu.memref_squeeze %parallel_loop3A_500 : memref<1x40x128xi32, #tpu.memory_space<vmem>> -> memref<40x128xi32, #tpu.memory_space<vmem>>
      %parallel_loop3A_502 = arith.index_cast %parallel_loop3A_384 : i32 to index
      %parallel_loop3A_503 = arith.constant 112 : index
      %parallel_loop3A_504 = tpu.vector_load %parallel_loop3A_501[%parallel_loop3A_502, %parallel_loop3A_503] {strides = array<i32>} : memref<40x128xi32, #tpu.memory_space<vmem>>, vector<16xi32>,
      tpu.vector_store %parallel_loop3A_501[%parallel_loop3A_502, %parallel_loop3A_503], %parallel_loop3A_497 {strides = array<i32>} : memref<40x128xi32, #tpu.memory_space<vmem>>, vector<16xi32>,
    } {sc.loop_unroll_factor = 2 : i64, sc.parallel_access}
    %add3A_272 = arith.constant 0 : i32
    %add3A_273 = arith.addi %mul3A_2, %add3A_272 : i32
    %dma_start3A_274 = arith.constant 3 : i32
    %dma_start3A_275 = arith.constant 3 : i32
    %dma_start3A_276 = arith.constant 0 : i32
    %dma_start3A_277 = arith.constant 0 : i32
    %dma_start3A_278 = tpu.memref_slice %arg7[%dma_start3A_274, %dma_start3A_276, %dma_start3A_277] : memref<4x40x128xi32, #tpu.memory_space<vmem>> -> memref<1x40x128xi32, #tpu.memory_space<vmem>>
    %dma_start3A_279 = tpu.memref_squeeze %dma_start3A_278 : memref<1x40x128xi32, #tpu.memory_space<vmem>> -> memref<40x128xi32, #tpu.memory_space<vmem>>
    %dma_start3A_280 = arith.constant 120 : i32
    %dma_start3A_281 = tpu.memref_slice %arg4[%dma_start3A_280, %add3A_273] : memref<200x16384xi32, #tpu.memory_space<hbm>> -> memref<40x128xi32, #tpu.memory_space<hbm>>
    %dma_start3A_282 = tpu.memref_slice %arg9[%dma_start3A_275] : memref<4x!tpu.dma_semaphore, #tpu.memory_space<semaphore_mem>> -> memref<1x!tpu.dma_semaphore, #tpu.memory_space<semaphore_mem>>
    %dma_start3A_283 = tpu.memref_squeeze %dma_start3A_282 : memref<1x!tpu.dma_semaphore, #tpu.memory_space<semaphore_mem>> -> memref<!tpu.dma_semaphore, #tpu.memory_space<semaphore_mem>>
    %dma_start3A_284 = arith.constant 120 : i32
    %dma_start3A_285 = tpu.memref_slice %arg4[%dma_start3A_284, %add3A_273] : memref<200x16384xi32, #tpu.memory_space<hbm>> -> memref<40x128xi32, #tpu.memory_space<hbm>>
    %dma_start3A_286 = arith.constant 0 : i32
    %dma_start3A_287 = arith.constant 0 : i32
    %dma_start3A_288 = tpu.memref_slice %arg7[%dma_start3A_274, %dma_start3A_286, %dma_start3A_287] : memref<4x40x128xi32, #tpu.memory_space<vmem>> -> memref<1x40x128xi32, #tpu.memory_space<vmem>>
    %dma_start3A_289 = tpu.memref_squeeze %dma_start3A_288 : memref<1x40x128xi32, #tpu.memory_space<vmem>> -> memref<40x128xi32, #tpu.memory_space<vmem>>
    tpu.enqueue_dma source(%dma_start3A_289 : memref<40x128xi32, #tpu.memory_space<vmem>>) target(%dma_start3A_285 : memref<40x128xi32, #tpu.memory_space<hbm>>) target_semaphore(%dma_start3A_283 : memref<!tpu.dma_semaphore, #tpu.memory_space<semaphore_mem>>)
    %add3A_290 = arith.constant 128 : i32
    %add3A_291 = arith.addi %mul3A_2, %add3A_290 : i32
    %dma_start3A_292 = arith.constant 3 : i32
    %dma_start3A_293 = arith.constant 3 : i32
    %dma_start3A_294 = arith.constant 0 : i32
    %dma_start3A_295 = arith.constant 0 : i32
    %dma_start3A_296 = tpu.memref_slice %arg6[%dma_start3A_292, %dma_start3A_294, %dma_start3A_295] : memref<4x40x128xi32, #tpu.memory_space<vmem>> -> memref<1x40x128xi32, #tpu.memory_space<vmem>>
    %dma_start3A_297 = tpu.memref_squeeze %dma_start3A_296 : memref<1x40x128xi32, #tpu.memory_space<vmem>> -> memref<40x128xi32, #tpu.memory_space<vmem>>
    %dma_start3A_298 = arith.constant 80 : i32
    %dma_start3A_299 = tpu.memref_slice %arg2[%dma_start3A_298, %add3A_291] : memref<200x16384xi32, #tpu.memory_space<hbm>> -> memref<40x128xi32, #tpu.memory_space<hbm>>
    %dma_start3A_300 = tpu.memref_slice %arg8[%dma_start3A_293] : memref<4x!tpu.dma_semaphore, #tpu.memory_space<semaphore_mem>> -> memref<1x!tpu.dma_semaphore, #tpu.memory_space<semaphore_mem>>
    %dma_start3A_301 = tpu.memref_squeeze %dma_start3A_300 : memref<1x!tpu.dma_semaphore, #tpu.memory_space<semaphore_mem>> -> memref<!tpu.dma_semaphore, #tpu.memory_space<semaphore_mem>>
    %dma_start3A_302 = arith.constant 0 : i32
    %dma_start3A_303 = arith.constant 0 : i32
    %dma_start3A_304 = tpu.memref_slice %arg6[%dma_start3A_292, %dma_start3A_302, %dma_start3A_303] : memref<4x40x128xi32, #tpu.memory_space<vmem>> -> memref<1x40x128xi32, #tpu.memory_space<vmem>>
    %dma_start3A_305 = tpu.memref_squeeze %dma_start3A_304 : memref<1x40x128xi32, #tpu.memory_space<vmem>> -> memref<40x128xi32, #tpu.memory_space<vmem>>
    %dma_start3A_306 = arith.constant 80 : i32
    %dma_start3A_307 = tpu.memref_slice %arg2[%dma_start3A_306, %add3A_291] : memref<200x16384xi32, #tpu.memory_space<hbm>> -> memref<40x128xi32, #tpu.memory_space<hbm>>
    tpu.enqueue_dma source(%dma_start3A_307 : memref<40x128xi32, #tpu.memory_space<hbm>>) target(%dma_start3A_305 : memref<40x128xi32, #tpu.memory_space<vmem>>) target_semaphore(%dma_start3A_301 : memref<!tpu.dma_semaphore, #tpu.memory_space<semaphore_mem>>)
    %scan3A = arith.constant 0 : i32
    %scan3A_308 = arith.constant 4 : i32
    %scan3A_309 = arith.addi %scan3A, %scan3A_308 : i32
    %scan3A_310 = arith.constant 1 : i32
    scf.for %scan3A_384 = %scan3A to %scan3A_309 step %scan3A_310  : i32 {
      %mul3A_385 = arith.constant 4 : i32
      %mul3A_386 = arith.muli %scan3A_384, %mul3A_385 : i32
      %add3A_387 = arith.constant 4 : i32
      %add3A_388 = arith.addi %add3A_387, %mul3A_386 : i32
      %add3A_389 = arith.constant 0 : i32
      %add3A_390 = arith.addi %add3A_388, %add3A_389 : i32
      %jit3A = arith.constant 5 : i32
      %div3A = arith.divsi %add3A_390, %jit3A : i32
      %sign3A = arith.constant 0 : i32
      %sign3A_391 = arith.cmpi sgt, %add3A_390, %sign3A : i32
      %sign3A_392 = arith.extui %sign3A_391 : i1 to i32
      %sign3A_393 = arith.constant 0 : i32
      %sign3A_394 = arith.cmpi slt, %add3A_390, %sign3A_393 : i32
      %sign3A_395 = arith.extui %sign3A_394 : i1 to i32
      %sign3A_396 = arith.subi %sign3A_392, %sign3A_395 : i32
      %sign3A_397 = arith.constant 0 : i32
      %sign3A_398 = arith.cmpi sgt, %jit3A, %sign3A_397 : i32
      %sign3A_399 = arith.extui %sign3A_398 : i1 to i32
      %sign3A_400 = arith.constant 0 : i32
      %sign3A_401 = arith.cmpi slt, %jit3A, %sign3A_400 : i32
      %sign3A_402 = arith.extui %sign3A_401 : i1 to i32
      %sign3A_403 = arith.subi %sign3A_399, %sign3A_402 : i32
      %ne3A = arith.cmpi ne, %sign3A_396, %sign3A_403 : i32
      %rem3A = arith.remsi %add3A_390, %jit3A : i32
      %ne3A_404 = arith.constant 0 : i32
      %ne3A_405 = arith.cmpi ne, %rem3A, %ne3A_404 : i32
      %and3A = arith.andi %ne3A, %ne3A_405 : i1
      %sub3A = arith.constant 1 : i32
      %sub3A_406 = arith.subi %div3A, %sub3A : i32
      %select_n3A = arith.select %and3A, %sub3A_406, %div3A : i32
      %jit3A_407 = arith.constant 5 : i32
      %eq3A = arith.constant 0 : i32
      %eq3A_408 = arith.cmpi eq, %jit3A_407, %eq3A : i32
      %jit3A_409 = arith.constant 1 : i32
      %select_n3A_410 = arith.select %eq3A_408, %jit3A_409, %jit3A_407 : i32
      %rem3A_411 = arith.remsi %add3A_390, %select_n3A_410 : i32
      %ne3A_412 = arith.constant 0 : i32
      %ne3A_413 = arith.cmpi ne, %rem3A_411, %ne3A_412 : i32
      %lt3A = arith.constant 0 : i32
      %lt3A_414 = arith.cmpi slt, %rem3A_411, %lt3A : i32
      %lt3A_415 = arith.constant 0 : i32
      %lt3A_416 = arith.cmpi slt, %select_n3A_410, %lt3A_415 : i32
      %ne3A_417 = arith.xori %lt3A_414, %lt3A_416 : i1
      %and3A_418 = arith.andi %ne3A_417, %ne3A_413 : i1
      %add3A_419 = arith.addi %rem3A_411, %select_n3A_410 : i32
      %select_n3A_420 = arith.select %and3A_418, %add3A_419, %rem3A_411 : i32
      %mul3A_421 = arith.constant 40 : i32
      %mul3A_422 = arith.muli %select_n3A_420, %mul3A_421 : i32
      %mul3A_423 = arith.constant 128 : i32
      %mul3A_424 = arith.muli %select_n3A, %mul3A_423 : i32
      %add3A_425 = arith.addi %mul3A_2, %mul3A_424 : i32
      %dma_wait3A_426 = arith.constant 0 : i32
      %dma_wait3A_427 = arith.constant 0 : i32
      %dma_wait3A_428 = arith.constant 0 : i32
      %dma_wait3A_429 = arith.constant 0 : i32
      %dma_wait3A_430 = tpu.memref_slice %arg6[%dma_wait3A_426, %dma_wait3A_428, %dma_wait3A_429] : memref<4x40x128xi32, #tpu.memory_space<vmem>> -> memref<1x40x128xi32, #tpu.memory_space<vmem>>
      %dma_wait3A_431 = tpu.memref_squeeze %dma_wait3A_430 : memref<1x40x128xi32, #tpu.memory_space<vmem>> -> memref<40x128xi32, #tpu.memory_space<vmem>>
      %dma_wait3A_432 = tpu.memref_slice %arg2[%mul3A_422, %add3A_425] : memref<200x16384xi32, #tpu.memory_space<hbm>> -> memref<40x128xi32, #tpu.memory_space<hbm>>
      %dma_wait3A_433 = tpu.memref_slice %arg8[%dma_wait3A_427] : memref<4x!tpu.dma_semaphore, #tpu.memory_space<semaphore_mem>> -> memref<1x!tpu.dma_semaphore, #tpu.memory_space<semaphore_mem>>
      %dma_wait3A_434 = tpu.memref_squeeze %dma_wait3A_433 : memref<1x!tpu.dma_semaphore, #tpu.memory_space<semaphore_mem>> -> memref<!tpu.dma_semaphore, #tpu.memory_space<semaphore_mem>>
      %dma_wait3A_435 = arith.constant 0 : i32
      %dma_wait3A_436 = arith.constant 0 : i32
      %dma_wait3A_437 = tpu.memref_slice %arg6[%dma_wait3A_426, %dma_wait3A_435, %dma_wait3A_436] : memref<4x40x128xi32, #tpu.memory_space<vmem>> -> memref<1x40x128xi32, #tpu.memory_space<vmem>>
      %dma_wait3A_438 = tpu.memref_squeeze %dma_wait3A_437 : memref<1x40x128xi32, #tpu.memory_space<vmem>> -> memref<40x128xi32, #tpu.memory_space<vmem>>
      %dma_wait3A_439 = tpu.memref_slice %arg2[%mul3A_422, %add3A_425] : memref<200x16384xi32, #tpu.memory_space<hbm>> -> memref<40x128xi32, #tpu.memory_space<hbm>>
      tpu.wait_dma2 semaphore(%dma_wait3A_434 : memref<!tpu.dma_semaphore, #tpu.memory_space<semaphore_mem>>) src(%dma_wait3A_439 : memref<40x128xi32, #tpu.memory_space<hbm>>) dst(%dma_wait3A_438 : memref<40x128xi32, #tpu.memory_space<vmem>>)
      %jit3A_440 = arith.constant 5 : i32
      %div3A_441 = arith.divsi %add3A_390, %jit3A_440 : i32
      %sign3A_442 = arith.constant 0 : i32
      %sign3A_443 = arith.cmpi sgt, %add3A_390, %sign3A_442 : i32
      %sign3A_444 = arith.extui %sign3A_443 : i1 to i32
      %sign3A_445 = arith.constant 0 : i32
      %sign3A_446 = arith.cmpi slt, %add3A_390, %sign3A_445 : i32
      %sign3A_447 = arith.extui %sign3A_446 : i1 to i32
      %sign3A_448 = arith.subi %sign3A_444, %sign3A_447 : i32
      %sign3A_449 = arith.constant 0 : i32
      %sign3A_450 = arith.cmpi sgt, %jit3A_440, %sign3A_449 : i32
      %sign3A_451 = arith.extui %sign3A_450 : i1 to i32
      %sign3A_452 = arith.constant 0 : i32
      %sign3A_453 = arith.cmpi slt, %jit3A_440, %sign3A_452 : i32
      %sign3A_454 = arith.extui %sign3A_453 : i1 to i32
      %sign3A_455 = arith.subi %sign3A_451, %sign3A_454 : i32
      %ne3A_456 = arith.cmpi ne, %sign3A_448, %sign3A_455 : i32
      %rem3A_457 = arith.remsi %add3A_390, %jit3A_440 : i32
      %ne3A_458 = arith.constant 0 : i32
      %ne3A_459 = arith.cmpi ne, %rem3A_457, %ne3A_458 : i32
      %and3A_460 = arith.andi %ne3A_456, %ne3A_459 : i1
      %sub3A_461 = arith.constant 1 : i32
      %sub3A_462 = arith.subi %div3A_441, %sub3A_461 : i32
      %select_n3A_463 = arith.select %and3A_460, %sub3A_462, %div3A_441 : i32
      %jit3A_464 = arith.constant 5 : i32
      %eq3A_465 = arith.constant 0 : i32
      %eq3A_466 = arith.cmpi eq, %jit3A_464, %eq3A_465 : i32
      %jit3A_467 = arith.constant 1 : i32
      %select_n3A_468 = arith.select %eq3A_466, %jit3A_467, %jit3A_464 : i32
      %rem3A_469 = arith.remsi %add3A_390, %select_n3A_468 : i32
      %ne3A_470 = arith.constant 0 : i32
      %ne3A_471 = arith.cmpi ne, %rem3A_469, %ne3A_470 : i32
      %lt3A_472 = arith.constant 0 : i32
      %lt3A_473 = arith.cmpi slt, %rem3A_469, %lt3A_472 : i32
      %lt3A_474 = arith.constant 0 : i32
      %lt3A_475 = arith.cmpi slt, %select_n3A_468, %lt3A_474 : i32
      %ne3A_476 = arith.xori %lt3A_473, %lt3A_475 : i1
      %and3A_477 = arith.andi %ne3A_476, %ne3A_471 : i1
      %add3A_478 = arith.addi %rem3A_469, %select_n3A_468 : i32
      %select_n3A_479 = arith.select %and3A_477, %add3A_478, %rem3A_469 : i32
      %mul3A_480 = arith.constant 40 : i32
      %mul3A_481 = arith.muli %select_n3A_479, %mul3A_480 : i32
      %mul3A_482 = arith.constant 128 : i32
      %mul3A_483 = arith.muli %select_n3A_463, %mul3A_482 : i32
      %add3A_484 = arith.addi %mul3A_2, %mul3A_483 : i32
      %dma_wait3A_485 = arith.constant 0 : i32
      %dma_wait3A_486 = arith.constant 0 : i32
      %dma_wait3A_487 = arith.constant 0 : i32
      %dma_wait3A_488 = arith.constant 0 : i32
      %dma_wait3A_489 = tpu.memref_slice %arg7[%dma_wait3A_485, %dma_wait3A_487, %dma_wait3A_488] : memref<4x40x128xi32, #tpu.memory_space<vmem>> -> memref<1x40x128xi32, #tpu.memory_space<vmem>>
      %dma_wait3A_490 = tpu.memref_squeeze %dma_wait3A_489 : memref<1x40x128xi32, #tpu.memory_space<vmem>> -> memref<40x128xi32, #tpu.memory_space<vmem>>
      %dma_wait3A_491 = tpu.memref_slice %arg4[%mul3A_481, %add3A_484] : memref<200x16384xi32, #tpu.memory_space<hbm>> -> memref<40x128xi32, #tpu.memory_space<hbm>>
      %dma_wait3A_492 = tpu.memref_slice %arg9[%dma_wait3A_486] : memref<4x!tpu.dma_semaphore, #tpu.memory_space<semaphore_mem>> -> memref<1x!tpu.dma_semaphore, #tpu.memory_space<semaphore_mem>>
      %dma_wait3A_493 = tpu.memref_squeeze %dma_wait3A_492 : memref<1x!tpu.dma_semaphore, #tpu.memory_space<semaphore_mem>> -> memref<!tpu.dma_semaphore, #tpu.memory_space<semaphore_mem>>
      %dma_wait3A_494 = tpu.memref_slice %arg4[%mul3A_481, %add3A_484] : memref<200x16384xi32, #tpu.memory_space<hbm>> -> memref<40x128xi32, #tpu.memory_space<hbm>>
      %dma_wait3A_495 = arith.constant 0 : i32
      %dma_wait3A_496 = arith.constant 0 : i32
      %dma_wait3A_497 = tpu.memref_slice %arg7[%dma_wait3A_485, %dma_wait3A_495, %dma_wait3A_496] : memref<4x40x128xi32, #tpu.memory_space<vmem>> -> memref<1x40x128xi32, #tpu.memory_space<vmem>>
      %dma_wait3A_498 = tpu.memref_squeeze %dma_wait3A_497 : memref<1x40x128xi32, #tpu.memory_space<vmem>> -> memref<40x128xi32, #tpu.memory_space<vmem>>
      tpu.wait_dma2 semaphore(%dma_wait3A_493 : memref<!tpu.dma_semaphore, #tpu.memory_space<semaphore_mem>>) src(%dma_wait3A_498 : memref<40x128xi32, #tpu.memory_space<vmem>>) dst(%dma_wait3A_494 : memref<40x128xi32, #tpu.memory_space<hbm>>)
      %parallel_loop3A_499 = arith.constant 0 : i32
      %parallel_loop3A_500 = arith.constant 40 : i32
      %parallel_loop3A_501 = arith.constant 1 : i32
      %parallel_loop3A_502 = arith.constant 0 : i32
      %parallel_loop3A_503 = arith.constant 0 : i32
      scf.for %parallel_loop3A_1141 = %parallel_loop3A_499 to %parallel_loop3A_500 step %parallel_loop3A_501  : i32 {
        %parallel_loop3A_1142 = arith.constant 0 : i32
        %parallel_loop3A_1143 = arith.constant 0 : i32
        %parallel_loop3A_1144 = tpu.memref_slice %arg6[%parallel_loop3A_502, %parallel_loop3A_1142, %parallel_loop3A_1143] : memref<4x40x128xi32, #tpu.memory_space<vmem>> -> memref<1x40x128xi32, #tpu.memory_space<vmem>>
        %parallel_loop3A_1145 = tpu.memref_squeeze %parallel_loop3A_1144 : memref<1x40x128xi32, #tpu.memory_space<vmem>> -> memref<40x128xi32, #tpu.memory_space<vmem>>
        %parallel_loop3A_1146 = arith.index_cast %parallel_loop3A_1141 : i32 to index
        %parallel_loop3A_1147 = arith.constant 0 : index
        %parallel_loop3A_1148 = tpu.vector_load %parallel_loop3A_1145[%parallel_loop3A_1146, %parallel_loop3A_1147] {strides = array<i32>} : memref<40x128xi32, #tpu.memory_space<vmem>>, vector<16xi32>,
        %parallel_loop3A_1149 = tpu.vector_load_idx %arg5[%parallel_loop3A_1148] : memref<93xi32, #tpu.memory_space<vmem>>[vector<16xi32>], vector<16xi32>,
        %parallel_loop3A_1150 = arith.constant 0 : i32
        %parallel_loop3A_1151 = arith.constant 0 : i32
        %parallel_loop3A_1152 = tpu.memref_slice %arg7[%parallel_loop3A_503, %parallel_loop3A_1150, %parallel_loop3A_1151] : memref<4x40x128xi32, #tpu.memory_space<vmem>> -> memref<1x40x128xi32, #tpu.memory_space<vmem>>
        %parallel_loop3A_1153 = tpu.memref_squeeze %parallel_loop3A_1152 : memref<1x40x128xi32, #tpu.memory_space<vmem>> -> memref<40x128xi32, #tpu.memory_space<vmem>>
        %parallel_loop3A_1154 = arith.index_cast %parallel_loop3A_1141 : i32 to index
        %parallel_loop3A_1155 = arith.constant 0 : index
        %parallel_loop3A_1156 = tpu.vector_load %parallel_loop3A_1153[%parallel_loop3A_1154, %parallel_loop3A_1155] {strides = array<i32>} : memref<40x128xi32, #tpu.memory_space<vmem>>, vector<16xi32>,
        tpu.vector_store %parallel_loop3A_1153[%parallel_loop3A_1154, %parallel_loop3A_1155], %parallel_loop3A_1149 {strides = array<i32>} : memref<40x128xi32, #tpu.memory_space<vmem>>, vector<16xi32>,
        %parallel_loop3A_1157 = arith.constant 0 : i32
        %parallel_loop3A_1158 = arith.constant 0 : i32
        %parallel_loop3A_1159 = tpu.memref_slice %arg6[%parallel_loop3A_502, %parallel_loop3A_1157, %parallel_loop3A_1158] : memref<4x40x128xi32, #tpu.memory_space<vmem>> -> memref<1x40x128xi32, #tpu.memory_space<vmem>>
        %parallel_loop3A_1160 = tpu.memref_squeeze %parallel_loop3A_1159 : memref<1x40x128xi32, #tpu.memory_space<vmem>> -> memref<40x128xi32, #tpu.memory_space<vmem>>
        %parallel_loop3A_1161 = arith.index_cast %parallel_loop3A_1141 : i32 to index
        %parallel_loop3A_1162 = arith.constant 16 : index
        %parallel_loop3A_1163 = tpu.vector_load %parallel_loop3A_1160[%parallel_loop3A_1161, %parallel_loop3A_1162] {strides = array<i32>} : memref<40x128xi32, #tpu.memory_space<vmem>>, vector<16xi32>,
        %parallel_loop3A_1164 = tpu.vector_load_idx %arg5[%parallel_loop3A_1163] : memref<93xi32, #tpu.memory_space<vmem>>[vector<16xi32>], vector<16xi32>,
        %parallel_loop3A_1165 = arith.constant 0 : i32
        %parallel_loop3A_1166 = arith.constant 0 : i32
        %parallel_loop3A_1167 = tpu.memref_slice %arg7[%parallel_loop3A_503, %parallel_loop3A_1165, %parallel_loop3A_1166] : memref<4x40x128xi32, #tpu.memory_space<vmem>> -> memref<1x40x128xi32, #tpu.memory_space<vmem>>
        %parallel_loop3A_1168 = tpu.memref_squeeze %parallel_loop3A_1167 : memref<1x40x128xi32, #tpu.memory_space<vmem>> -> memref<40x128xi32, #tpu.memory_space<vmem>>
        %parallel_loop3A_1169 = arith.index_cast %parallel_loop3A_1141 : i32 to index
        %parallel_loop3A_1170 = arith.constant 16 : index
        %parallel_loop3A_1171 = tpu.vector_load %parallel_loop3A_1168[%parallel_loop3A_1169, %parallel_loop3A_1170] {strides = array<i32>} : memref<40x128xi32, #tpu.memory_space<vmem>>, vector<16xi32>,
        tpu.vector_store %parallel_loop3A_1168[%parallel_loop3A_1169, %parallel_loop3A_1170], %parallel_loop3A_1164 {strides = array<i32>} : memref<40x128xi32, #tpu.memory_space<vmem>>, vector<16xi32>,
        %parallel_loop3A_1172 = arith.constant 0 : i32
        %parallel_loop3A_1173 = arith.constant 0 : i32
        %parallel_loop3A_1174 = tpu.memref_slice %arg6[%parallel_loop3A_502, %parallel_loop3A_1172, %parallel_loop3A_1173] : memref<4x40x128xi32, #tpu.memory_space<vmem>> -> memref<1x40x128xi32, #tpu.memory_space<vmem>>
        %parallel_loop3A_1175 = tpu.memref_squeeze %parallel_loop3A_1174 : memref<1x40x128xi32, #tpu.memory_space<vmem>> -> memref<40x128xi32, #tpu.memory_space<vmem>>
        %parallel_loop3A_1176 = arith.index_cast %parallel_loop3A_1141 : i32 to index
        %parallel_loop3A_1177 = arith.constant 32 : index
        %parallel_loop3A_1178 = tpu.vector_load %parallel_loop3A_1175[%parallel_loop3A_1176, %parallel_loop3A_1177] {strides = array<i32>} : memref<40x128xi32, #tpu.memory_space<vmem>>, vector<16xi32>,
        %parallel_loop3A_1179 = tpu.vector_load_idx %arg5[%parallel_loop3A_1178] : memref<93xi32, #tpu.memory_space<vmem>>[vector<16xi32>], vector<16xi32>,
        %parallel_loop3A_1180 = arith.constant 0 : i32
        %parallel_loop3A_1181 = arith.constant 0 : i32
        %parallel_loop3A_1182 = tpu.memref_slice %arg7[%parallel_loop3A_503, %parallel_loop3A_1180, %parallel_loop3A_1181] : memref<4x40x128xi32, #tpu.memory_space<vmem>> -> memref<1x40x128xi32, #tpu.memory_space<vmem>>
        %parallel_loop3A_1183 = tpu.memref_squeeze %parallel_loop3A_1182 : memref<1x40x128xi32, #tpu.memory_space<vmem>> -> memref<40x128xi32, #tpu.memory_space<vmem>>
        %parallel_loop3A_1184 = arith.index_cast %parallel_loop3A_1141 : i32 to index
        %parallel_loop3A_1185 = arith.constant 32 : index
        %parallel_loop3A_1186 = tpu.vector_load %parallel_loop3A_1183[%parallel_loop3A_1184, %parallel_loop3A_1185] {strides = array<i32>} : memref<40x128xi32, #tpu.memory_space<vmem>>, vector<16xi32>,
        tpu.vector_store %parallel_loop3A_1183[%parallel_loop3A_1184, %parallel_loop3A_1185], %parallel_loop3A_1179 {strides = array<i32>} : memref<40x128xi32, #tpu.memory_space<vmem>>, vector<16xi32>,
        %parallel_loop3A_1187 = arith.constant 0 : i32
        %parallel_loop3A_1188 = arith.constant 0 : i32
        %parallel_loop3A_1189 = tpu.memref_slice %arg6[%parallel_loop3A_502, %parallel_loop3A_1187, %parallel_loop3A_1188] : memref<4x40x128xi32, #tpu.memory_space<vmem>> -> memref<1x40x128xi32, #tpu.memory_space<vmem>>
        %parallel_loop3A_1190 = tpu.memref_squeeze %parallel_loop3A_1189 : memref<1x40x128xi32, #tpu.memory_space<vmem>> -> memref<40x128xi32, #tpu.memory_space<vmem>>
        %parallel_loop3A_1191 = arith.index_cast %parallel_loop3A_1141 : i32 to index
        %parallel_loop3A_1192 = arith.constant 48 : index
        %parallel_loop3A_1193 = tpu.vector_load %parallel_loop3A_1190[%parallel_loop3A_1191, %parallel_loop3A_1192] {strides = array<i32>} : memref<40x128xi32, #tpu.memory_space<vmem>>, vector<16xi32>,
        %parallel_loop3A_1194 = tpu.vector_load_idx %arg5[%parallel_loop3A_1193] : memref<93xi32, #tpu.memory_space<vmem>>[vector<16xi32>], vector<16xi32>,
        %parallel_loop3A_1195 = arith.constant 0 : i32
        %parallel_loop3A_1196 = arith.constant 0 : i32
        %parallel_loop3A_1197 = tpu.memref_slice %arg7[%parallel_loop3A_503, %parallel_loop3A_1195, %parallel_loop3A_1196] : memref<4x40x128xi32, #tpu.memory_space<vmem>> -> memref<1x40x128xi32, #tpu.memory_space<vmem>>
        %parallel_loop3A_1198 = tpu.memref_squeeze %parallel_loop3A_1197 : memref<1x40x128xi32, #tpu.memory_space<vmem>> -> memref<40x128xi32, #tpu.memory_space<vmem>>
        %parallel_loop3A_1199 = arith.index_cast %parallel_loop3A_1141 : i32 to index
        %parallel_loop3A_1200 = arith.constant 48 : index
        %parallel_loop3A_1201 = tpu.vector_load %parallel_loop3A_1198[%parallel_loop3A_1199, %parallel_loop3A_1200] {strides = array<i32>} : memref<40x128xi32, #tpu.memory_space<vmem>>, vector<16xi32>,
        tpu.vector_store %parallel_loop3A_1198[%parallel_loop3A_1199, %parallel_loop3A_1200], %parallel_loop3A_1194 {strides = array<i32>} : memref<40x128xi32, #tpu.memory_space<vmem>>, vector<16xi32>,
        %parallel_loop3A_1202 = arith.constant 0 : i32
        %parallel_loop3A_1203 = arith.constant 0 : i32
        %parallel_loop3A_1204 = tpu.memref_slice %arg6[%parallel_loop3A_502, %parallel_loop3A_1202, %parallel_loop3A_1203] : memref<4x40x128xi32, #tpu.memory_space<vmem>> -> memref<1x40x128xi32, #tpu.memory_space<vmem>>
        %parallel_loop3A_1205 = tpu.memref_squeeze %parallel_loop3A_1204 : memref<1x40x128xi32, #tpu.memory_space<vmem>> -> memref<40x128xi32, #tpu.memory_space<vmem>>
        %parallel_loop3A_1206 = arith.index_cast %parallel_loop3A_1141 : i32 to index
        %parallel_loop3A_1207 = arith.constant 64 : index
        %parallel_loop3A_1208 = tpu.vector_load %parallel_loop3A_1205[%parallel_loop3A_1206, %parallel_loop3A_1207] {strides = array<i32>} : memref<40x128xi32, #tpu.memory_space<vmem>>, vector<16xi32>,
        %parallel_loop3A_1209 = tpu.vector_load_idx %arg5[%parallel_loop3A_1208] : memref<93xi32, #tpu.memory_space<vmem>>[vector<16xi32>], vector<16xi32>,
        %parallel_loop3A_1210 = arith.constant 0 : i32
        %parallel_loop3A_1211 = arith.constant 0 : i32
        %parallel_loop3A_1212 = tpu.memref_slice %arg7[%parallel_loop3A_503, %parallel_loop3A_1210, %parallel_loop3A_1211] : memref<4x40x128xi32, #tpu.memory_space<vmem>> -> memref<1x40x128xi32, #tpu.memory_space<vmem>>
        %parallel_loop3A_1213 = tpu.memref_squeeze %parallel_loop3A_1212 : memref<1x40x128xi32, #tpu.memory_space<vmem>> -> memref<40x128xi32, #tpu.memory_space<vmem>>
        %parallel_loop3A_1214 = arith.index_cast %parallel_loop3A_1141 : i32 to index
        %parallel_loop3A_1215 = arith.constant 64 : index
        %parallel_loop3A_1216 = tpu.vector_load %parallel_loop3A_1213[%parallel_loop3A_1214, %parallel_loop3A_1215] {strides = array<i32>} : memref<40x128xi32, #tpu.memory_space<vmem>>, vector<16xi32>,
        tpu.vector_store %parallel_loop3A_1213[%parallel_loop3A_1214, %parallel_loop3A_1215], %parallel_loop3A_1209 {strides = array<i32>} : memref<40x128xi32, #tpu.memory_space<vmem>>, vector<16xi32>,
        %parallel_loop3A_1217 = arith.constant 0 : i32
        %parallel_loop3A_1218 = arith.constant 0 : i32
        %parallel_loop3A_1219 = tpu.memref_slice %arg6[%parallel_loop3A_502, %parallel_loop3A_1217, %parallel_loop3A_1218] : memref<4x40x128xi32, #tpu.memory_space<vmem>> -> memref<1x40x128xi32, #tpu.memory_space<vmem>>
        %parallel_loop3A_1220 = tpu.memref_squeeze %parallel_loop3A_1219 : memref<1x40x128xi32, #tpu.memory_space<vmem>> -> memref<40x128xi32, #tpu.memory_space<vmem>>
        %parallel_loop3A_1221 = arith.index_cast %parallel_loop3A_1141 : i32 to index
        %parallel_loop3A_1222 = arith.constant 80 : index
        %parallel_loop3A_1223 = tpu.vector_load %parallel_loop3A_1220[%parallel_loop3A_1221, %parallel_loop3A_1222] {strides = array<i32>} : memref<40x128xi32, #tpu.memory_space<vmem>>, vector<16xi32>,
        %parallel_loop3A_1224 = tpu.vector_load_idx %arg5[%parallel_loop3A_1223] : memref<93xi32, #tpu.memory_space<vmem>>[vector<16xi32>], vector<16xi32>,
        %parallel_loop3A_1225 = arith.constant 0 : i32
        %parallel_loop3A_1226 = arith.constant 0 : i32
        %parallel_loop3A_1227 = tpu.memref_slice %arg7[%parallel_loop3A_503, %parallel_loop3A_1225, %parallel_loop3A_1226] : memref<4x40x128xi32, #tpu.memory_space<vmem>> -> memref<1x40x128xi32, #tpu.memory_space<vmem>>
        %parallel_loop3A_1228 = tpu.memref_squeeze %parallel_loop3A_1227 : memref<1x40x128xi32, #tpu.memory_space<vmem>> -> memref<40x128xi32, #tpu.memory_space<vmem>>
        %parallel_loop3A_1229 = arith.index_cast %parallel_loop3A_1141 : i32 to index
        %parallel_loop3A_1230 = arith.constant 80 : index
        %parallel_loop3A_1231 = tpu.vector_load %parallel_loop3A_1228[%parallel_loop3A_1229, %parallel_loop3A_1230] {strides = array<i32>} : memref<40x128xi32, #tpu.memory_space<vmem>>, vector<16xi32>,
        tpu.vector_store %parallel_loop3A_1228[%parallel_loop3A_1229, %parallel_loop3A_1230], %parallel_loop3A_1224 {strides = array<i32>} : memref<40x128xi32, #tpu.memory_space<vmem>>, vector<16xi32>,
        %parallel_loop3A_1232 = arith.constant 0 : i32
        %parallel_loop3A_1233 = arith.constant 0 : i32
        %parallel_loop3A_1234 = tpu.memref_slice %arg6[%parallel_loop3A_502, %parallel_loop3A_1232, %parallel_loop3A_1233] : memref<4x40x128xi32, #tpu.memory_space<vmem>> -> memref<1x40x128xi32, #tpu.memory_space<vmem>>
        %parallel_loop3A_1235 = tpu.memref_squeeze %parallel_loop3A_1234 : memref<1x40x128xi32, #tpu.memory_space<vmem>> -> memref<40x128xi32, #tpu.memory_space<vmem>>
        %parallel_loop3A_1236 = arith.index_cast %parallel_loop3A_1141 : i32 to index
        %parallel_loop3A_1237 = arith.constant 96 : index
        %parallel_loop3A_1238 = tpu.vector_load %parallel_loop3A_1235[%parallel_loop3A_1236, %parallel_loop3A_1237] {strides = array<i32>} : memref<40x128xi32, #tpu.memory_space<vmem>>, vector<16xi32>,
        %parallel_loop3A_1239 = tpu.vector_load_idx %arg5[%parallel_loop3A_1238] : memref<93xi32, #tpu.memory_space<vmem>>[vector<16xi32>], vector<16xi32>,
        %parallel_loop3A_1240 = arith.constant 0 : i32
        %parallel_loop3A_1241 = arith.constant 0 : i32
        %parallel_loop3A_1242 = tpu.memref_slice %arg7[%parallel_loop3A_503, %parallel_loop3A_1240, %parallel_loop3A_1241] : memref<4x40x128xi32, #tpu.memory_space<vmem>> -> memref<1x40x128xi32, #tpu.memory_space<vmem>>
        %parallel_loop3A_1243 = tpu.memref_squeeze %parallel_loop3A_1242 : memref<1x40x128xi32, #tpu.memory_space<vmem>> -> memref<40x128xi32, #tpu.memory_space<vmem>>
        %parallel_loop3A_1244 = arith.index_cast %parallel_loop3A_1141 : i32 to index
        %parallel_loop3A_1245 = arith.constant 96 : index
        %parallel_loop3A_1246 = tpu.vector_load %parallel_loop3A_1243[%parallel_loop3A_1244, %parallel_loop3A_1245] {strides = array<i32>} : memref<40x128xi32, #tpu.memory_space<vmem>>, vector<16xi32>,
        tpu.vector_store %parallel_loop3A_1243[%parallel_loop3A_1244, %parallel_loop3A_1245], %parallel_loop3A_1239 {strides = array<i32>} : memref<40x128xi32, #tpu.memory_space<vmem>>, vector<16xi32>,
        %parallel_loop3A_1247 = arith.constant 0 : i32
        %parallel_loop3A_1248 = arith.constant 0 : i32
        %parallel_loop3A_1249 = tpu.memref_slice %arg6[%parallel_loop3A_502, %parallel_loop3A_1247, %parallel_loop3A_1248] : memref<4x40x128xi32, #tpu.memory_space<vmem>> -> memref<1x40x128xi32, #tpu.memory_space<vmem>>
        %parallel_loop3A_1250 = tpu.memref_squeeze %parallel_loop3A_1249 : memref<1x40x128xi32, #tpu.memory_space<vmem>> -> memref<40x128xi32, #tpu.memory_space<vmem>>
        %parallel_loop3A_1251 = arith.index_cast %parallel_loop3A_1141 : i32 to index
        %parallel_loop3A_1252 = arith.constant 112 : index
        %parallel_loop3A_1253 = tpu.vector_load %parallel_loop3A_1250[%parallel_loop3A_1251, %parallel_loop3A_1252] {strides = array<i32>} : memref<40x128xi32, #tpu.memory_space<vmem>>, vector<16xi32>,
        %parallel_loop3A_1254 = tpu.vector_load_idx %arg5[%parallel_loop3A_1253] : memref<93xi32, #tpu.memory_space<vmem>>[vector<16xi32>], vector<16xi32>,
        %parallel_loop3A_1255 = arith.constant 0 : i32
        %parallel_loop3A_1256 = arith.constant 0 : i32
        %parallel_loop3A_1257 = tpu.memref_slice %arg7[%parallel_loop3A_503, %parallel_loop3A_1255, %parallel_loop3A_1256] : memref<4x40x128xi32, #tpu.memory_space<vmem>> -> memref<1x40x128xi32, #tpu.memory_space<vmem>>
        %parallel_loop3A_1258 = tpu.memref_squeeze %parallel_loop3A_1257 : memref<1x40x128xi32, #tpu.memory_space<vmem>> -> memref<40x128xi32, #tpu.memory_space<vmem>>
        %parallel_loop3A_1259 = arith.index_cast %parallel_loop3A_1141 : i32 to index
        %parallel_loop3A_1260 = arith.constant 112 : index
        %parallel_loop3A_1261 = tpu.vector_load %parallel_loop3A_1258[%parallel_loop3A_1259, %parallel_loop3A_1260] {strides = array<i32>} : memref<40x128xi32, #tpu.memory_space<vmem>>, vector<16xi32>,
        tpu.vector_store %parallel_loop3A_1258[%parallel_loop3A_1259, %parallel_loop3A_1260], %parallel_loop3A_1254 {strides = array<i32>} : memref<40x128xi32, #tpu.memory_space<vmem>>, vector<16xi32>,
      } {sc.loop_unroll_factor = 2 : i64, sc.parallel_access}
      %jit3A_504 = arith.constant 5 : i32
      %div3A_505 = arith.divsi %add3A_390, %jit3A_504 : i32
      %sign3A_506 = arith.constant 0 : i32
      %sign3A_507 = arith.cmpi sgt, %add3A_390, %sign3A_506 : i32
      %sign3A_508 = arith.extui %sign3A_507 : i1 to i32
      %sign3A_509 = arith.constant 0 : i32
      %sign3A_510 = arith.cmpi slt, %add3A_390, %sign3A_509 : i32
      %sign3A_511 = arith.extui %sign3A_510 : i1 to i32
      %sign3A_512 = arith.subi %sign3A_508, %sign3A_511 : i32
      %sign3A_513 = arith.constant 0 : i32
      %sign3A_514 = arith.cmpi sgt, %jit3A_504, %sign3A_513 : i32
      %sign3A_515 = arith.extui %sign3A_514 : i1 to i32
      %sign3A_516 = arith.constant 0 : i32
      %sign3A_517 = arith.cmpi slt, %jit3A_504, %sign3A_516 : i32
      %sign3A_518 = arith.extui %sign3A_517 : i1 to i32
      %sign3A_519 = arith.subi %sign3A_515, %sign3A_518 : i32
      %ne3A_520 = arith.cmpi ne, %sign3A_512, %sign3A_519 : i32
      %rem3A_521 = arith.remsi %add3A_390, %jit3A_504 : i32
      %ne3A_522 = arith.constant 0 : i32
      %ne3A_523 = arith.cmpi ne, %rem3A_521, %ne3A_522 : i32
      %and3A_524 = arith.andi %ne3A_520, %ne3A_523 : i1
      %sub3A_525 = arith.constant 1 : i32
      %sub3A_526 = arith.subi %div3A_505, %sub3A_525 : i32
      %select_n3A_527 = arith.select %and3A_524, %sub3A_526, %div3A_505 : i32
      %jit3A_528 = arith.constant 5 : i32
      %eq3A_529 = arith.constant 0 : i32
      %eq3A_530 = arith.cmpi eq, %jit3A_528, %eq3A_529 : i32
      %jit3A_531 = arith.constant 1 : i32
      %select_n3A_532 = arith.select %eq3A_530, %jit3A_531, %jit3A_528 : i32
      %rem3A_533 = arith.remsi %add3A_390, %select_n3A_532 : i32
      %ne3A_534 = arith.constant 0 : i32
      %ne3A_535 = arith.cmpi ne, %rem3A_533, %ne3A_534 : i32
      %lt3A_536 = arith.constant 0 : i32
      %lt3A_537 = arith.cmpi slt, %rem3A_533, %lt3A_536 : i32
      %lt3A_538 = arith.constant 0 : i32
      %lt3A_539 = arith.cmpi slt, %select_n3A_532, %lt3A_538 : i32
      %ne3A_540 = arith.xori %lt3A_537, %lt3A_539 : i1
      %and3A_541 = arith.andi %ne3A_540, %ne3A_535 : i1
      %add3A_542 = arith.addi %rem3A_533, %select_n3A_532 : i32
      %select_n3A_543 = arith.select %and3A_541, %add3A_542, %rem3A_533 : i32
      %mul3A_544 = arith.constant 40 : i32
      %mul3A_545 = arith.muli %select_n3A_543, %mul3A_544 : i32
      %mul3A_546 = arith.constant 128 : i32
      %mul3A_547 = arith.muli %select_n3A_527, %mul3A_546 : i32
      %add3A_548 = arith.addi %mul3A_2, %mul3A_547 : i32
      %dma_start3A_549 = arith.constant 0 : i32
      %dma_start3A_550 = arith.constant 0 : i32
      %dma_start3A_551 = arith.constant 0 : i32
      %dma_start3A_552 = arith.constant 0 : i32
      %dma_start3A_553 = tpu.memref_slice %arg7[%dma_start3A_549, %dma_start3A_551, %dma_start3A_552] : memref<4x40x128xi32, #tpu.memory_space<vmem>> -> memref<1x40x128xi32, #tpu.memory_space<vmem>>
      %dma_start3A_554 = tpu.memref_squeeze %dma_start3A_553 : memref<1x40x128xi32, #tpu.memory_space<vmem>> -> memref<40x128xi32, #tpu.memory_space<vmem>>
      %dma_start3A_555 = tpu.memref_slice %arg4[%mul3A_545, %add3A_548] : memref<200x16384xi32, #tpu.memory_space<hbm>> -> memref<40x128xi32, #tpu.memory_space<hbm>>
      %dma_start3A_556 = tpu.memref_slice %arg9[%dma_start3A_550] : memref<4x!tpu.dma_semaphore, #tpu.memory_space<semaphore_mem>> -> memref<1x!tpu.dma_semaphore, #tpu.memory_space<semaphore_mem>>
      %dma_start3A_557 = tpu.memref_squeeze %dma_start3A_556 : memref<1x!tpu.dma_semaphore, #tpu.memory_space<semaphore_mem>> -> memref<!tpu.dma_semaphore, #tpu.memory_space<semaphore_mem>>
      %dma_start3A_558 = tpu.memref_slice %arg4[%mul3A_545, %add3A_548] : memref<200x16384xi32, #tpu.memory_space<hbm>> -> memref<40x128xi32, #tpu.memory_space<hbm>>
      %dma_start3A_559 = arith.constant 0 : i32
      %dma_start3A_560 = arith.constant 0 : i32
      %dma_start3A_561 = tpu.memref_slice %arg7[%dma_start3A_549, %dma_start3A_559, %dma_start3A_560] : memref<4x40x128xi32, #tpu.memory_space<vmem>> -> memref<1x40x128xi32, #tpu.memory_space<vmem>>
      %dma_start3A_562 = tpu.memref_squeeze %dma_start3A_561 : memref<1x40x128xi32, #tpu.memory_space<vmem>> -> memref<40x128xi32, #tpu.memory_space<vmem>>
      tpu.enqueue_dma source(%dma_start3A_562 : memref<40x128xi32, #tpu.memory_space<vmem>>) target(%dma_start3A_558 : memref<40x128xi32, #tpu.memory_space<hbm>>) target_semaphore(%dma_start3A_557 : memref<!tpu.dma_semaphore, #tpu.memory_space<semaphore_mem>>)
      %add3A_563 = arith.constant 4 : i32
      %add3A_564 = arith.addi %add3A_390, %add3A_563 : i32
      %lt3A_565 = arith.constant 20 : i32
      %lt3A_566 = arith.cmpi slt, %add3A_564, %lt3A_565 : i32
      %convert_element_type3A = arith.extui %lt3A_566 : i1 to i32
      %cond3A = arith.constant 0 : i32
      %cond3A_567 = arith.cmpi ne, %convert_element_type3A, %cond3A : i32
      scf.if %cond3A_567 {
        %add3A_1141 = arith.constant 4 : i32
        %add3A_1142 = arith.addi %add3A_390, %add3A_1141 : i32
        %jit3A_1143 = arith.constant 5 : i32
        %div3A_1144 = arith.divsi %add3A_1142, %jit3A_1143 : i32
        %sign3A_1145 = arith.constant 0 : i32
        %sign3A_1146 = arith.cmpi sgt, %add3A_1142, %sign3A_1145 : i32
        %sign3A_1147 = arith.extui %sign3A_1146 : i1 to i32
        %sign3A_1148 = arith.constant 0 : i32
        %sign3A_1149 = arith.cmpi slt, %add3A_1142, %sign3A_1148 : i32
        %sign3A_1150 = arith.extui %sign3A_1149 : i1 to i32
        %sign3A_1151 = arith.subi %sign3A_1147, %sign3A_1150 : i32
        %sign3A_1152 = arith.constant 0 : i32
        %sign3A_1153 = arith.cmpi sgt, %jit3A_1143, %sign3A_1152 : i32
        %sign3A_1154 = arith.extui %sign3A_1153 : i1 to i32
        %sign3A_1155 = arith.constant 0 : i32
        %sign3A_1156 = arith.cmpi slt, %jit3A_1143, %sign3A_1155 : i32
        %sign3A_1157 = arith.extui %sign3A_1156 : i1 to i32
        %sign3A_1158 = arith.subi %sign3A_1154, %sign3A_1157 : i32
        %ne3A_1159 = arith.cmpi ne, %sign3A_1151, %sign3A_1158 : i32
        %rem3A_1160 = arith.remsi %add3A_1142, %jit3A_1143 : i32
        %ne3A_1161 = arith.constant 0 : i32
        %ne3A_1162 = arith.cmpi ne, %rem3A_1160, %ne3A_1161 : i32
        %and3A_1163 = arith.andi %ne3A_1159, %ne3A_1162 : i1
        %sub3A_1164 = arith.constant 1 : i32
        %sub3A_1165 = arith.subi %div3A_1144, %sub3A_1164 : i32
        %select_n3A_1166 = arith.select %and3A_1163, %sub3A_1165, %div3A_1144 : i32
        %jit3A_1167 = arith.constant 5 : i32
        %eq3A_1168 = arith.constant 0 : i32
        %eq3A_1169 = arith.cmpi eq, %jit3A_1167, %eq3A_1168 : i32
        %jit3A_1170 = arith.constant 1 : i32
        %select_n3A_1171 = arith.select %eq3A_1169, %jit3A_1170, %jit3A_1167 : i32
        %rem3A_1172 = arith.remsi %add3A_1142, %select_n3A_1171 : i32
        %ne3A_1173 = arith.constant 0 : i32
        %ne3A_1174 = arith.cmpi ne, %rem3A_1172, %ne3A_1173 : i32
        %lt3A_1175 = arith.constant 0 : i32
        %lt3A_1176 = arith.cmpi slt, %rem3A_1172, %lt3A_1175 : i32
        %lt3A_1177 = arith.constant 0 : i32
        %lt3A_1178 = arith.cmpi slt, %select_n3A_1171, %lt3A_1177 : i32
        %ne3A_1179 = arith.xori %lt3A_1176, %lt3A_1178 : i1
        %and3A_1180 = arith.andi %ne3A_1179, %ne3A_1174 : i1
        %add3A_1181 = arith.addi %rem3A_1172, %select_n3A_1171 : i32
        %select_n3A_1182 = arith.select %and3A_1180, %add3A_1181, %rem3A_1172 : i32
        %mul3A_1183 = arith.constant 40 : i32
        %mul3A_1184 = arith.muli %select_n3A_1182, %mul3A_1183 : i32
        %mul3A_1185 = arith.constant 128 : i32
        %mul3A_1186 = arith.muli %select_n3A_1166, %mul3A_1185 : i32
        %add3A_1187 = arith.addi %mul3A_2, %mul3A_1186 : i32
        %dma_start3A_1188 = arith.constant 0 : i32
        %dma_start3A_1189 = arith.constant 0 : i32
        %dma_start3A_1190 = arith.constant 0 : i32
        %dma_start3A_1191 = arith.constant 0 : i32
        %dma_start3A_1192 = tpu.memref_slice %arg6[%dma_start3A_1188, %dma_start3A_1190, %dma_start3A_1191] : memref<4x40x128xi32, #tpu.memory_space<vmem>> -> memref<1x40x128xi32, #tpu.memory_space<vmem>>
        %dma_start3A_1193 = tpu.memref_squeeze %dma_start3A_1192 : memref<1x40x128xi32, #tpu.memory_space<vmem>> -> memref<40x128xi32, #tpu.memory_space<vmem>>
        %dma_start3A_1194 = tpu.memref_slice %arg2[%mul3A_1184, %add3A_1187] : memref<200x16384xi32, #tpu.memory_space<hbm>> -> memref<40x128xi32, #tpu.memory_space<hbm>>
        %dma_start3A_1195 = tpu.memref_slice %arg8[%dma_start3A_1189] : memref<4x!tpu.dma_semaphore, #tpu.memory_space<semaphore_mem>> -> memref<1x!tpu.dma_semaphore, #tpu.memory_space<semaphore_mem>>
        %dma_start3A_1196 = tpu.memref_squeeze %dma_start3A_1195 : memref<1x!tpu.dma_semaphore, #tpu.memory_space<semaphore_mem>> -> memref<!tpu.dma_semaphore, #tpu.memory_space<semaphore_mem>>
        %dma_start3A_1197 = arith.constant 0 : i32
        %dma_start3A_1198 = arith.constant 0 : i32
        %dma_start3A_1199 = tpu.memref_slice %arg6[%dma_start3A_1188, %dma_start3A_1197, %dma_start3A_1198] : memref<4x40x128xi32, #tpu.memory_space<vmem>> -> memref<1x40x128xi32, #tpu.memory_space<vmem>>
        %dma_start3A_1200 = tpu.memref_squeeze %dma_start3A_1199 : memref<1x40x128xi32, #tpu.memory_space<vmem>> -> memref<40x128xi32, #tpu.memory_space<vmem>>
        %dma_start3A_1201 = tpu.memref_slice %arg2[%mul3A_1184, %add3A_1187] : memref<200x16384xi32, #tpu.memory_space<hbm>> -> memref<40x128xi32, #tpu.memory_space<hbm>>
        tpu.enqueue_dma source(%dma_start3A_1201 : memref<40x128xi32, #tpu.memory_space<hbm>>) target(%dma_start3A_1200 : memref<40x128xi32, #tpu.memory_space<vmem>>) target_semaphore(%dma_start3A_1196 : memref<!tpu.dma_semaphore, #tpu.memory_space<semaphore_mem>>)
      } else {
      }
      %add3A_568 = arith.constant 1 : i32
      %add3A_569 = arith.addi %add3A_388, %add3A_568 : i32
      %jit3A_570 = arith.constant 5 : i32
      %div3A_571 = arith.divsi %add3A_569, %jit3A_570 : i32
      %sign3A_572 = arith.constant 0 : i32
      %sign3A_573 = arith.cmpi sgt, %add3A_569, %sign3A_572 : i32
      %sign3A_574 = arith.extui %sign3A_573 : i1 to i32
      %sign3A_575 = arith.constant 0 : i32
      %sign3A_576 = arith.cmpi slt, %add3A_569, %sign3A_575 : i32
      %sign3A_577 = arith.extui %sign3A_576 : i1 to i32
      %sign3A_578 = arith.subi %sign3A_574, %sign3A_577 : i32
      %sign3A_579 = arith.constant 0 : i32
      %sign3A_580 = arith.cmpi sgt, %jit3A_570, %sign3A_579 : i32
      %sign3A_581 = arith.extui %sign3A_580 : i1 to i32
      %sign3A_582 = arith.constant 0 : i32
      %sign3A_583 = arith.cmpi slt, %jit3A_570, %sign3A_582 : i32
      %sign3A_584 = arith.extui %sign3A_583 : i1 to i32
      %sign3A_585 = arith.subi %sign3A_581, %sign3A_584 : i32
      %ne3A_586 = arith.cmpi ne, %sign3A_578, %sign3A_585 : i32
      %rem3A_587 = arith.remsi %add3A_569, %jit3A_570 : i32
      %ne3A_588 = arith.constant 0 : i32
      %ne3A_589 = arith.cmpi ne, %rem3A_587, %ne3A_588 : i32
      %and3A_590 = arith.andi %ne3A_586, %ne3A_589 : i1
      %sub3A_591 = arith.constant 1 : i32
      %sub3A_592 = arith.subi %div3A_571, %sub3A_591 : i32
      %select_n3A_593 = arith.select %and3A_590, %sub3A_592, %div3A_571 : i32
      %jit3A_594 = arith.constant 5 : i32
      %eq3A_595 = arith.constant 0 : i32
      %eq3A_596 = arith.cmpi eq, %jit3A_594, %eq3A_595 : i32
      %jit3A_597 = arith.constant 1 : i32
      %select_n3A_598 = arith.select %eq3A_596, %jit3A_597, %jit3A_594 : i32
      %rem3A_599 = arith.remsi %add3A_569, %select_n3A_598 : i32
      %ne3A_600 = arith.constant 0 : i32
      %ne3A_601 = arith.cmpi ne, %rem3A_599, %ne3A_600 : i32
      %lt3A_602 = arith.constant 0 : i32
      %lt3A_603 = arith.cmpi slt, %rem3A_599, %lt3A_602 : i32
      %lt3A_604 = arith.constant 0 : i32
      %lt3A_605 = arith.cmpi slt, %select_n3A_598, %lt3A_604 : i32
      %ne3A_606 = arith.xori %lt3A_603, %lt3A_605 : i1
      %and3A_607 = arith.andi %ne3A_606, %ne3A_601 : i1
      %add3A_608 = arith.addi %rem3A_599, %select_n3A_598 : i32
      %select_n3A_609 = arith.select %and3A_607, %add3A_608, %rem3A_599 : i32
      %mul3A_610 = arith.constant 40 : i32
      %mul3A_611 = arith.muli %select_n3A_609, %mul3A_610 : i32
      %mul3A_612 = arith.constant 128 : i32
      %mul3A_613 = arith.muli %select_n3A_593, %mul3A_612 : i32
      %add3A_614 = arith.addi %mul3A_2, %mul3A_613 : i32
      %dma_wait3A_615 = arith.constant 1 : i32
      %dma_wait3A_616 = arith.constant 1 : i32
      %dma_wait3A_617 = arith.constant 0 : i32
      %dma_wait3A_618 = arith.constant 0 : i32
      %dma_wait3A_619 = tpu.memref_slice %arg6[%dma_wait3A_615, %dma_wait3A_617, %dma_wait3A_618] : memref<4x40x128xi32, #tpu.memory_space<vmem>> -> memref<1x40x128xi32, #tpu.memory_space<vmem>>
      %dma_wait3A_620 = tpu.memref_squeeze %dma_wait3A_619 : memref<1x40x128xi32, #tpu.memory_space<vmem>> -> memref<40x128xi32, #tpu.memory_space<vmem>>
      %dma_wait3A_621 = tpu.memref_slice %arg2[%mul3A_611, %add3A_614] : memref<200x16384xi32, #tpu.memory_space<hbm>> -> memref<40x128xi32, #tpu.memory_space<hbm>>
      %dma_wait3A_622 = tpu.memref_slice %arg8[%dma_wait3A_616] : memref<4x!tpu.dma_semaphore, #tpu.memory_space<semaphore_mem>> -> memref<1x!tpu.dma_semaphore, #tpu.memory_space<semaphore_mem>>
      %dma_wait3A_623 = tpu.memref_squeeze %dma_wait3A_622 : memref<1x!tpu.dma_semaphore, #tpu.memory_space<semaphore_mem>> -> memref<!tpu.dma_semaphore, #tpu.memory_space<semaphore_mem>>
      %dma_wait3A_624 = arith.constant 0 : i32
      %dma_wait3A_625 = arith.constant 0 : i32
      %dma_wait3A_626 = tpu.memref_slice %arg6[%dma_wait3A_615, %dma_wait3A_624, %dma_wait3A_625] : memref<4x40x128xi32, #tpu.memory_space<vmem>> -> memref<1x40x128xi32, #tpu.memory_space<vmem>>
      %dma_wait3A_627 = tpu.memref_squeeze %dma_wait3A_626 : memref<1x40x128xi32, #tpu.memory_space<vmem>> -> memref<40x128xi32, #tpu.memory_space<vmem>>
      %dma_wait3A_628 = tpu.memref_slice %arg2[%mul3A_611, %add3A_614] : memref<200x16384xi32, #tpu.memory_space<hbm>> -> memref<40x128xi32, #tpu.memory_space<hbm>>
      tpu.wait_dma2 semaphore(%dma_wait3A_623 : memref<!tpu.dma_semaphore, #tpu.memory_space<semaphore_mem>>) src(%dma_wait3A_628 : memref<40x128xi32, #tpu.memory_space<hbm>>) dst(%dma_wait3A_627 : memref<40x128xi32, #tpu.memory_space<vmem>>)
      %jit3A_629 = arith.constant 5 : i32
      %div3A_630 = arith.divsi %add3A_569, %jit3A_629 : i32
      %sign3A_631 = arith.constant 0 : i32
      %sign3A_632 = arith.cmpi sgt, %add3A_569, %sign3A_631 : i32
      %sign3A_633 = arith.extui %sign3A_632 : i1 to i32
      %sign3A_634 = arith.constant 0 : i32
      %sign3A_635 = arith.cmpi slt, %add3A_569, %sign3A_634 : i32
      %sign3A_636 = arith.extui %sign3A_635 : i1 to i32
      %sign3A_637 = arith.subi %sign3A_633, %sign3A_636 : i32
      %sign3A_638 = arith.constant 0 : i32
      %sign3A_639 = arith.cmpi sgt, %jit3A_629, %sign3A_638 : i32
      %sign3A_640 = arith.extui %sign3A_639 : i1 to i32
      %sign3A_641 = arith.constant 0 : i32
      %sign3A_642 = arith.cmpi slt, %jit3A_629, %sign3A_641 : i32
      %sign3A_643 = arith.extui %sign3A_642 : i1 to i32
      %sign3A_644 = arith.subi %sign3A_640, %sign3A_643 : i32
      %ne3A_645 = arith.cmpi ne, %sign3A_637, %sign3A_644 : i32
      %rem3A_646 = arith.remsi %add3A_569, %jit3A_629 : i32
      %ne3A_647 = arith.constant 0 : i32
      %ne3A_648 = arith.cmpi ne, %rem3A_646, %ne3A_647 : i32
      %and3A_649 = arith.andi %ne3A_645, %ne3A_648 : i1
      %sub3A_650 = arith.constant 1 : i32
      %sub3A_651 = arith.subi %div3A_630, %sub3A_650 : i32
      %select_n3A_652 = arith.select %and3A_649, %sub3A_651, %div3A_630 : i32
      %jit3A_653 = arith.constant 5 : i32
      %eq3A_654 = arith.constant 0 : i32
      %eq3A_655 = arith.cmpi eq, %jit3A_653, %eq3A_654 : i32
      %jit3A_656 = arith.constant 1 : i32
      %select_n3A_657 = arith.select %eq3A_655, %jit3A_656, %jit3A_653 : i32
      %rem3A_658 = arith.remsi %add3A_569, %select_n3A_657 : i32
      %ne3A_659 = arith.constant 0 : i32
      %ne3A_660 = arith.cmpi ne, %rem3A_658, %ne3A_659 : i32
      %lt3A_661 = arith.constant 0 : i32
      %lt3A_662 = arith.cmpi slt, %rem3A_658, %lt3A_661 : i32
      %lt3A_663 = arith.constant 0 : i32
      %lt3A_664 = arith.cmpi slt, %select_n3A_657, %lt3A_663 : i32
      %ne3A_665 = arith.xori %lt3A_662, %lt3A_664 : i1
      %and3A_666 = arith.andi %ne3A_665, %ne3A_660 : i1
      %add3A_667 = arith.addi %rem3A_658, %select_n3A_657 : i32
      %select_n3A_668 = arith.select %and3A_666, %add3A_667, %rem3A_658 : i32
      %mul3A_669 = arith.constant 40 : i32
      %mul3A_670 = arith.muli %select_n3A_668, %mul3A_669 : i32
      %mul3A_671 = arith.constant 128 : i32
      %mul3A_672 = arith.muli %select_n3A_652, %mul3A_671 : i32
      %add3A_673 = arith.addi %mul3A_2, %mul3A_672 : i32
      %dma_wait3A_674 = arith.constant 1 : i32
      %dma_wait3A_675 = arith.constant 1 : i32
      %dma_wait3A_676 = arith.constant 0 : i32
      %dma_wait3A_677 = arith.constant 0 : i32
      %dma_wait3A_678 = tpu.memref_slice %arg7[%dma_wait3A_674, %dma_wait3A_676, %dma_wait3A_677] : memref<4x40x128xi32, #tpu.memory_space<vmem>> -> memref<1x40x128xi32, #tpu.memory_space<vmem>>
      %dma_wait3A_679 = tpu.memref_squeeze %dma_wait3A_678 : memref<1x40x128xi32, #tpu.memory_space<vmem>> -> memref<40x128xi32, #tpu.memory_space<vmem>>
      %dma_wait3A_680 = tpu.memref_slice %arg4[%mul3A_670, %add3A_673] : memref<200x16384xi32, #tpu.memory_space<hbm>> -> memref<40x128xi32, #tpu.memory_space<hbm>>
      %dma_wait3A_681 = tpu.memref_slice %arg9[%dma_wait3A_675] : memref<4x!tpu.dma_semaphore, #tpu.memory_space<semaphore_mem>> -> memref<1x!tpu.dma_semaphore, #tpu.memory_space<semaphore_mem>>
      %dma_wait3A_682 = tpu.memref_squeeze %dma_wait3A_681 : memref<1x!tpu.dma_semaphore, #tpu.memory_space<semaphore_mem>> -> memref<!tpu.dma_semaphore, #tpu.memory_space<semaphore_mem>>
      %dma_wait3A_683 = tpu.memref_slice %arg4[%mul3A_670, %add3A_673] : memref<200x16384xi32, #tpu.memory_space<hbm>> -> memref<40x128xi32, #tpu.memory_space<hbm>>
      %dma_wait3A_684 = arith.constant 0 : i32
      %dma_wait3A_685 = arith.constant 0 : i32
      %dma_wait3A_686 = tpu.memref_slice %arg7[%dma_wait3A_674, %dma_wait3A_684, %dma_wait3A_685] : memref<4x40x128xi32, #tpu.memory_space<vmem>> -> memref<1x40x128xi32, #tpu.memory_space<vmem>>
      %dma_wait3A_687 = tpu.memref_squeeze %dma_wait3A_686 : memref<1x40x128xi32, #tpu.memory_space<vmem>> -> memref<40x128xi32, #tpu.memory_space<vmem>>
      tpu.wait_dma2 semaphore(%dma_wait3A_682 : memref<!tpu.dma_semaphore, #tpu.memory_space<semaphore_mem>>) src(%dma_wait3A_687 : memref<40x128xi32, #tpu.memory_space<vmem>>) dst(%dma_wait3A_683 : memref<40x128xi32, #tpu.memory_space<hbm>>)
      %parallel_loop3A_688 = arith.constant 0 : i32
      %parallel_loop3A_689 = arith.constant 40 : i32
      %parallel_loop3A_690 = arith.constant 1 : i32
      %parallel_loop3A_691 = arith.constant 1 : i32
      %parallel_loop3A_692 = arith.constant 1 : i32
      scf.for %parallel_loop3A_1141 = %parallel_loop3A_688 to %parallel_loop3A_689 step %parallel_loop3A_690  : i32 {
        %parallel_loop3A_1142 = arith.constant 0 : i32
        %parallel_loop3A_1143 = arith.constant 0 : i32
        %parallel_loop3A_1144 = tpu.memref_slice %arg6[%parallel_loop3A_691, %parallel_loop3A_1142, %parallel_loop3A_1143] : memref<4x40x128xi32, #tpu.memory_space<vmem>> -> memref<1x40x128xi32, #tpu.memory_space<vmem>>
        %parallel_loop3A_1145 = tpu.memref_squeeze %parallel_loop3A_1144 : memref<1x40x128xi32, #tpu.memory_space<vmem>> -> memref<40x128xi32, #tpu.memory_space<vmem>>
        %parallel_loop3A_1146 = arith.index_cast %parallel_loop3A_1141 : i32 to index
        %parallel_loop3A_1147 = arith.constant 0 : index
        %parallel_loop3A_1148 = tpu.vector_load %parallel_loop3A_1145[%parallel_loop3A_1146, %parallel_loop3A_1147] {strides = array<i32>} : memref<40x128xi32, #tpu.memory_space<vmem>>, vector<16xi32>,
        %parallel_loop3A_1149 = tpu.vector_load_idx %arg5[%parallel_loop3A_1148] : memref<93xi32, #tpu.memory_space<vmem>>[vector<16xi32>], vector<16xi32>,
        %parallel_loop3A_1150 = arith.constant 0 : i32
        %parallel_loop3A_1151 = arith.constant 0 : i32
        %parallel_loop3A_1152 = tpu.memref_slice %arg7[%parallel_loop3A_692, %parallel_loop3A_1150, %parallel_loop3A_1151] : memref<4x40x128xi32, #tpu.memory_space<vmem>> -> memref<1x40x128xi32, #tpu.memory_space<vmem>>
        %parallel_loop3A_1153 = tpu.memref_squeeze %parallel_loop3A_1152 : memref<1x40x128xi32, #tpu.memory_space<vmem>> -> memref<40x128xi32, #tpu.memory_space<vmem>>
        %parallel_loop3A_1154 = arith.index_cast %parallel_loop3A_1141 : i32 to index
        %parallel_loop3A_1155 = arith.constant 0 : index
        %parallel_loop3A_1156 = tpu.vector_load %parallel_loop3A_1153[%parallel_loop3A_1154, %parallel_loop3A_1155] {strides = array<i32>} : memref<40x128xi32, #tpu.memory_space<vmem>>, vector<16xi32>,
        tpu.vector_store %parallel_loop3A_1153[%parallel_loop3A_1154, %parallel_loop3A_1155], %parallel_loop3A_1149 {strides = array<i32>} : memref<40x128xi32, #tpu.memory_space<vmem>>, vector<16xi32>,
        %parallel_loop3A_1157 = arith.constant 0 : i32
        %parallel_loop3A_1158 = arith.constant 0 : i32
        %parallel_loop3A_1159 = tpu.memref_slice %arg6[%parallel_loop3A_691, %parallel_loop3A_1157, %parallel_loop3A_1158] : memref<4x40x128xi32, #tpu.memory_space<vmem>> -> memref<1x40x128xi32, #tpu.memory_space<vmem>>
        %parallel_loop3A_1160 = tpu.memref_squeeze %parallel_loop3A_1159 : memref<1x40x128xi32, #tpu.memory_space<vmem>> -> memref<40x128xi32, #tpu.memory_space<vmem>>
        %parallel_loop3A_1161 = arith.index_cast %parallel_loop3A_1141 : i32 to index
        %parallel_loop3A_1162 = arith.constant 16 : index
        %parallel_loop3A_1163 = tpu.vector_load %parallel_loop3A_1160[%parallel_loop3A_1161, %parallel_loop3A_1162] {strides = array<i32>} : memref<40x128xi32, #tpu.memory_space<vmem>>, vector<16xi32>,
        %parallel_loop3A_1164 = tpu.vector_load_idx %arg5[%parallel_loop3A_1163] : memref<93xi32, #tpu.memory_space<vmem>>[vector<16xi32>], vector<16xi32>,
        %parallel_loop3A_1165 = arith.constant 0 : i32
        %parallel_loop3A_1166 = arith.constant 0 : i32
        %parallel_loop3A_1167 = tpu.memref_slice %arg7[%parallel_loop3A_692, %parallel_loop3A_1165, %parallel_loop3A_1166] : memref<4x40x128xi32, #tpu.memory_space<vmem>> -> memref<1x40x128xi32, #tpu.memory_space<vmem>>
        %parallel_loop3A_1168 = tpu.memref_squeeze %parallel_loop3A_1167 : memref<1x40x128xi32, #tpu.memory_space<vmem>> -> memref<40x128xi32, #tpu.memory_space<vmem>>
        %parallel_loop3A_1169 = arith.index_cast %parallel_loop3A_1141 : i32 to index
        %parallel_loop3A_1170 = arith.constant 16 : index
        %parallel_loop3A_1171 = tpu.vector_load %parallel_loop3A_1168[%parallel_loop3A_1169, %parallel_loop3A_1170] {strides = array<i32>} : memref<40x128xi32, #tpu.memory_space<vmem>>, vector<16xi32>,
        tpu.vector_store %parallel_loop3A_1168[%parallel_loop3A_1169, %parallel_loop3A_1170], %parallel_loop3A_1164 {strides = array<i32>} : memref<40x128xi32, #tpu.memory_space<vmem>>, vector<16xi32>,
        %parallel_loop3A_1172 = arith.constant 0 : i32
        %parallel_loop3A_1173 = arith.constant 0 : i32
        %parallel_loop3A_1174 = tpu.memref_slice %arg6[%parallel_loop3A_691, %parallel_loop3A_1172, %parallel_loop3A_1173] : memref<4x40x128xi32, #tpu.memory_space<vmem>> -> memref<1x40x128xi32, #tpu.memory_space<vmem>>
        %parallel_loop3A_1175 = tpu.memref_squeeze %parallel_loop3A_1174 : memref<1x40x128xi32, #tpu.memory_space<vmem>> -> memref<40x128xi32, #tpu.memory_space<vmem>>
        %parallel_loop3A_1176 = arith.index_cast %parallel_loop3A_1141 : i32 to index
        %parallel_loop3A_1177 = arith.constant 32 : index
        %parallel_loop3A_1178 = tpu.vector_load %parallel_loop3A_1175[%parallel_loop3A_1176, %parallel_loop3A_1177] {strides = array<i32>} : memref<40x128xi32, #tpu.memory_space<vmem>>, vector<16xi32>,
        %parallel_loop3A_1179 = tpu.vector_load_idx %arg5[%parallel_loop3A_1178] : memref<93xi32, #tpu.memory_space<vmem>>[vector<16xi32>], vector<16xi32>,
        %parallel_loop3A_1180 = arith.constant 0 : i32
        %parallel_loop3A_1181 = arith.constant 0 : i32
        %parallel_loop3A_1182 = tpu.memref_slice %arg7[%parallel_loop3A_692, %parallel_loop3A_1180, %parallel_loop3A_1181] : memref<4x40x128xi32, #tpu.memory_space<vmem>> -> memref<1x40x128xi32, #tpu.memory_space<vmem>>
        %parallel_loop3A_1183 = tpu.memref_squeeze %parallel_loop3A_1182 : memref<1x40x128xi32, #tpu.memory_space<vmem>> -> memref<40x128xi32, #tpu.memory_space<vmem>>
        %parallel_loop3A_1184 = arith.index_cast %parallel_loop3A_1141 : i32 to index
        %parallel_loop3A_1185 = arith.constant 32 : index
        %parallel_loop3A_1186 = tpu.vector_load %parallel_loop3A_1183[%parallel_loop3A_1184, %parallel_loop3A_1185] {strides = array<i32>} : memref<40x128xi32, #tpu.memory_space<vmem>>, vector<16xi32>,
        tpu.vector_store %parallel_loop3A_1183[%parallel_loop3A_1184, %parallel_loop3A_1185], %parallel_loop3A_1179 {strides = array<i32>} : memref<40x128xi32, #tpu.memory_space<vmem>>, vector<16xi32>,
        %parallel_loop3A_1187 = arith.constant 0 : i32
        %parallel_loop3A_1188 = arith.constant 0 : i32
        %parallel_loop3A_1189 = tpu.memref_slice %arg6[%parallel_loop3A_691, %parallel_loop3A_1187, %parallel_loop3A_1188] : memref<4x40x128xi32, #tpu.memory_space<vmem>> -> memref<1x40x128xi32, #tpu.memory_space<vmem>>
        %parallel_loop3A_1190 = tpu.memref_squeeze %parallel_loop3A_1189 : memref<1x40x128xi32, #tpu.memory_space<vmem>> -> memref<40x128xi32, #tpu.memory_space<vmem>>
        %parallel_loop3A_1191 = arith.index_cast %parallel_loop3A_1141 : i32 to index
        %parallel_loop3A_1192 = arith.constant 48 : index
        %parallel_loop3A_1193 = tpu.vector_load %parallel_loop3A_1190[%parallel_loop3A_1191, %parallel_loop3A_1192] {strides = array<i32>} : memref<40x128xi32, #tpu.memory_space<vmem>>, vector<16xi32>,
        %parallel_loop3A_1194 = tpu.vector_load_idx %arg5[%parallel_loop3A_1193] : memref<93xi32, #tpu.memory_space<vmem>>[vector<16xi32>], vector<16xi32>,
        %parallel_loop3A_1195 = arith.constant 0 : i32
        %parallel_loop3A_1196 = arith.constant 0 : i32
        %parallel_loop3A_1197 = tpu.memref_slice %arg7[%parallel_loop3A_692, %parallel_loop3A_1195, %parallel_loop3A_1196] : memref<4x40x128xi32, #tpu.memory_space<vmem>> -> memref<1x40x128xi32, #tpu.memory_space<vmem>>
        %parallel_loop3A_1198 = tpu.memref_squeeze %parallel_loop3A_1197 : memref<1x40x128xi32, #tpu.memory_space<vmem>> -> memref<40x128xi32, #tpu.memory_space<vmem>>
        %parallel_loop3A_1199 = arith.index_cast %parallel_loop3A_1141 : i32 to index
        %parallel_loop3A_1200 = arith.constant 48 : index
        %parallel_loop3A_1201 = tpu.vector_load %parallel_loop3A_1198[%parallel_loop3A_1199, %parallel_loop3A_1200] {strides = array<i32>} : memref<40x128xi32, #tpu.memory_space<vmem>>, vector<16xi32>,
        tpu.vector_store %parallel_loop3A_1198[%parallel_loop3A_1199, %parallel_loop3A_1200], %parallel_loop3A_1194 {strides = array<i32>} : memref<40x128xi32, #tpu.memory_space<vmem>>, vector<16xi32>,
        %parallel_loop3A_1202 = arith.constant 0 : i32
        %parallel_loop3A_1203 = arith.constant 0 : i32
        %parallel_loop3A_1204 = tpu.memref_slice %arg6[%parallel_loop3A_691, %parallel_loop3A_1202, %parallel_loop3A_1203] : memref<4x40x128xi32, #tpu.memory_space<vmem>> -> memref<1x40x128xi32, #tpu.memory_space<vmem>>
        %parallel_loop3A_1205 = tpu.memref_squeeze %parallel_loop3A_1204 : memref<1x40x128xi32, #tpu.memory_space<vmem>> -> memref<40x128xi32, #tpu.memory_space<vmem>>
        %parallel_loop3A_1206 = arith.index_cast %parallel_loop3A_1141 : i32 to index
        %parallel_loop3A_1207 = arith.constant 64 : index
        %parallel_loop3A_1208 = tpu.vector_load %parallel_loop3A_1205[%parallel_loop3A_1206, %parallel_loop3A_1207] {strides = array<i32>} : memref<40x128xi32, #tpu.memory_space<vmem>>, vector<16xi32>,
        %parallel_loop3A_1209 = tpu.vector_load_idx %arg5[%parallel_loop3A_1208] : memref<93xi32, #tpu.memory_space<vmem>>[vector<16xi32>], vector<16xi32>,
        %parallel_loop3A_1210 = arith.constant 0 : i32
        %parallel_loop3A_1211 = arith.constant 0 : i32
        %parallel_loop3A_1212 = tpu.memref_slice %arg7[%parallel_loop3A_692, %parallel_loop3A_1210, %parallel_loop3A_1211] : memref<4x40x128xi32, #tpu.memory_space<vmem>> -> memref<1x40x128xi32, #tpu.memory_space<vmem>>
        %parallel_loop3A_1213 = tpu.memref_squeeze %parallel_loop3A_1212 : memref<1x40x128xi32, #tpu.memory_space<vmem>> -> memref<40x128xi32, #tpu.memory_space<vmem>>
        %parallel_loop3A_1214 = arith.index_cast %parallel_loop3A_1141 : i32 to index
        %parallel_loop3A_1215 = arith.constant 64 : index
        %parallel_loop3A_1216 = tpu.vector_load %parallel_loop3A_1213[%parallel_loop3A_1214, %parallel_loop3A_1215] {strides = array<i32>} : memref<40x128xi32, #tpu.memory_space<vmem>>, vector<16xi32>,
        tpu.vector_store %parallel_loop3A_1213[%parallel_loop3A_1214, %parallel_loop3A_1215], %parallel_loop3A_1209 {strides = array<i32>} : memref<40x128xi32, #tpu.memory_space<vmem>>, vector<16xi32>,
        %parallel_loop3A_1217 = arith.constant 0 : i32
        %parallel_loop3A_1218 = arith.constant 0 : i32
        %parallel_loop3A_1219 = tpu.memref_slice %arg6[%parallel_loop3A_691, %parallel_loop3A_1217, %parallel_loop3A_1218] : memref<4x40x128xi32, #tpu.memory_space<vmem>> -> memref<1x40x128xi32, #tpu.memory_space<vmem>>
        %parallel_loop3A_1220 = tpu.memref_squeeze %parallel_loop3A_1219 : memref<1x40x128xi32, #tpu.memory_space<vmem>> -> memref<40x128xi32, #tpu.memory_space<vmem>>
        %parallel_loop3A_1221 = arith.index_cast %parallel_loop3A_1141 : i32 to index
        %parallel_loop3A_1222 = arith.constant 80 : index
        %parallel_loop3A_1223 = tpu.vector_load %parallel_loop3A_1220[%parallel_loop3A_1221, %parallel_loop3A_1222] {strides = array<i32>} : memref<40x128xi32, #tpu.memory_space<vmem>>, vector<16xi32>,
        %parallel_loop3A_1224 = tpu.vector_load_idx %arg5[%parallel_loop3A_1223] : memref<93xi32, #tpu.memory_space<vmem>>[vector<16xi32>], vector<16xi32>,
        %parallel_loop3A_1225 = arith.constant 0 : i32
        %parallel_loop3A_1226 = arith.constant 0 : i32
        %parallel_loop3A_1227 = tpu.memref_slice %arg7[%parallel_loop3A_692, %parallel_loop3A_1225, %parallel_loop3A_1226] : memref<4x40x128xi32, #tpu.memory_space<vmem>> -> memref<1x40x128xi32, #tpu.memory_space<vmem>>
        %parallel_loop3A_1228 = tpu.memref_squeeze %parallel_loop3A_1227 : memref<1x40x128xi32, #tpu.memory_space<vmem>> -> memref<40x128xi32, #tpu.memory_space<vmem>>
        %parallel_loop3A_1229 = arith.index_cast %parallel_loop3A_1141 : i32 to index
        %parallel_loop3A_1230 = arith.constant 80 : index
        %parallel_loop3A_1231 = tpu.vector_load %parallel_loop3A_1228[%parallel_loop3A_1229, %parallel_loop3A_1230] {strides = array<i32>} : memref<40x128xi32, #tpu.memory_space<vmem>>, vector<16xi32>,
        tpu.vector_store %parallel_loop3A_1228[%parallel_loop3A_1229, %parallel_loop3A_1230], %parallel_loop3A_1224 {strides = array<i32>} : memref<40x128xi32, #tpu.memory_space<vmem>>, vector<16xi32>,
        %parallel_loop3A_1232 = arith.constant 0 : i32
        %parallel_loop3A_1233 = arith.constant 0 : i32
        %parallel_loop3A_1234 = tpu.memref_slice %arg6[%parallel_loop3A_691, %parallel_loop3A_1232, %parallel_loop3A_1233] : memref<4x40x128xi32, #tpu.memory_space<vmem>> -> memref<1x40x128xi32, #tpu.memory_space<vmem>>
        %parallel_loop3A_1235 = tpu.memref_squeeze %parallel_loop3A_1234 : memref<1x40x128xi32, #tpu.memory_space<vmem>> -> memref<40x128xi32, #tpu.memory_space<vmem>>
        %parallel_loop3A_1236 = arith.index_cast %parallel_loop3A_1141 : i32 to index
        %parallel_loop3A_1237 = arith.constant 96 : index
        %parallel_loop3A_1238 = tpu.vector_load %parallel_loop3A_1235[%parallel_loop3A_1236, %parallel_loop3A_1237] {strides = array<i32>} : memref<40x128xi32, #tpu.memory_space<vmem>>, vector<16xi32>,
        %parallel_loop3A_1239 = tpu.vector_load_idx %arg5[%parallel_loop3A_1238] : memref<93xi32, #tpu.memory_space<vmem>>[vector<16xi32>], vector<16xi32>,
        %parallel_loop3A_1240 = arith.constant 0 : i32
        %parallel_loop3A_1241 = arith.constant 0 : i32
        %parallel_loop3A_1242 = tpu.memref_slice %arg7[%parallel_loop3A_692, %parallel_loop3A_1240, %parallel_loop3A_1241] : memref<4x40x128xi32, #tpu.memory_space<vmem>> -> memref<1x40x128xi32, #tpu.memory_space<vmem>>
        %parallel_loop3A_1243 = tpu.memref_squeeze %parallel_loop3A_1242 : memref<1x40x128xi32, #tpu.memory_space<vmem>> -> memref<40x128xi32, #tpu.memory_space<vmem>>
        %parallel_loop3A_1244 = arith.index_cast %parallel_loop3A_1141 : i32 to index
        %parallel_loop3A_1245 = arith.constant 96 : index
        %parallel_loop3A_1246 = tpu.vector_load %parallel_loop3A_1243[%parallel_loop3A_1244, %parallel_loop3A_1245] {strides = array<i32>} : memref<40x128xi32, #tpu.memory_space<vmem>>, vector<16xi32>,
        tpu.vector_store %parallel_loop3A_1243[%parallel_loop3A_1244, %parallel_loop3A_1245], %parallel_loop3A_1239 {strides = array<i32>} : memref<40x128xi32, #tpu.memory_space<vmem>>, vector<16xi32>,
        %parallel_loop3A_1247 = arith.constant 0 : i32
        %parallel_loop3A_1248 = arith.constant 0 : i32
        %parallel_loop3A_1249 = tpu.memref_slice %arg6[%parallel_loop3A_691, %parallel_loop3A_1247, %parallel_loop3A_1248] : memref<4x40x128xi32, #tpu.memory_space<vmem>> -> memref<1x40x128xi32, #tpu.memory_space<vmem>>
        %parallel_loop3A_1250 = tpu.memref_squeeze %parallel_loop3A_1249 : memref<1x40x128xi32, #tpu.memory_space<vmem>> -> memref<40x128xi32, #tpu.memory_space<vmem>>
        %parallel_loop3A_1251 = arith.index_cast %parallel_loop3A_1141 : i32 to index
        %parallel_loop3A_1252 = arith.constant 112 : index
        %parallel_loop3A_1253 = tpu.vector_load %parallel_loop3A_1250[%parallel_loop3A_1251, %parallel_loop3A_1252] {strides = array<i32>} : memref<40x128xi32, #tpu.memory_space<vmem>>, vector<16xi32>,
        %parallel_loop3A_1254 = tpu.vector_load_idx %arg5[%parallel_loop3A_1253] : memref<93xi32, #tpu.memory_space<vmem>>[vector<16xi32>], vector<16xi32>,
        %parallel_loop3A_1255 = arith.constant 0 : i32
        %parallel_loop3A_1256 = arith.constant 0 : i32
        %parallel_loop3A_1257 = tpu.memref_slice %arg7[%parallel_loop3A_692, %parallel_loop3A_1255, %parallel_loop3A_1256] : memref<4x40x128xi32, #tpu.memory_space<vmem>> -> memref<1x40x128xi32, #tpu.memory_space<vmem>>
        %parallel_loop3A_1258 = tpu.memref_squeeze %parallel_loop3A_1257 : memref<1x40x128xi32, #tpu.memory_space<vmem>> -> memref<40x128xi32, #tpu.memory_space<vmem>>
        %parallel_loop3A_1259 = arith.index_cast %parallel_loop3A_1141 : i32 to index
        %parallel_loop3A_1260 = arith.constant 112 : index
        %parallel_loop3A_1261 = tpu.vector_load %parallel_loop3A_1258[%parallel_loop3A_1259, %parallel_loop3A_1260] {strides = array<i32>} : memref<40x128xi32, #tpu.memory_space<vmem>>, vector<16xi32>,
        tpu.vector_store %parallel_loop3A_1258[%parallel_loop3A_1259, %parallel_loop3A_1260], %parallel_loop3A_1254 {strides = array<i32>} : memref<40x128xi32, #tpu.memory_space<vmem>>, vector<16xi32>,
      } {sc.loop_unroll_factor = 2 : i64, sc.parallel_access}
      %jit3A_693 = arith.constant 5 : i32
      %div3A_694 = arith.divsi %add3A_569, %jit3A_693 : i32
      %sign3A_695 = arith.constant 0 : i32
      %sign3A_696 = arith.cmpi sgt, %add3A_569, %sign3A_695 : i32
      %sign3A_697 = arith.extui %sign3A_696 : i1 to i32
      %sign3A_698 = arith.constant 0 : i32
      %sign3A_699 = arith.cmpi slt, %add3A_569, %sign3A_698 : i32
      %sign3A_700 = arith.extui %sign3A_699 : i1 to i32
      %sign3A_701 = arith.subi %sign3A_697, %sign3A_700 : i32
      %sign3A_702 = arith.constant 0 : i32
      %sign3A_703 = arith.cmpi sgt, %jit3A_693, %sign3A_702 : i32
      %sign3A_704 = arith.extui %sign3A_703 : i1 to i32
      %sign3A_705 = arith.constant 0 : i32
      %sign3A_706 = arith.cmpi slt, %jit3A_693, %sign3A_705 : i32
      %sign3A_707 = arith.extui %sign3A_706 : i1 to i32
      %sign3A_708 = arith.subi %sign3A_704, %sign3A_707 : i32
      %ne3A_709 = arith.cmpi ne, %sign3A_701, %sign3A_708 : i32
      %rem3A_710 = arith.remsi %add3A_569, %jit3A_693 : i32
      %ne3A_711 = arith.constant 0 : i32
      %ne3A_712 = arith.cmpi ne, %rem3A_710, %ne3A_711 : i32
      %and3A_713 = arith.andi %ne3A_709, %ne3A_712 : i1
      %sub3A_714 = arith.constant 1 : i32
      %sub3A_715 = arith.subi %div3A_694, %sub3A_714 : i32
      %select_n3A_716 = arith.select %and3A_713, %sub3A_715, %div3A_694 : i32
      %jit3A_717 = arith.constant 5 : i32
      %eq3A_718 = arith.constant 0 : i32
      %eq3A_719 = arith.cmpi eq, %jit3A_717, %eq3A_718 : i32
      %jit3A_720 = arith.constant 1 : i32
      %select_n3A_721 = arith.select %eq3A_719, %jit3A_720, %jit3A_717 : i32
      %rem3A_722 = arith.remsi %add3A_569, %select_n3A_721 : i32
      %ne3A_723 = arith.constant 0 : i32
      %ne3A_724 = arith.cmpi ne, %rem3A_722, %ne3A_723 : i32
      %lt3A_725 = arith.constant 0 : i32
      %lt3A_726 = arith.cmpi slt, %rem3A_722, %lt3A_725 : i32
      %lt3A_727 = arith.constant 0 : i32
      %lt3A_728 = arith.cmpi slt, %select_n3A_721, %lt3A_727 : i32
      %ne3A_729 = arith.xori %lt3A_726, %lt3A_728 : i1
      %and3A_730 = arith.andi %ne3A_729, %ne3A_724 : i1
      %add3A_731 = arith.addi %rem3A_722, %select_n3A_721 : i32
      %select_n3A_732 = arith.select %and3A_730, %add3A_731, %rem3A_722 : i32
      %mul3A_733 = arith.constant 40 : i32
      %mul3A_734 = arith.muli %select_n3A_732, %mul3A_733 : i32
      %mul3A_735 = arith.constant 128 : i32
      %mul3A_736 = arith.muli %select_n3A_716, %mul3A_735 : i32
      %add3A_737 = arith.addi %mul3A_2, %mul3A_736 : i32
      %dma_start3A_738 = arith.constant 1 : i32
      %dma_start3A_739 = arith.constant 1 : i32
      %dma_start3A_740 = arith.constant 0 : i32
      %dma_start3A_741 = arith.constant 0 : i32
      %dma_start3A_742 = tpu.memref_slice %arg7[%dma_start3A_738, %dma_start3A_740, %dma_start3A_741] : memref<4x40x128xi32, #tpu.memory_space<vmem>> -> memref<1x40x128xi32, #tpu.memory_space<vmem>>
      %dma_start3A_743 = tpu.memref_squeeze %dma_start3A_742 : memref<1x40x128xi32, #tpu.memory_space<vmem>> -> memref<40x128xi32, #tpu.memory_space<vmem>>
      %dma_start3A_744 = tpu.memref_slice %arg4[%mul3A_734, %add3A_737] : memref<200x16384xi32, #tpu.memory_space<hbm>> -> memref<40x128xi32, #tpu.memory_space<hbm>>
      %dma_start3A_745 = tpu.memref_slice %arg9[%dma_start3A_739] : memref<4x!tpu.dma_semaphore, #tpu.memory_space<semaphore_mem>> -> memref<1x!tpu.dma_semaphore, #tpu.memory_space<semaphore_mem>>
      %dma_start3A_746 = tpu.memref_squeeze %dma_start3A_745 : memref<1x!tpu.dma_semaphore, #tpu.memory_space<semaphore_mem>> -> memref<!tpu.dma_semaphore, #tpu.memory_space<semaphore_mem>>
      %dma_start3A_747 = tpu.memref_slice %arg4[%mul3A_734, %add3A_737] : memref<200x16384xi32, #tpu.memory_space<hbm>> -> memref<40x128xi32, #tpu.memory_space<hbm>>
      %dma_start3A_748 = arith.constant 0 : i32
      %dma_start3A_749 = arith.constant 0 : i32
      %dma_start3A_750 = tpu.memref_slice %arg7[%dma_start3A_738, %dma_start3A_748, %dma_start3A_749] : memref<4x40x128xi32, #tpu.memory_space<vmem>> -> memref<1x40x128xi32, #tpu.memory_space<vmem>>
      %dma_start3A_751 = tpu.memref_squeeze %dma_start3A_750 : memref<1x40x128xi32, #tpu.memory_space<vmem>> -> memref<40x128xi32, #tpu.memory_space<vmem>>
      tpu.enqueue_dma source(%dma_start3A_751 : memref<40x128xi32, #tpu.memory_space<vmem>>) target(%dma_start3A_747 : memref<40x128xi32, #tpu.memory_space<hbm>>) target_semaphore(%dma_start3A_746 : memref<!tpu.dma_semaphore, #tpu.memory_space<semaphore_mem>>)
      %add3A_752 = arith.constant 4 : i32
      %add3A_753 = arith.addi %add3A_569, %add3A_752 : i32
      %lt3A_754 = arith.constant 20 : i32
      %lt3A_755 = arith.cmpi slt, %add3A_753, %lt3A_754 : i32
      %convert_element_type3A_756 = arith.extui %lt3A_755 : i1 to i32
      %cond3A_757 = arith.constant 0 : i32
      %cond3A_758 = arith.cmpi ne, %convert_element_type3A_756, %cond3A_757 : i32
      scf.if %cond3A_758 {
        %add3A_1141 = arith.constant 4 : i32
        %add3A_1142 = arith.addi %add3A_569, %add3A_1141 : i32
        %jit3A_1143 = arith.constant 5 : i32
        %div3A_1144 = arith.divsi %add3A_1142, %jit3A_1143 : i32
        %sign3A_1145 = arith.constant 0 : i32
        %sign3A_1146 = arith.cmpi sgt, %add3A_1142, %sign3A_1145 : i32
        %sign3A_1147 = arith.extui %sign3A_1146 : i1 to i32
        %sign3A_1148 = arith.constant 0 : i32
        %sign3A_1149 = arith.cmpi slt, %add3A_1142, %sign3A_1148 : i32
        %sign3A_1150 = arith.extui %sign3A_1149 : i1 to i32
        %sign3A_1151 = arith.subi %sign3A_1147, %sign3A_1150 : i32
        %sign3A_1152 = arith.constant 0 : i32
        %sign3A_1153 = arith.cmpi sgt, %jit3A_1143, %sign3A_1152 : i32
        %sign3A_1154 = arith.extui %sign3A_1153 : i1 to i32
        %sign3A_1155 = arith.constant 0 : i32
        %sign3A_1156 = arith.cmpi slt, %jit3A_1143, %sign3A_1155 : i32
        %sign3A_1157 = arith.extui %sign3A_1156 : i1 to i32
        %sign3A_1158 = arith.subi %sign3A_1154, %sign3A_1157 : i32
        %ne3A_1159 = arith.cmpi ne, %sign3A_1151, %sign3A_1158 : i32
        %rem3A_1160 = arith.remsi %add3A_1142, %jit3A_1143 : i32
        %ne3A_1161 = arith.constant 0 : i32
        %ne3A_1162 = arith.cmpi ne, %rem3A_1160, %ne3A_1161 : i32
        %and3A_1163 = arith.andi %ne3A_1159, %ne3A_1162 : i1
        %sub3A_1164 = arith.constant 1 : i32
        %sub3A_1165 = arith.subi %div3A_1144, %sub3A_1164 : i32
        %select_n3A_1166 = arith.select %and3A_1163, %sub3A_1165, %div3A_1144 : i32
        %jit3A_1167 = arith.constant 5 : i32
        %eq3A_1168 = arith.constant 0 : i32
        %eq3A_1169 = arith.cmpi eq, %jit3A_1167, %eq3A_1168 : i32
        %jit3A_1170 = arith.constant 1 : i32
        %select_n3A_1171 = arith.select %eq3A_1169, %jit3A_1170, %jit3A_1167 : i32
        %rem3A_1172 = arith.remsi %add3A_1142, %select_n3A_1171 : i32
        %ne3A_1173 = arith.constant 0 : i32
        %ne3A_1174 = arith.cmpi ne, %rem3A_1172, %ne3A_1173 : i32
        %lt3A_1175 = arith.constant 0 : i32
        %lt3A_1176 = arith.cmpi slt, %rem3A_1172, %lt3A_1175 : i32
        %lt3A_1177 = arith.constant 0 : i32
        %lt3A_1178 = arith.cmpi slt, %select_n3A_1171, %lt3A_1177 : i32
        %ne3A_1179 = arith.xori %lt3A_1176, %lt3A_1178 : i1
        %and3A_1180 = arith.andi %ne3A_1179, %ne3A_1174 : i1
        %add3A_1181 = arith.addi %rem3A_1172, %select_n3A_1171 : i32
        %select_n3A_1182 = arith.select %and3A_1180, %add3A_1181, %rem3A_1172 : i32
        %mul3A_1183 = arith.constant 40 : i32
        %mul3A_1184 = arith.muli %select_n3A_1182, %mul3A_1183 : i32
        %mul3A_1185 = arith.constant 128 : i32
        %mul3A_1186 = arith.muli %select_n3A_1166, %mul3A_1185 : i32
        %add3A_1187 = arith.addi %mul3A_2, %mul3A_1186 : i32
        %dma_start3A_1188 = arith.constant 1 : i32
        %dma_start3A_1189 = arith.constant 1 : i32
        %dma_start3A_1190 = arith.constant 0 : i32
        %dma_start3A_1191 = arith.constant 0 : i32
        %dma_start3A_1192 = tpu.memref_slice %arg6[%dma_start3A_1188, %dma_start3A_1190, %dma_start3A_1191] : memref<4x40x128xi32, #tpu.memory_space<vmem>> -> memref<1x40x128xi32, #tpu.memory_space<vmem>>
        %dma_start3A_1193 = tpu.memref_squeeze %dma_start3A_1192 : memref<1x40x128xi32, #tpu.memory_space<vmem>> -> memref<40x128xi32, #tpu.memory_space<vmem>>
        %dma_start3A_1194 = tpu.memref_slice %arg2[%mul3A_1184, %add3A_1187] : memref<200x16384xi32, #tpu.memory_space<hbm>> -> memref<40x128xi32, #tpu.memory_space<hbm>>
        %dma_start3A_1195 = tpu.memref_slice %arg8[%dma_start3A_1189] : memref<4x!tpu.dma_semaphore, #tpu.memory_space<semaphore_mem>> -> memref<1x!tpu.dma_semaphore, #tpu.memory_space<semaphore_mem>>
        %dma_start3A_1196 = tpu.memref_squeeze %dma_start3A_1195 : memref<1x!tpu.dma_semaphore, #tpu.memory_space<semaphore_mem>> -> memref<!tpu.dma_semaphore, #tpu.memory_space<semaphore_mem>>
        %dma_start3A_1197 = arith.constant 0 : i32
        %dma_start3A_1198 = arith.constant 0 : i32
        %dma_start3A_1199 = tpu.memref_slice %arg6[%dma_start3A_1188, %dma_start3A_1197, %dma_start3A_1198] : memref<4x40x128xi32, #tpu.memory_space<vmem>> -> memref<1x40x128xi32, #tpu.memory_space<vmem>>
        %dma_start3A_1200 = tpu.memref_squeeze %dma_start3A_1199 : memref<1x40x128xi32, #tpu.memory_space<vmem>> -> memref<40x128xi32, #tpu.memory_space<vmem>>
        %dma_start3A_1201 = tpu.memref_slice %arg2[%mul3A_1184, %add3A_1187] : memref<200x16384xi32, #tpu.memory_space<hbm>> -> memref<40x128xi32, #tpu.memory_space<hbm>>
        tpu.enqueue_dma source(%dma_start3A_1201 : memref<40x128xi32, #tpu.memory_space<hbm>>) target(%dma_start3A_1200 : memref<40x128xi32, #tpu.memory_space<vmem>>) target_semaphore(%dma_start3A_1196 : memref<!tpu.dma_semaphore, #tpu.memory_space<semaphore_mem>>)
      } else {
      }
      %add3A_759 = arith.constant 2 : i32
      %add3A_760 = arith.addi %add3A_388, %add3A_759 : i32
      %jit3A_761 = arith.constant 5 : i32
      %div3A_762 = arith.divsi %add3A_760, %jit3A_761 : i32
      %sign3A_763 = arith.constant 0 : i32
      %sign3A_764 = arith.cmpi sgt, %add3A_760, %sign3A_763 : i32
      %sign3A_765 = arith.extui %sign3A_764 : i1 to i32
      %sign3A_766 = arith.constant 0 : i32
      %sign3A_767 = arith.cmpi slt, %add3A_760, %sign3A_766 : i32
      %sign3A_768 = arith.extui %sign3A_767 : i1 to i32
      %sign3A_769 = arith.subi %sign3A_765, %sign3A_768 : i32
      %sign3A_770 = arith.constant 0 : i32
      %sign3A_771 = arith.cmpi sgt, %jit3A_761, %sign3A_770 : i32
      %sign3A_772 = arith.extui %sign3A_771 : i1 to i32
      %sign3A_773 = arith.constant 0 : i32
      %sign3A_774 = arith.cmpi slt, %jit3A_761, %sign3A_773 : i32
      %sign3A_775 = arith.extui %sign3A_774 : i1 to i32
      %sign3A_776 = arith.subi %sign3A_772, %sign3A_775 : i32
      %ne3A_777 = arith.cmpi ne, %sign3A_769, %sign3A_776 : i32
      %rem3A_778 = arith.remsi %add3A_760, %jit3A_761 : i32
      %ne3A_779 = arith.constant 0 : i32
      %ne3A_780 = arith.cmpi ne, %rem3A_778, %ne3A_779 : i32
      %and3A_781 = arith.andi %ne3A_777, %ne3A_780 : i1
      %sub3A_782 = arith.constant 1 : i32
      %sub3A_783 = arith.subi %div3A_762, %sub3A_782 : i32
      %select_n3A_784 = arith.select %and3A_781, %sub3A_783, %div3A_762 : i32
      %jit3A_785 = arith.constant 5 : i32
      %eq3A_786 = arith.constant 0 : i32
      %eq3A_787 = arith.cmpi eq, %jit3A_785, %eq3A_786 : i32
      %jit3A_788 = arith.constant 1 : i32
      %select_n3A_789 = arith.select %eq3A_787, %jit3A_788, %jit3A_785 : i32
      %rem3A_790 = arith.remsi %add3A_760, %select_n3A_789 : i32
      %ne3A_791 = arith.constant 0 : i32
      %ne3A_792 = arith.cmpi ne, %rem3A_790, %ne3A_791 : i32
      %lt3A_793 = arith.constant 0 : i32
      %lt3A_794 = arith.cmpi slt, %rem3A_790, %lt3A_793 : i32
      %lt3A_795 = arith.constant 0 : i32
      %lt3A_796 = arith.cmpi slt, %select_n3A_789, %lt3A_795 : i32
      %ne3A_797 = arith.xori %lt3A_794, %lt3A_796 : i1
      %and3A_798 = arith.andi %ne3A_797, %ne3A_792 : i1
      %add3A_799 = arith.addi %rem3A_790, %select_n3A_789 : i32
      %select_n3A_800 = arith.select %and3A_798, %add3A_799, %rem3A_790 : i32
      %mul3A_801 = arith.constant 40 : i32
      %mul3A_802 = arith.muli %select_n3A_800, %mul3A_801 : i32
      %mul3A_803 = arith.constant 128 : i32
      %mul3A_804 = arith.muli %select_n3A_784, %mul3A_803 : i32
      %add3A_805 = arith.addi %mul3A_2, %mul3A_804 : i32
      %dma_wait3A_806 = arith.constant 2 : i32
      %dma_wait3A_807 = arith.constant 2 : i32
      %dma_wait3A_808 = arith.constant 0 : i32
      %dma_wait3A_809 = arith.constant 0 : i32
      %dma_wait3A_810 = tpu.memref_slice %arg6[%dma_wait3A_806, %dma_wait3A_808, %dma_wait3A_809] : memref<4x40x128xi32, #tpu.memory_space<vmem>> -> memref<1x40x128xi32, #tpu.memory_space<vmem>>
      %dma_wait3A_811 = tpu.memref_squeeze %dma_wait3A_810 : memref<1x40x128xi32, #tpu.memory_space<vmem>> -> memref<40x128xi32, #tpu.memory_space<vmem>>
      %dma_wait3A_812 = tpu.memref_slice %arg2[%mul3A_802, %add3A_805] : memref<200x16384xi32, #tpu.memory_space<hbm>> -> memref<40x128xi32, #tpu.memory_space<hbm>>
      %dma_wait3A_813 = tpu.memref_slice %arg8[%dma_wait3A_807] : memref<4x!tpu.dma_semaphore, #tpu.memory_space<semaphore_mem>> -> memref<1x!tpu.dma_semaphore, #tpu.memory_space<semaphore_mem>>
      %dma_wait3A_814 = tpu.memref_squeeze %dma_wait3A_813 : memref<1x!tpu.dma_semaphore, #tpu.memory_space<semaphore_mem>> -> memref<!tpu.dma_semaphore, #tpu.memory_space<semaphore_mem>>
      %dma_wait3A_815 = arith.constant 0 : i32
      %dma_wait3A_816 = arith.constant 0 : i32
      %dma_wait3A_817 = tpu.memref_slice %arg6[%dma_wait3A_806, %dma_wait3A_815, %dma_wait3A_816] : memref<4x40x128xi32, #tpu.memory_space<vmem>> -> memref<1x40x128xi32, #tpu.memory_space<vmem>>
      %dma_wait3A_818 = tpu.memref_squeeze %dma_wait3A_817 : memref<1x40x128xi32, #tpu.memory_space<vmem>> -> memref<40x128xi32, #tpu.memory_space<vmem>>
      %dma_wait3A_819 = tpu.memref_slice %arg2[%mul3A_802, %add3A_805] : memref<200x16384xi32, #tpu.memory_space<hbm>> -> memref<40x128xi32, #tpu.memory_space<hbm>>
      tpu.wait_dma2 semaphore(%dma_wait3A_814 : memref<!tpu.dma_semaphore, #tpu.memory_space<semaphore_mem>>) src(%dma_wait3A_819 : memref<40x128xi32, #tpu.memory_space<hbm>>) dst(%dma_wait3A_818 : memref<40x128xi32, #tpu.memory_space<vmem>>)
      %jit3A_820 = arith.constant 5 : i32
      %div3A_821 = arith.divsi %add3A_760, %jit3A_820 : i32
      %sign3A_822 = arith.constant 0 : i32
      %sign3A_823 = arith.cmpi sgt, %add3A_760, %sign3A_822 : i32
      %sign3A_824 = arith.extui %sign3A_823 : i1 to i32
      %sign3A_825 = arith.constant 0 : i32
      %sign3A_826 = arith.cmpi slt, %add3A_760, %sign3A_825 : i32
      %sign3A_827 = arith.extui %sign3A_826 : i1 to i32
      %sign3A_828 = arith.subi %sign3A_824, %sign3A_827 : i32
      %sign3A_829 = arith.constant 0 : i32
      %sign3A_830 = arith.cmpi sgt, %jit3A_820, %sign3A_829 : i32
      %sign3A_831 = arith.extui %sign3A_830 : i1 to i32
      %sign3A_832 = arith.constant 0 : i32
      %sign3A_833 = arith.cmpi slt, %jit3A_820, %sign3A_832 : i32
      %sign3A_834 = arith.extui %sign3A_833 : i1 to i32
      %sign3A_835 = arith.subi %sign3A_831, %sign3A_834 : i32
      %ne3A_836 = arith.cmpi ne, %sign3A_828, %sign3A_835 : i32
      %rem3A_837 = arith.remsi %add3A_760, %jit3A_820 : i32
      %ne3A_838 = arith.constant 0 : i32
      %ne3A_839 = arith.cmpi ne, %rem3A_837, %ne3A_838 : i32
      %and3A_840 = arith.andi %ne3A_836, %ne3A_839 : i1
      %sub3A_841 = arith.constant 1 : i32
      %sub3A_842 = arith.subi %div3A_821, %sub3A_841 : i32
      %select_n3A_843 = arith.select %and3A_840, %sub3A_842, %div3A_821 : i32
      %jit3A_844 = arith.constant 5 : i32
      %eq3A_845 = arith.constant 0 : i32
      %eq3A_846 = arith.cmpi eq, %jit3A_844, %eq3A_845 : i32
      %jit3A_847 = arith.constant 1 : i32
      %select_n3A_848 = arith.select %eq3A_846, %jit3A_847, %jit3A_844 : i32
      %rem3A_849 = arith.remsi %add3A_760, %select_n3A_848 : i32
      %ne3A_850 = arith.constant 0 : i32
      %ne3A_851 = arith.cmpi ne, %rem3A_849, %ne3A_850 : i32
      %lt3A_852 = arith.constant 0 : i32
      %lt3A_853 = arith.cmpi slt, %rem3A_849, %lt3A_852 : i32
      %lt3A_854 = arith.constant 0 : i32
      %lt3A_855 = arith.cmpi slt, %select_n3A_848, %lt3A_854 : i32
      %ne3A_856 = arith.xori %lt3A_853, %lt3A_855 : i1
      %and3A_857 = arith.andi %ne3A_856, %ne3A_851 : i1
      %add3A_858 = arith.addi %rem3A_849, %select_n3A_848 : i32
      %select_n3A_859 = arith.select %and3A_857, %add3A_858, %rem3A_849 : i32
      %mul3A_860 = arith.constant 40 : i32
      %mul3A_861 = arith.muli %select_n3A_859, %mul3A_860 : i32
      %mul3A_862 = arith.constant 128 : i32
      %mul3A_863 = arith.muli %select_n3A_843, %mul3A_862 : i32
      %add3A_864 = arith.addi %mul3A_2, %mul3A_863 : i32
      %dma_wait3A_865 = arith.constant 2 : i32
      %dma_wait3A_866 = arith.constant 2 : i32
      %dma_wait3A_867 = arith.constant 0 : i32
      %dma_wait3A_868 = arith.constant 0 : i32
      %dma_wait3A_869 = tpu.memref_slice %arg7[%dma_wait3A_865, %dma_wait3A_867, %dma_wait3A_868] : memref<4x40x128xi32, #tpu.memory_space<vmem>> -> memref<1x40x128xi32, #tpu.memory_space<vmem>>
      %dma_wait3A_870 = tpu.memref_squeeze %dma_wait3A_869 : memref<1x40x128xi32, #tpu.memory_space<vmem>> -> memref<40x128xi32, #tpu.memory_space<vmem>>
      %dma_wait3A_871 = tpu.memref_slice %arg4[%mul3A_861, %add3A_864] : memref<200x16384xi32, #tpu.memory_space<hbm>> -> memref<40x128xi32, #tpu.memory_space<hbm>>
      %dma_wait3A_872 = tpu.memref_slice %arg9[%dma_wait3A_866] : memref<4x!tpu.dma_semaphore, #tpu.memory_space<semaphore_mem>> -> memref<1x!tpu.dma_semaphore, #tpu.memory_space<semaphore_mem>>
      %dma_wait3A_873 = tpu.memref_squeeze %dma_wait3A_872 : memref<1x!tpu.dma_semaphore, #tpu.memory_space<semaphore_mem>> -> memref<!tpu.dma_semaphore, #tpu.memory_space<semaphore_mem>>
      %dma_wait3A_874 = tpu.memref_slice %arg4[%mul3A_861, %add3A_864] : memref<200x16384xi32, #tpu.memory_space<hbm>> -> memref<40x128xi32, #tpu.memory_space<hbm>>
      %dma_wait3A_875 = arith.constant 0 : i32
      %dma_wait3A_876 = arith.constant 0 : i32
      %dma_wait3A_877 = tpu.memref_slice %arg7[%dma_wait3A_865, %dma_wait3A_875, %dma_wait3A_876] : memref<4x40x128xi32, #tpu.memory_space<vmem>> -> memref<1x40x128xi32, #tpu.memory_space<vmem>>
      %dma_wait3A_878 = tpu.memref_squeeze %dma_wait3A_877 : memref<1x40x128xi32, #tpu.memory_space<vmem>> -> memref<40x128xi32, #tpu.memory_space<vmem>>
      tpu.wait_dma2 semaphore(%dma_wait3A_873 : memref<!tpu.dma_semaphore, #tpu.memory_space<semaphore_mem>>) src(%dma_wait3A_878 : memref<40x128xi32, #tpu.memory_space<vmem>>) dst(%dma_wait3A_874 : memref<40x128xi32, #tpu.memory_space<hbm>>)
      %parallel_loop3A_879 = arith.constant 0 : i32
      %parallel_loop3A_880 = arith.constant 40 : i32
      %parallel_loop3A_881 = arith.constant 1 : i32
      %parallel_loop3A_882 = arith.constant 2 : i32
      %parallel_loop3A_883 = arith.constant 2 : i32
      scf.for %parallel_loop3A_1141 = %parallel_loop3A_879 to %parallel_loop3A_880 step %parallel_loop3A_881  : i32 {
        %parallel_loop3A_1142 = arith.constant 0 : i32
        %parallel_loop3A_1143 = arith.constant 0 : i32
        %parallel_loop3A_1144 = tpu.memref_slice %arg6[%parallel_loop3A_882, %parallel_loop3A_1142, %parallel_loop3A_1143] : memref<4x40x128xi32, #tpu.memory_space<vmem>> -> memref<1x40x128xi32, #tpu.memory_space<vmem>>
        %parallel_loop3A_1145 = tpu.memref_squeeze %parallel_loop3A_1144 : memref<1x40x128xi32, #tpu.memory_space<vmem>> -> memref<40x128xi32, #tpu.memory_space<vmem>>
        %parallel_loop3A_1146 = arith.index_cast %parallel_loop3A_1141 : i32 to index
        %parallel_loop3A_1147 = arith.constant 0 : index
        %parallel_loop3A_1148 = tpu.vector_load %parallel_loop3A_1145[%parallel_loop3A_1146, %parallel_loop3A_1147] {strides = array<i32>} : memref<40x128xi32, #tpu.memory_space<vmem>>, vector<16xi32>,
        %parallel_loop3A_1149 = tpu.vector_load_idx %arg5[%parallel_loop3A_1148] : memref<93xi32, #tpu.memory_space<vmem>>[vector<16xi32>], vector<16xi32>,
        %parallel_loop3A_1150 = arith.constant 0 : i32
        %parallel_loop3A_1151 = arith.constant 0 : i32
        %parallel_loop3A_1152 = tpu.memref_slice %arg7[%parallel_loop3A_883, %parallel_loop3A_1150, %parallel_loop3A_1151] : memref<4x40x128xi32, #tpu.memory_space<vmem>> -> memref<1x40x128xi32, #tpu.memory_space<vmem>>
        %parallel_loop3A_1153 = tpu.memref_squeeze %parallel_loop3A_1152 : memref<1x40x128xi32, #tpu.memory_space<vmem>> -> memref<40x128xi32, #tpu.memory_space<vmem>>
        %parallel_loop3A_1154 = arith.index_cast %parallel_loop3A_1141 : i32 to index
        %parallel_loop3A_1155 = arith.constant 0 : index
        %parallel_loop3A_1156 = tpu.vector_load %parallel_loop3A_1153[%parallel_loop3A_1154, %parallel_loop3A_1155] {strides = array<i32>} : memref<40x128xi32, #tpu.memory_space<vmem>>, vector<16xi32>,
        tpu.vector_store %parallel_loop3A_1153[%parallel_loop3A_1154, %parallel_loop3A_1155], %parallel_loop3A_1149 {strides = array<i32>} : memref<40x128xi32, #tpu.memory_space<vmem>>, vector<16xi32>,
        %parallel_loop3A_1157 = arith.constant 0 : i32
        %parallel_loop3A_1158 = arith.constant 0 : i32
        %parallel_loop3A_1159 = tpu.memref_slice %arg6[%parallel_loop3A_882, %parallel_loop3A_1157, %parallel_loop3A_1158] : memref<4x40x128xi32, #tpu.memory_space<vmem>> -> memref<1x40x128xi32, #tpu.memory_space<vmem>>
        %parallel_loop3A_1160 = tpu.memref_squeeze %parallel_loop3A_1159 : memref<1x40x128xi32, #tpu.memory_space<vmem>> -> memref<40x128xi32, #tpu.memory_space<vmem>>
        %parallel_loop3A_1161 = arith.index_cast %parallel_loop3A_1141 : i32 to index
        %parallel_loop3A_1162 = arith.constant 16 : index
        %parallel_loop3A_1163 = tpu.vector_load %parallel_loop3A_1160[%parallel_loop3A_1161, %parallel_loop3A_1162] {strides = array<i32>} : memref<40x128xi32, #tpu.memory_space<vmem>>, vector<16xi32>,
        %parallel_loop3A_1164 = tpu.vector_load_idx %arg5[%parallel_loop3A_1163] : memref<93xi32, #tpu.memory_space<vmem>>[vector<16xi32>], vector<16xi32>,
        %parallel_loop3A_1165 = arith.constant 0 : i32
        %parallel_loop3A_1166 = arith.constant 0 : i32
        %parallel_loop3A_1167 = tpu.memref_slice %arg7[%parallel_loop3A_883, %parallel_loop3A_1165, %parallel_loop3A_1166] : memref<4x40x128xi32, #tpu.memory_space<vmem>> -> memref<1x40x128xi32, #tpu.memory_space<vmem>>
        %parallel_loop3A_1168 = tpu.memref_squeeze %parallel_loop3A_1167 : memref<1x40x128xi32, #tpu.memory_space<vmem>> -> memref<40x128xi32, #tpu.memory_space<vmem>>
        %parallel_loop3A_1169 = arith.index_cast %parallel_loop3A_1141 : i32 to index
        %parallel_loop3A_1170 = arith.constant 16 : index
        %parallel_loop3A_1171 = tpu.vector_load %parallel_loop3A_1168[%parallel_loop3A_1169, %parallel_loop3A_1170] {strides = array<i32>} : memref<40x128xi32, #tpu.memory_space<vmem>>, vector<16xi32>,
        tpu.vector_store %parallel_loop3A_1168[%parallel_loop3A_1169, %parallel_loop3A_1170], %parallel_loop3A_1164 {strides = array<i32>} : memref<40x128xi32, #tpu.memory_space<vmem>>, vector<16xi32>,
        %parallel_loop3A_1172 = arith.constant 0 : i32
        %parallel_loop3A_1173 = arith.constant 0 : i32
        %parallel_loop3A_1174 = tpu.memref_slice %arg6[%parallel_loop3A_882, %parallel_loop3A_1172, %parallel_loop3A_1173] : memref<4x40x128xi32, #tpu.memory_space<vmem>> -> memref<1x40x128xi32, #tpu.memory_space<vmem>>
        %parallel_loop3A_1175 = tpu.memref_squeeze %parallel_loop3A_1174 : memref<1x40x128xi32, #tpu.memory_space<vmem>> -> memref<40x128xi32, #tpu.memory_space<vmem>>
        %parallel_loop3A_1176 = arith.index_cast %parallel_loop3A_1141 : i32 to index
        %parallel_loop3A_1177 = arith.constant 32 : index
        %parallel_loop3A_1178 = tpu.vector_load %parallel_loop3A_1175[%parallel_loop3A_1176, %parallel_loop3A_1177] {strides = array<i32>} : memref<40x128xi32, #tpu.memory_space<vmem>>, vector<16xi32>,
        %parallel_loop3A_1179 = tpu.vector_load_idx %arg5[%parallel_loop3A_1178] : memref<93xi32, #tpu.memory_space<vmem>>[vector<16xi32>], vector<16xi32>,
        %parallel_loop3A_1180 = arith.constant 0 : i32
        %parallel_loop3A_1181 = arith.constant 0 : i32
        %parallel_loop3A_1182 = tpu.memref_slice %arg7[%parallel_loop3A_883, %parallel_loop3A_1180, %parallel_loop3A_1181] : memref<4x40x128xi32, #tpu.memory_space<vmem>> -> memref<1x40x128xi32, #tpu.memory_space<vmem>>
        %parallel_loop3A_1183 = tpu.memref_squeeze %parallel_loop3A_1182 : memref<1x40x128xi32, #tpu.memory_space<vmem>> -> memref<40x128xi32, #tpu.memory_space<vmem>>
        %parallel_loop3A_1184 = arith.index_cast %parallel_loop3A_1141 : i32 to index
        %parallel_loop3A_1185 = arith.constant 32 : index
        %parallel_loop3A_1186 = tpu.vector_load %parallel_loop3A_1183[%parallel_loop3A_1184, %parallel_loop3A_1185] {strides = array<i32>} : memref<40x128xi32, #tpu.memory_space<vmem>>, vector<16xi32>,
        tpu.vector_store %parallel_loop3A_1183[%parallel_loop3A_1184, %parallel_loop3A_1185], %parallel_loop3A_1179 {strides = array<i32>} : memref<40x128xi32, #tpu.memory_space<vmem>>, vector<16xi32>,
        %parallel_loop3A_1187 = arith.constant 0 : i32
        %parallel_loop3A_1188 = arith.constant 0 : i32
        %parallel_loop3A_1189 = tpu.memref_slice %arg6[%parallel_loop3A_882, %parallel_loop3A_1187, %parallel_loop3A_1188] : memref<4x40x128xi32, #tpu.memory_space<vmem>> -> memref<1x40x128xi32, #tpu.memory_space<vmem>>
        %parallel_loop3A_1190 = tpu.memref_squeeze %parallel_loop3A_1189 : memref<1x40x128xi32, #tpu.memory_space<vmem>> -> memref<40x128xi32, #tpu.memory_space<vmem>>
        %parallel_loop3A_1191 = arith.index_cast %parallel_loop3A_1141 : i32 to index
        %parallel_loop3A_1192 = arith.constant 48 : index
        %parallel_loop3A_1193 = tpu.vector_load %parallel_loop3A_1190[%parallel_loop3A_1191, %parallel_loop3A_1192] {strides = array<i32>} : memref<40x128xi32, #tpu.memory_space<vmem>>, vector<16xi32>,
        %parallel_loop3A_1194 = tpu.vector_load_idx %arg5[%parallel_loop3A_1193] : memref<93xi32, #tpu.memory_space<vmem>>[vector<16xi32>], vector<16xi32>,
        %parallel_loop3A_1195 = arith.constant 0 : i32
        %parallel_loop3A_1196 = arith.constant 0 : i32
        %parallel_loop3A_1197 = tpu.memref_slice %arg7[%parallel_loop3A_883, %parallel_loop3A_1195, %parallel_loop3A_1196] : memref<4x40x128xi32, #tpu.memory_space<vmem>> -> memref<1x40x128xi32, #tpu.memory_space<vmem>>
        %parallel_loop3A_1198 = tpu.memref_squeeze %parallel_loop3A_1197 : memref<1x40x128xi32, #tpu.memory_space<vmem>> -> memref<40x128xi32, #tpu.memory_space<vmem>>
        %parallel_loop3A_1199 = arith.index_cast %parallel_loop3A_1141 : i32 to index
        %parallel_loop3A_1200 = arith.constant 48 : index
        %parallel_loop3A_1201 = tpu.vector_load %parallel_loop3A_1198[%parallel_loop3A_1199, %parallel_loop3A_1200] {strides = array<i32>} : memref<40x128xi32, #tpu.memory_space<vmem>>, vector<16xi32>,
        tpu.vector_store %parallel_loop3A_1198[%parallel_loop3A_1199, %parallel_loop3A_1200], %parallel_loop3A_1194 {strides = array<i32>} : memref<40x128xi32, #tpu.memory_space<vmem>>, vector<16xi32>,
        %parallel_loop3A_1202 = arith.constant 0 : i32
        %parallel_loop3A_1203 = arith.constant 0 : i32
        %parallel_loop3A_1204 = tpu.memref_slice %arg6[%parallel_loop3A_882, %parallel_loop3A_1202, %parallel_loop3A_1203] : memref<4x40x128xi32, #tpu.memory_space<vmem>> -> memref<1x40x128xi32, #tpu.memory_space<vmem>>
        %parallel_loop3A_1205 = tpu.memref_squeeze %parallel_loop3A_1204 : memref<1x40x128xi32, #tpu.memory_space<vmem>> -> memref<40x128xi32, #tpu.memory_space<vmem>>
        %parallel_loop3A_1206 = arith.index_cast %parallel_loop3A_1141 : i32 to index
        %parallel_loop3A_1207 = arith.constant 64 : index
        %parallel_loop3A_1208 = tpu.vector_load %parallel_loop3A_1205[%parallel_loop3A_1206, %parallel_loop3A_1207] {strides = array<i32>} : memref<40x128xi32, #tpu.memory_space<vmem>>, vector<16xi32>,
        %parallel_loop3A_1209 = tpu.vector_load_idx %arg5[%parallel_loop3A_1208] : memref<93xi32, #tpu.memory_space<vmem>>[vector<16xi32>], vector<16xi32>,
        %parallel_loop3A_1210 = arith.constant 0 : i32
        %parallel_loop3A_1211 = arith.constant 0 : i32
        %parallel_loop3A_1212 = tpu.memref_slice %arg7[%parallel_loop3A_883, %parallel_loop3A_1210, %parallel_loop3A_1211] : memref<4x40x128xi32, #tpu.memory_space<vmem>> -> memref<1x40x128xi32, #tpu.memory_space<vmem>>
        %parallel_loop3A_1213 = tpu.memref_squeeze %parallel_loop3A_1212 : memref<1x40x128xi32, #tpu.memory_space<vmem>> -> memref<40x128xi32, #tpu.memory_space<vmem>>
        %parallel_loop3A_1214 = arith.index_cast %parallel_loop3A_1141 : i32 to index
        %parallel_loop3A_1215 = arith.constant 64 : index
        %parallel_loop3A_1216 = tpu.vector_load %parallel_loop3A_1213[%parallel_loop3A_1214, %parallel_loop3A_1215] {strides = array<i32>} : memref<40x128xi32, #tpu.memory_space<vmem>>, vector<16xi32>,
        tpu.vector_store %parallel_loop3A_1213[%parallel_loop3A_1214, %parallel_loop3A_1215], %parallel_loop3A_1209 {strides = array<i32>} : memref<40x128xi32, #tpu.memory_space<vmem>>, vector<16xi32>,
        %parallel_loop3A_1217 = arith.constant 0 : i32
        %parallel_loop3A_1218 = arith.constant 0 : i32
        %parallel_loop3A_1219 = tpu.memref_slice %arg6[%parallel_loop3A_882, %parallel_loop3A_1217, %parallel_loop3A_1218] : memref<4x40x128xi32, #tpu.memory_space<vmem>> -> memref<1x40x128xi32, #tpu.memory_space<vmem>>
        %parallel_loop3A_1220 = tpu.memref_squeeze %parallel_loop3A_1219 : memref<1x40x128xi32, #tpu.memory_space<vmem>> -> memref<40x128xi32, #tpu.memory_space<vmem>>
        %parallel_loop3A_1221 = arith.index_cast %parallel_loop3A_1141 : i32 to index
        %parallel_loop3A_1222 = arith.constant 80 : index
        %parallel_loop3A_1223 = tpu.vector_load %parallel_loop3A_1220[%parallel_loop3A_1221, %parallel_loop3A_1222] {strides = array<i32>} : memref<40x128xi32, #tpu.memory_space<vmem>>, vector<16xi32>,
        %parallel_loop3A_1224 = tpu.vector_load_idx %arg5[%parallel_loop3A_1223] : memref<93xi32, #tpu.memory_space<vmem>>[vector<16xi32>], vector<16xi32>,
        %parallel_loop3A_1225 = arith.constant 0 : i32
        %parallel_loop3A_1226 = arith.constant 0 : i32
        %parallel_loop3A_1227 = tpu.memref_slice %arg7[%parallel_loop3A_883, %parallel_loop3A_1225, %parallel_loop3A_1226] : memref<4x40x128xi32, #tpu.memory_space<vmem>> -> memref<1x40x128xi32, #tpu.memory_space<vmem>>
        %parallel_loop3A_1228 = tpu.memref_squeeze %parallel_loop3A_1227 : memref<1x40x128xi32, #tpu.memory_space<vmem>> -> memref<40x128xi32, #tpu.memory_space<vmem>>
        %parallel_loop3A_1229 = arith.index_cast %parallel_loop3A_1141 : i32 to index
        %parallel_loop3A_1230 = arith.constant 80 : index
        %parallel_loop3A_1231 = tpu.vector_load %parallel_loop3A_1228[%parallel_loop3A_1229, %parallel_loop3A_1230] {strides = array<i32>} : memref<40x128xi32, #tpu.memory_space<vmem>>, vector<16xi32>,
        tpu.vector_store %parallel_loop3A_1228[%parallel_loop3A_1229, %parallel_loop3A_1230], %parallel_loop3A_1224 {strides = array<i32>} : memref<40x128xi32, #tpu.memory_space<vmem>>, vector<16xi32>,
        %parallel_loop3A_1232 = arith.constant 0 : i32
        %parallel_loop3A_1233 = arith.constant 0 : i32
        %parallel_loop3A_1234 = tpu.memref_slice %arg6[%parallel_loop3A_882, %parallel_loop3A_1232, %parallel_loop3A_1233] : memref<4x40x128xi32, #tpu.memory_space<vmem>> -> memref<1x40x128xi32, #tpu.memory_space<vmem>>
        %parallel_loop3A_1235 = tpu.memref_squeeze %parallel_loop3A_1234 : memref<1x40x128xi32, #tpu.memory_space<vmem>> -> memref<40x128xi32, #tpu.memory_space<vmem>>
        %parallel_loop3A_1236 = arith.index_cast %parallel_loop3A_1141 : i32 to index
        %parallel_loop3A_1237 = arith.constant 96 : index
        %parallel_loop3A_1238 = tpu.vector_load %parallel_loop3A_1235[%parallel_loop3A_1236, %parallel_loop3A_1237] {strides = array<i32>} : memref<40x128xi32, #tpu.memory_space<vmem>>, vector<16xi32>,
        %parallel_loop3A_1239 = tpu.vector_load_idx %arg5[%parallel_loop3A_1238] : memref<93xi32, #tpu.memory_space<vmem>>[vector<16xi32>], vector<16xi32>,
        %parallel_loop3A_1240 = arith.constant 0 : i32
        %parallel_loop3A_1241 = arith.constant 0 : i32
        %parallel_loop3A_1242 = tpu.memref_slice %arg7[%parallel_loop3A_883, %parallel_loop3A_1240, %parallel_loop3A_1241] : memref<4x40x128xi32, #tpu.memory_space<vmem>> -> memref<1x40x128xi32, #tpu.memory_space<vmem>>
        %parallel_loop3A_1243 = tpu.memref_squeeze %parallel_loop3A_1242 : memref<1x40x128xi32, #tpu.memory_space<vmem>> -> memref<40x128xi32, #tpu.memory_space<vmem>>
        %parallel_loop3A_1244 = arith.index_cast %parallel_loop3A_1141 : i32 to index
        %parallel_loop3A_1245 = arith.constant 96 : index
        %parallel_loop3A_1246 = tpu.vector_load %parallel_loop3A_1243[%parallel_loop3A_1244, %parallel_loop3A_1245] {strides = array<i32>} : memref<40x128xi32, #tpu.memory_space<vmem>>, vector<16xi32>,
        tpu.vector_store %parallel_loop3A_1243[%parallel_loop3A_1244, %parallel_loop3A_1245], %parallel_loop3A_1239 {strides = array<i32>} : memref<40x128xi32, #tpu.memory_space<vmem>>, vector<16xi32>,
        %parallel_loop3A_1247 = arith.constant 0 : i32
        %parallel_loop3A_1248 = arith.constant 0 : i32
        %parallel_loop3A_1249 = tpu.memref_slice %arg6[%parallel_loop3A_882, %parallel_loop3A_1247, %parallel_loop3A_1248] : memref<4x40x128xi32, #tpu.memory_space<vmem>> -> memref<1x40x128xi32, #tpu.memory_space<vmem>>
        %parallel_loop3A_1250 = tpu.memref_squeeze %parallel_loop3A_1249 : memref<1x40x128xi32, #tpu.memory_space<vmem>> -> memref<40x128xi32, #tpu.memory_space<vmem>>
        %parallel_loop3A_1251 = arith.index_cast %parallel_loop3A_1141 : i32 to index
        %parallel_loop3A_1252 = arith.constant 112 : index
        %parallel_loop3A_1253 = tpu.vector_load %parallel_loop3A_1250[%parallel_loop3A_1251, %parallel_loop3A_1252] {strides = array<i32>} : memref<40x128xi32, #tpu.memory_space<vmem>>, vector<16xi32>,
        %parallel_loop3A_1254 = tpu.vector_load_idx %arg5[%parallel_loop3A_1253] : memref<93xi32, #tpu.memory_space<vmem>>[vector<16xi32>], vector<16xi32>,
        %parallel_loop3A_1255 = arith.constant 0 : i32
        %parallel_loop3A_1256 = arith.constant 0 : i32
        %parallel_loop3A_1257 = tpu.memref_slice %arg7[%parallel_loop3A_883, %parallel_loop3A_1255, %parallel_loop3A_1256] : memref<4x40x128xi32, #tpu.memory_space<vmem>> -> memref<1x40x128xi32, #tpu.memory_space<vmem>>
        %parallel_loop3A_1258 = tpu.memref_squeeze %parallel_loop3A_1257 : memref<1x40x128xi32, #tpu.memory_space<vmem>> -> memref<40x128xi32, #tpu.memory_space<vmem>>
        %parallel_loop3A_1259 = arith.index_cast %parallel_loop3A_1141 : i32 to index
        %parallel_loop3A_1260 = arith.constant 112 : index
        %parallel_loop3A_1261 = tpu.vector_load %parallel_loop3A_1258[%parallel_loop3A_1259, %parallel_loop3A_1260] {strides = array<i32>} : memref<40x128xi32, #tpu.memory_space<vmem>>, vector<16xi32>,
        tpu.vector_store %parallel_loop3A_1258[%parallel_loop3A_1259, %parallel_loop3A_1260], %parallel_loop3A_1254 {strides = array<i32>} : memref<40x128xi32, #tpu.memory_space<vmem>>, vector<16xi32>,
      } {sc.loop_unroll_factor = 2 : i64, sc.parallel_access}
      %jit3A_884 = arith.constant 5 : i32
      %div3A_885 = arith.divsi %add3A_760, %jit3A_884 : i32
      %sign3A_886 = arith.constant 0 : i32
      %sign3A_887 = arith.cmpi sgt, %add3A_760, %sign3A_886 : i32
      %sign3A_888 = arith.extui %sign3A_887 : i1 to i32
      %sign3A_889 = arith.constant 0 : i32
      %sign3A_890 = arith.cmpi slt, %add3A_760, %sign3A_889 : i32
      %sign3A_891 = arith.extui %sign3A_890 : i1 to i32
      %sign3A_892 = arith.subi %sign3A_888, %sign3A_891 : i32
      %sign3A_893 = arith.constant 0 : i32
      %sign3A_894 = arith.cmpi sgt, %jit3A_884, %sign3A_893 : i32
      %sign3A_895 = arith.extui %sign3A_894 : i1 to i32
      %sign3A_896 = arith.constant 0 : i32
      %sign3A_897 = arith.cmpi slt, %jit3A_884, %sign3A_896 : i32
      %sign3A_898 = arith.extui %sign3A_897 : i1 to i32
      %sign3A_899 = arith.subi %sign3A_895, %sign3A_898 : i32
      %ne3A_900 = arith.cmpi ne, %sign3A_892, %sign3A_899 : i32
      %rem3A_901 = arith.remsi %add3A_760, %jit3A_884 : i32
      %ne3A_902 = arith.constant 0 : i32
      %ne3A_903 = arith.cmpi ne, %rem3A_901, %ne3A_902 : i32
      %and3A_904 = arith.andi %ne3A_900, %ne3A_903 : i1
      %sub3A_905 = arith.constant 1 : i32
      %sub3A_906 = arith.subi %div3A_885, %sub3A_905 : i32
      %select_n3A_907 = arith.select %and3A_904, %sub3A_906, %div3A_885 : i32
      %jit3A_908 = arith.constant 5 : i32
      %eq3A_909 = arith.constant 0 : i32
      %eq3A_910 = arith.cmpi eq, %jit3A_908, %eq3A_909 : i32
      %jit3A_911 = arith.constant 1 : i32
      %select_n3A_912 = arith.select %eq3A_910, %jit3A_911, %jit3A_908 : i32
      %rem3A_913 = arith.remsi %add3A_760, %select_n3A_912 : i32
      %ne3A_914 = arith.constant 0 : i32
      %ne3A_915 = arith.cmpi ne, %rem3A_913, %ne3A_914 : i32
      %lt3A_916 = arith.constant 0 : i32
      %lt3A_917 = arith.cmpi slt, %rem3A_913, %lt3A_916 : i32
      %lt3A_918 = arith.constant 0 : i32
      %lt3A_919 = arith.cmpi slt, %select_n3A_912, %lt3A_918 : i32
      %ne3A_920 = arith.xori %lt3A_917, %lt3A_919 : i1
      %and3A_921 = arith.andi %ne3A_920, %ne3A_915 : i1
      %add3A_922 = arith.addi %rem3A_913, %select_n3A_912 : i32
      %select_n3A_923 = arith.select %and3A_921, %add3A_922, %rem3A_913 : i32
      %mul3A_924 = arith.constant 40 : i32
      %mul3A_925 = arith.muli %select_n3A_923, %mul3A_924 : i32
      %mul3A_926 = arith.constant 128 : i32
      %mul3A_927 = arith.muli %select_n3A_907, %mul3A_926 : i32
      %add3A_928 = arith.addi %mul3A_2, %mul3A_927 : i32
      %dma_start3A_929 = arith.constant 2 : i32
      %dma_start3A_930 = arith.constant 2 : i32
      %dma_start3A_931 = arith.constant 0 : i32
      %dma_start3A_932 = arith.constant 0 : i32
      %dma_start3A_933 = tpu.memref_slice %arg7[%dma_start3A_929, %dma_start3A_931, %dma_start3A_932] : memref<4x40x128xi32, #tpu.memory_space<vmem>> -> memref<1x40x128xi32, #tpu.memory_space<vmem>>
      %dma_start3A_934 = tpu.memref_squeeze %dma_start3A_933 : memref<1x40x128xi32, #tpu.memory_space<vmem>> -> memref<40x128xi32, #tpu.memory_space<vmem>>
      %dma_start3A_935 = tpu.memref_slice %arg4[%mul3A_925, %add3A_928] : memref<200x16384xi32, #tpu.memory_space<hbm>> -> memref<40x128xi32, #tpu.memory_space<hbm>>
      %dma_start3A_936 = tpu.memref_slice %arg9[%dma_start3A_930] : memref<4x!tpu.dma_semaphore, #tpu.memory_space<semaphore_mem>> -> memref<1x!tpu.dma_semaphore, #tpu.memory_space<semaphore_mem>>
      %dma_start3A_937 = tpu.memref_squeeze %dma_start3A_936 : memref<1x!tpu.dma_semaphore, #tpu.memory_space<semaphore_mem>> -> memref<!tpu.dma_semaphore, #tpu.memory_space<semaphore_mem>>
      %dma_start3A_938 = tpu.memref_slice %arg4[%mul3A_925, %add3A_928] : memref<200x16384xi32, #tpu.memory_space<hbm>> -> memref<40x128xi32, #tpu.memory_space<hbm>>
      %dma_start3A_939 = arith.constant 0 : i32
      %dma_start3A_940 = arith.constant 0 : i32
      %dma_start3A_941 = tpu.memref_slice %arg7[%dma_start3A_929, %dma_start3A_939, %dma_start3A_940] : memref<4x40x128xi32, #tpu.memory_space<vmem>> -> memref<1x40x128xi32, #tpu.memory_space<vmem>>
      %dma_start3A_942 = tpu.memref_squeeze %dma_start3A_941 : memref<1x40x128xi32, #tpu.memory_space<vmem>> -> memref<40x128xi32, #tpu.memory_space<vmem>>
      tpu.enqueue_dma source(%dma_start3A_942 : memref<40x128xi32, #tpu.memory_space<vmem>>) target(%dma_start3A_938 : memref<40x128xi32, #tpu.memory_space<hbm>>) target_semaphore(%dma_start3A_937 : memref<!tpu.dma_semaphore, #tpu.memory_space<semaphore_mem>>)
      %add3A_943 = arith.constant 4 : i32
      %add3A_944 = arith.addi %add3A_760, %add3A_943 : i32
      %lt3A_945 = arith.constant 20 : i32
      %lt3A_946 = arith.cmpi slt, %add3A_944, %lt3A_945 : i32
      %convert_element_type3A_947 = arith.extui %lt3A_946 : i1 to i32
      %cond3A_948 = arith.constant 0 : i32
      %cond3A_949 = arith.cmpi ne, %convert_element_type3A_947, %cond3A_948 : i32
      scf.if %cond3A_949 {
        %add3A_1141 = arith.constant 4 : i32
        %add3A_1142 = arith.addi %add3A_760, %add3A_1141 : i32
        %jit3A_1143 = arith.constant 5 : i32
        %div3A_1144 = arith.divsi %add3A_1142, %jit3A_1143 : i32
        %sign3A_1145 = arith.constant 0 : i32
        %sign3A_1146 = arith.cmpi sgt, %add3A_1142, %sign3A_1145 : i32
        %sign3A_1147 = arith.extui %sign3A_1146 : i1 to i32
        %sign3A_1148 = arith.constant 0 : i32
        %sign3A_1149 = arith.cmpi slt, %add3A_1142, %sign3A_1148 : i32
        %sign3A_1150 = arith.extui %sign3A_1149 : i1 to i32
        %sign3A_1151 = arith.subi %sign3A_1147, %sign3A_1150 : i32
        %sign3A_1152 = arith.constant 0 : i32
        %sign3A_1153 = arith.cmpi sgt, %jit3A_1143, %sign3A_1152 : i32
        %sign3A_1154 = arith.extui %sign3A_1153 : i1 to i32
        %sign3A_1155 = arith.constant 0 : i32
        %sign3A_1156 = arith.cmpi slt, %jit3A_1143, %sign3A_1155 : i32
        %sign3A_1157 = arith.extui %sign3A_1156 : i1 to i32
        %sign3A_1158 = arith.subi %sign3A_1154, %sign3A_1157 : i32
        %ne3A_1159 = arith.cmpi ne, %sign3A_1151, %sign3A_1158 : i32
        %rem3A_1160 = arith.remsi %add3A_1142, %jit3A_1143 : i32
        %ne3A_1161 = arith.constant 0 : i32
        %ne3A_1162 = arith.cmpi ne, %rem3A_1160, %ne3A_1161 : i32
        %and3A_1163 = arith.andi %ne3A_1159, %ne3A_1162 : i1
        %sub3A_1164 = arith.constant 1 : i32
        %sub3A_1165 = arith.subi %div3A_1144, %sub3A_1164 : i32
        %select_n3A_1166 = arith.select %and3A_1163, %sub3A_1165, %div3A_1144 : i32
        %jit3A_1167 = arith.constant 5 : i32
        %eq3A_1168 = arith.constant 0 : i32
        %eq3A_1169 = arith.cmpi eq, %jit3A_1167, %eq3A_1168 : i32
        %jit3A_1170 = arith.constant 1 : i32
        %select_n3A_1171 = arith.select %eq3A_1169, %jit3A_1170, %jit3A_1167 : i32
        %rem3A_1172 = arith.remsi %add3A_1142, %select_n3A_1171 : i32
        %ne3A_1173 = arith.constant 0 : i32
        %ne3A_1174 = arith.cmpi ne, %rem3A_1172, %ne3A_1173 : i32
        %lt3A_1175 = arith.constant 0 : i32
        %lt3A_1176 = arith.cmpi slt, %rem3A_1172, %lt3A_1175 : i32
        %lt3A_1177 = arith.constant 0 : i32
        %lt3A_1178 = arith.cmpi slt, %select_n3A_1171, %lt3A_1177 : i32
        %ne3A_1179 = arith.xori %lt3A_1176, %lt3A_1178 : i1
        %and3A_1180 = arith.andi %ne3A_1179, %ne3A_1174 : i1
        %add3A_1181 = arith.addi %rem3A_1172, %select_n3A_1171 : i32
        %select_n3A_1182 = arith.select %and3A_1180, %add3A_1181, %rem3A_1172 : i32
        %mul3A_1183 = arith.constant 40 : i32
        %mul3A_1184 = arith.muli %select_n3A_1182, %mul3A_1183 : i32
        %mul3A_1185 = arith.constant 128 : i32
        %mul3A_1186 = arith.muli %select_n3A_1166, %mul3A_1185 : i32
        %add3A_1187 = arith.addi %mul3A_2, %mul3A_1186 : i32
        %dma_start3A_1188 = arith.constant 2 : i32
        %dma_start3A_1189 = arith.constant 2 : i32
        %dma_start3A_1190 = arith.constant 0 : i32
        %dma_start3A_1191 = arith.constant 0 : i32
        %dma_start3A_1192 = tpu.memref_slice %arg6[%dma_start3A_1188, %dma_start3A_1190, %dma_start3A_1191] : memref<4x40x128xi32, #tpu.memory_space<vmem>> -> memref<1x40x128xi32, #tpu.memory_space<vmem>>
        %dma_start3A_1193 = tpu.memref_squeeze %dma_start3A_1192 : memref<1x40x128xi32, #tpu.memory_space<vmem>> -> memref<40x128xi32, #tpu.memory_space<vmem>>
        %dma_start3A_1194 = tpu.memref_slice %arg2[%mul3A_1184, %add3A_1187] : memref<200x16384xi32, #tpu.memory_space<hbm>> -> memref<40x128xi32, #tpu.memory_space<hbm>>
        %dma_start3A_1195 = tpu.memref_slice %arg8[%dma_start3A_1189] : memref<4x!tpu.dma_semaphore, #tpu.memory_space<semaphore_mem>> -> memref<1x!tpu.dma_semaphore, #tpu.memory_space<semaphore_mem>>
        %dma_start3A_1196 = tpu.memref_squeeze %dma_start3A_1195 : memref<1x!tpu.dma_semaphore, #tpu.memory_space<semaphore_mem>> -> memref<!tpu.dma_semaphore, #tpu.memory_space<semaphore_mem>>
        %dma_start3A_1197 = arith.constant 0 : i32
        %dma_start3A_1198 = arith.constant 0 : i32
        %dma_start3A_1199 = tpu.memref_slice %arg6[%dma_start3A_1188, %dma_start3A_1197, %dma_start3A_1198] : memref<4x40x128xi32, #tpu.memory_space<vmem>> -> memref<1x40x128xi32, #tpu.memory_space<vmem>>
        %dma_start3A_1200 = tpu.memref_squeeze %dma_start3A_1199 : memref<1x40x128xi32, #tpu.memory_space<vmem>> -> memref<40x128xi32, #tpu.memory_space<vmem>>
        %dma_start3A_1201 = tpu.memref_slice %arg2[%mul3A_1184, %add3A_1187] : memref<200x16384xi32, #tpu.memory_space<hbm>> -> memref<40x128xi32, #tpu.memory_space<hbm>>
        tpu.enqueue_dma source(%dma_start3A_1201 : memref<40x128xi32, #tpu.memory_space<hbm>>) target(%dma_start3A_1200 : memref<40x128xi32, #tpu.memory_space<vmem>>) target_semaphore(%dma_start3A_1196 : memref<!tpu.dma_semaphore, #tpu.memory_space<semaphore_mem>>)
      } else {
      }
      %add3A_950 = arith.constant 3 : i32
      %add3A_951 = arith.addi %add3A_388, %add3A_950 : i32
      %jit3A_952 = arith.constant 5 : i32
      %div3A_953 = arith.divsi %add3A_951, %jit3A_952 : i32
      %sign3A_954 = arith.constant 0 : i32
      %sign3A_955 = arith.cmpi sgt, %add3A_951, %sign3A_954 : i32
      %sign3A_956 = arith.extui %sign3A_955 : i1 to i32
      %sign3A_957 = arith.constant 0 : i32
      %sign3A_958 = arith.cmpi slt, %add3A_951, %sign3A_957 : i32
      %sign3A_959 = arith.extui %sign3A_958 : i1 to i32
      %sign3A_960 = arith.subi %sign3A_956, %sign3A_959 : i32
      %sign3A_961 = arith.constant 0 : i32
      %sign3A_962 = arith.cmpi sgt, %jit3A_952, %sign3A_961 : i32
      %sign3A_963 = arith.extui %sign3A_962 : i1 to i32
      %sign3A_964 = arith.constant 0 : i32
      %sign3A_965 = arith.cmpi slt, %jit3A_952, %sign3A_964 : i32
      %sign3A_966 = arith.extui %sign3A_965 : i1 to i32
      %sign3A_967 = arith.subi %sign3A_963, %sign3A_966 : i32
      %ne3A_968 = arith.cmpi ne, %sign3A_960, %sign3A_967 : i32
      %rem3A_969 = arith.remsi %add3A_951, %jit3A_952 : i32
      %ne3A_970 = arith.constant 0 : i32
      %ne3A_971 = arith.cmpi ne, %rem3A_969, %ne3A_970 : i32
      %and3A_972 = arith.andi %ne3A_968, %ne3A_971 : i1
      %sub3A_973 = arith.constant 1 : i32
      %sub3A_974 = arith.subi %div3A_953, %sub3A_973 : i32
      %select_n3A_975 = arith.select %and3A_972, %sub3A_974, %div3A_953 : i32
      %jit3A_976 = arith.constant 5 : i32
      %eq3A_977 = arith.constant 0 : i32
      %eq3A_978 = arith.cmpi eq, %jit3A_976, %eq3A_977 : i32
      %jit3A_979 = arith.constant 1 : i32
      %select_n3A_980 = arith.select %eq3A_978, %jit3A_979, %jit3A_976 : i32
      %rem3A_981 = arith.remsi %add3A_951, %select_n3A_980 : i32
      %ne3A_982 = arith.constant 0 : i32
      %ne3A_983 = arith.cmpi ne, %rem3A_981, %ne3A_982 : i32
      %lt3A_984 = arith.constant 0 : i32
      %lt3A_985 = arith.cmpi slt, %rem3A_981, %lt3A_984 : i32
      %lt3A_986 = arith.constant 0 : i32
      %lt3A_987 = arith.cmpi slt, %select_n3A_980, %lt3A_986 : i32
      %ne3A_988 = arith.xori %lt3A_985, %lt3A_987 : i1
      %and3A_989 = arith.andi %ne3A_988, %ne3A_983 : i1
      %add3A_990 = arith.addi %rem3A_981, %select_n3A_980 : i32
      %select_n3A_991 = arith.select %and3A_989, %add3A_990, %rem3A_981 : i32
      %mul3A_992 = arith.constant 40 : i32
      %mul3A_993 = arith.muli %select_n3A_991, %mul3A_992 : i32
      %mul3A_994 = arith.constant 128 : i32
      %mul3A_995 = arith.muli %select_n3A_975, %mul3A_994 : i32
      %add3A_996 = arith.addi %mul3A_2, %mul3A_995 : i32
      %dma_wait3A_997 = arith.constant 3 : i32
      %dma_wait3A_998 = arith.constant 3 : i32
      %dma_wait3A_999 = arith.constant 0 : i32
      %dma_wait3A_1000 = arith.constant 0 : i32
      %dma_wait3A_1001 = tpu.memref_slice %arg6[%dma_wait3A_997, %dma_wait3A_999, %dma_wait3A_1000] : memref<4x40x128xi32, #tpu.memory_space<vmem>> -> memref<1x40x128xi32, #tpu.memory_space<vmem>>
      %dma_wait3A_1002 = tpu.memref_squeeze %dma_wait3A_1001 : memref<1x40x128xi32, #tpu.memory_space<vmem>> -> memref<40x128xi32, #tpu.memory_space<vmem>>
      %dma_wait3A_1003 = tpu.memref_slice %arg2[%mul3A_993, %add3A_996] : memref<200x16384xi32, #tpu.memory_space<hbm>> -> memref<40x128xi32, #tpu.memory_space<hbm>>
      %dma_wait3A_1004 = tpu.memref_slice %arg8[%dma_wait3A_998] : memref<4x!tpu.dma_semaphore, #tpu.memory_space<semaphore_mem>> -> memref<1x!tpu.dma_semaphore, #tpu.memory_space<semaphore_mem>>
      %dma_wait3A_1005 = tpu.memref_squeeze %dma_wait3A_1004 : memref<1x!tpu.dma_semaphore, #tpu.memory_space<semaphore_mem>> -> memref<!tpu.dma_semaphore, #tpu.memory_space<semaphore_mem>>
      %dma_wait3A_1006 = arith.constant 0 : i32
      %dma_wait3A_1007 = arith.constant 0 : i32
      %dma_wait3A_1008 = tpu.memref_slice %arg6[%dma_wait3A_997, %dma_wait3A_1006, %dma_wait3A_1007] : memref<4x40x128xi32, #tpu.memory_space<vmem>> -> memref<1x40x128xi32, #tpu.memory_space<vmem>>
      %dma_wait3A_1009 = tpu.memref_squeeze %dma_wait3A_1008 : memref<1x40x128xi32, #tpu.memory_space<vmem>> -> memref<40x128xi32, #tpu.memory_space<vmem>>
      %dma_wait3A_1010 = tpu.memref_slice %arg2[%mul3A_993, %add3A_996] : memref<200x16384xi32, #tpu.memory_space<hbm>> -> memref<40x128xi32, #tpu.memory_space<hbm>>
      tpu.wait_dma2 semaphore(%dma_wait3A_1005 : memref<!tpu.dma_semaphore, #tpu.memory_space<semaphore_mem>>) src(%dma_wait3A_1010 : memref<40x128xi32, #tpu.memory_space<hbm>>) dst(%dma_wait3A_1009 : memref<40x128xi32, #tpu.memory_space<vmem>>)
      %jit3A_1011 = arith.constant 5 : i32
      %div3A_1012 = arith.divsi %add3A_951, %jit3A_1011 : i32
      %sign3A_1013 = arith.constant 0 : i32
      %sign3A_1014 = arith.cmpi sgt, %add3A_951, %sign3A_1013 : i32
      %sign3A_1015 = arith.extui %sign3A_1014 : i1 to i32
      %sign3A_1016 = arith.constant 0 : i32
      %sign3A_1017 = arith.cmpi slt, %add3A_951, %sign3A_1016 : i32
      %sign3A_1018 = arith.extui %sign3A_1017 : i1 to i32
      %sign3A_1019 = arith.subi %sign3A_1015, %sign3A_1018 : i32
      %sign3A_1020 = arith.constant 0 : i32
      %sign3A_1021 = arith.cmpi sgt, %jit3A_1011, %sign3A_1020 : i32
      %sign3A_1022 = arith.extui %sign3A_1021 : i1 to i32
      %sign3A_1023 = arith.constant 0 : i32
      %sign3A_1024 = arith.cmpi slt, %jit3A_1011, %sign3A_1023 : i32
      %sign3A_1025 = arith.extui %sign3A_1024 : i1 to i32
      %sign3A_1026 = arith.subi %sign3A_1022, %sign3A_1025 : i32
      %ne3A_1027 = arith.cmpi ne, %sign3A_1019, %sign3A_1026 : i32
      %rem3A_1028 = arith.remsi %add3A_951, %jit3A_1011 : i32
      %ne3A_1029 = arith.constant 0 : i32
      %ne3A_1030 = arith.cmpi ne, %rem3A_1028, %ne3A_1029 : i32
      %and3A_1031 = arith.andi %ne3A_1027, %ne3A_1030 : i1
      %sub3A_1032 = arith.constant 1 : i32
      %sub3A_1033 = arith.subi %div3A_1012, %sub3A_1032 : i32
      %select_n3A_1034 = arith.select %and3A_1031, %sub3A_1033, %div3A_1012 : i32
      %jit3A_1035 = arith.constant 5 : i32
      %eq3A_1036 = arith.constant 0 : i32
      %eq3A_1037 = arith.cmpi eq, %jit3A_1035, %eq3A_1036 : i32
      %jit3A_1038 = arith.constant 1 : i32
      %select_n3A_1039 = arith.select %eq3A_1037, %jit3A_1038, %jit3A_1035 : i32
      %rem3A_1040 = arith.remsi %add3A_951, %select_n3A_1039 : i32
      %ne3A_1041 = arith.constant 0 : i32
      %ne3A_1042 = arith.cmpi ne, %rem3A_1040, %ne3A_1041 : i32
      %lt3A_1043 = arith.constant 0 : i32
      %lt3A_1044 = arith.cmpi slt, %rem3A_1040, %lt3A_1043 : i32
      %lt3A_1045 = arith.constant 0 : i32
      %lt3A_1046 = arith.cmpi slt, %select_n3A_1039, %lt3A_1045 : i32
      %ne3A_1047 = arith.xori %lt3A_1044, %lt3A_1046 : i1
      %and3A_1048 = arith.andi %ne3A_1047, %ne3A_1042 : i1
      %add3A_1049 = arith.addi %rem3A_1040, %select_n3A_1039 : i32
      %select_n3A_1050 = arith.select %and3A_1048, %add3A_1049, %rem3A_1040 : i32
      %mul3A_1051 = arith.constant 40 : i32
      %mul3A_1052 = arith.muli %select_n3A_1050, %mul3A_1051 : i32
      %mul3A_1053 = arith.constant 128 : i32
      %mul3A_1054 = arith.muli %select_n3A_1034, %mul3A_1053 : i32
      %add3A_1055 = arith.addi %mul3A_2, %mul3A_1054 : i32
      %dma_wait3A_1056 = arith.constant 3 : i32
      %dma_wait3A_1057 = arith.constant 3 : i32
      %dma_wait3A_1058 = arith.constant 0 : i32
      %dma_wait3A_1059 = arith.constant 0 : i32
      %dma_wait3A_1060 = tpu.memref_slice %arg7[%dma_wait3A_1056, %dma_wait3A_1058, %dma_wait3A_1059] : memref<4x40x128xi32, #tpu.memory_space<vmem>> -> memref<1x40x128xi32, #tpu.memory_space<vmem>>
      %dma_wait3A_1061 = tpu.memref_squeeze %dma_wait3A_1060 : memref<1x40x128xi32, #tpu.memory_space<vmem>> -> memref<40x128xi32, #tpu.memory_space<vmem>>
      %dma_wait3A_1062 = tpu.memref_slice %arg4[%mul3A_1052, %add3A_1055] : memref<200x16384xi32, #tpu.memory_space<hbm>> -> memref<40x128xi32, #tpu.memory_space<hbm>>
      %dma_wait3A_1063 = tpu.memref_slice %arg9[%dma_wait3A_1057] : memref<4x!tpu.dma_semaphore, #tpu.memory_space<semaphore_mem>> -> memref<1x!tpu.dma_semaphore, #tpu.memory_space<semaphore_mem>>
      %dma_wait3A_1064 = tpu.memref_squeeze %dma_wait3A_1063 : memref<1x!tpu.dma_semaphore, #tpu.memory_space<semaphore_mem>> -> memref<!tpu.dma_semaphore, #tpu.memory_space<semaphore_mem>>
      %dma_wait3A_1065 = tpu.memref_slice %arg4[%mul3A_1052, %add3A_1055] : memref<200x16384xi32, #tpu.memory_space<hbm>> -> memref<40x128xi32, #tpu.memory_space<hbm>>
      %dma_wait3A_1066 = arith.constant 0 : i32
      %dma_wait3A_1067 = arith.constant 0 : i32
      %dma_wait3A_1068 = tpu.memref_slice %arg7[%dma_wait3A_1056, %dma_wait3A_1066, %dma_wait3A_1067] : memref<4x40x128xi32, #tpu.memory_space<vmem>> -> memref<1x40x128xi32, #tpu.memory_space<vmem>>
      %dma_wait3A_1069 = tpu.memref_squeeze %dma_wait3A_1068 : memref<1x40x128xi32, #tpu.memory_space<vmem>> -> memref<40x128xi32, #tpu.memory_space<vmem>>
      tpu.wait_dma2 semaphore(%dma_wait3A_1064 : memref<!tpu.dma_semaphore, #tpu.memory_space<semaphore_mem>>) src(%dma_wait3A_1069 : memref<40x128xi32, #tpu.memory_space<vmem>>) dst(%dma_wait3A_1065 : memref<40x128xi32, #tpu.memory_space<hbm>>)
      %parallel_loop3A_1070 = arith.constant 0 : i32
      %parallel_loop3A_1071 = arith.constant 40 : i32
      %parallel_loop3A_1072 = arith.constant 1 : i32
      %parallel_loop3A_1073 = arith.constant 3 : i32
      %parallel_loop3A_1074 = arith.constant 3 : i32
      scf.for %parallel_loop3A_1141 = %parallel_loop3A_1070 to %parallel_loop3A_1071 step %parallel_loop3A_1072  : i32 {
        %parallel_loop3A_1142 = arith.constant 0 : i32
        %parallel_loop3A_1143 = arith.constant 0 : i32
        %parallel_loop3A_1144 = tpu.memref_slice %arg6[%parallel_loop3A_1073, %parallel_loop3A_1142, %parallel_loop3A_1143] : memref<4x40x128xi32, #tpu.memory_space<vmem>> -> memref<1x40x128xi32, #tpu.memory_space<vmem>>
        %parallel_loop3A_1145 = tpu.memref_squeeze %parallel_loop3A_1144 : memref<1x40x128xi32, #tpu.memory_space<vmem>> -> memref<40x128xi32, #tpu.memory_space<vmem>>
        %parallel_loop3A_1146 = arith.index_cast %parallel_loop3A_1141 : i32 to index
        %parallel_loop3A_1147 = arith.constant 0 : index
        %parallel_loop3A_1148 = tpu.vector_load %parallel_loop3A_1145[%parallel_loop3A_1146, %parallel_loop3A_1147] {strides = array<i32>} : memref<40x128xi32, #tpu.memory_space<vmem>>, vector<16xi32>,
        %parallel_loop3A_1149 = tpu.vector_load_idx %arg5[%parallel_loop3A_1148] : memref<93xi32, #tpu.memory_space<vmem>>[vector<16xi32>], vector<16xi32>,
        %parallel_loop3A_1150 = arith.constant 0 : i32
        %parallel_loop3A_1151 = arith.constant 0 : i32
        %parallel_loop3A_1152 = tpu.memref_slice %arg7[%parallel_loop3A_1074, %parallel_loop3A_1150, %parallel_loop3A_1151] : memref<4x40x128xi32, #tpu.memory_space<vmem>> -> memref<1x40x128xi32, #tpu.memory_space<vmem>>
        %parallel_loop3A_1153 = tpu.memref_squeeze %parallel_loop3A_1152 : memref<1x40x128xi32, #tpu.memory_space<vmem>> -> memref<40x128xi32, #tpu.memory_space<vmem>>
        %parallel_loop3A_1154 = arith.index_cast %parallel_loop3A_1141 : i32 to index
        %parallel_loop3A_1155 = arith.constant 0 : index
        %parallel_loop3A_1156 = tpu.vector_load %parallel_loop3A_1153[%parallel_loop3A_1154, %parallel_loop3A_1155] {strides = array<i32>} : memref<40x128xi32, #tpu.memory_space<vmem>>, vector<16xi32>,
        tpu.vector_store %parallel_loop3A_1153[%parallel_loop3A_1154, %parallel_loop3A_1155], %parallel_loop3A_1149 {strides = array<i32>} : memref<40x128xi32, #tpu.memory_space<vmem>>, vector<16xi32>,
        %parallel_loop3A_1157 = arith.constant 0 : i32
        %parallel_loop3A_1158 = arith.constant 0 : i32
        %parallel_loop3A_1159 = tpu.memref_slice %arg6[%parallel_loop3A_1073, %parallel_loop3A_1157, %parallel_loop3A_1158] : memref<4x40x128xi32, #tpu.memory_space<vmem>> -> memref<1x40x128xi32, #tpu.memory_space<vmem>>
        %parallel_loop3A_1160 = tpu.memref_squeeze %parallel_loop3A_1159 : memref<1x40x128xi32, #tpu.memory_space<vmem>> -> memref<40x128xi32, #tpu.memory_space<vmem>>
        %parallel_loop3A_1161 = arith.index_cast %parallel_loop3A_1141 : i32 to index
        %parallel_loop3A_1162 = arith.constant 16 : index
        %parallel_loop3A_1163 = tpu.vector_load %parallel_loop3A_1160[%parallel_loop3A_1161, %parallel_loop3A_1162] {strides = array<i32>} : memref<40x128xi32, #tpu.memory_space<vmem>>, vector<16xi32>,
        %parallel_loop3A_1164 = tpu.vector_load_idx %arg5[%parallel_loop3A_1163] : memref<93xi32, #tpu.memory_space<vmem>>[vector<16xi32>], vector<16xi32>,
        %parallel_loop3A_1165 = arith.constant 0 : i32
        %parallel_loop3A_1166 = arith.constant 0 : i32
        %parallel_loop3A_1167 = tpu.memref_slice %arg7[%parallel_loop3A_1074, %parallel_loop3A_1165, %parallel_loop3A_1166] : memref<4x40x128xi32, #tpu.memory_space<vmem>> -> memref<1x40x128xi32, #tpu.memory_space<vmem>>
        %parallel_loop3A_1168 = tpu.memref_squeeze %parallel_loop3A_1167 : memref<1x40x128xi32, #tpu.memory_space<vmem>> -> memref<40x128xi32, #tpu.memory_space<vmem>>
        %parallel_loop3A_1169 = arith.index_cast %parallel_loop3A_1141 : i32 to index
        %parallel_loop3A_1170 = arith.constant 16 : index
        %parallel_loop3A_1171 = tpu.vector_load %parallel_loop3A_1168[%parallel_loop3A_1169, %parallel_loop3A_1170] {strides = array<i32>} : memref<40x128xi32, #tpu.memory_space<vmem>>, vector<16xi32>,
        tpu.vector_store %parallel_loop3A_1168[%parallel_loop3A_1169, %parallel_loop3A_1170], %parallel_loop3A_1164 {strides = array<i32>} : memref<40x128xi32, #tpu.memory_space<vmem>>, vector<16xi32>,
        %parallel_loop3A_1172 = arith.constant 0 : i32
        %parallel_loop3A_1173 = arith.constant 0 : i32
        %parallel_loop3A_1174 = tpu.memref_slice %arg6[%parallel_loop3A_1073, %parallel_loop3A_1172, %parallel_loop3A_1173] : memref<4x40x128xi32, #tpu.memory_space<vmem>> -> memref<1x40x128xi32, #tpu.memory_space<vmem>>
        %parallel_loop3A_1175 = tpu.memref_squeeze %parallel_loop3A_1174 : memref<1x40x128xi32, #tpu.memory_space<vmem>> -> memref<40x128xi32, #tpu.memory_space<vmem>>
        %parallel_loop3A_1176 = arith.index_cast %parallel_loop3A_1141 : i32 to index
        %parallel_loop3A_1177 = arith.constant 32 : index
        %parallel_loop3A_1178 = tpu.vector_load %parallel_loop3A_1175[%parallel_loop3A_1176, %parallel_loop3A_1177] {strides = array<i32>} : memref<40x128xi32, #tpu.memory_space<vmem>>, vector<16xi32>,
        %parallel_loop3A_1179 = tpu.vector_load_idx %arg5[%parallel_loop3A_1178] : memref<93xi32, #tpu.memory_space<vmem>>[vector<16xi32>], vector<16xi32>,
        %parallel_loop3A_1180 = arith.constant 0 : i32
        %parallel_loop3A_1181 = arith.constant 0 : i32
        %parallel_loop3A_1182 = tpu.memref_slice %arg7[%parallel_loop3A_1074, %parallel_loop3A_1180, %parallel_loop3A_1181] : memref<4x40x128xi32, #tpu.memory_space<vmem>> -> memref<1x40x128xi32, #tpu.memory_space<vmem>>
        %parallel_loop3A_1183 = tpu.memref_squeeze %parallel_loop3A_1182 : memref<1x40x128xi32, #tpu.memory_space<vmem>> -> memref<40x128xi32, #tpu.memory_space<vmem>>
        %parallel_loop3A_1184 = arith.index_cast %parallel_loop3A_1141 : i32 to index
        %parallel_loop3A_1185 = arith.constant 32 : index
        %parallel_loop3A_1186 = tpu.vector_load %parallel_loop3A_1183[%parallel_loop3A_1184, %parallel_loop3A_1185] {strides = array<i32>} : memref<40x128xi32, #tpu.memory_space<vmem>>, vector<16xi32>,
        tpu.vector_store %parallel_loop3A_1183[%parallel_loop3A_1184, %parallel_loop3A_1185], %parallel_loop3A_1179 {strides = array<i32>} : memref<40x128xi32, #tpu.memory_space<vmem>>, vector<16xi32>,
        %parallel_loop3A_1187 = arith.constant 0 : i32
        %parallel_loop3A_1188 = arith.constant 0 : i32
        %parallel_loop3A_1189 = tpu.memref_slice %arg6[%parallel_loop3A_1073, %parallel_loop3A_1187, %parallel_loop3A_1188] : memref<4x40x128xi32, #tpu.memory_space<vmem>> -> memref<1x40x128xi32, #tpu.memory_space<vmem>>
        %parallel_loop3A_1190 = tpu.memref_squeeze %parallel_loop3A_1189 : memref<1x40x128xi32, #tpu.memory_space<vmem>> -> memref<40x128xi32, #tpu.memory_space<vmem>>
        %parallel_loop3A_1191 = arith.index_cast %parallel_loop3A_1141 : i32 to index
        %parallel_loop3A_1192 = arith.constant 48 : index
        %parallel_loop3A_1193 = tpu.vector_load %parallel_loop3A_1190[%parallel_loop3A_1191, %parallel_loop3A_1192] {strides = array<i32>} : memref<40x128xi32, #tpu.memory_space<vmem>>, vector<16xi32>,
        %parallel_loop3A_1194 = tpu.vector_load_idx %arg5[%parallel_loop3A_1193] : memref<93xi32, #tpu.memory_space<vmem>>[vector<16xi32>], vector<16xi32>,
        %parallel_loop3A_1195 = arith.constant 0 : i32
        %parallel_loop3A_1196 = arith.constant 0 : i32
        %parallel_loop3A_1197 = tpu.memref_slice %arg7[%parallel_loop3A_1074, %parallel_loop3A_1195, %parallel_loop3A_1196] : memref<4x40x128xi32, #tpu.memory_space<vmem>> -> memref<1x40x128xi32, #tpu.memory_space<vmem>>
        %parallel_loop3A_1198 = tpu.memref_squeeze %parallel_loop3A_1197 : memref<1x40x128xi32, #tpu.memory_space<vmem>> -> memref<40x128xi32, #tpu.memory_space<vmem>>
        %parallel_loop3A_1199 = arith.index_cast %parallel_loop3A_1141 : i32 to index
        %parallel_loop3A_1200 = arith.constant 48 : index
        %parallel_loop3A_1201 = tpu.vector_load %parallel_loop3A_1198[%parallel_loop3A_1199, %parallel_loop3A_1200] {strides = array<i32>} : memref<40x128xi32, #tpu.memory_space<vmem>>, vector<16xi32>,
        tpu.vector_store %parallel_loop3A_1198[%parallel_loop3A_1199, %parallel_loop3A_1200], %parallel_loop3A_1194 {strides = array<i32>} : memref<40x128xi32, #tpu.memory_space<vmem>>, vector<16xi32>,
        %parallel_loop3A_1202 = arith.constant 0 : i32
        %parallel_loop3A_1203 = arith.constant 0 : i32
        %parallel_loop3A_1204 = tpu.memref_slice %arg6[%parallel_loop3A_1073, %parallel_loop3A_1202, %parallel_loop3A_1203] : memref<4x40x128xi32, #tpu.memory_space<vmem>> -> memref<1x40x128xi32, #tpu.memory_space<vmem>>
        %parallel_loop3A_1205 = tpu.memref_squeeze %parallel_loop3A_1204 : memref<1x40x128xi32, #tpu.memory_space<vmem>> -> memref<40x128xi32, #tpu.memory_space<vmem>>
        %parallel_loop3A_1206 = arith.index_cast %parallel_loop3A_1141 : i32 to index
        %parallel_loop3A_1207 = arith.constant 64 : index
        %parallel_loop3A_1208 = tpu.vector_load %parallel_loop3A_1205[%parallel_loop3A_1206, %parallel_loop3A_1207] {strides = array<i32>} : memref<40x128xi32, #tpu.memory_space<vmem>>, vector<16xi32>,
        %parallel_loop3A_1209 = tpu.vector_load_idx %arg5[%parallel_loop3A_1208] : memref<93xi32, #tpu.memory_space<vmem>>[vector<16xi32>], vector<16xi32>,
        %parallel_loop3A_1210 = arith.constant 0 : i32
        %parallel_loop3A_1211 = arith.constant 0 : i32
        %parallel_loop3A_1212 = tpu.memref_slice %arg7[%parallel_loop3A_1074, %parallel_loop3A_1210, %parallel_loop3A_1211] : memref<4x40x128xi32, #tpu.memory_space<vmem>> -> memref<1x40x128xi32, #tpu.memory_space<vmem>>
        %parallel_loop3A_1213 = tpu.memref_squeeze %parallel_loop3A_1212 : memref<1x40x128xi32, #tpu.memory_space<vmem>> -> memref<40x128xi32, #tpu.memory_space<vmem>>
        %parallel_loop3A_1214 = arith.index_cast %parallel_loop3A_1141 : i32 to index
        %parallel_loop3A_1215 = arith.constant 64 : index
        %parallel_loop3A_1216 = tpu.vector_load %parallel_loop3A_1213[%parallel_loop3A_1214, %parallel_loop3A_1215] {strides = array<i32>} : memref<40x128xi32, #tpu.memory_space<vmem>>, vector<16xi32>,
        tpu.vector_store %parallel_loop3A_1213[%parallel_loop3A_1214, %parallel_loop3A_1215], %parallel_loop3A_1209 {strides = array<i32>} : memref<40x128xi32, #tpu.memory_space<vmem>>, vector<16xi32>,
        %parallel_loop3A_1217 = arith.constant 0 : i32
        %parallel_loop3A_1218 = arith.constant 0 : i32
        %parallel_loop3A_1219 = tpu.memref_slice %arg6[%parallel_loop3A_1073, %parallel_loop3A_1217, %parallel_loop3A_1218] : memref<4x40x128xi32, #tpu.memory_space<vmem>> -> memref<1x40x128xi32, #tpu.memory_space<vmem>>
        %parallel_loop3A_1220 = tpu.memref_squeeze %parallel_loop3A_1219 : memref<1x40x128xi32, #tpu.memory_space<vmem>> -> memref<40x128xi32, #tpu.memory_space<vmem>>
        %parallel_loop3A_1221 = arith.index_cast %parallel_loop3A_1141 : i32 to index
        %parallel_loop3A_1222 = arith.constant 80 : index
        %parallel_loop3A_1223 = tpu.vector_load %parallel_loop3A_1220[%parallel_loop3A_1221, %parallel_loop3A_1222] {strides = array<i32>} : memref<40x128xi32, #tpu.memory_space<vmem>>, vector<16xi32>,
        %parallel_loop3A_1224 = tpu.vector_load_idx %arg5[%parallel_loop3A_1223] : memref<93xi32, #tpu.memory_space<vmem>>[vector<16xi32>], vector<16xi32>,
        %parallel_loop3A_1225 = arith.constant 0 : i32
        %parallel_loop3A_1226 = arith.constant 0 : i32
        %parallel_loop3A_1227 = tpu.memref_slice %arg7[%parallel_loop3A_1074, %parallel_loop3A_1225, %parallel_loop3A_1226] : memref<4x40x128xi32, #tpu.memory_space<vmem>> -> memref<1x40x128xi32, #tpu.memory_space<vmem>>
        %parallel_loop3A_1228 = tpu.memref_squeeze %parallel_loop3A_1227 : memref<1x40x128xi32, #tpu.memory_space<vmem>> -> memref<40x128xi32, #tpu.memory_space<vmem>>
        %parallel_loop3A_1229 = arith.index_cast %parallel_loop3A_1141 : i32 to index
        %parallel_loop3A_1230 = arith.constant 80 : index
        %parallel_loop3A_1231 = tpu.vector_load %parallel_loop3A_1228[%parallel_loop3A_1229, %parallel_loop3A_1230] {strides = array<i32>} : memref<40x128xi32, #tpu.memory_space<vmem>>, vector<16xi32>,
        tpu.vector_store %parallel_loop3A_1228[%parallel_loop3A_1229, %parallel_loop3A_1230], %parallel_loop3A_1224 {strides = array<i32>} : memref<40x128xi32, #tpu.memory_space<vmem>>, vector<16xi32>,
        %parallel_loop3A_1232 = arith.constant 0 : i32
        %parallel_loop3A_1233 = arith.constant 0 : i32
        %parallel_loop3A_1234 = tpu.memref_slice %arg6[%parallel_loop3A_1073, %parallel_loop3A_1232, %parallel_loop3A_1233] : memref<4x40x128xi32, #tpu.memory_space<vmem>> -> memref<1x40x128xi32, #tpu.memory_space<vmem>>
        %parallel_loop3A_1235 = tpu.memref_squeeze %parallel_loop3A_1234 : memref<1x40x128xi32, #tpu.memory_space<vmem>> -> memref<40x128xi32, #tpu.memory_space<vmem>>
        %parallel_loop3A_1236 = arith.index_cast %parallel_loop3A_1141 : i32 to index
        %parallel_loop3A_1237 = arith.constant 96 : index
        %parallel_loop3A_1238 = tpu.vector_load %parallel_loop3A_1235[%parallel_loop3A_1236, %parallel_loop3A_1237] {strides = array<i32>} : memref<40x128xi32, #tpu.memory_space<vmem>>, vector<16xi32>,
        %parallel_loop3A_1239 = tpu.vector_load_idx %arg5[%parallel_loop3A_1238] : memref<93xi32, #tpu.memory_space<vmem>>[vector<16xi32>], vector<16xi32>,
        %parallel_loop3A_1240 = arith.constant 0 : i32
        %parallel_loop3A_1241 = arith.constant 0 : i32
        %parallel_loop3A_1242 = tpu.memref_slice %arg7[%parallel_loop3A_1074, %parallel_loop3A_1240, %parallel_loop3A_1241] : memref<4x40x128xi32, #tpu.memory_space<vmem>> -> memref<1x40x128xi32, #tpu.memory_space<vmem>>
        %parallel_loop3A_1243 = tpu.memref_squeeze %parallel_loop3A_1242 : memref<1x40x128xi32, #tpu.memory_space<vmem>> -> memref<40x128xi32, #tpu.memory_space<vmem>>
        %parallel_loop3A_1244 = arith.index_cast %parallel_loop3A_1141 : i32 to index
        %parallel_loop3A_1245 = arith.constant 96 : index
        %parallel_loop3A_1246 = tpu.vector_load %parallel_loop3A_1243[%parallel_loop3A_1244, %parallel_loop3A_1245] {strides = array<i32>} : memref<40x128xi32, #tpu.memory_space<vmem>>, vector<16xi32>,
        tpu.vector_store %parallel_loop3A_1243[%parallel_loop3A_1244, %parallel_loop3A_1245], %parallel_loop3A_1239 {strides = array<i32>} : memref<40x128xi32, #tpu.memory_space<vmem>>, vector<16xi32>,
        %parallel_loop3A_1247 = arith.constant 0 : i32
        %parallel_loop3A_1248 = arith.constant 0 : i32
        %parallel_loop3A_1249 = tpu.memref_slice %arg6[%parallel_loop3A_1073, %parallel_loop3A_1247, %parallel_loop3A_1248] : memref<4x40x128xi32, #tpu.memory_space<vmem>> -> memref<1x40x128xi32, #tpu.memory_space<vmem>>
        %parallel_loop3A_1250 = tpu.memref_squeeze %parallel_loop3A_1249 : memref<1x40x128xi32, #tpu.memory_space<vmem>> -> memref<40x128xi32, #tpu.memory_space<vmem>>
        %parallel_loop3A_1251 = arith.index_cast %parallel_loop3A_1141 : i32 to index
        %parallel_loop3A_1252 = arith.constant 112 : index
        %parallel_loop3A_1253 = tpu.vector_load %parallel_loop3A_1250[%parallel_loop3A_1251, %parallel_loop3A_1252] {strides = array<i32>} : memref<40x128xi32, #tpu.memory_space<vmem>>, vector<16xi32>,
        %parallel_loop3A_1254 = tpu.vector_load_idx %arg5[%parallel_loop3A_1253] : memref<93xi32, #tpu.memory_space<vmem>>[vector<16xi32>], vector<16xi32>,
        %parallel_loop3A_1255 = arith.constant 0 : i32
        %parallel_loop3A_1256 = arith.constant 0 : i32
        %parallel_loop3A_1257 = tpu.memref_slice %arg7[%parallel_loop3A_1074, %parallel_loop3A_1255, %parallel_loop3A_1256] : memref<4x40x128xi32, #tpu.memory_space<vmem>> -> memref<1x40x128xi32, #tpu.memory_space<vmem>>
        %parallel_loop3A_1258 = tpu.memref_squeeze %parallel_loop3A_1257 : memref<1x40x128xi32, #tpu.memory_space<vmem>> -> memref<40x128xi32, #tpu.memory_space<vmem>>
        %parallel_loop3A_1259 = arith.index_cast %parallel_loop3A_1141 : i32 to index
        %parallel_loop3A_1260 = arith.constant 112 : index
        %parallel_loop3A_1261 = tpu.vector_load %parallel_loop3A_1258[%parallel_loop3A_1259, %parallel_loop3A_1260] {strides = array<i32>} : memref<40x128xi32, #tpu.memory_space<vmem>>, vector<16xi32>,
        tpu.vector_store %parallel_loop3A_1258[%parallel_loop3A_1259, %parallel_loop3A_1260], %parallel_loop3A_1254 {strides = array<i32>} : memref<40x128xi32, #tpu.memory_space<vmem>>, vector<16xi32>,
      } {sc.loop_unroll_factor = 2 : i64, sc.parallel_access}
      %jit3A_1075 = arith.constant 5 : i32
      %div3A_1076 = arith.divsi %add3A_951, %jit3A_1075 : i32
      %sign3A_1077 = arith.constant 0 : i32
      %sign3A_1078 = arith.cmpi sgt, %add3A_951, %sign3A_1077 : i32
      %sign3A_1079 = arith.extui %sign3A_1078 : i1 to i32
      %sign3A_1080 = arith.constant 0 : i32
      %sign3A_1081 = arith.cmpi slt, %add3A_951, %sign3A_1080 : i32
      %sign3A_1082 = arith.extui %sign3A_1081 : i1 to i32
      %sign3A_1083 = arith.subi %sign3A_1079, %sign3A_1082 : i32
      %sign3A_1084 = arith.constant 0 : i32
      %sign3A_1085 = arith.cmpi sgt, %jit3A_1075, %sign3A_1084 : i32
      %sign3A_1086 = arith.extui %sign3A_1085 : i1 to i32
      %sign3A_1087 = arith.constant 0 : i32
      %sign3A_1088 = arith.cmpi slt, %jit3A_1075, %sign3A_1087 : i32
      %sign3A_1089 = arith.extui %sign3A_1088 : i1 to i32
      %sign3A_1090 = arith.subi %sign3A_1086, %sign3A_1089 : i32
      %ne3A_1091 = arith.cmpi ne, %sign3A_1083, %sign3A_1090 : i32
      %rem3A_1092 = arith.remsi %add3A_951, %jit3A_1075 : i32
      %ne3A_1093 = arith.constant 0 : i32
      %ne3A_1094 = arith.cmpi ne, %rem3A_1092, %ne3A_1093 : i32
      %and3A_1095 = arith.andi %ne3A_1091, %ne3A_1094 : i1
      %sub3A_1096 = arith.constant 1 : i32
      %sub3A_1097 = arith.subi %div3A_1076, %sub3A_1096 : i32
      %select_n3A_1098 = arith.select %and3A_1095, %sub3A_1097, %div3A_1076 : i32
      %jit3A_1099 = arith.constant 5 : i32
      %eq3A_1100 = arith.constant 0 : i32
      %eq3A_1101 = arith.cmpi eq, %jit3A_1099, %eq3A_1100 : i32
      %jit3A_1102 = arith.constant 1 : i32
      %select_n3A_1103 = arith.select %eq3A_1101, %jit3A_1102, %jit3A_1099 : i32
      %rem3A_1104 = arith.remsi %add3A_951, %select_n3A_1103 : i32
      %ne3A_1105 = arith.constant 0 : i32
      %ne3A_1106 = arith.cmpi ne, %rem3A_1104, %ne3A_1105 : i32
      %lt3A_1107 = arith.constant 0 : i32
      %lt3A_1108 = arith.cmpi slt, %rem3A_1104, %lt3A_1107 : i32
      %lt3A_1109 = arith.constant 0 : i32
      %lt3A_1110 = arith.cmpi slt, %select_n3A_1103, %lt3A_1109 : i32
      %ne3A_1111 = arith.xori %lt3A_1108, %lt3A_1110 : i1
      %and3A_1112 = arith.andi %ne3A_1111, %ne3A_1106 : i1
      %add3A_1113 = arith.addi %rem3A_1104, %select_n3A_1103 : i32
      %select_n3A_1114 = arith.select %and3A_1112, %add3A_1113, %rem3A_1104 : i32
      %mul3A_1115 = arith.constant 40 : i32
      %mul3A_1116 = arith.muli %select_n3A_1114, %mul3A_1115 : i32
      %mul3A_1117 = arith.constant 128 : i32
      %mul3A_1118 = arith.muli %select_n3A_1098, %mul3A_1117 : i32
      %add3A_1119 = arith.addi %mul3A_2, %mul3A_1118 : i32
      %dma_start3A_1120 = arith.constant 3 : i32
      %dma_start3A_1121 = arith.constant 3 : i32
      %dma_start3A_1122 = arith.constant 0 : i32
      %dma_start3A_1123 = arith.constant 0 : i32
      %dma_start3A_1124 = tpu.memref_slice %arg7[%dma_start3A_1120, %dma_start3A_1122, %dma_start3A_1123] : memref<4x40x128xi32, #tpu.memory_space<vmem>> -> memref<1x40x128xi32, #tpu.memory_space<vmem>>
      %dma_start3A_1125 = tpu.memref_squeeze %dma_start3A_1124 : memref<1x40x128xi32, #tpu.memory_space<vmem>> -> memref<40x128xi32, #tpu.memory_space<vmem>>
      %dma_start3A_1126 = tpu.memref_slice %arg4[%mul3A_1116, %add3A_1119] : memref<200x16384xi32, #tpu.memory_space<hbm>> -> memref<40x128xi32, #tpu.memory_space<hbm>>
      %dma_start3A_1127 = tpu.memref_slice %arg9[%dma_start3A_1121] : memref<4x!tpu.dma_semaphore, #tpu.memory_space<semaphore_mem>> -> memref<1x!tpu.dma_semaphore, #tpu.memory_space<semaphore_mem>>
      %dma_start3A_1128 = tpu.memref_squeeze %dma_start3A_1127 : memref<1x!tpu.dma_semaphore, #tpu.memory_space<semaphore_mem>> -> memref<!tpu.dma_semaphore, #tpu.memory_space<semaphore_mem>>
      %dma_start3A_1129 = tpu.memref_slice %arg4[%mul3A_1116, %add3A_1119] : memref<200x16384xi32, #tpu.memory_space<hbm>> -> memref<40x128xi32, #tpu.memory_space<hbm>>
      %dma_start3A_1130 = arith.constant 0 : i32
      %dma_start3A_1131 = arith.constant 0 : i32
      %dma_start3A_1132 = tpu.memref_slice %arg7[%dma_start3A_1120, %dma_start3A_1130, %dma_start3A_1131] : memref<4x40x128xi32, #tpu.memory_space<vmem>> -> memref<1x40x128xi32, #tpu.memory_space<vmem>>
      %dma_start3A_1133 = tpu.memref_squeeze %dma_start3A_1132 : memref<1x40x128xi32, #tpu.memory_space<vmem>> -> memref<40x128xi32, #tpu.memory_space<vmem>>
      tpu.enqueue_dma source(%dma_start3A_1133 : memref<40x128xi32, #tpu.memory_space<vmem>>) target(%dma_start3A_1129 : memref<40x128xi32, #tpu.memory_space<hbm>>) target_semaphore(%dma_start3A_1128 : memref<!tpu.dma_semaphore, #tpu.memory_space<semaphore_mem>>)
      %add3A_1134 = arith.constant 4 : i32
      %add3A_1135 = arith.addi %add3A_951, %add3A_1134 : i32
      %lt3A_1136 = arith.constant 20 : i32
      %lt3A_1137 = arith.cmpi slt, %add3A_1135, %lt3A_1136 : i32
      %convert_element_type3A_1138 = arith.extui %lt3A_1137 : i1 to i32
      %cond3A_1139 = arith.constant 0 : i32
      %cond3A_1140 = arith.cmpi ne, %convert_element_type3A_1138, %cond3A_1139 : i32
      scf.if %cond3A_1140 {
        %add3A_1141 = arith.constant 4 : i32
        %add3A_1142 = arith.addi %add3A_951, %add3A_1141 : i32
        %jit3A_1143 = arith.constant 5 : i32
        %div3A_1144 = arith.divsi %add3A_1142, %jit3A_1143 : i32
        %sign3A_1145 = arith.constant 0 : i32
        %sign3A_1146 = arith.cmpi sgt, %add3A_1142, %sign3A_1145 : i32
        %sign3A_1147 = arith.extui %sign3A_1146 : i1 to i32
        %sign3A_1148 = arith.constant 0 : i32
        %sign3A_1149 = arith.cmpi slt, %add3A_1142, %sign3A_1148 : i32
        %sign3A_1150 = arith.extui %sign3A_1149 : i1 to i32
        %sign3A_1151 = arith.subi %sign3A_1147, %sign3A_1150 : i32
        %sign3A_1152 = arith.constant 0 : i32
        %sign3A_1153 = arith.cmpi sgt, %jit3A_1143, %sign3A_1152 : i32
        %sign3A_1154 = arith.extui %sign3A_1153 : i1 to i32
        %sign3A_1155 = arith.constant 0 : i32
        %sign3A_1156 = arith.cmpi slt, %jit3A_1143, %sign3A_1155 : i32
        %sign3A_1157 = arith.extui %sign3A_1156 : i1 to i32
        %sign3A_1158 = arith.subi %sign3A_1154, %sign3A_1157 : i32
        %ne3A_1159 = arith.cmpi ne, %sign3A_1151, %sign3A_1158 : i32
        %rem3A_1160 = arith.remsi %add3A_1142, %jit3A_1143 : i32
        %ne3A_1161 = arith.constant 0 : i32
        %ne3A_1162 = arith.cmpi ne, %rem3A_1160, %ne3A_1161 : i32
        %and3A_1163 = arith.andi %ne3A_1159, %ne3A_1162 : i1
        %sub3A_1164 = arith.constant 1 : i32
        %sub3A_1165 = arith.subi %div3A_1144, %sub3A_1164 : i32
        %select_n3A_1166 = arith.select %and3A_1163, %sub3A_1165, %div3A_1144 : i32
        %jit3A_1167 = arith.constant 5 : i32
        %eq3A_1168 = arith.constant 0 : i32
        %eq3A_1169 = arith.cmpi eq, %jit3A_1167, %eq3A_1168 : i32
        %jit3A_1170 = arith.constant 1 : i32
        %select_n3A_1171 = arith.select %eq3A_1169, %jit3A_1170, %jit3A_1167 : i32
        %rem3A_1172 = arith.remsi %add3A_1142, %select_n3A_1171 : i32
        %ne3A_1173 = arith.constant 0 : i32
        %ne3A_1174 = arith.cmpi ne, %rem3A_1172, %ne3A_1173 : i32
        %lt3A_1175 = arith.constant 0 : i32
        %lt3A_1176 = arith.cmpi slt, %rem3A_1172, %lt3A_1175 : i32
        %lt3A_1177 = arith.constant 0 : i32
        %lt3A_1178 = arith.cmpi slt, %select_n3A_1171, %lt3A_1177 : i32
        %ne3A_1179 = arith.xori %lt3A_1176, %lt3A_1178 : i1
        %and3A_1180 = arith.andi %ne3A_1179, %ne3A_1174 : i1
        %add3A_1181 = arith.addi %rem3A_1172, %select_n3A_1171 : i32
        %select_n3A_1182 = arith.select %and3A_1180, %add3A_1181, %rem3A_1172 : i32
        %mul3A_1183 = arith.constant 40 : i32
        %mul3A_1184 = arith.muli %select_n3A_1182, %mul3A_1183 : i32
        %mul3A_1185 = arith.constant 128 : i32
        %mul3A_1186 = arith.muli %select_n3A_1166, %mul3A_1185 : i32
        %add3A_1187 = arith.addi %mul3A_2, %mul3A_1186 : i32
        %dma_start3A_1188 = arith.constant 3 : i32
        %dma_start3A_1189 = arith.constant 3 : i32
        %dma_start3A_1190 = arith.constant 0 : i32
        %dma_start3A_1191 = arith.constant 0 : i32
        %dma_start3A_1192 = tpu.memref_slice %arg6[%dma_start3A_1188, %dma_start3A_1190, %dma_start3A_1191] : memref<4x40x128xi32, #tpu.memory_space<vmem>> -> memref<1x40x128xi32, #tpu.memory_space<vmem>>
        %dma_start3A_1193 = tpu.memref_squeeze %dma_start3A_1192 : memref<1x40x128xi32, #tpu.memory_space<vmem>> -> memref<40x128xi32, #tpu.memory_space<vmem>>
        %dma_start3A_1194 = tpu.memref_slice %arg2[%mul3A_1184, %add3A_1187] : memref<200x16384xi32, #tpu.memory_space<hbm>> -> memref<40x128xi32, #tpu.memory_space<hbm>>
        %dma_start3A_1195 = tpu.memref_slice %arg8[%dma_start3A_1189] : memref<4x!tpu.dma_semaphore, #tpu.memory_space<semaphore_mem>> -> memref<1x!tpu.dma_semaphore, #tpu.memory_space<semaphore_mem>>
        %dma_start3A_1196 = tpu.memref_squeeze %dma_start3A_1195 : memref<1x!tpu.dma_semaphore, #tpu.memory_space<semaphore_mem>> -> memref<!tpu.dma_semaphore, #tpu.memory_space<semaphore_mem>>
        %dma_start3A_1197 = arith.constant 0 : i32
        %dma_start3A_1198 = arith.constant 0 : i32
        %dma_start3A_1199 = tpu.memref_slice %arg6[%dma_start3A_1188, %dma_start3A_1197, %dma_start3A_1198] : memref<4x40x128xi32, #tpu.memory_space<vmem>> -> memref<1x40x128xi32, #tpu.memory_space<vmem>>
        %dma_start3A_1200 = tpu.memref_squeeze %dma_start3A_1199 : memref<1x40x128xi32, #tpu.memory_space<vmem>> -> memref<40x128xi32, #tpu.memory_space<vmem>>
        %dma_start3A_1201 = tpu.memref_slice %arg2[%mul3A_1184, %add3A_1187] : memref<200x16384xi32, #tpu.memory_space<hbm>> -> memref<40x128xi32, #tpu.memory_space<hbm>>
        tpu.enqueue_dma source(%dma_start3A_1201 : memref<40x128xi32, #tpu.memory_space<hbm>>) target(%dma_start3A_1200 : memref<40x128xi32, #tpu.memory_space<vmem>>) target_semaphore(%dma_start3A_1196 : memref<!tpu.dma_semaphore, #tpu.memory_space<semaphore_mem>>)
      } else {
      }
    }
    %scan3A_311 = arith.constant 4 : i32
    %add3A_312 = arith.constant 384 : i32
    %add3A_313 = arith.addi %mul3A_2, %add3A_312 : i32
    %dma_wait3A_314 = arith.constant 0 : i32
    %dma_wait3A_315 = arith.constant 0 : i32
    %dma_wait3A_316 = arith.constant 0 : i32
    %dma_wait3A_317 = arith.constant 0 : i32
    %dma_wait3A_318 = tpu.memref_slice %arg7[%dma_wait3A_314, %dma_wait3A_316, %dma_wait3A_317] : memref<4x40x128xi32, #tpu.memory_space<vmem>> -> memref<1x40x128xi32, #tpu.memory_space<vmem>>
    %dma_wait3A_319 = tpu.memref_squeeze %dma_wait3A_318 : memref<1x40x128xi32, #tpu.memory_space<vmem>> -> memref<40x128xi32, #tpu.memory_space<vmem>>
    %dma_wait3A_320 = arith.constant 40 : i32
    %dma_wait3A_321 = tpu.memref_slice %arg4[%dma_wait3A_320, %add3A_313] : memref<200x16384xi32, #tpu.memory_space<hbm>> -> memref<40x128xi32, #tpu.memory_space<hbm>>
    %dma_wait3A_322 = tpu.memref_slice %arg9[%dma_wait3A_315] : memref<4x!tpu.dma_semaphore, #tpu.memory_space<semaphore_mem>> -> memref<1x!tpu.dma_semaphore, #tpu.memory_space<semaphore_mem>>
    %dma_wait3A_323 = tpu.memref_squeeze %dma_wait3A_322 : memref<1x!tpu.dma_semaphore, #tpu.memory_space<semaphore_mem>> -> memref<!tpu.dma_semaphore, #tpu.memory_space<semaphore_mem>>
    %dma_wait3A_324 = arith.constant 40 : i32
    %dma_wait3A_325 = tpu.memref_slice %arg4[%dma_wait3A_324, %add3A_313] : memref<200x16384xi32, #tpu.memory_space<hbm>> -> memref<40x128xi32, #tpu.memory_space<hbm>>
    %dma_wait3A_326 = arith.constant 0 : i32
    %dma_wait3A_327 = arith.constant 0 : i32
    %dma_wait3A_328 = tpu.memref_slice %arg7[%dma_wait3A_314, %dma_wait3A_326, %dma_wait3A_327] : memref<4x40x128xi32, #tpu.memory_space<vmem>> -> memref<1x40x128xi32, #tpu.memory_space<vmem>>
    %dma_wait3A_329 = tpu.memref_squeeze %dma_wait3A_328 : memref<1x40x128xi32, #tpu.memory_space<vmem>> -> memref<40x128xi32, #tpu.memory_space<vmem>>
    tpu.wait_dma2 semaphore(%dma_wait3A_323 : memref<!tpu.dma_semaphore, #tpu.memory_space<semaphore_mem>>) src(%dma_wait3A_329 : memref<40x128xi32, #tpu.memory_space<vmem>>) dst(%dma_wait3A_325 : memref<40x128xi32, #tpu.memory_space<hbm>>)
    %add3A_330 = arith.constant 384 : i32
    %add3A_331 = arith.addi %mul3A_2, %add3A_330 : i32
    %dma_wait3A_332 = arith.constant 1 : i32
    %dma_wait3A_333 = arith.constant 1 : i32
    %dma_wait3A_334 = arith.constant 0 : i32
    %dma_wait3A_335 = arith.constant 0 : i32
    %dma_wait3A_336 = tpu.memref_slice %arg7[%dma_wait3A_332, %dma_wait3A_334, %dma_wait3A_335] : memref<4x40x128xi32, #tpu.memory_space<vmem>> -> memref<1x40x128xi32, #tpu.memory_space<vmem>>
    %dma_wait3A_337 = tpu.memref_squeeze %dma_wait3A_336 : memref<1x40x128xi32, #tpu.memory_space<vmem>> -> memref<40x128xi32, #tpu.memory_space<vmem>>
    %dma_wait3A_338 = arith.constant 80 : i32
    %dma_wait3A_339 = tpu.memref_slice %arg4[%dma_wait3A_338, %add3A_331] : memref<200x16384xi32, #tpu.memory_space<hbm>> -> memref<40x128xi32, #tpu.memory_space<hbm>>
    %dma_wait3A_340 = tpu.memref_slice %arg9[%dma_wait3A_333] : memref<4x!tpu.dma_semaphore, #tpu.memory_space<semaphore_mem>> -> memref<1x!tpu.dma_semaphore, #tpu.memory_space<semaphore_mem>>
    %dma_wait3A_341 = tpu.memref_squeeze %dma_wait3A_340 : memref<1x!tpu.dma_semaphore, #tpu.memory_space<semaphore_mem>> -> memref<!tpu.dma_semaphore, #tpu.memory_space<semaphore_mem>>
    %dma_wait3A_342 = arith.constant 80 : i32
    %dma_wait3A_343 = tpu.memref_slice %arg4[%dma_wait3A_342, %add3A_331] : memref<200x16384xi32, #tpu.memory_space<hbm>> -> memref<40x128xi32, #tpu.memory_space<hbm>>
    %dma_wait3A_344 = arith.constant 0 : i32
    %dma_wait3A_345 = arith.constant 0 : i32
    %dma_wait3A_346 = tpu.memref_slice %arg7[%dma_wait3A_332, %dma_wait3A_344, %dma_wait3A_345] : memref<4x40x128xi32, #tpu.memory_space<vmem>> -> memref<1x40x128xi32, #tpu.memory_space<vmem>>
    %dma_wait3A_347 = tpu.memref_squeeze %dma_wait3A_346 : memref<1x40x128xi32, #tpu.memory_space<vmem>> -> memref<40x128xi32, #tpu.memory_space<vmem>>
    tpu.wait_dma2 semaphore(%dma_wait3A_341 : memref<!tpu.dma_semaphore, #tpu.memory_space<semaphore_mem>>) src(%dma_wait3A_347 : memref<40x128xi32, #tpu.memory_space<vmem>>) dst(%dma_wait3A_343 : memref<40x128xi32, #tpu.memory_space<hbm>>)
    %add3A_348 = arith.constant 384 : i32
    %add3A_349 = arith.addi %mul3A_2, %add3A_348 : i32
    %dma_wait3A_350 = arith.constant 2 : i32
    %dma_wait3A_351 = arith.constant 2 : i32
    %dma_wait3A_352 = arith.constant 0 : i32
    %dma_wait3A_353 = arith.constant 0 : i32
    %dma_wait3A_354 = tpu.memref_slice %arg7[%dma_wait3A_350, %dma_wait3A_352, %dma_wait3A_353] : memref<4x40x128xi32, #tpu.memory_space<vmem>> -> memref<1x40x128xi32, #tpu.memory_space<vmem>>
    %dma_wait3A_355 = tpu.memref_squeeze %dma_wait3A_354 : memref<1x40x128xi32, #tpu.memory_space<vmem>> -> memref<40x128xi32, #tpu.memory_space<vmem>>
    %dma_wait3A_356 = arith.constant 120 : i32
    %dma_wait3A_357 = tpu.memref_slice %arg4[%dma_wait3A_356, %add3A_349] : memref<200x16384xi32, #tpu.memory_space<hbm>> -> memref<40x128xi32, #tpu.memory_space<hbm>>
    %dma_wait3A_358 = tpu.memref_slice %arg9[%dma_wait3A_351] : memref<4x!tpu.dma_semaphore, #tpu.memory_space<semaphore_mem>> -> memref<1x!tpu.dma_semaphore, #tpu.memory_space<semaphore_mem>>
    %dma_wait3A_359 = tpu.memref_squeeze %dma_wait3A_358 : memref<1x!tpu.dma_semaphore, #tpu.memory_space<semaphore_mem>> -> memref<!tpu.dma_semaphore, #tpu.memory_space<semaphore_mem>>
    %dma_wait3A_360 = arith.constant 120 : i32
    %dma_wait3A_361 = tpu.memref_slice %arg4[%dma_wait3A_360, %add3A_349] : memref<200x16384xi32, #tpu.memory_space<hbm>> -> memref<40x128xi32, #tpu.memory_space<hbm>>
    %dma_wait3A_362 = arith.constant 0 : i32
    %dma_wait3A_363 = arith.constant 0 : i32
    %dma_wait3A_364 = tpu.memref_slice %arg7[%dma_wait3A_350, %dma_wait3A_362, %dma_wait3A_363] : memref<4x40x128xi32, #tpu.memory_space<vmem>> -> memref<1x40x128xi32, #tpu.memory_space<vmem>>
    %dma_wait3A_365 = tpu.memref_squeeze %dma_wait3A_364 : memref<1x40x128xi32, #tpu.memory_space<vmem>> -> memref<40x128xi32, #tpu.memory_space<vmem>>
    tpu.wait_dma2 semaphore(%dma_wait3A_359 : memref<!tpu.dma_semaphore, #tpu.memory_space<semaphore_mem>>) src(%dma_wait3A_365 : memref<40x128xi32, #tpu.memory_space<vmem>>) dst(%dma_wait3A_361 : memref<40x128xi32, #tpu.memory_space<hbm>>)
    %add3A_366 = arith.constant 384 : i32
    %add3A_367 = arith.addi %mul3A_2, %add3A_366 : i32
    %dma_wait3A_368 = arith.constant 3 : i32
    %dma_wait3A_369 = arith.constant 3 : i32
    %dma_wait3A_370 = arith.constant 0 : i32
    %dma_wait3A_371 = arith.constant 0 : i32
    %dma_wait3A_372 = tpu.memref_slice %arg7[%dma_wait3A_368, %dma_wait3A_370, %dma_wait3A_371] : memref<4x40x128xi32, #tpu.memory_space<vmem>> -> memref<1x40x128xi32, #tpu.memory_space<vmem>>
    %dma_wait3A_373 = tpu.memref_squeeze %dma_wait3A_372 : memref<1x40x128xi32, #tpu.memory_space<vmem>> -> memref<40x128xi32, #tpu.memory_space<vmem>>
    %dma_wait3A_374 = arith.constant 160 : i32
    %dma_wait3A_375 = tpu.memref_slice %arg4[%dma_wait3A_374, %add3A_367] : memref<200x16384xi32, #tpu.memory_space<hbm>> -> memref<40x128xi32, #tpu.memory_space<hbm>>
    %dma_wait3A_376 = tpu.memref_slice %arg9[%dma_wait3A_369] : memref<4x!tpu.dma_semaphore, #tpu.memory_space<semaphore_mem>> -> memref<1x!tpu.dma_semaphore, #tpu.memory_space<semaphore_mem>>
    %dma_wait3A_377 = tpu.memref_squeeze %dma_wait3A_376 : memref<1x!tpu.dma_semaphore, #tpu.memory_space<semaphore_mem>> -> memref<!tpu.dma_semaphore, #tpu.memory_space<semaphore_mem>>
    %dma_wait3A_378 = arith.constant 160 : i32
    %dma_wait3A_379 = tpu.memref_slice %arg4[%dma_wait3A_378, %add3A_367] : memref<200x16384xi32, #tpu.memory_space<hbm>> -> memref<40x128xi32, #tpu.memory_space<hbm>>
    %dma_wait3A_380 = arith.constant 0 : i32
    %dma_wait3A_381 = arith.constant 0 : i32
    %dma_wait3A_382 = tpu.memref_slice %arg7[%dma_wait3A_368, %dma_wait3A_380, %dma_wait3A_381] : memref<4x40x128xi32, #tpu.memory_space<vmem>> -> memref<1x40x128xi32, #tpu.memory_space<vmem>>
    %dma_wait3A_383 = tpu.memref_squeeze %dma_wait3A_382 : memref<1x40x128xi32, #tpu.memory_space<vmem>> -> memref<40x128xi32, #tpu.memory_space<vmem>>
    tpu.wait_dma2 semaphore(%dma_wait3A_377 : memref<!tpu.dma_semaphore, #tpu.memory_space<semaphore_mem>>) src(%dma_wait3A_383 : memref<40x128xi32, #tpu.memory_space<vmem>>) dst(%dma_wait3A_379 : memref<40x128xi32, #tpu.memory_space<hbm>>)
    return
  }
}

</mosaic_0001>

<sc_bundles>
// kernel: kernel.3.cloned.1.call-start
scs
__scs_entry_jumppad:
0x0: {  	(pc) =	sbr.rel $0x88, $3  }
0x1: {  	(tag) =	ssettag $0x0;
	lr =	simm.s32 $0x1  }
0x2: {  	[smem:$0x3F9F] =	sst lr;
	_ =	strace $0xD0000000  }
0x3: {  	_ = 	snop  }
0x4: {  	_ = 	snop  }
0x5: {  	_ = 	snop  }
0x6: {  	_ = 	snop  }
0x7: {  	_ = 	snop  }
__scs_overlays_trampoline_lowered:
0x8: {  	[smem:$0x3FAE] =	sst s0  }
0x9: {  	[smem:$0x3FAF] =	sst s1  }
0xa: {  	[smem:$0x3FB0] =	sst s2  }
0xb: {  	[smem:$0x3FB1] =	sst s3  }
0xc: {  	[smem:$0x3FB2] =	sst s4  }
0xd: {  	[smem:$0x3FB3] =	sst s5  }
0xe: {  	[smem:$0x3FB4] =	sst s6  }
0xf: {  	[smem:$0x3FB5] =	sst s7  }
0x10: {  	[smem:$0x3FB6] =	sst s8  }
0x11: {  	[smem:$0x3FB7] =	sst s9;
	s0 =	simm.s32 @!p0 $0x0  }
0x12: {  	s1 =	sld [smem:$0x3F9D];
	s0 =	simm.s32 @p0 $0x1  }
0x13: {  	[smem:$0x3FB8] =	sst s0;
	s0 =	simm.s32 @!p1 $0x0  }
0x14: {  	s2 =	sld [smem:$0x3F9C];
	s0 =	simm.s32 @p1 $0x1  }
0x15: {  	[smem:$0x3FB9] =	sst s0;
	s0 =	simm.s32 @!p2 $0x0  }
0x16: {  	s3 =	sld [smem:$0x3FDB];
	s0 =	simm.s32 @p2 $0x1  }
0x17: {  	s4 =	simm.s32 $0x1BF5;
	[smem:$0x3FBB] =	sst s0  }
0x18: {  	s0 =	sld [smem:$0x3F9E];
	_ =	swait.ge [sflag:s4], $0x0  }
0x19: {  	s7 =	sld [smem:$0x3F9F]  }
0x1a: {  	s8 =	sadd.s32 $0xFFFFE003, lr  }
0x1b: {  	s9 =	sadd.s32 $0xFFFFFEF7, lr;
	s5 =	simm.s32 $0xFFFFFFFF;
	p2 =	slt.u32 s8, $0xFFFFF086  }
0x1c: {  	p1 =	slt.u32 s9, $0xF7A;
	s5 =	simm.s32 @!p2 $0x0  }
0x1d: {  	s5 =	simm.s32 @p1 $0x1;
	p0 =	seq.s32 s7, s2  }
0x1e: {  	s7 =	smul.u32 @!p0 $0xF7A, s2;
	p2 =	seq.s32 @!p0 s5, $0x0  }
0x1f: {  	s9 =	smul.u32 $0xF7A, s1;
	s8 =	simm.s32 @!p0 $0x1BF5;
	p2 =	por !p2, p0  }
0x20: {  	[sflag:s8] =	ssyncset.s32 @!p0 $0xFFFFF086;
	s6 =	sadd.s32 @!p0 s3, s7;
	s7 =	simm.s32 @!p0 $0x108  }
0x21: {  	s3 =	sadd.s32 s3, s9;
	s6 =	sadd.s32 @!p0 $0x88, s6;
	s7 =	simm.s32 @p2 $0x1082  }
0x22: {  	[simem:s7], [sflag:s8] =	dma.local @!p0 [hbm:s6], $0xF7A  }
0x23: {  	s9 =	sor.u32 $0xD0000000, s2;
	s6 =	simm.s32 $0x108;
	_ =	swait.ge @!p0 [sflag:s8], $0x0  }
0x24: {  	s3 =	sadd.s32 $0x88, s3;
	s6 =	simm.s32 @!p1 $0x1082;
	[sflag:s4] =	ssyncset.s32 $0xFFFFF086  }
0x25: {  	[simem:s6], [sflag:s4] =	dma.local [hbm:s3], $0xF7A  }
0x26: {  	[smem:$0x3F9F] =	sst s1;
	(tag) =	ssettag s2;
	_ =	strace s9  }
0x27: {  	s1 =	sld [smem:$0x3FAF]  }
0x28: {  	s2 =	sld [smem:$0x3FB0]  }
0x29: {  	s4 =	sld [smem:$0x3FB2]  }
0x2a: {  	p0 =	seq.s32 s5, $0x0;
	s5 =	sld [smem:$0x3FB3]  }
0x2b: {  	s6 =	sld [smem:$0x3FB4]  }
0x2c: {  	s7 =	sld [smem:$0x3FB5]  }
0x2d: {  	s3 =	simm.s32 $0x108;
	s8 =	sld [smem:$0x3FB6]  }
0x2e: {  	s3 =	simm.s32 @!p0 $0x1082;
	s9 =	sld [smem:$0x3FB7]  }
0x2f: {  	lr =	sadd.s32 s0, s3;
	s0 =	sld [smem:$0x3FAE]  }
0x30: {  	s3 =	sld [smem:$0x3FB1]  }
0x31: {  	[smem:$0x3FBA] =	sst s10  }
0x32: {  	s10 =	sld [smem:$0x3FB8];
	_ =	sdelay $0x3  }
0x33: {  	p0 =	seq.s32 s10, $0x1;
	s10 =	sld [smem:$0x3FBA];
	_ =	sdelay $0x3  }
0x34: {  	[smem:$0x3FBA] =	sst s10  }
0x35: {  	s10 =	sld [smem:$0x3FB9];
	_ =	sdelay $0x3  }
0x36: {  	p1 =	seq.s32 s10, $0x1;
	s10 =	sld [smem:$0x3FBA];
	_ =	sdelay $0x3  }
0x37: {  	[smem:$0x3FBA] =	sst s10  }
0x38: {  	s10 =	sld [smem:$0x3FBB]  }
0x39: {  	_ = 	snop;
	(pc) =	sbr.ind lr, $3  }
0x3a: {  	_ = 	snop  }
0x3b: {  	_ = 	snop  }
0x3c: {  	p2 =	seq.s32 s10, $0x1;
	s10 =	sld [smem:$0x3FBA]  }
0x3d: {  	_ =	shalt  }
0x3e: {  	_ =	shalt  }
0x3f: {  	_ =	shalt  }
0x40: {  	_ =	shalt  }
0x41: {  	_ =	shalt  }
0x42: {  	_ =	shalt  }
0x43: {  	_ =	shalt  }
0x44: {  	_ =	shalt  }
0x45: {  	_ =	shalt  }
0x46: {  	_ =	shalt  }
0x47: {  	_ =	shalt  }
0x48: {  	_ =	shalt  }
0x49: {  	_ =	shalt  }
0x4a: {  	_ =	shalt  }
0x4b: {  	_ =	shalt  }
0x4c: {  	_ =	shalt  }
0x4d: {  	_ =	shalt  }
0x4e: {  	_ =	shalt  }
0x4f: {  	_ =	shalt  }
0x50: {  	_ =	shalt  }
0x51: {  	_ =	shalt  }
0x52: {  	_ =	shalt  }
0x53: {  	_ =	shalt  }
0x54: {  	_ =	shalt  }
0x55: {  	_ =	shalt  }
0x56: {  	_ =	shalt  }
0x57: {  	_ =	shalt  }
0x58: {  	_ =	shalt  }
0x59: {  	_ =	shalt  }
0x5a: {  	_ =	shalt  }
0x5b: {  	_ =	shalt  }
0x5c: {  	_ =	shalt  }
0x5d: {  	_ =	shalt  }
0x5e: {  	_ =	shalt  }
0x5f: {  	_ =	shalt  }
0x60: {  	_ =	shalt  }
0x61: {  	_ =	shalt  }
0x62: {  	_ =	shalt  }
0x63: {  	_ =	shalt  }
0x64: {  	_ =	shalt  }
0x65: {  	_ =	shalt  }
0x66: {  	_ =	shalt  }
0x67: {  	_ =	shalt  }
0x68: {  	_ =	shalt  }
0x69: {  	_ =	shalt  }
0x6a: {  	_ =	shalt  }
0x6b: {  	_ =	shalt  }
0x6c: {  	_ =	shalt  }
0x6d: {  	_ =	shalt  }
0x6e: {  	_ =	shalt  }
0x6f: {  	_ =	shalt  }
0x70: {  	_ =	shalt  }
0x71: {  	_ =	shalt  }
0x72: {  	_ =	shalt  }
0x73: {  	_ =	shalt  }
0x74: {  	_ =	shalt  }
0x75: {  	_ =	shalt  }
0x76: {  	_ =	shalt  }
0x77: {  	_ =	shalt  }
0x78: {  	_ =	shalt  }
0x79: {  	_ =	shalt  }
0x7a: {  	_ =	shalt  }
0x7b: {  	_ =	shalt  }
0x7c: {  	_ =	shalt  }
0x7d: {  	_ =	shalt  }
0x7e: {  	_ =	shalt  }
0x7f: {  	_ =	shalt  }
0x80: {  	_ =	shalt  }
0x81: {  	_ =	shalt  }
0x82: {  	_ =	shalt  }
0x83: {  	_ =	shalt  }
0x84: {  	_ =	shalt  }
0x85: {  	_ =	shalt  }
0x86: {  	_ =	shalt  }
0x87: {  	_ =	shalt  }
.Lfunc_end0:
.L_simem_size_0:
called_computation_lowered:
.L_overlay_start_0:
0x88: {  	s2 =	sld [smem:$0x3FD9]  }
0x89: {  	s3 =	sld [smem:$0x3FFE];
	_ =	sdelay $0x1  }
0x8a: {  	s1 =	srdreg.scid  }
0x8b: {  	s0 =	sand.u32 $0x1, s1  }
0x8c: {  	s18 =	sshll.u32 s0, $0xA;
	s2 =	sadd.s32 s3, s2  }
0x8d: {  	s2 =	sadd.s32 s2, s18  }
0x8e: {  	[smem:$0x3FC6] =	sst s2  }
0x8f: {  	_ = 	snop  }
0x90: {  	s2 =	sld [smem:$0x3FC9]  }
0x91: {  	s19 =	sld [smem:$0x3FC8]  }
0x92: {  	s4 =	sld [smem:$0x3FD0];
	(tm) =	ssettm $0x1  }
0x93: {  	s5 =	sld [smem:$0x3FFB];
	_ =	sdelay $0x3  }
0x94: {  	_ =	strace s5  }
0x95: {  	s5 =	sld [smem:$0x3FFC];
	_ =	sdelay $0x3  }
0x96: {  	_ =	strace s5  }
0x97: {  	s5 =	sld [smem:$0x3FFD];
	_ =	sdelay $0x3  }
0x98: {  	_ =	strace s5  }
0x99: {  	_ =	strace $0x8FFFFFFF  }
0x9a: {  	s20 =	sld [smem:$0x3FDB];
	_ =	sdelay $0x1  }
0x9b: {  	s6 =	simm.s32 $_scs_section_size  }
0x9c: {  	s7 =	simm.s32 $_size__tile_overlayer_lowered;
	s8 =	simm.s32 $_tile_overlayer_lowered  }
0x9d: {  	s23 =	simm.s32 $0x1BFF;
	s22 =	sshll.u32 s8, $0x1;
	s5 =	sadd.s32 s6, s20  }
0x9e: {  	s9 =	simm.s32 $0x0;
	s21 =	sshll.u32 s7, $0x1;
	s7 =	sadd.s32 s22, s5  }
0x9f: {  	[timem:s9], [sflag:s23] =	dma.local [hbm:s7], s21  }
0xa0: {  	_ =	swait.ge [sflag:s23], s21  }
0xa1: {  	s6 =	ssub.s32 $0x0, s21;
	[sflag:s23] =	ssyncset.done $0x0  }
0xa2: {  	[sflag:s23] =	ssyncadd.s32 s6;
	_ =	sdelay $0x1  }
0xa3: {  	s24 =	simm.s32 $0x1B8B  }
0xa4: {  	_ =	swait.ge [sflag:s24], $0x1  }
0xa5: {  	[sflag:s24] =	ssyncset.done $0x0  }
0xa6: {  	s25 =	simm.s32 $0x1B8E;
	[sflag:s24] =	ssyncadd.s32 $0xFFFFFFFF  }
0xa7: {  	s26 =	simm.s32 $execute0_lowered;
	[smem:$0x3FD2] =	sst s25  }
0xa8: {  	s6 =	sshll.u32 s26, $0x1;
	_ =	strace $0x80000046;
	[dreg:$0x1] =	wrdreg $0xFFFFFFFF  }
0xa9: {  	s28 =	simm.s32 $_size_execute0_lowered;
	s5 =	sadd.s32 s5, s6;
	[dreg:$0x0] =	wrdreg $0x0  }
0xaa: {  	s6 =	sshll.u32 s28, $0x1;
	[dreg:$0x2] =	wrdreg s5  }
0xab: {  	[dreg:$0x3] =	wrdreg s6  }
0xac: {  	[dreg:$0x4] =	wrdreg $0xC0  }
0xad: {  	_ =	task [dreg:s9], $0x5FFFF  }
0xae: {  	[dreg:$0x1] =	wrdreg $0xFFFFFFFF  }
0xaf: {  	[dreg:$0x0] =	wrdreg $0x60  }
0xb0: {  	[dreg:$0x2] =	wrdreg s2  }
0xb1: {  	[dreg:$0x3] =	wrdreg s19  }
0xb2: {  	[dreg:$0x4] =	wrdreg s4  }
0xb3: {  	[dreg:$0x5] =	wrdreg $0x9  }
0xb4: {  	_ =	task.clear_ibuf [dreg:s9], $0x6FFFF;
	_ =	strace $0x90000046  }
0xb5: {  	s29 =	simm.s32 $0x9;
	_ =	strace $0x80000048  }
0xb6: {  	_ =	swait.ge [sflag:s29], $0x1  }
0xb7: {  	[sflag:s29] =	ssyncadd.s32 $0xFFFFFFFF  }
0xb8: {  	_ =	strace $0x90000048  }
0xb9: {  	_ =	sfence  }
0xba: {  	s30 =	sld [smem:$0x0];
	_ =	sdelay $0x2  }
0xbb: {  	s31 =	sshll.u32 s1, $0xD;
	s1 =	sshrl.u32 s1, $0x2  }
0xbc: {  	s3 =	sand.u32 $0x4000, s31;
	s1 =	sadd.s32 s1, s30  }
0xbd: {  	s0 =	sor.u32 s3, s0;
	s1 =	sshll.u32 s1, $0x11  }
0xbe: {  	s0 =	sor.u32 s1, s0  }
0xbf: {  	s0 =	sadd.s32 $0x8F2B, s0  }
0xc0: {  	[sflag:s0] =	ssyncadd.remote.s32 $0x1  }
0xc1: {  	_ =	sfence.sel $0xFFFF  }
0xc2: {  	[dreg:$0x0] =	wrdreg $0xFFFFFFFF;
	(pc) =	sbr.abs _section_cstart, $3  }
0xc3: {  	[dreg:$0x1] =	wrdreg $0xFFFFFFFF  }
0xc4: {  	_ =	task.clear_ibuf [dreg:s9], $0x2FFFF;
	_ =	strace $0x9FFFFFFF  }
0xc5: {  	(tm) =	ssettm $0x7FFFFFFF  }
tec
execute0_lowered:
.L_overlay_start_1:
0x0: {  	(tag) =	ssettag $0x1  }
0x1: {  	s1 =	rddreg [dreg:$0x0]  }
0x2: {  	s4 =	rddreg [dreg:$0x2];
	s0 =	srdreg.scid  }
0x3: {  	s5 =	simm.s32 $0x0;
	s3 =	stileid.u32;
	s0 =	sand.u32 $0x1, s0  }
0x4: {  	s3 =	sshll.u32 s3, $0xA;
	s2 =	ssub.s32 $0x2, s0;
	s0 =	sshll.u32 s0, $0x9  }
0x5: {  	s28 =	simm.s32 $0x1;
	[smem:$0x7FF] =	sst s5;
	s0 =	sor.u32 s0, s3  }
0x6: {  	s29 =	simm.s32 $0x5080;
	_ =	strace $0x80000047;
	s19 =	sadd.s32 s4, s0  }
0x7: {  	s8 =	sadd.s32 s1, s0;
	s3 =	sor.u32 $0x14000, s0;
	[dreg:$0x8] =	wrdreg s19  }
0x8: {  	s16 =	sor.u32 $0x28000, s0;
	s9 =	sadd.s32 s1, s3;
	[dreg:$0x4] =	wrdreg s8  }
0x9: {  	s7 =	sor.u32 $0x3C000, s0;
	s17 =	sadd.s32 s1, s16;
	[dreg:$0x5] =	wrdreg s9  }
0xa: {  	s30 =	simm.s32 $0x2;
	s18 =	sadd.s32 s1, s7;
	[dreg:$0x6] =	wrdreg s17  }
0xb: {  	s31 =	simm.s32 $0x6480;
	s20 =	sadd.s32 $0x50000, s8;
	[dreg:$0x7] =	wrdreg s18  }
0xc: {  	s10 =	simm.s32 $0x0;
	s3 =	sadd.s32 s4, s3;
	[dreg:$0x9] =	wrdreg s20  }
0xd: {  	s6 =	sshrl.u32 s2, $0x1;
	s21 =	sadd.s32 $0x80, s8;
	[dreg:$0xa] =	wrdreg s3  }
0xe: {  	s2 =	ssub.s32 s2, s6;
	s22 =	sadd.s32 s4, s16;
	[dreg:$0xb] =	wrdreg s21  }
0xf: {  	s23 =	sadd.s32 $0x14080, s8;
	s24 =	sadd.s32 s4, s7;
	[dreg:$0xc] =	wrdreg s22  }
0x10: {  	s25 =	sadd.s32 $0x28080, s8;
	s26 =	smax.u32 s2, $0x1;
	[dreg:$0xd] =	wrdreg s23  }
0x11: {  	s2 =	simm.s32 $0x4;
	s7 =	simm.s32 $0x7;
	[dreg:$0xe] =	wrdreg s24  }
.Ltmp0:
0x12: {  	s8 =	simm.s32 $0x8;
	[dreg:$0xf] =	wrdreg s25;
	(pc) =	sbr.rel .LBB2_1-.Ltmp0, $4  }
0x13: {  	s18 =	sshrl.u32 s0, $0x7;
	[dreg:$0x10] =	wrdreg s26;
	s21 =	simm.s32 $0x400  }
0x14: {  	s22 =	simm.s32 $0x20000;
	s9 =	simm.s32 $0x80;
	s20 =	simm.s32 $0x1480  }
0x15: {  	s26 =	simm.s32 $0x3C80;
	s0 =	simm.s32 $0x3;
	s3 =	simm.s32 $0x7880  }
0x16: {  	s23 =	simm.s32 $0x8C80;
	s24 =	simm.s32 $0x5;
	s25 =	simm.s32 $0x6  }
.LBB2_20:
0x17: {  	_ =	swait.ge [sflag:s24], $0x1400  }
0x18: {  	[sflag:s24] =	ssyncset.done $0x0  }
0x19: {  	[sflag:s24] =	ssyncadd.s32 $0xFFFFEC00  }
0x1a: {  	_ =	swait.ge [sflag:s25], $0x1400  }
0x1b: {  	[sflag:s25] =	ssyncset.done $0x0  }
0x1c: {  	[sflag:s25] =	ssyncadd.s32 $0xFFFFEC00  }
0x1d: {  	_ =	swait.ge [sflag:s7], $0x1400  }
0x1e: {  	[sflag:s7] =	ssyncset.done $0x0  }
0x1f: {  	[sflag:s7] =	ssyncadd.s32 $0xFFFFEC00  }
0x20: {  	_ =	swait.ge [sflag:s8], $0x1400  }
0x21: {  	s10 =	rddreg [dreg:$0x11]  }
0x22: {  	s6 =	rddreg [dreg:$0x10];
	s10 =	sadd.s32 $0x1, s10  }
0x23: {  	p0 =	sne.s32 s10, s6  }
.Ltmp1:
0x24: {  	_ = 	snop;
	(pc) =	sbr.rel @!p0 .LBB2_21-.Ltmp1, $3  }
0x25: {  	_ =	sdelay $0x1  }
0x26: {  	[sflag:s8] =	ssyncset.done $0x0  }
0x27: {  	s9 =	simm.s32 $0x80;
	s20 =	simm.s32 $0x1480;
	[sflag:s8] =	ssyncadd.s32 $0xFFFFEC00  }
.LBB2_1:
0x28: {  	[dreg:$0x11] =	wrdreg s10  }
0x29: {  	s6 =	rddreg [dreg:$0x1];
	s13 =	simm.s32 $0x9  }
0x2a: {  	[tilespmem:s5], [sflag:$0x9] =	stream.linear.gather [hbm4b:s6+s5], $0x80, $0x38;
	[tilespmem:$0xA080] =	vst v63  }
0x2b: {  	_ =	swait.ge [sflag:s13], $0x80  }
0x2c: {  	[sflag:s13] =	ssyncset.done $0x0  }
0x2d: {  	s14 =	rddreg [dreg:$0x4];
	[sflag:s13] =	ssyncadd.s32 $0xFFFFFF80  }
0x2e: {  	[tilespmem:s9], [sflag:$0x1] =	stream.strided.gather [hbm4b:s14+s21], $0x1400, s22, s21, $0x38;
	[tilespmem:$0xA080] =	vst v63  }
0x2f: {  	s15 =	rddreg [dreg:$0x5]  }
0x30: {  	[tilespmem:s20], [sflag:$0x2] =	stream.strided.gather [hbm4b:s15+s21], $0x1400, s22, s21, $0x38;
	[tilespmem:$0xA080] =	vst v63  }
0x31: {  	s17 =	simm.s32 $0x2880;
	s16 =	rddreg [dreg:$0x6]  }
0x32: {  	[tilespmem:s17], [sflag:$0x3] =	stream.strided.gather [hbm4b:s16+s21], $0x1400, s22, s21, $0x38;
	[tilespmem:$0xA080] =	vst v63  }
0x33: {  	s19 =	rddreg [dreg:$0x7]  }
0x34: {  	[tilespmem:s26], [sflag:$0x4] =	stream.strided.gather [hbm4b:s19+s21], $0x1400, s22, s21, $0x38;
	[tilespmem:$0xA080] =	vst v63  }
0x35: {  	_ =	swait.ge [sflag:s28], $0x1400  }
0x36: {  	[sflag:s28] =	ssyncset.done $0x0  }
0x37: {  	s17 =	simm.s32 $0x100;
	[sflag:s28] =	ssyncadd.s32 $0xFFFFEC00  }
0x38: {  	v0 =	vld [tilespmem:s17+$0x0];
	_ =	sdelay $0x1  }
0x39: {  	v1 =	vld [tilespmem:s17+$0xFFFFFF80];
	_ =	sdelay $0x5  }
0x3a: {  	v0 =	vld.idx.msk [tilespmem:v0+s5+$0x0], $0xffff;
	_ =	sdelay $0x1  }
0x3b: {  	v1 =	vld.idx.msk [tilespmem:v1+s5+$0x0], $0xffff;
	_ =	sdelay $0x1  }
0x3c: {  	s10 =	simm.s32 $0x5100  }
0x3d: {  	[tilespmem:s10+$0x0] =	vst v0  }
0x3e: {  	v0 =	vld [tilespmem:s17+$0x10]  }
0x3f: {  	[tilespmem:s10+$0xFFFFFF80] =	vst v1  }
0x40: {  	v1 =	vld [tilespmem:s17+$0xFFFFFF90];
	_ =	sdelay $0x3  }
0x41: {  	s12 =	simm.s32 $0x200  }
0x42: {  	v2 =	vld [tilespmem:s12+$0x0]  }
0x43: {  	v0 =	vld.idx.msk [tilespmem:v0+s5+$0x0], $0xffff;
	_ =	sdelay $0x1  }
0x44: {  	v1 =	vld.idx.msk [tilespmem:v1+s5+$0x0], $0xffff;
	_ =	sdelay $0x2  }
0x45: {  	[tilespmem:s10+$0x10] =	vst v0  }
0x46: {  	v0 =	vld [tilespmem:s17+$0x20]  }
0x47: {  	[tilespmem:s10+$0xFFFFFF90] =	vst v1;
	v1 =	vld.idx.msk [tilespmem:v2+s5+$0x0], $0xffff  }
0x48: {  	v3 =	vld [tilespmem:s12+$0xFFFFFF80];
	_ =	sdelay $0x1  }
0x49: {  	v2 =	vld [tilespmem:s17+$0xFFFFFFA0]  }
0x4a: {  	s11 =	simm.s32 $0x5200  }
0x4b: {  	[tilespmem:s11+$0x0] =	vst v1  }
0x4c: {  	v1 =	vld [tilespmem:s12+$0x10]  }
0x4d: {  	v0 =	vld.idx.msk [tilespmem:v0+s5+$0x0], $0xffff;
	_ =	sdelay $0x1  }
0x4e: {  	v3 =	vld.idx.msk [tilespmem:v3+s5+$0x0], $0xffff;
	_ =	sdelay $0x1  }
0x4f: {  	v2 =	vld.idx.msk [tilespmem:v2+s5+$0x0], $0xffff  }
0x50: {  	[tilespmem:s10+$0x20] =	vst v0  }
0x51: {  	v0 =	vld [tilespmem:s17+$0x30]  }
0x52: {  	[tilespmem:s11+$0xFFFFFF80] =	vst v3;
	v1 =	vld.idx.msk [tilespmem:v1+s5+$0x0], $0xffff  }
0x53: {  	v3 =	vld [tilespmem:s12+$0xFFFFFF90]  }
0x54: {  	[tilespmem:s10+$0xFFFFFFA0] =	vst v2  }
0x55: {  	v2 =	vld [tilespmem:s17+$0xFFFFFFB0];
	_ =	sdelay $0x1  }
0x56: {  	[tilespmem:s11+$0x10] =	vst v1  }
0x57: {  	v1 =	vld [tilespmem:s12+$0x20]  }
0x58: {  	s13 =	simm.s32 $0x300;
	v0 =	vld.idx.msk [tilespmem:v0+s5+$0x0], $0xffff  }
0x59: {  	v4 =	vld [tilespmem:s13+$0x0]  }
0x5a: {  	v3 =	vld.idx.msk [tilespmem:v3+s5+$0x0], $0xffff  }
0x5b: {  	v5 =	vld [tilespmem:s13+$0xFFFFFF80]  }
0x5c: {  	v2 =	vld.idx.msk [tilespmem:v2+s5+$0x0], $0xffff  }
0x5d: {  	[tilespmem:s10+$0x30] =	vst v0  }
0x5e: {  	v0 =	vld [tilespmem:s17+$0x40]  }
0x5f: {  	[tilespmem:s11+$0xFFFFFF90] =	vst v3;
	v1 =	vld.idx.msk [tilespmem:v1+s5+$0x0], $0xffff  }
0x60: {  	v3 =	vld [tilespmem:s12+$0xFFFFFFA0]  }
0x61: {  	v4 =	vld.idx.msk [tilespmem:v4+s5+$0x0], $0xffff;
	[tilespmem:s10+$0xFFFFFFB0] =	vst v2  }
0x62: {  	v2 =	vld [tilespmem:s17+$0xFFFFFFC0]  }
0x63: {  	s15 =	simm.s32 $0x400;
	v5 =	vld.idx.msk [tilespmem:v5+s5+$0x0], $0xffff  }
0x64: {  	v6 =	vld [tilespmem:s15+$0x0];
	[tilespmem:s11+$0x20] =	vst v1  }
0x65: {  	s14 =	simm.s32 $0x5300;
	v1 =	vld [tilespmem:s12+$0x30]  }
0x66: {  	[tilespmem:s14+$0x0] =	vst v4;
	v0 =	vld.idx.msk [tilespmem:v0+s5+$0x0], $0xffff  }
0x67: {  	v4 =	vld [tilespmem:s13+$0x10]  }
0x68: {  	[tilespmem:s14+$0xFFFFFF80] =	vst v5;
	v3 =	vld.idx.msk [tilespmem:v3+s5+$0x0], $0xffff  }
0x69: {  	v5 =	vld [tilespmem:s13+$0xFFFFFF90]  }
0x6a: {  	v2 =	vld.idx.msk [tilespmem:v2+s5+$0x0], $0xffff  }
0x6b: {  	v7 =	vld [tilespmem:s15+$0xFFFFFF80];
	[tilespmem:s10+$0x40] =	vst v0  }
0x6c: {  	v0 =	vld [tilespmem:s17+$0x50]  }
0x6d: {  	[tilespmem:s11+$0xFFFFFFA0] =	vst v3;
	v1 =	vld.idx.msk [tilespmem:v1+s5+$0x0], $0xffff  }
0x6e: {  	v3 =	vld [tilespmem:s12+$0xFFFFFFB0]  }
0x6f: {  	v4 =	vld.idx.msk [tilespmem:v4+s5+$0x0], $0xffff;
	[tilespmem:s10+$0xFFFFFFC0] =	vst v2  }
0x70: {  	v2 =	vld [tilespmem:s17+$0xFFFFFFD0]  }
0x71: {  	v5 =	vld.idx.msk [tilespmem:v5+s5+$0x0], $0xffff  }
0x72: {  	v6 =	vld.idx.msk [tilespmem:v6+s5+$0x0], $0xffff;
	[tilespmem:s11+$0x30] =	vst v1  }
0x73: {  	v1 =	vld [tilespmem:s12+$0x40]  }
0x74: {  	[tilespmem:s14+$0x10] =	vst v4;
	v0 =	vld.idx.msk [tilespmem:v0+s5+$0x0], $0xffff  }
0x75: {  	v4 =	vld [tilespmem:s13+$0x20]  }
0x76: {  	[tilespmem:s14+$0xFFFFFF90] =	vst v5;
	v3 =	vld.idx.msk [tilespmem:v3+s5+$0x0], $0xffff  }
0x77: {  	v5 =	vld [tilespmem:s13+$0xFFFFFFA0]  }
0x78: {  	v2 =	vld.idx.msk [tilespmem:v2+s5+$0x0], $0xffff  }
0x79: {  	v7 =	vld.idx.msk [tilespmem:v7+s5+$0x0], $0xffff;
	[tilespmem:s10+$0x50] =	vst v0  }
0x7a: {  	v0 =	vld [tilespmem:s17+$0x60]  }
0x7b: {  	s16 =	simm.s32 $0x5400;
	[tilespmem:s11+$0xFFFFFFB0] =	vst v3;
	v1 =	vld.idx.msk [tilespmem:v1+s5+$0x0], $0xffff  }
0x7c: {  	[tilespmem:s16+$0x0] =	vst v6;
	v3 =	vld [tilespmem:s12+$0xFFFFFFC0]  }
0x7d: {  	[tilespmem:s10+$0xFFFFFFD0] =	vst v2;
	v2 =	vld.idx.msk [tilespmem:v4+s5+$0x0], $0xffff  }
0x7e: {  	v6 =	vld [tilespmem:s15+$0x10]  }
0x7f: {  	v4 =	vld [tilespmem:s17+$0xFFFFFFE0]  }
0x80: {  	v5 =	vld.idx.msk [tilespmem:v5+s5+$0x0], $0xffff;
	[tilespmem:s11+$0x40] =	vst v1  }
0x81: {  	v1 =	vld [tilespmem:s12+$0x50]  }
0x82: {  	[tilespmem:s14+$0x20] =	vst v2;
	v0 =	vld.idx.msk [tilespmem:v0+s5+$0x0], $0xffff  }
0x83: {  	v2 =	vld [tilespmem:s13+$0x30]  }
0x84: {  	[tilespmem:s16+$0xFFFFFF80] =	vst v7;
	v3 =	vld.idx.msk [tilespmem:v3+s5+$0x0], $0xffff  }
0x85: {  	v8 =	vld [tilespmem:s15+$0xFFFFFF90];
	[tilespmem:s14+$0xFFFFFFA0] =	vst v5  }
0x86: {  	v9 =	vld [tilespmem:s13+$0xFFFFFFB0]  }
0x87: {  	v4 =	vld.idx.msk [tilespmem:v4+s5+$0x0], $0xffff;
	[tilespmem:s10+$0x60] =	vst v0  }
0x88: {  	v0 =	vld [tilespmem:s17+$0x70]  }
0x89: {  	[tilespmem:s11+$0xFFFFFFC0] =	vst v3;
	v1 =	vld.idx.msk [tilespmem:v1+s5+$0x0], $0xffff  }
0x8a: {  	v10 =	vld [tilespmem:s12+$0xFFFFFFD0]  }
0x8b: {  	v2 =	vld.idx.msk [tilespmem:v2+s5+$0x0], $0xffff  }
0x8c: {  	[tilespmem:s10+$0xFFFFFFE0] =	vst v4;
	v4 =	vld.idx.msk [tilespmem:v6+s5+$0x0], $0xffff;
	_ =	sdelay $0x1  }
0x8d: {  	v5 =	vld.idx.msk [tilespmem:v8+s5+$0x0], $0xffff;
	[tilespmem:s11+$0x50] =	vst v1  }
0x8e: {  	v1 =	vld [tilespmem:s12+$0x60]  }
0x8f: {  	[tilespmem:s14+$0x30] =	vst v2;
	v7 =	vld.idx.msk [tilespmem:v0+s5+$0x0], $0xffff  }
0x90: {  	[tilespmem:s16+$0x10] =	vst v4;
	v4 =	vld.idx.msk [tilespmem:v9+s5+$0x0], $0xffff  }
0x91: {  	v3 =	vld [tilespmem:s13+$0x40]  }
0x92: {  	v2 =	vld.idx.msk [tilespmem:v10+s5+$0x0], $0xffff  }
0x93: {  	v6 =	vld [tilespmem:s15+$0x20]  }
0x94: {  	s6 =	simm.s32 $0x6;
	v0 =	vld [tilespmem:s17+$0xFFFFFFF0];
	s17 =	simm.s32 $0x500;
	[tilespmem:s10+$0x70] =	vst v7  }
.LBB2_2:
0x95: {  	v7 =	vld [tilespmem:s17+$0x0];
	s6 =	sadd.s32 $0x2, s6;
	s19 =	smov.u32 s14;
	s14 =	smov.u32 s16  }
0x96: {  	v8 =	vld [tilespmem:s17+$0xFFFFFF80];
	p0 =	slt.u32 s6, $0x26;
	[tilespmem:s16+$0xFFFFFF90] =	vst v5  }
0x97: {  	v1 =	vld.idx.msk [tilespmem:v1+s5+$0x0], $0xffff  }
0x98: {  	v5 =	vld [tilespmem:s15+$0xFFFFFFA0];
	[tilespmem:s19+$0xFFFFFFB0] =	vst v4  }
0x99: {  	v3 =	vld.idx.msk [tilespmem:v3+s5+$0x0], $0xffff  }
0x9a: {  	v4 =	vld [tilespmem:s13+$0xFFFFFFC0];
	[tilespmem:s11+$0xFFFFFFD0] =	vst v2  }
0x9b: {  	v2 =	vld.idx.msk [tilespmem:v6+s5+$0x0], $0xffff  }
0x9c: {  	v6 =	vld [tilespmem:s12+$0xFFFFFFE0]  }
0x9d: {  	v7 =	vld.idx.msk [tilespmem:v7+s5+$0x0], $0xffff;
	[tilespmem:s11+$0x60] =	vst v1  }
0x9e: {  	v1 =	vld [tilespmem:s12+$0x70]  }
0x9f: {  	v8 =	vld.idx.msk [tilespmem:v8+s5+$0x0], $0xffff;
	[tilespmem:s19+$0x40] =	vst v3  }
0xa0: {  	v3 =	vld [tilespmem:s13+$0x50]  }
0xa1: {  	v5 =	vld.idx.msk [tilespmem:v5+s5+$0x0], $0xffff;
	[tilespmem:s16+$0x20] =	vst v2  }
0xa2: {  	s16 =	sadd.s32 $0x100, s16;
	v2 =	vld [tilespmem:s15+$0x30]  }
0xa3: {  	[tilespmem:s16+$0x0] =	vst v7;
	v4 =	vld.idx.msk [tilespmem:v4+s5+$0x0], $0xffff  }
0xa4: {  	v7 =	vld [tilespmem:s17+$0x10]  }
0xa5: {  	[tilespmem:s16+$0xFFFFFF80] =	vst v8;
	v6 =	vld.idx.msk [tilespmem:v6+s5+$0x0], $0xffff  }
0xa6: {  	v1 =	vld.idx.msk [tilespmem:v1+s5+$0x0], $0xffff  }
0xa7: {  	v8 =	vld [tilespmem:s17+$0xFFFFFF90];
	[tilespmem:s14+$0xFFFFFFA0] =	vst v5  }
0xa8: {  	v3 =	vld.idx.msk [tilespmem:v3+s5+$0x0], $0xffff  }
0xa9: {  	v9 =	vld [tilespmem:s15+$0xFFFFFFB0];
	[tilespmem:s19+$0xFFFFFFC0] =	vst v4  }
0xaa: {  	v2 =	vld.idx.msk [tilespmem:v2+s5+$0x0], $0xffff  }
0xab: {  	v10 =	vld [tilespmem:s13+$0xFFFFFFD0];
	[tilespmem:s11+$0xFFFFFFE0] =	vst v6  }
0xac: {  	v4 =	vld.idx.msk [tilespmem:v7+s5+$0x0], $0xffff;
	[tilespmem:s11+$0x70] =	vst v1  }
0xad: {  	v6 =	vld [tilespmem:s12+$0xFFFFFFF0];
	s12 =	smov.u32 s13;
	s13 =	smov.u32 s15;
	s15 =	smov.u32 s17  }
0xae: {  	[tilespmem:s19+$0x50] =	vst v3;
	v7 =	vld.idx.msk [tilespmem:v0+s5+$0x0], $0xffff  }
0xaf: {  	v1 =	vld [tilespmem:s12+$0x60]  }
.Ltmp2:
0xb0: {  	v5 =	vld.idx.msk [tilespmem:v8+s5+$0x0], $0xffff;
	[tilespmem:s14+$0x30] =	vst v2;
	(pc) =	sbr.rel @p0 .LBB2_2-.Ltmp2, $4  }
0xb1: {  	v3 =	vld [tilespmem:s13+$0x40]  }
0xb2: {  	[tilespmem:s16+$0x10] =	vst v4;
	v4 =	vld.idx.msk [tilespmem:v9+s5+$0x0], $0xffff;
	v0 =	vmov v6  }
0xb3: {  	v6 =	vld [tilespmem:s17+$0x20]  }
0xb4: {  	s17 =	sadd.s32 $0x100, s17;
	v2 =	vld.idx.msk [tilespmem:v10+s5+$0x0], $0xffff;
	[tilespmem:s10+$0xFFFFFFF0] =	vst v7;
	s10 =	smov.u32 s11;
	s11 =	smov.u32 s19  }
0xb5: {  	[tilespmem:s16+$0xFFFFFF90] =	vst v5  }
0xb6: {  	v5 =	vld [tilespmem:s15+$0xFFFFFFA0];
	_ =	sdelay $0x6  }
0xb7: {  	v6 =	vld.idx.msk [tilespmem:v6+s5+$0x0], $0xffff  }
0xb8: {  	v5 =	vld.idx.msk [tilespmem:v5+s5+$0x0], $0xffff;
	_ =	sdelay $0x3  }
0xb9: {  	[tilespmem:s16+$0x20] =	vst v6  }
0xba: {  	v6 =	vld [tilespmem:s15+$0x30];
	[tilespmem:s16+$0xFFFFFFA0] =	vst v5  }
0xbb: {  	v5 =	vld [tilespmem:s15+$0xFFFFFFB0];
	_ =	sdelay $0x6  }
0xbc: {  	v6 =	vld.idx.msk [tilespmem:v6+s5+$0x0], $0xffff  }
0xbd: {  	v5 =	vld.idx.msk [tilespmem:v5+s5+$0x0], $0xffff;
	_ =	sdelay $0x2  }
0xbe: {  	[tilespmem:s14+$0xFFFFFFB0] =	vst v4  }
0xbf: {  	[tilespmem:s16+$0x30] =	vst v6;
	v6 =	vld [tilespmem:s13+$0xFFFFFFC0]  }
0xc0: {  	v4 =	vld [tilespmem:s15+$0x40];
	[tilespmem:s16+$0xFFFFFFB0] =	vst v5  }
0xc1: {  	v5 =	vld [tilespmem:s15+$0xFFFFFFC0];
	_ =	sdelay $0x4  }
0xc2: {  	v3 =	vld.idx.msk [tilespmem:v3+s5+$0x0], $0xffff  }
0xc3: {  	v6 =	vld.idx.msk [tilespmem:v6+s5+$0x0], $0xffff  }
0xc4: {  	v4 =	vld.idx.msk [tilespmem:v4+s5+$0x0], $0xffff  }
0xc5: {  	v5 =	vld.idx.msk [tilespmem:v5+s5+$0x0], $0xffff;
	_ =	sdelay $0x1  }
0xc6: {  	[tilespmem:s14+$0x40] =	vst v3  }
0xc7: {  	v3 =	vld [tilespmem:s13+$0x50];
	[tilespmem:s14+$0xFFFFFFC0] =	vst v6  }
0xc8: {  	[tilespmem:s16+$0x40] =	vst v4;
	v6 =	vld [tilespmem:s13+$0xFFFFFFD0]  }
0xc9: {  	v4 =	vld [tilespmem:s15+$0x50];
	[tilespmem:s16+$0xFFFFFFC0] =	vst v5  }
0xca: {  	v5 =	vld [tilespmem:s15+$0xFFFFFFD0];
	_ =	sdelay $0x4  }
0xcb: {  	v3 =	vld.idx.msk [tilespmem:v3+s5+$0x0], $0xffff  }
0xcc: {  	v6 =	vld.idx.msk [tilespmem:v6+s5+$0x0], $0xffff  }
0xcd: {  	v4 =	vld.idx.msk [tilespmem:v4+s5+$0x0], $0xffff  }
0xce: {  	v5 =	vld.idx.msk [tilespmem:v5+s5+$0x0], $0xffff  }
0xcf: {  	v1 =	vld.idx.msk [tilespmem:v1+s5+$0x0], $0xffff;
	[tilespmem:s11+$0xFFFFFFD0] =	vst v2  }
0xd0: {  	[tilespmem:s14+$0x50] =	vst v3;
	v3 =	vld [tilespmem:s12+$0xFFFFFFE0]  }
0xd1: {  	v2 =	vld [tilespmem:s13+$0x60];
	[tilespmem:s14+$0xFFFFFFD0] =	vst v6  }
0xd2: {  	[tilespmem:s16+$0x50] =	vst v4;
	v6 =	vld [tilespmem:s13+$0xFFFFFFE0]  }
0xd3: {  	v4 =	vld [tilespmem:s15+$0x60];
	[tilespmem:s16+$0xFFFFFFD0] =	vst v5  }
0xd4: {  	v5 =	vld [tilespmem:s15+$0xFFFFFFE0];
	_ =	sdelay $0x1  }
0xd5: {  	[tilespmem:s11+$0x60] =	vst v1  }
0xd6: {  	v1 =	vld [tilespmem:s12+$0x70]  }
0xd7: {  	v3 =	vld.idx.msk [tilespmem:v3+s5+$0x0], $0xffff  }
0xd8: {  	v2 =	vld.idx.msk [tilespmem:v2+s5+$0x0], $0xffff  }
0xd9: {  	v6 =	vld.idx.msk [tilespmem:v6+s5+$0x0], $0xffff  }
0xda: {  	v4 =	vld.idx.msk [tilespmem:v4+s5+$0x0], $0xffff  }
0xdb: {  	v5 =	vld.idx.msk [tilespmem:v5+s5+$0x0], $0xffff  }
0xdc: {  	[tilespmem:s11+$0xFFFFFFE0] =	vst v3  }
0xdd: {  	[tilespmem:s14+$0x60] =	vst v2;
	v3 =	vld [tilespmem:s12+$0xFFFFFFF0]  }
0xde: {  	v2 =	vld [tilespmem:s13+$0x70];
	[tilespmem:s14+$0xFFFFFFE0] =	vst v6  }
0xdf: {  	[tilespmem:s16+$0x60] =	vst v4;
	v6 =	vld [tilespmem:s13+$0xFFFFFFF0]  }
0xe0: {  	v4 =	vld [tilespmem:s15+$0x70];
	[tilespmem:s16+$0xFFFFFFE0] =	vst v5  }
0xe1: {  	v5 =	vld [tilespmem:s15+$0xFFFFFFF0]  }
0xe2: {  	v1 =	vld.idx.msk [tilespmem:v1+s5+$0x0], $0xffff;
	_ =	sdelay $0x1  }
0xe3: {  	v0 =	vld.idx.msk [tilespmem:v0+s5+$0x0], $0xffff  }
0xe4: {  	v3 =	vld.idx.msk [tilespmem:v3+s5+$0x0], $0xffff  }
0xe5: {  	v2 =	vld.idx.msk [tilespmem:v2+s5+$0x0], $0xffff  }
0xe6: {  	[tilespmem:s11+$0x70] =	vst v1;
	v1 =	vld.idx.msk [tilespmem:v6+s5+$0x0], $0xffff  }
0xe7: {  	v4 =	vld.idx.msk [tilespmem:v4+s5+$0x0], $0xffff  }
0xe8: {  	[tilespmem:s10+$0xFFFFFFF0] =	vst v0;
	v0 =	vld.idx.msk [tilespmem:v5+s5+$0x0], $0xffff  }
0xe9: {  	[tilespmem:s11+$0xFFFFFFF0] =	vst v3  }
0xea: {  	[tilespmem:s14+$0x70] =	vst v2  }
0xeb: {  	[tilespmem:s14+$0xFFFFFFF0] =	vst v1  }
0xec: {  	[tilespmem:s16+$0x70] =	vst v4  }
0xed: {  	[tilespmem:s16+$0xFFFFFFF0] =	vst v0  }
0xee: {  	s6 =	rddreg [dreg:$0x8]  }
0xef: {  	[hbm4b:s6+s21] =	stream.strided.scatter [tilespmem:s29], [sflag:$0x5], $0x1400, s22, s21, $0x38;
	[tilespmem:$0xA080] =	vst v63  }
0xf0: {  	s19 =	rddreg [dreg:$0x9]  }
0xf1: {  	[tilespmem:s9], [sflag:$0x1] =	stream.strided.gather [hbm4b:s19+s21], $0x1400, s22, s21, $0x38;
	[tilespmem:$0xA080] =	vst v63  }
0xf2: {  	_ =	swait.ge [sflag:s30], $0x1400  }
0xf3: {  	[sflag:s30] =	ssyncset.done $0x0  }
0xf4: {  	s17 =	simm.s32 $0x1570;
	[sflag:s30] =	ssyncadd.s32 $0xFFFFEC00  }
0xf5: {  	v0 =	vld [tilespmem:s17+$0xFFFFFF90];
	_ =	sdelay $0x1  }
0xf6: {  	v1 =	vld [tilespmem:s17+$0xFFFFFF10];
	_ =	sdelay $0x5  }
0xf7: {  	v0 =	vld.idx.msk [tilespmem:v0+s5+$0x0], $0xffff;
	_ =	sdelay $0x1  }
0xf8: {  	v1 =	vld.idx.msk [tilespmem:v1+s5+$0x0], $0xffff;
	_ =	sdelay $0x1  }
0xf9: {  	s10 =	simm.s32 $0x6570  }
0xfa: {  	[tilespmem:s10+$0xFFFFFF90] =	vst v0  }
0xfb: {  	v0 =	vld [tilespmem:s17+$0xFFFFFFA0]  }
0xfc: {  	[tilespmem:s10+$0xFFFFFF10] =	vst v1  }
0xfd: {  	v1 =	vld [tilespmem:s17+$0xFFFFFF20];
	_ =	sdelay $0x3  }
0xfe: {  	s12 =	simm.s32 $0x1670  }
0xff: {  	v2 =	vld [tilespmem:s12+$0xFFFFFF90]  }
0x100: {  	v0 =	vld.idx.msk [tilespmem:v0+s5+$0x0], $0xffff;
	_ =	sdelay $0x1  }
0x101: {  	v1 =	vld.idx.msk [tilespmem:v1+s5+$0x0], $0xffff;
	_ =	sdelay $0x2  }
0x102: {  	[tilespmem:s10+$0xFFFFFFA0] =	vst v0  }
0x103: {  	v0 =	vld [tilespmem:s17+$0xFFFFFFB0]  }
0x104: {  	[tilespmem:s10+$0xFFFFFF20] =	vst v1;
	v1 =	vld.idx.msk [tilespmem:v2+s5+$0x0], $0xffff  }
0x105: {  	v3 =	vld [tilespmem:s12+$0xFFFFFF10];
	_ =	sdelay $0x1  }
0x106: {  	v2 =	vld [tilespmem:s17+$0xFFFFFF30]  }
0x107: {  	s11 =	simm.s32 $0x6670  }
0x108: {  	[tilespmem:s11+$0xFFFFFF90] =	vst v1  }
0x109: {  	v1 =	vld [tilespmem:s12+$0xFFFFFFA0]  }
0x10a: {  	v0 =	vld.idx.msk [tilespmem:v0+s5+$0x0], $0xffff;
	_ =	sdelay $0x1  }
0x10b: {  	v3 =	vld.idx.msk [tilespmem:v3+s5+$0x0], $0xffff;
	_ =	sdelay $0x1  }
0x10c: {  	v2 =	vld.idx.msk [tilespmem:v2+s5+$0x0], $0xffff  }
0x10d: {  	[tilespmem:s10+$0xFFFFFFB0] =	vst v0  }
0x10e: {  	v0 =	vld [tilespmem:s17+$0xFFFFFFC0]  }
0x10f: {  	[tilespmem:s11+$0xFFFFFF10] =	vst v3;
	v1 =	vld.idx.msk [tilespmem:v1+s5+$0x0], $0xffff  }
0x110: {  	v3 =	vld [tilespmem:s12+$0xFFFFFF20]  }
0x111: {  	[tilespmem:s10+$0xFFFFFF30] =	vst v2  }
0x112: {  	v2 =	vld [tilespmem:s17+$0xFFFFFF40];
	_ =	sdelay $0x1  }
0x113: {  	[tilespmem:s11+$0xFFFFFFA0] =	vst v1  }
0x114: {  	v1 =	vld [tilespmem:s12+$0xFFFFFFB0]  }
0x115: {  	s13 =	simm.s32 $0x1770;
	v0 =	vld.idx.msk [tilespmem:v0+s5+$0x0], $0xffff  }
0x116: {  	v4 =	vld [tilespmem:s13+$0xFFFFFF90]  }
0x117: {  	v3 =	vld.idx.msk [tilespmem:v3+s5+$0x0], $0xffff  }
0x118: {  	v5 =	vld [tilespmem:s13+$0xFFFFFF10]  }
0x119: {  	v2 =	vld.idx.msk [tilespmem:v2+s5+$0x0], $0xffff  }
0x11a: {  	[tilespmem:s10+$0xFFFFFFC0] =	vst v0  }
0x11b: {  	v0 =	vld [tilespmem:s17+$0xFFFFFFD0]  }
0x11c: {  	[tilespmem:s11+$0xFFFFFF20] =	vst v3;
	v1 =	vld.idx.msk [tilespmem:v1+s5+$0x0], $0xffff  }
0x11d: {  	v3 =	vld [tilespmem:s12+$0xFFFFFF30]  }
0x11e: {  	v4 =	vld.idx.msk [tilespmem:v4+s5+$0x0], $0xffff;
	[tilespmem:s10+$0xFFFFFF40] =	vst v2  }
0x11f: {  	v2 =	vld [tilespmem:s17+$0xFFFFFF50]  }
0x120: {  	s15 =	simm.s32 $0x1870;
	v5 =	vld.idx.msk [tilespmem:v5+s5+$0x0], $0xffff  }
0x121: {  	v6 =	vld [tilespmem:s15+$0xFFFFFF90];
	[tilespmem:s11+$0xFFFFFFB0] =	vst v1  }
0x122: {  	s14 =	simm.s32 $0x6770;
	v1 =	vld [tilespmem:s12+$0xFFFFFFC0]  }
0x123: {  	[tilespmem:s14+$0xFFFFFF90] =	vst v4;
	v0 =	vld.idx.msk [tilespmem:v0+s5+$0x0], $0xffff  }
0x124: {  	v4 =	vld [tilespmem:s13+$0xFFFFFFA0]  }
0x125: {  	[tilespmem:s14+$0xFFFFFF10] =	vst v5;
	v3 =	vld.idx.msk [tilespmem:v3+s5+$0x0], $0xffff  }
0x126: {  	v5 =	vld [tilespmem:s13+$0xFFFFFF20]  }
0x127: {  	v2 =	vld.idx.msk [tilespmem:v2+s5+$0x0], $0xffff  }
0x128: {  	v7 =	vld [tilespmem:s15+$0xFFFFFF10];
	[tilespmem:s10+$0xFFFFFFD0] =	vst v0  }
0x129: {  	v0 =	vld [tilespmem:s17+$0xFFFFFFE0]  }
0x12a: {  	[tilespmem:s11+$0xFFFFFF30] =	vst v3;
	v1 =	vld.idx.msk [tilespmem:v1+s5+$0x0], $0xffff  }
0x12b: {  	v3 =	vld [tilespmem:s12+$0xFFFFFF40]  }
0x12c: {  	v4 =	vld.idx.msk [tilespmem:v4+s5+$0x0], $0xffff;
	[tilespmem:s10+$0xFFFFFF50] =	vst v2  }
0x12d: {  	v2 =	vld [tilespmem:s17+$0xFFFFFF60]  }
0x12e: {  	v5 =	vld.idx.msk [tilespmem:v5+s5+$0x0], $0xffff  }
0x12f: {  	v6 =	vld.idx.msk [tilespmem:v6+s5+$0x0], $0xffff;
	[tilespmem:s11+$0xFFFFFFC0] =	vst v1  }
0x130: {  	v1 =	vld [tilespmem:s12+$0xFFFFFFD0]  }
0x131: {  	[tilespmem:s14+$0xFFFFFFA0] =	vst v4;
	v0 =	vld.idx.msk [tilespmem:v0+s5+$0x0], $0xffff  }
0x132: {  	v4 =	vld [tilespmem:s13+$0xFFFFFFB0]  }
0x133: {  	[tilespmem:s14+$0xFFFFFF20] =	vst v5;
	v3 =	vld.idx.msk [tilespmem:v3+s5+$0x0], $0xffff  }
0x134: {  	v5 =	vld [tilespmem:s13+$0xFFFFFF30]  }
0x135: {  	v2 =	vld.idx.msk [tilespmem:v2+s5+$0x0], $0xffff  }
0x136: {  	v7 =	vld.idx.msk [tilespmem:v7+s5+$0x0], $0xffff;
	[tilespmem:s10+$0xFFFFFFE0] =	vst v0  }
0x137: {  	v0 =	vld [tilespmem:s17+$0xFFFFFFF0]  }
0x138: {  	s16 =	simm.s32 $0x6870;
	[tilespmem:s11+$0xFFFFFF40] =	vst v3;
	v1 =	vld.idx.msk [tilespmem:v1+s5+$0x0], $0xffff  }
0x139: {  	[tilespmem:s16+$0xFFFFFF90] =	vst v6;
	v3 =	vld [tilespmem:s12+$0xFFFFFF50]  }
0x13a: {  	[tilespmem:s10+$0xFFFFFF60] =	vst v2;
	v2 =	vld.idx.msk [tilespmem:v4+s5+$0x0], $0xffff  }
0x13b: {  	v6 =	vld [tilespmem:s15+$0xFFFFFFA0]  }
0x13c: {  	v4 =	vld [tilespmem:s17+$0xFFFFFF70]  }
0x13d: {  	v5 =	vld.idx.msk [tilespmem:v5+s5+$0x0], $0xffff;
	[tilespmem:s11+$0xFFFFFFD0] =	vst v1  }
0x13e: {  	v1 =	vld [tilespmem:s12+$0xFFFFFFE0]  }
0x13f: {  	[tilespmem:s14+$0xFFFFFFB0] =	vst v2;
	v0 =	vld.idx.msk [tilespmem:v0+s5+$0x0], $0xffff  }
0x140: {  	v2 =	vld [tilespmem:s13+$0xFFFFFFC0]  }
0x141: {  	[tilespmem:s16+$0xFFFFFF10] =	vst v7;
	v3 =	vld.idx.msk [tilespmem:v3+s5+$0x0], $0xffff  }
0x142: {  	v8 =	vld [tilespmem:s15+$0xFFFFFF20];
	[tilespmem:s14+$0xFFFFFF30] =	vst v5  }
0x143: {  	v9 =	vld [tilespmem:s13+$0xFFFFFF40]  }
0x144: {  	v4 =	vld.idx.msk [tilespmem:v4+s5+$0x0], $0xffff;
	[tilespmem:s10+$0xFFFFFFF0] =	vst v0  }
0x145: {  	v0 =	vld [tilespmem:s17+$0x0]  }
0x146: {  	[tilespmem:s11+$0xFFFFFF50] =	vst v3;
	v1 =	vld.idx.msk [tilespmem:v1+s5+$0x0], $0xffff  }
0x147: {  	v10 =	vld [tilespmem:s12+$0xFFFFFF60]  }
0x148: {  	v2 =	vld.idx.msk [tilespmem:v2+s5+$0x0], $0xffff  }
0x149: {  	[tilespmem:s10+$0xFFFFFF70] =	vst v4;
	v4 =	vld.idx.msk [tilespmem:v6+s5+$0x0], $0xffff;
	_ =	sdelay $0x1  }
0x14a: {  	v5 =	vld.idx.msk [tilespmem:v8+s5+$0x0], $0xffff;
	[tilespmem:s11+$0xFFFFFFE0] =	vst v1  }
0x14b: {  	v1 =	vld [tilespmem:s12+$0xFFFFFFF0]  }
0x14c: {  	[tilespmem:s14+$0xFFFFFFC0] =	vst v2;
	v7 =	vld.idx.msk [tilespmem:v0+s5+$0x0], $0xffff  }
0x14d: {  	[tilespmem:s16+$0xFFFFFFA0] =	vst v4;
	v4 =	vld.idx.msk [tilespmem:v9+s5+$0x0], $0xffff  }
0x14e: {  	v3 =	vld [tilespmem:s13+$0xFFFFFFD0]  }
0x14f: {  	v2 =	vld.idx.msk [tilespmem:v10+s5+$0x0], $0xffff  }
0x150: {  	v6 =	vld [tilespmem:s15+$0xFFFFFFB0]  }
0x151: {  	s6 =	simm.s32 $0x6;
	v0 =	vld [tilespmem:s17+$0xFFFFFF80];
	s17 =	simm.s32 $0x1970;
	[tilespmem:s10+$0x0] =	vst v7  }
.LBB2_4:
0x152: {  	v7 =	vld [tilespmem:s17+$0xFFFFFF90];
	s6 =	sadd.s32 $0x2, s6;
	s19 =	smov.u32 s14;
	s14 =	smov.u32 s16  }
0x153: {  	v8 =	vld [tilespmem:s17+$0xFFFFFF10];
	p0 =	slt.u32 s6, $0x26;
	[tilespmem:s16+$0xFFFFFF20] =	vst v5  }
0x154: {  	v1 =	vld.idx.msk [tilespmem:v1+s5+$0x0], $0xffff  }
0x155: {  	v5 =	vld [tilespmem:s15+$0xFFFFFF30];
	[tilespmem:s19+$0xFFFFFF40] =	vst v4  }
0x156: {  	v3 =	vld.idx.msk [tilespmem:v3+s5+$0x0], $0xffff  }
0x157: {  	v4 =	vld [tilespmem:s13+$0xFFFFFF50];
	[tilespmem:s11+$0xFFFFFF60] =	vst v2  }
0x158: {  	v2 =	vld.idx.msk [tilespmem:v6+s5+$0x0], $0xffff  }
0x159: {  	v6 =	vld [tilespmem:s12+$0xFFFFFF70]  }
0x15a: {  	v7 =	vld.idx.msk [tilespmem:v7+s5+$0x0], $0xffff;
	[tilespmem:s11+$0xFFFFFFF0] =	vst v1  }
0x15b: {  	v1 =	vld [tilespmem:s12+$0x0]  }
0x15c: {  	v8 =	vld.idx.msk [tilespmem:v8+s5+$0x0], $0xffff;
	[tilespmem:s19+$0xFFFFFFD0] =	vst v3  }
0x15d: {  	v3 =	vld [tilespmem:s13+$0xFFFFFFE0]  }
0x15e: {  	v5 =	vld.idx.msk [tilespmem:v5+s5+$0x0], $0xffff;
	[tilespmem:s16+$0xFFFFFFB0] =	vst v2  }
0x15f: {  	s16 =	sadd.s32 $0x100, s16;
	v2 =	vld [tilespmem:s15+$0xFFFFFFC0]  }
0x160: {  	[tilespmem:s16+$0xFFFFFF90] =	vst v7;
	v4 =	vld.idx.msk [tilespmem:v4+s5+$0x0], $0xffff  }
0x161: {  	v7 =	vld [tilespmem:s17+$0xFFFFFFA0]  }
0x162: {  	[tilespmem:s16+$0xFFFFFF10] =	vst v8;
	v6 =	vld.idx.msk [tilespmem:v6+s5+$0x0], $0xffff  }
0x163: {  	v1 =	vld.idx.msk [tilespmem:v1+s5+$0x0], $0xffff  }
0x164: {  	v8 =	vld [tilespmem:s17+$0xFFFFFF20];
	[tilespmem:s14+$0xFFFFFF30] =	vst v5  }
0x165: {  	v3 =	vld.idx.msk [tilespmem:v3+s5+$0x0], $0xffff  }
0x166: {  	v9 =	vld [tilespmem:s15+$0xFFFFFF40];
	[tilespmem:s19+$0xFFFFFF50] =	vst v4  }
0x167: {  	v2 =	vld.idx.msk [tilespmem:v2+s5+$0x0], $0xffff  }
0x168: {  	v10 =	vld [tilespmem:s13+$0xFFFFFF60];
	[tilespmem:s11+$0xFFFFFF70] =	vst v6  }
0x169: {  	v4 =	vld.idx.msk [tilespmem:v7+s5+$0x0], $0xffff;
	[tilespmem:s11+$0x0] =	vst v1  }
0x16a: {  	v6 =	vld [tilespmem:s12+$0xFFFFFF80];
	s12 =	smov.u32 s13;
	s13 =	smov.u32 s15;
	s15 =	smov.u32 s17  }
0x16b: {  	[tilespmem:s19+$0xFFFFFFE0] =	vst v3;
	v7 =	vld.idx.msk [tilespmem:v0+s5+$0x0], $0xffff  }
0x16c: {  	v1 =	vld [tilespmem:s12+$0xFFFFFFF0]  }
.Ltmp3:
0x16d: {  	v5 =	vld.idx.msk [tilespmem:v8+s5+$0x0], $0xffff;
	[tilespmem:s14+$0xFFFFFFC0] =	vst v2;
	(pc) =	sbr.rel @p0 .LBB2_4-.Ltmp3, $4  }
0x16e: {  	v3 =	vld [tilespmem:s13+$0xFFFFFFD0]  }
0x16f: {  	[tilespmem:s16+$0xFFFFFFA0] =	vst v4;
	v4 =	vld.idx.msk [tilespmem:v9+s5+$0x0], $0xffff;
	v0 =	vmov v6  }
0x170: {  	v6 =	vld [tilespmem:s17+$0xFFFFFFB0]  }
0x171: {  	s17 =	sadd.s32 $0x100, s17;
	v2 =	vld.idx.msk [tilespmem:v10+s5+$0x0], $0xffff;
	[tilespmem:s10+$0xFFFFFF80] =	vst v7;
	s10 =	smov.u32 s11;
	s11 =	smov.u32 s19  }
0x172: {  	[tilespmem:s16+$0xFFFFFF20] =	vst v5  }
0x173: {  	v5 =	vld [tilespmem:s15+$0xFFFFFF30];
	_ =	sdelay $0x6  }
0x174: {  	v6 =	vld.idx.msk [tilespmem:v6+s5+$0x0], $0xffff  }
0x175: {  	v5 =	vld.idx.msk [tilespmem:v5+s5+$0x0], $0xffff;
	_ =	sdelay $0x3  }
0x176: {  	[tilespmem:s16+$0xFFFFFFB0] =	vst v6  }
0x177: {  	v6 =	vld [tilespmem:s15+$0xFFFFFFC0];
	[tilespmem:s16+$0xFFFFFF30] =	vst v5  }
0x178: {  	v5 =	vld [tilespmem:s15+$0xFFFFFF40];
	_ =	sdelay $0x6  }
0x179: {  	v6 =	vld.idx.msk [tilespmem:v6+s5+$0x0], $0xffff  }
0x17a: {  	v5 =	vld.idx.msk [tilespmem:v5+s5+$0x0], $0xffff;
	_ =	sdelay $0x2  }
0x17b: {  	[tilespmem:s14+$0xFFFFFF40] =	vst v4  }
0x17c: {  	[tilespmem:s16+$0xFFFFFFC0] =	vst v6;
	v6 =	vld [tilespmem:s13+$0xFFFFFF50]  }
0x17d: {  	v4 =	vld [tilespmem:s15+$0xFFFFFFD0];
	[tilespmem:s16+$0xFFFFFF40] =	vst v5  }
0x17e: {  	v5 =	vld [tilespmem:s15+$0xFFFFFF50];
	_ =	sdelay $0x4  }
0x17f: {  	v3 =	vld.idx.msk [tilespmem:v3+s5+$0x0], $0xffff  }
0x180: {  	v6 =	vld.idx.msk [tilespmem:v6+s5+$0x0], $0xffff  }
0x181: {  	v4 =	vld.idx.msk [tilespmem:v4+s5+$0x0], $0xffff  }
0x182: {  	v5 =	vld.idx.msk [tilespmem:v5+s5+$0x0], $0xffff;
	_ =	sdelay $0x1  }
0x183: {  	[tilespmem:s14+$0xFFFFFFD0] =	vst v3  }
0x184: {  	v3 =	vld [tilespmem:s13+$0xFFFFFFE0];
	[tilespmem:s14+$0xFFFFFF50] =	vst v6  }
0x185: {  	[tilespmem:s16+$0xFFFFFFD0] =	vst v4;
	v6 =	vld [tilespmem:s13+$0xFFFFFF60]  }
0x186: {  	v4 =	vld [tilespmem:s15+$0xFFFFFFE0];
	[tilespmem:s16+$0xFFFFFF50] =	vst v5  }
0x187: {  	v5 =	vld [tilespmem:s15+$0xFFFFFF60];
	_ =	sdelay $0x4  }
0x188: {  	v3 =	vld.idx.msk [tilespmem:v3+s5+$0x0], $0xffff  }
0x189: {  	v6 =	vld.idx.msk [tilespmem:v6+s5+$0x0], $0xffff  }
0x18a: {  	v4 =	vld.idx.msk [tilespmem:v4+s5+$0x0], $0xffff  }
0x18b: {  	v5 =	vld.idx.msk [tilespmem:v5+s5+$0x0], $0xffff  }
0x18c: {  	v1 =	vld.idx.msk [tilespmem:v1+s5+$0x0], $0xffff;
	[tilespmem:s11+$0xFFFFFF60] =	vst v2  }
0x18d: {  	[tilespmem:s14+$0xFFFFFFE0] =	vst v3;
	v3 =	vld [tilespmem:s12+$0xFFFFFF70]  }
0x18e: {  	v2 =	vld [tilespmem:s13+$0xFFFFFFF0];
	[tilespmem:s14+$0xFFFFFF60] =	vst v6  }
0x18f: {  	[tilespmem:s16+$0xFFFFFFE0] =	vst v4;
	v6 =	vld [tilespmem:s13+$0xFFFFFF70]  }
0x190: {  	v4 =	vld [tilespmem:s15+$0xFFFFFFF0];
	[tilespmem:s16+$0xFFFFFF60] =	vst v5  }
0x191: {  	v5 =	vld [tilespmem:s15+$0xFFFFFF70];
	_ =	sdelay $0x1  }
0x192: {  	[tilespmem:s11+$0xFFFFFFF0] =	vst v1  }
0x193: {  	v1 =	vld [tilespmem:s12+$0x0]  }
0x194: {  	v3 =	vld.idx.msk [tilespmem:v3+s5+$0x0], $0xffff  }
0x195: {  	v2 =	vld.idx.msk [tilespmem:v2+s5+$0x0], $0xffff  }
0x196: {  	v6 =	vld.idx.msk [tilespmem:v6+s5+$0x0], $0xffff  }
0x197: {  	v4 =	vld.idx.msk [tilespmem:v4+s5+$0x0], $0xffff  }
0x198: {  	v5 =	vld.idx.msk [tilespmem:v5+s5+$0x0], $0xffff  }
0x199: {  	[tilespmem:s11+$0xFFFFFF70] =	vst v3  }
0x19a: {  	[tilespmem:s14+$0xFFFFFFF0] =	vst v2;
	v3 =	vld [tilespmem:s12+$0xFFFFFF80]  }
0x19b: {  	v2 =	vld [tilespmem:s13+$0x0];
	[tilespmem:s14+$0xFFFFFF70] =	vst v6  }
0x19c: {  	[tilespmem:s16+$0xFFFFFFF0] =	vst v4;
	v6 =	vld [tilespmem:s13+$0xFFFFFF80]  }
0x19d: {  	v4 =	vld [tilespmem:s15+$0x0];
	[tilespmem:s16+$0xFFFFFF70] =	vst v5  }
0x19e: {  	v5 =	vld [tilespmem:s15+$0xFFFFFF80]  }
0x19f: {  	v1 =	vld.idx.msk [tilespmem:v1+s5+$0x0], $0xffff;
	_ =	sdelay $0x1  }
0x1a0: {  	v0 =	vld.idx.msk [tilespmem:v0+s5+$0x0], $0xffff  }
0x1a1: {  	v3 =	vld.idx.msk [tilespmem:v3+s5+$0x0], $0xffff  }
0x1a2: {  	v2 =	vld.idx.msk [tilespmem:v2+s5+$0x0], $0xffff  }
0x1a3: {  	[tilespmem:s11+$0x0] =	vst v1;
	v1 =	vld.idx.msk [tilespmem:v6+s5+$0x0], $0xffff  }
0x1a4: {  	v4 =	vld.idx.msk [tilespmem:v4+s5+$0x0], $0xffff  }
0x1a5: {  	[tilespmem:s10+$0xFFFFFF80] =	vst v0;
	v0 =	vld.idx.msk [tilespmem:v5+s5+$0x0], $0xffff  }
0x1a6: {  	[tilespmem:s11+$0xFFFFFF80] =	vst v3  }
0x1a7: {  	[tilespmem:s14+$0x0] =	vst v2  }
0x1a8: {  	[tilespmem:s14+$0xFFFFFF80] =	vst v1  }
0x1a9: {  	[tilespmem:s16+$0x0] =	vst v4  }
0x1aa: {  	[tilespmem:s16+$0xFFFFFF80] =	vst v0  }
0x1ab: {  	s6 =	rddreg [dreg:$0xa]  }
0x1ac: {  	[hbm4b:s6+s21] =	stream.strided.scatter [tilespmem:s31], [sflag:$0x6], $0x1400, s22, s21, $0x38;
	[tilespmem:$0xA080] =	vst v63  }
0x1ad: {  	s19 =	rddreg [dreg:$0xb]  }
0x1ae: {  	[tilespmem:s20], [sflag:$0x2] =	stream.strided.gather [hbm4b:s19+s21], $0x1400, s22, s21, $0x38;
	[tilespmem:$0xA080] =	vst v63  }
0x1af: {  	_ =	swait.ge [sflag:s0], $0x1400  }
0x1b0: {  	[sflag:s0] =	ssyncset.done $0x0  }
0x1b1: {  	s17 =	simm.s32 $0x2970;
	[sflag:s0] =	ssyncadd.s32 $0xFFFFEC00  }
0x1b2: {  	v0 =	vld [tilespmem:s17+$0xFFFFFF90];
	_ =	sdelay $0x1  }
0x1b3: {  	v1 =	vld [tilespmem:s17+$0xFFFFFF10];
	_ =	sdelay $0x5  }
0x1b4: {  	v0 =	vld.idx.msk [tilespmem:v0+s5+$0x0], $0xffff;
	_ =	sdelay $0x1  }
0x1b5: {  	v1 =	vld.idx.msk [tilespmem:v1+s5+$0x0], $0xffff;
	_ =	sdelay $0x1  }
0x1b6: {  	s10 =	simm.s32 $0x7970  }
0x1b7: {  	[tilespmem:s10+$0xFFFFFF90] =	vst v0  }
0x1b8: {  	v0 =	vld [tilespmem:s17+$0xFFFFFFA0]  }
0x1b9: {  	[tilespmem:s10+$0xFFFFFF10] =	vst v1  }
0x1ba: {  	v1 =	vld [tilespmem:s17+$0xFFFFFF20];
	_ =	sdelay $0x3  }
0x1bb: {  	s12 =	simm.s32 $0x2A70  }
0x1bc: {  	v2 =	vld [tilespmem:s12+$0xFFFFFF90]  }
0x1bd: {  	v0 =	vld.idx.msk [tilespmem:v0+s5+$0x0], $0xffff;
	_ =	sdelay $0x1  }
0x1be: {  	v1 =	vld.idx.msk [tilespmem:v1+s5+$0x0], $0xffff;
	_ =	sdelay $0x2  }
0x1bf: {  	[tilespmem:s10+$0xFFFFFFA0] =	vst v0  }
0x1c0: {  	v0 =	vld [tilespmem:s17+$0xFFFFFFB0]  }
0x1c1: {  	[tilespmem:s10+$0xFFFFFF20] =	vst v1;
	v1 =	vld.idx.msk [tilespmem:v2+s5+$0x0], $0xffff  }
0x1c2: {  	v3 =	vld [tilespmem:s12+$0xFFFFFF10];
	_ =	sdelay $0x1  }
0x1c3: {  	v2 =	vld [tilespmem:s17+$0xFFFFFF30]  }
0x1c4: {  	s11 =	simm.s32 $0x7A70  }
0x1c5: {  	[tilespmem:s11+$0xFFFFFF90] =	vst v1  }
0x1c6: {  	v1 =	vld [tilespmem:s12+$0xFFFFFFA0]  }
0x1c7: {  	v0 =	vld.idx.msk [tilespmem:v0+s5+$0x0], $0xffff;
	_ =	sdelay $0x1  }
0x1c8: {  	v3 =	vld.idx.msk [tilespmem:v3+s5+$0x0], $0xffff;
	_ =	sdelay $0x1  }
0x1c9: {  	v2 =	vld.idx.msk [tilespmem:v2+s5+$0x0], $0xffff  }
0x1ca: {  	[tilespmem:s10+$0xFFFFFFB0] =	vst v0  }
0x1cb: {  	v0 =	vld [tilespmem:s17+$0xFFFFFFC0]  }
0x1cc: {  	[tilespmem:s11+$0xFFFFFF10] =	vst v3;
	v1 =	vld.idx.msk [tilespmem:v1+s5+$0x0], $0xffff  }
0x1cd: {  	v3 =	vld [tilespmem:s12+$0xFFFFFF20]  }
0x1ce: {  	[tilespmem:s10+$0xFFFFFF30] =	vst v2  }
0x1cf: {  	v2 =	vld [tilespmem:s17+$0xFFFFFF40];
	_ =	sdelay $0x1  }
0x1d0: {  	[tilespmem:s11+$0xFFFFFFA0] =	vst v1  }
0x1d1: {  	v1 =	vld [tilespmem:s12+$0xFFFFFFB0]  }
0x1d2: {  	s13 =	simm.s32 $0x2B70;
	v0 =	vld.idx.msk [tilespmem:v0+s5+$0x0], $0xffff  }
0x1d3: {  	v4 =	vld [tilespmem:s13+$0xFFFFFF90]  }
0x1d4: {  	v3 =	vld.idx.msk [tilespmem:v3+s5+$0x0], $0xffff  }
0x1d5: {  	v5 =	vld [tilespmem:s13+$0xFFFFFF10]  }
0x1d6: {  	v2 =	vld.idx.msk [tilespmem:v2+s5+$0x0], $0xffff  }
0x1d7: {  	[tilespmem:s10+$0xFFFFFFC0] =	vst v0  }
0x1d8: {  	v0 =	vld [tilespmem:s17+$0xFFFFFFD0]  }
0x1d9: {  	[tilespmem:s11+$0xFFFFFF20] =	vst v3;
	v1 =	vld.idx.msk [tilespmem:v1+s5+$0x0], $0xffff  }
0x1da: {  	v3 =	vld [tilespmem:s12+$0xFFFFFF30]  }
0x1db: {  	v4 =	vld.idx.msk [tilespmem:v4+s5+$0x0], $0xffff;
	[tilespmem:s10+$0xFFFFFF40] =	vst v2  }
0x1dc: {  	v2 =	vld [tilespmem:s17+$0xFFFFFF50]  }
0x1dd: {  	s15 =	simm.s32 $0x2C70;
	v5 =	vld.idx.msk [tilespmem:v5+s5+$0x0], $0xffff  }
0x1de: {  	v6 =	vld [tilespmem:s15+$0xFFFFFF90];
	[tilespmem:s11+$0xFFFFFFB0] =	vst v1  }
0x1df: {  	s14 =	simm.s32 $0x7B70;
	v1 =	vld [tilespmem:s12+$0xFFFFFFC0]  }
0x1e0: {  	[tilespmem:s14+$0xFFFFFF90] =	vst v4;
	v0 =	vld.idx.msk [tilespmem:v0+s5+$0x0], $0xffff  }
0x1e1: {  	v4 =	vld [tilespmem:s13+$0xFFFFFFA0]  }
0x1e2: {  	[tilespmem:s14+$0xFFFFFF10] =	vst v5;
	v3 =	vld.idx.msk [tilespmem:v3+s5+$0x0], $0xffff  }
0x1e3: {  	v5 =	vld [tilespmem:s13+$0xFFFFFF20]  }
0x1e4: {  	v2 =	vld.idx.msk [tilespmem:v2+s5+$0x0], $0xffff  }
0x1e5: {  	v7 =	vld [tilespmem:s15+$0xFFFFFF10];
	[tilespmem:s10+$0xFFFFFFD0] =	vst v0  }
0x1e6: {  	v0 =	vld [tilespmem:s17+$0xFFFFFFE0]  }
0x1e7: {  	[tilespmem:s11+$0xFFFFFF30] =	vst v3;
	v1 =	vld.idx.msk [tilespmem:v1+s5+$0x0], $0xffff  }
0x1e8: {  	v3 =	vld [tilespmem:s12+$0xFFFFFF40]  }
0x1e9: {  	v4 =	vld.idx.msk [tilespmem:v4+s5+$0x0], $0xffff;
	[tilespmem:s10+$0xFFFFFF50] =	vst v2  }
0x1ea: {  	v2 =	vld [tilespmem:s17+$0xFFFFFF60]  }
0x1eb: {  	v5 =	vld.idx.msk [tilespmem:v5+s5+$0x0], $0xffff  }
0x1ec: {  	v6 =	vld.idx.msk [tilespmem:v6+s5+$0x0], $0xffff;
	[tilespmem:s11+$0xFFFFFFC0] =	vst v1  }
0x1ed: {  	v1 =	vld [tilespmem:s12+$0xFFFFFFD0]  }
0x1ee: {  	[tilespmem:s14+$0xFFFFFFA0] =	vst v4;
	v0 =	vld.idx.msk [tilespmem:v0+s5+$0x0], $0xffff  }
0x1ef: {  	v4 =	vld [tilespmem:s13+$0xFFFFFFB0]  }
0x1f0: {  	[tilespmem:s14+$0xFFFFFF20] =	vst v5;
	v3 =	vld.idx.msk [tilespmem:v3+s5+$0x0], $0xffff  }
0x1f1: {  	v5 =	vld [tilespmem:s13+$0xFFFFFF30]  }
0x1f2: {  	v2 =	vld.idx.msk [tilespmem:v2+s5+$0x0], $0xffff  }
0x1f3: {  	v7 =	vld.idx.msk [tilespmem:v7+s5+$0x0], $0xffff;
	[tilespmem:s10+$0xFFFFFFE0] =	vst v0  }
0x1f4: {  	v0 =	vld [tilespmem:s17+$0xFFFFFFF0]  }
0x1f5: {  	s16 =	simm.s32 $0x7C70;
	[tilespmem:s11+$0xFFFFFF40] =	vst v3;
	v1 =	vld.idx.msk [tilespmem:v1+s5+$0x0], $0xffff  }
0x1f6: {  	[tilespmem:s16+$0xFFFFFF90] =	vst v6;
	v3 =	vld [tilespmem:s12+$0xFFFFFF50]  }
0x1f7: {  	[tilespmem:s10+$0xFFFFFF60] =	vst v2;
	v2 =	vld.idx.msk [tilespmem:v4+s5+$0x0], $0xffff  }
0x1f8: {  	v6 =	vld [tilespmem:s15+$0xFFFFFFA0]  }
0x1f9: {  	v4 =	vld [tilespmem:s17+$0xFFFFFF70]  }
0x1fa: {  	v5 =	vld.idx.msk [tilespmem:v5+s5+$0x0], $0xffff;
	[tilespmem:s11+$0xFFFFFFD0] =	vst v1  }
0x1fb: {  	v1 =	vld [tilespmem:s12+$0xFFFFFFE0]  }
0x1fc: {  	[tilespmem:s14+$0xFFFFFFB0] =	vst v2;
	v0 =	vld.idx.msk [tilespmem:v0+s5+$0x0], $0xffff  }
0x1fd: {  	v2 =	vld [tilespmem:s13+$0xFFFFFFC0]  }
0x1fe: {  	[tilespmem:s16+$0xFFFFFF10] =	vst v7;
	v3 =	vld.idx.msk [tilespmem:v3+s5+$0x0], $0xffff  }
0x1ff: {  	v8 =	vld [tilespmem:s15+$0xFFFFFF20];
	[tilespmem:s14+$0xFFFFFF30] =	vst v5  }
0x200: {  	v9 =	vld [tilespmem:s13+$0xFFFFFF40]  }
0x201: {  	v4 =	vld.idx.msk [tilespmem:v4+s5+$0x0], $0xffff;
	[tilespmem:s10+$0xFFFFFFF0] =	vst v0  }
0x202: {  	v0 =	vld [tilespmem:s17+$0x0]  }
0x203: {  	[tilespmem:s11+$0xFFFFFF50] =	vst v3;
	v1 =	vld.idx.msk [tilespmem:v1+s5+$0x0], $0xffff  }
0x204: {  	v10 =	vld [tilespmem:s12+$0xFFFFFF60]  }
0x205: {  	v2 =	vld.idx.msk [tilespmem:v2+s5+$0x0], $0xffff  }
0x206: {  	[tilespmem:s10+$0xFFFFFF70] =	vst v4;
	v4 =	vld.idx.msk [tilespmem:v6+s5+$0x0], $0xffff;
	_ =	sdelay $0x1  }
0x207: {  	v5 =	vld.idx.msk [tilespmem:v8+s5+$0x0], $0xffff;
	[tilespmem:s11+$0xFFFFFFE0] =	vst v1  }
0x208: {  	v1 =	vld [tilespmem:s12+$0xFFFFFFF0]  }
0x209: {  	[tilespmem:s14+$0xFFFFFFC0] =	vst v2;
	v7 =	vld.idx.msk [tilespmem:v0+s5+$0x0], $0xffff  }
0x20a: {  	[tilespmem:s16+$0xFFFFFFA0] =	vst v4;
	v4 =	vld.idx.msk [tilespmem:v9+s5+$0x0], $0xffff  }
0x20b: {  	v3 =	vld [tilespmem:s13+$0xFFFFFFD0]  }
0x20c: {  	v2 =	vld.idx.msk [tilespmem:v10+s5+$0x0], $0xffff  }
0x20d: {  	v6 =	vld [tilespmem:s15+$0xFFFFFFB0]  }
0x20e: {  	s6 =	simm.s32 $0x6;
	v0 =	vld [tilespmem:s17+$0xFFFFFF80];
	s17 =	simm.s32 $0x2D70;
	[tilespmem:s10+$0x0] =	vst v7  }
.LBB2_6:
0x20f: {  	v7 =	vld [tilespmem:s17+$0xFFFFFF90];
	s6 =	sadd.s32 $0x2, s6;
	s19 =	smov.u32 s14;
	s14 =	smov.u32 s16  }
0x210: {  	v8 =	vld [tilespmem:s17+$0xFFFFFF10];
	p0 =	slt.u32 s6, $0x26;
	[tilespmem:s16+$0xFFFFFF20] =	vst v5  }
0x211: {  	v1 =	vld.idx.msk [tilespmem:v1+s5+$0x0], $0xffff  }
0x212: {  	v5 =	vld [tilespmem:s15+$0xFFFFFF30];
	[tilespmem:s19+$0xFFFFFF40] =	vst v4  }
0x213: {  	v3 =	vld.idx.msk [tilespmem:v3+s5+$0x0], $0xffff  }
0x214: {  	v4 =	vld [tilespmem:s13+$0xFFFFFF50];
	[tilespmem:s11+$0xFFFFFF60] =	vst v2  }
0x215: {  	v2 =	vld.idx.msk [tilespmem:v6+s5+$0x0], $0xffff  }
0x216: {  	v6 =	vld [tilespmem:s12+$0xFFFFFF70]  }
0x217: {  	v7 =	vld.idx.msk [tilespmem:v7+s5+$0x0], $0xffff;
	[tilespmem:s11+$0xFFFFFFF0] =	vst v1  }
0x218: {  	v1 =	vld [tilespmem:s12+$0x0]  }
0x219: {  	v8 =	vld.idx.msk [tilespmem:v8+s5+$0x0], $0xffff;
	[tilespmem:s19+$0xFFFFFFD0] =	vst v3  }
0x21a: {  	v3 =	vld [tilespmem:s13+$0xFFFFFFE0]  }
0x21b: {  	v5 =	vld.idx.msk [tilespmem:v5+s5+$0x0], $0xffff;
	[tilespmem:s16+$0xFFFFFFB0] =	vst v2  }
0x21c: {  	s16 =	sadd.s32 $0x100, s16;
	v2 =	vld [tilespmem:s15+$0xFFFFFFC0]  }
0x21d: {  	[tilespmem:s16+$0xFFFFFF90] =	vst v7;
	v4 =	vld.idx.msk [tilespmem:v4+s5+$0x0], $0xffff  }
0x21e: {  	v7 =	vld [tilespmem:s17+$0xFFFFFFA0]  }
0x21f: {  	[tilespmem:s16+$0xFFFFFF10] =	vst v8;
	v6 =	vld.idx.msk [tilespmem:v6+s5+$0x0], $0xffff  }
0x220: {  	v1 =	vld.idx.msk [tilespmem:v1+s5+$0x0], $0xffff  }
0x221: {  	v8 =	vld [tilespmem:s17+$0xFFFFFF20];
	[tilespmem:s14+$0xFFFFFF30] =	vst v5  }
0x222: {  	v3 =	vld.idx.msk [tilespmem:v3+s5+$0x0], $0xffff  }
0x223: {  	v9 =	vld [tilespmem:s15+$0xFFFFFF40];
	[tilespmem:s19+$0xFFFFFF50] =	vst v4  }
0x224: {  	v2 =	vld.idx.msk [tilespmem:v2+s5+$0x0], $0xffff  }
0x225: {  	v10 =	vld [tilespmem:s13+$0xFFFFFF60];
	[tilespmem:s11+$0xFFFFFF70] =	vst v6  }
0x226: {  	v4 =	vld.idx.msk [tilespmem:v7+s5+$0x0], $0xffff;
	[tilespmem:s11+$0x0] =	vst v1  }
0x227: {  	v6 =	vld [tilespmem:s12+$0xFFFFFF80];
	s12 =	smov.u32 s13;
	s13 =	smov.u32 s15;
	s15 =	smov.u32 s17  }
0x228: {  	[tilespmem:s19+$0xFFFFFFE0] =	vst v3;
	v7 =	vld.idx.msk [tilespmem:v0+s5+$0x0], $0xffff  }
0x229: {  	v1 =	vld [tilespmem:s12+$0xFFFFFFF0]  }
.Ltmp4:
0x22a: {  	v5 =	vld.idx.msk [tilespmem:v8+s5+$0x0], $0xffff;
	[tilespmem:s14+$0xFFFFFFC0] =	vst v2;
	(pc) =	sbr.rel @p0 .LBB2_6-.Ltmp4, $4  }
0x22b: {  	v3 =	vld [tilespmem:s13+$0xFFFFFFD0]  }
0x22c: {  	[tilespmem:s16+$0xFFFFFFA0] =	vst v4;
	v4 =	vld.idx.msk [tilespmem:v9+s5+$0x0], $0xffff;
	v0 =	vmov v6  }
0x22d: {  	v6 =	vld [tilespmem:s17+$0xFFFFFFB0]  }
0x22e: {  	s17 =	sadd.s32 $0x100, s17;
	v2 =	vld.idx.msk [tilespmem:v10+s5+$0x0], $0xffff;
	[tilespmem:s10+$0xFFFFFF80] =	vst v7;
	s10 =	smov.u32 s11;
	s11 =	smov.u32 s19  }
0x22f: {  	[tilespmem:s16+$0xFFFFFF20] =	vst v5  }
0x230: {  	v5 =	vld [tilespmem:s15+$0xFFFFFF30];
	_ =	sdelay $0x6  }
0x231: {  	v6 =	vld.idx.msk [tilespmem:v6+s5+$0x0], $0xffff  }
0x232: {  	v5 =	vld.idx.msk [tilespmem:v5+s5+$0x0], $0xffff;
	_ =	sdelay $0x3  }
0x233: {  	[tilespmem:s16+$0xFFFFFFB0] =	vst v6  }
0x234: {  	v6 =	vld [tilespmem:s15+$0xFFFFFFC0];
	[tilespmem:s16+$0xFFFFFF30] =	vst v5  }
0x235: {  	v5 =	vld [tilespmem:s15+$0xFFFFFF40];
	_ =	sdelay $0x6  }
0x236: {  	v6 =	vld.idx.msk [tilespmem:v6+s5+$0x0], $0xffff  }
0x237: {  	v5 =	vld.idx.msk [tilespmem:v5+s5+$0x0], $0xffff;
	_ =	sdelay $0x2  }
0x238: {  	[tilespmem:s14+$0xFFFFFF40] =	vst v4  }
0x239: {  	[tilespmem:s16+$0xFFFFFFC0] =	vst v6;
	v6 =	vld [tilespmem:s13+$0xFFFFFF50]  }
0x23a: {  	v4 =	vld [tilespmem:s15+$0xFFFFFFD0];
	[tilespmem:s16+$0xFFFFFF40] =	vst v5  }
0x23b: {  	v5 =	vld [tilespmem:s15+$0xFFFFFF50];
	_ =	sdelay $0x4  }
0x23c: {  	v3 =	vld.idx.msk [tilespmem:v3+s5+$0x0], $0xffff  }
0x23d: {  	v6 =	vld.idx.msk [tilespmem:v6+s5+$0x0], $0xffff  }
0x23e: {  	v4 =	vld.idx.msk [tilespmem:v4+s5+$0x0], $0xffff  }
0x23f: {  	v5 =	vld.idx.msk [tilespmem:v5+s5+$0x0], $0xffff;
	_ =	sdelay $0x1  }
0x240: {  	[tilespmem:s14+$0xFFFFFFD0] =	vst v3  }
0x241: {  	v3 =	vld [tilespmem:s13+$0xFFFFFFE0];
	[tilespmem:s14+$0xFFFFFF50] =	vst v6  }
0x242: {  	[tilespmem:s16+$0xFFFFFFD0] =	vst v4;
	v6 =	vld [tilespmem:s13+$0xFFFFFF60]  }
0x243: {  	v4 =	vld [tilespmem:s15+$0xFFFFFFE0];
	[tilespmem:s16+$0xFFFFFF50] =	vst v5  }
0x244: {  	v5 =	vld [tilespmem:s15+$0xFFFFFF60];
	_ =	sdelay $0x4  }
0x245: {  	v3 =	vld.idx.msk [tilespmem:v3+s5+$0x0], $0xffff  }
0x246: {  	v6 =	vld.idx.msk [tilespmem:v6+s5+$0x0], $0xffff  }
0x247: {  	v4 =	vld.idx.msk [tilespmem:v4+s5+$0x0], $0xffff  }
0x248: {  	v5 =	vld.idx.msk [tilespmem:v5+s5+$0x0], $0xffff  }
0x249: {  	v1 =	vld.idx.msk [tilespmem:v1+s5+$0x0], $0xffff;
	[tilespmem:s11+$0xFFFFFF60] =	vst v2  }
0x24a: {  	[tilespmem:s14+$0xFFFFFFE0] =	vst v3;
	v3 =	vld [tilespmem:s12+$0xFFFFFF70]  }
0x24b: {  	v2 =	vld [tilespmem:s13+$0xFFFFFFF0];
	[tilespmem:s14+$0xFFFFFF60] =	vst v6  }
0x24c: {  	[tilespmem:s16+$0xFFFFFFE0] =	vst v4;
	v6 =	vld [tilespmem:s13+$0xFFFFFF70]  }
0x24d: {  	v4 =	vld [tilespmem:s15+$0xFFFFFFF0];
	[tilespmem:s16+$0xFFFFFF60] =	vst v5  }
0x24e: {  	v5 =	vld [tilespmem:s15+$0xFFFFFF70];
	_ =	sdelay $0x1  }
0x24f: {  	[tilespmem:s11+$0xFFFFFFF0] =	vst v1  }
0x250: {  	v1 =	vld [tilespmem:s12+$0x0]  }
0x251: {  	v3 =	vld.idx.msk [tilespmem:v3+s5+$0x0], $0xffff  }
0x252: {  	v2 =	vld.idx.msk [tilespmem:v2+s5+$0x0], $0xffff  }
0x253: {  	v6 =	vld.idx.msk [tilespmem:v6+s5+$0x0], $0xffff  }
0x254: {  	v4 =	vld.idx.msk [tilespmem:v4+s5+$0x0], $0xffff  }
0x255: {  	v5 =	vld.idx.msk [tilespmem:v5+s5+$0x0], $0xffff  }
0x256: {  	[tilespmem:s11+$0xFFFFFF70] =	vst v3  }
0x257: {  	[tilespmem:s14+$0xFFFFFFF0] =	vst v2;
	v3 =	vld [tilespmem:s12+$0xFFFFFF80]  }
0x258: {  	v2 =	vld [tilespmem:s13+$0x0];
	[tilespmem:s14+$0xFFFFFF70] =	vst v6  }
0x259: {  	[tilespmem:s16+$0xFFFFFFF0] =	vst v4;
	v6 =	vld [tilespmem:s13+$0xFFFFFF80]  }
0x25a: {  	v4 =	vld [tilespmem:s15+$0x0];
	[tilespmem:s16+$0xFFFFFF70] =	vst v5  }
0x25b: {  	v5 =	vld [tilespmem:s15+$0xFFFFFF80]  }
0x25c: {  	v1 =	vld.idx.msk [tilespmem:v1+s5+$0x0], $0xffff;
	_ =	sdelay $0x1  }
0x25d: {  	v0 =	vld.idx.msk [tilespmem:v0+s5+$0x0], $0xffff  }
0x25e: {  	v3 =	vld.idx.msk [tilespmem:v3+s5+$0x0], $0xffff  }
0x25f: {  	v2 =	vld.idx.msk [tilespmem:v2+s5+$0x0], $0xffff  }
0x260: {  	[tilespmem:s11+$0x0] =	vst v1;
	v1 =	vld.idx.msk [tilespmem:v6+s5+$0x0], $0xffff  }
0x261: {  	v4 =	vld.idx.msk [tilespmem:v4+s5+$0x0], $0xffff  }
0x262: {  	[tilespmem:s10+$0xFFFFFF80] =	vst v0;
	v0 =	vld.idx.msk [tilespmem:v5+s5+$0x0], $0xffff  }
0x263: {  	[tilespmem:s11+$0xFFFFFF80] =	vst v3  }
0x264: {  	[tilespmem:s14+$0x0] =	vst v2  }
0x265: {  	[tilespmem:s14+$0xFFFFFF80] =	vst v1  }
0x266: {  	[tilespmem:s16+$0x0] =	vst v4  }
0x267: {  	[tilespmem:s16+$0xFFFFFF80] =	vst v0  }
0x268: {  	s6 =	rddreg [dreg:$0xc]  }
0x269: {  	[hbm4b:s6+s21] =	stream.strided.scatter [tilespmem:s3], [sflag:$0x7], $0x1400, s22, s21, $0x38;
	[tilespmem:$0xA080] =	vst v63  }
0x26a: {  	s9 =	simm.s32 $0x2880;
	s20 =	rddreg [dreg:$0xd]  }
0x26b: {  	[tilespmem:s9], [sflag:$0x3] =	stream.strided.gather [hbm4b:s20+s21], $0x1400, s22, s21, $0x38;
	[tilespmem:$0xA080] =	vst v63  }
0x26c: {  	_ =	swait.ge [sflag:s2], $0x1400  }
0x26d: {  	[sflag:s2] =	ssyncset.done $0x0  }
0x26e: {  	s17 =	simm.s32 $0x3D70;
	[sflag:s2] =	ssyncadd.s32 $0xFFFFEC00  }
0x26f: {  	v0 =	vld [tilespmem:s17+$0xFFFFFF90];
	_ =	sdelay $0x1  }
0x270: {  	v1 =	vld [tilespmem:s17+$0xFFFFFF10];
	_ =	sdelay $0x5  }
0x271: {  	v0 =	vld.idx.msk [tilespmem:v0+s5+$0x0], $0xffff;
	_ =	sdelay $0x1  }
0x272: {  	v1 =	vld.idx.msk [tilespmem:v1+s5+$0x0], $0xffff;
	_ =	sdelay $0x1  }
0x273: {  	s10 =	simm.s32 $0x8D70  }
0x274: {  	[tilespmem:s10+$0xFFFFFF90] =	vst v0  }
0x275: {  	v0 =	vld [tilespmem:s17+$0xFFFFFFA0]  }
0x276: {  	[tilespmem:s10+$0xFFFFFF10] =	vst v1  }
0x277: {  	v1 =	vld [tilespmem:s17+$0xFFFFFF20];
	_ =	sdelay $0x3  }
0x278: {  	s12 =	simm.s32 $0x3E70  }
0x279: {  	v2 =	vld [tilespmem:s12+$0xFFFFFF90]  }
0x27a: {  	v0 =	vld.idx.msk [tilespmem:v0+s5+$0x0], $0xffff;
	_ =	sdelay $0x1  }
0x27b: {  	v1 =	vld.idx.msk [tilespmem:v1+s5+$0x0], $0xffff;
	_ =	sdelay $0x2  }
0x27c: {  	[tilespmem:s10+$0xFFFFFFA0] =	vst v0  }
0x27d: {  	v0 =	vld [tilespmem:s17+$0xFFFFFFB0]  }
0x27e: {  	[tilespmem:s10+$0xFFFFFF20] =	vst v1;
	v1 =	vld.idx.msk [tilespmem:v2+s5+$0x0], $0xffff  }
0x27f: {  	v3 =	vld [tilespmem:s12+$0xFFFFFF10];
	_ =	sdelay $0x1  }
0x280: {  	v2 =	vld [tilespmem:s17+$0xFFFFFF30]  }
0x281: {  	s11 =	simm.s32 $0x8E70  }
0x282: {  	[tilespmem:s11+$0xFFFFFF90] =	vst v1  }
0x283: {  	v1 =	vld [tilespmem:s12+$0xFFFFFFA0]  }
0x284: {  	v0 =	vld.idx.msk [tilespmem:v0+s5+$0x0], $0xffff;
	_ =	sdelay $0x1  }
0x285: {  	v3 =	vld.idx.msk [tilespmem:v3+s5+$0x0], $0xffff;
	_ =	sdelay $0x1  }
0x286: {  	v2 =	vld.idx.msk [tilespmem:v2+s5+$0x0], $0xffff  }
0x287: {  	[tilespmem:s10+$0xFFFFFFB0] =	vst v0  }
0x288: {  	v0 =	vld [tilespmem:s17+$0xFFFFFFC0]  }
0x289: {  	[tilespmem:s11+$0xFFFFFF10] =	vst v3;
	v1 =	vld.idx.msk [tilespmem:v1+s5+$0x0], $0xffff  }
0x28a: {  	v3 =	vld [tilespmem:s12+$0xFFFFFF20]  }
0x28b: {  	[tilespmem:s10+$0xFFFFFF30] =	vst v2  }
0x28c: {  	v2 =	vld [tilespmem:s17+$0xFFFFFF40];
	_ =	sdelay $0x1  }
0x28d: {  	[tilespmem:s11+$0xFFFFFFA0] =	vst v1  }
0x28e: {  	v1 =	vld [tilespmem:s12+$0xFFFFFFB0]  }
0x28f: {  	s13 =	simm.s32 $0x3F70;
	v0 =	vld.idx.msk [tilespmem:v0+s5+$0x0], $0xffff  }
0x290: {  	v4 =	vld [tilespmem:s13+$0xFFFFFF90]  }
0x291: {  	v3 =	vld.idx.msk [tilespmem:v3+s5+$0x0], $0xffff  }
0x292: {  	v5 =	vld [tilespmem:s13+$0xFFFFFF10]  }
0x293: {  	v2 =	vld.idx.msk [tilespmem:v2+s5+$0x0], $0xffff  }
0x294: {  	[tilespmem:s10+$0xFFFFFFC0] =	vst v0  }
0x295: {  	v0 =	vld [tilespmem:s17+$0xFFFFFFD0]  }
0x296: {  	[tilespmem:s11+$0xFFFFFF20] =	vst v3;
	v1 =	vld.idx.msk [tilespmem:v1+s5+$0x0], $0xffff  }
0x297: {  	v3 =	vld [tilespmem:s12+$0xFFFFFF30]  }
0x298: {  	v4 =	vld.idx.msk [tilespmem:v4+s5+$0x0], $0xffff;
	[tilespmem:s10+$0xFFFFFF40] =	vst v2  }
0x299: {  	v2 =	vld [tilespmem:s17+$0xFFFFFF50]  }
0x29a: {  	s15 =	simm.s32 $0x4070;
	v5 =	vld.idx.msk [tilespmem:v5+s5+$0x0], $0xffff  }
0x29b: {  	v6 =	vld [tilespmem:s15+$0xFFFFFF90];
	[tilespmem:s11+$0xFFFFFFB0] =	vst v1  }
0x29c: {  	s14 =	simm.s32 $0x8F70;
	v1 =	vld [tilespmem:s12+$0xFFFFFFC0]  }
0x29d: {  	[tilespmem:s14+$0xFFFFFF90] =	vst v4;
	v0 =	vld.idx.msk [tilespmem:v0+s5+$0x0], $0xffff  }
0x29e: {  	v4 =	vld [tilespmem:s13+$0xFFFFFFA0]  }
0x29f: {  	[tilespmem:s14+$0xFFFFFF10] =	vst v5;
	v3 =	vld.idx.msk [tilespmem:v3+s5+$0x0], $0xffff  }
0x2a0: {  	v5 =	vld [tilespmem:s13+$0xFFFFFF20]  }
0x2a1: {  	v2 =	vld.idx.msk [tilespmem:v2+s5+$0x0], $0xffff  }
0x2a2: {  	v7 =	vld [tilespmem:s15+$0xFFFFFF10];
	[tilespmem:s10+$0xFFFFFFD0] =	vst v0  }
0x2a3: {  	v0 =	vld [tilespmem:s17+$0xFFFFFFE0]  }
0x2a4: {  	[tilespmem:s11+$0xFFFFFF30] =	vst v3;
	v1 =	vld.idx.msk [tilespmem:v1+s5+$0x0], $0xffff  }
0x2a5: {  	v3 =	vld [tilespmem:s12+$0xFFFFFF40]  }
0x2a6: {  	v4 =	vld.idx.msk [tilespmem:v4+s5+$0x0], $0xffff;
	[tilespmem:s10+$0xFFFFFF50] =	vst v2  }
0x2a7: {  	v2 =	vld [tilespmem:s17+$0xFFFFFF60]  }
0x2a8: {  	v5 =	vld.idx.msk [tilespmem:v5+s5+$0x0], $0xffff  }
0x2a9: {  	v6 =	vld.idx.msk [tilespmem:v6+s5+$0x0], $0xffff;
	[tilespmem:s11+$0xFFFFFFC0] =	vst v1  }
0x2aa: {  	v1 =	vld [tilespmem:s12+$0xFFFFFFD0]  }
0x2ab: {  	[tilespmem:s14+$0xFFFFFFA0] =	vst v4;
	v0 =	vld.idx.msk [tilespmem:v0+s5+$0x0], $0xffff  }
0x2ac: {  	v4 =	vld [tilespmem:s13+$0xFFFFFFB0]  }
0x2ad: {  	[tilespmem:s14+$0xFFFFFF20] =	vst v5;
	v3 =	vld.idx.msk [tilespmem:v3+s5+$0x0], $0xffff  }
0x2ae: {  	v5 =	vld [tilespmem:s13+$0xFFFFFF30]  }
0x2af: {  	v2 =	vld.idx.msk [tilespmem:v2+s5+$0x0], $0xffff  }
0x2b0: {  	v7 =	vld.idx.msk [tilespmem:v7+s5+$0x0], $0xffff;
	[tilespmem:s10+$0xFFFFFFE0] =	vst v0  }
0x2b1: {  	v0 =	vld [tilespmem:s17+$0xFFFFFFF0]  }
0x2b2: {  	s16 =	simm.s32 $0x9070;
	[tilespmem:s11+$0xFFFFFF40] =	vst v3;
	v1 =	vld.idx.msk [tilespmem:v1+s5+$0x0], $0xffff  }
0x2b3: {  	[tilespmem:s16+$0xFFFFFF90] =	vst v6;
	v3 =	vld [tilespmem:s12+$0xFFFFFF50]  }
0x2b4: {  	[tilespmem:s10+$0xFFFFFF60] =	vst v2;
	v2 =	vld.idx.msk [tilespmem:v4+s5+$0x0], $0xffff  }
0x2b5: {  	v6 =	vld [tilespmem:s15+$0xFFFFFFA0]  }
0x2b6: {  	v4 =	vld [tilespmem:s17+$0xFFFFFF70]  }
0x2b7: {  	v5 =	vld.idx.msk [tilespmem:v5+s5+$0x0], $0xffff;
	[tilespmem:s11+$0xFFFFFFD0] =	vst v1  }
0x2b8: {  	v1 =	vld [tilespmem:s12+$0xFFFFFFE0]  }
0x2b9: {  	[tilespmem:s14+$0xFFFFFFB0] =	vst v2;
	v0 =	vld.idx.msk [tilespmem:v0+s5+$0x0], $0xffff  }
0x2ba: {  	v2 =	vld [tilespmem:s13+$0xFFFFFFC0]  }
0x2bb: {  	[tilespmem:s16+$0xFFFFFF10] =	vst v7;
	v3 =	vld.idx.msk [tilespmem:v3+s5+$0x0], $0xffff  }
0x2bc: {  	v8 =	vld [tilespmem:s15+$0xFFFFFF20];
	[tilespmem:s14+$0xFFFFFF30] =	vst v5  }
0x2bd: {  	v9 =	vld [tilespmem:s13+$0xFFFFFF40]  }
0x2be: {  	v4 =	vld.idx.msk [tilespmem:v4+s5+$0x0], $0xffff;
	[tilespmem:s10+$0xFFFFFFF0] =	vst v0  }
0x2bf: {  	v0 =	vld [tilespmem:s17+$0x0]  }
0x2c0: {  	[tilespmem:s11+$0xFFFFFF50] =	vst v3;
	v1 =	vld.idx.msk [tilespmem:v1+s5+$0x0], $0xffff  }
0x2c1: {  	v10 =	vld [tilespmem:s12+$0xFFFFFF60]  }
0x2c2: {  	v2 =	vld.idx.msk [tilespmem:v2+s5+$0x0], $0xffff  }
0x2c3: {  	[tilespmem:s10+$0xFFFFFF70] =	vst v4;
	v4 =	vld.idx.msk [tilespmem:v6+s5+$0x0], $0xffff;
	_ =	sdelay $0x1  }
0x2c4: {  	v5 =	vld.idx.msk [tilespmem:v8+s5+$0x0], $0xffff;
	[tilespmem:s11+$0xFFFFFFE0] =	vst v1  }
0x2c5: {  	v1 =	vld [tilespmem:s12+$0xFFFFFFF0]  }
0x2c6: {  	[tilespmem:s14+$0xFFFFFFC0] =	vst v2;
	v7 =	vld.idx.msk [tilespmem:v0+s5+$0x0], $0xffff  }
0x2c7: {  	[tilespmem:s16+$0xFFFFFFA0] =	vst v4;
	v4 =	vld.idx.msk [tilespmem:v9+s5+$0x0], $0xffff  }
0x2c8: {  	v3 =	vld [tilespmem:s13+$0xFFFFFFD0]  }
0x2c9: {  	v2 =	vld.idx.msk [tilespmem:v10+s5+$0x0], $0xffff  }
0x2ca: {  	v6 =	vld [tilespmem:s15+$0xFFFFFFB0]  }
0x2cb: {  	s6 =	simm.s32 $0x6;
	v0 =	vld [tilespmem:s17+$0xFFFFFF80];
	s17 =	simm.s32 $0x4170;
	[tilespmem:s10+$0x0] =	vst v7  }
.LBB2_8:
0x2cc: {  	v7 =	vld [tilespmem:s17+$0xFFFFFF90];
	s6 =	sadd.s32 $0x2, s6;
	s19 =	smov.u32 s14;
	s14 =	smov.u32 s16  }
0x2cd: {  	v8 =	vld [tilespmem:s17+$0xFFFFFF10];
	p0 =	slt.u32 s6, $0x26;
	[tilespmem:s16+$0xFFFFFF20] =	vst v5  }
0x2ce: {  	v1 =	vld.idx.msk [tilespmem:v1+s5+$0x0], $0xffff  }
0x2cf: {  	v5 =	vld [tilespmem:s15+$0xFFFFFF30];
	[tilespmem:s19+$0xFFFFFF40] =	vst v4  }
0x2d0: {  	v3 =	vld.idx.msk [tilespmem:v3+s5+$0x0], $0xffff  }
0x2d1: {  	v4 =	vld [tilespmem:s13+$0xFFFFFF50];
	[tilespmem:s11+$0xFFFFFF60] =	vst v2  }
0x2d2: {  	v2 =	vld.idx.msk [tilespmem:v6+s5+$0x0], $0xffff  }
0x2d3: {  	v6 =	vld [tilespmem:s12+$0xFFFFFF70]  }
0x2d4: {  	v7 =	vld.idx.msk [tilespmem:v7+s5+$0x0], $0xffff;
	[tilespmem:s11+$0xFFFFFFF0] =	vst v1  }
0x2d5: {  	v1 =	vld [tilespmem:s12+$0x0]  }
0x2d6: {  	v8 =	vld.idx.msk [tilespmem:v8+s5+$0x0], $0xffff;
	[tilespmem:s19+$0xFFFFFFD0] =	vst v3  }
0x2d7: {  	v3 =	vld [tilespmem:s13+$0xFFFFFFE0]  }
0x2d8: {  	v5 =	vld.idx.msk [tilespmem:v5+s5+$0x0], $0xffff;
	[tilespmem:s16+$0xFFFFFFB0] =	vst v2  }
0x2d9: {  	s16 =	sadd.s32 $0x100, s16;
	v2 =	vld [tilespmem:s15+$0xFFFFFFC0]  }
0x2da: {  	[tilespmem:s16+$0xFFFFFF90] =	vst v7;
	v4 =	vld.idx.msk [tilespmem:v4+s5+$0x0], $0xffff  }
0x2db: {  	v7 =	vld [tilespmem:s17+$0xFFFFFFA0]  }
0x2dc: {  	[tilespmem:s16+$0xFFFFFF10] =	vst v8;
	v6 =	vld.idx.msk [tilespmem:v6+s5+$0x0], $0xffff  }
0x2dd: {  	v1 =	vld.idx.msk [tilespmem:v1+s5+$0x0], $0xffff  }
0x2de: {  	v8 =	vld [tilespmem:s17+$0xFFFFFF20];
	[tilespmem:s14+$0xFFFFFF30] =	vst v5  }
0x2df: {  	v3 =	vld.idx.msk [tilespmem:v3+s5+$0x0], $0xffff  }
0x2e0: {  	v9 =	vld [tilespmem:s15+$0xFFFFFF40];
	[tilespmem:s19+$0xFFFFFF50] =	vst v4  }
0x2e1: {  	v2 =	vld.idx.msk [tilespmem:v2+s5+$0x0], $0xffff  }
0x2e2: {  	v10 =	vld [tilespmem:s13+$0xFFFFFF60];
	[tilespmem:s11+$0xFFFFFF70] =	vst v6  }
0x2e3: {  	v4 =	vld.idx.msk [tilespmem:v7+s5+$0x0], $0xffff;
	[tilespmem:s11+$0x0] =	vst v1  }
0x2e4: {  	v6 =	vld [tilespmem:s12+$0xFFFFFF80];
	s12 =	smov.u32 s13;
	s13 =	smov.u32 s15;
	s15 =	smov.u32 s17  }
0x2e5: {  	[tilespmem:s19+$0xFFFFFFE0] =	vst v3;
	v7 =	vld.idx.msk [tilespmem:v0+s5+$0x0], $0xffff  }
0x2e6: {  	v1 =	vld [tilespmem:s12+$0xFFFFFFF0]  }
.Ltmp5:
0x2e7: {  	v5 =	vld.idx.msk [tilespmem:v8+s5+$0x0], $0xffff;
	[tilespmem:s14+$0xFFFFFFC0] =	vst v2;
	(pc) =	sbr.rel @p0 .LBB2_8-.Ltmp5, $4  }
0x2e8: {  	v3 =	vld [tilespmem:s13+$0xFFFFFFD0]  }
0x2e9: {  	[tilespmem:s16+$0xFFFFFFA0] =	vst v4;
	v4 =	vld.idx.msk [tilespmem:v9+s5+$0x0], $0xffff;
	v0 =	vmov v6  }
0x2ea: {  	v6 =	vld [tilespmem:s17+$0xFFFFFFB0]  }
0x2eb: {  	s17 =	sadd.s32 $0x100, s17;
	v2 =	vld.idx.msk [tilespmem:v10+s5+$0x0], $0xffff;
	[tilespmem:s10+$0xFFFFFF80] =	vst v7;
	s10 =	smov.u32 s11;
	s11 =	smov.u32 s19  }
0x2ec: {  	[tilespmem:s16+$0xFFFFFF20] =	vst v5  }
0x2ed: {  	v5 =	vld [tilespmem:s15+$0xFFFFFF30];
	_ =	sdelay $0x6  }
0x2ee: {  	v6 =	vld.idx.msk [tilespmem:v6+s5+$0x0], $0xffff  }
0x2ef: {  	v5 =	vld.idx.msk [tilespmem:v5+s5+$0x0], $0xffff;
	_ =	sdelay $0x3  }
0x2f0: {  	[tilespmem:s16+$0xFFFFFFB0] =	vst v6  }
0x2f1: {  	v6 =	vld [tilespmem:s15+$0xFFFFFFC0];
	[tilespmem:s16+$0xFFFFFF30] =	vst v5  }
0x2f2: {  	v5 =	vld [tilespmem:s15+$0xFFFFFF40];
	_ =	sdelay $0x6  }
0x2f3: {  	v6 =	vld.idx.msk [tilespmem:v6+s5+$0x0], $0xffff  }
0x2f4: {  	v5 =	vld.idx.msk [tilespmem:v5+s5+$0x0], $0xffff;
	_ =	sdelay $0x2  }
0x2f5: {  	[tilespmem:s14+$0xFFFFFF40] =	vst v4  }
0x2f6: {  	v59 =	vld [tilespmem:s13+$0xFFFFFF50];
	[tilespmem:s16+$0xFFFFFFC0] =	vst v6  }
0x2f7: {  	v58 =	vld [tilespmem:s15+$0xFFFFFFD0];
	[tilespmem:s16+$0xFFFFFF40] =	vst v5  }
0x2f8: {  	v5 =	vld [tilespmem:s15+$0xFFFFFF50];
	_ =	sdelay $0x4  }
0x2f9: {  	v3 =	vld.idx.msk [tilespmem:v3+s5+$0x0], $0xffff  }
0x2fa: {  	v6 =	vld.idx.msk [tilespmem:v59+s5+$0x0], $0xffff  }
0x2fb: {  	v4 =	vld.idx.msk [tilespmem:v58+s5+$0x0], $0xffff  }
0x2fc: {  	v5 =	vld.idx.msk [tilespmem:v5+s5+$0x0], $0xffff;
	_ =	sdelay $0x1  }
0x2fd: {  	[tilespmem:s14+$0xFFFFFFD0] =	vst v3  }
0x2fe: {  	v3 =	vld [tilespmem:s13+$0xFFFFFFE0];
	[tilespmem:s14+$0xFFFFFF50] =	vst v6  }
0x2ff: {  	v6 =	vld [tilespmem:s13+$0xFFFFFF60];
	[tilespmem:s16+$0xFFFFFFD0] =	vst v4  }
0x300: {  	v4 =	vld [tilespmem:s15+$0xFFFFFFE0];
	[tilespmem:s16+$0xFFFFFF50] =	vst v5  }
0x301: {  	v5 =	vld [tilespmem:s15+$0xFFFFFF60];
	_ =	sdelay $0x4  }
0x302: {  	v3 =	vld.idx.msk [tilespmem:v3+s5+$0x0], $0xffff  }
0x303: {  	v6 =	vld.idx.msk [tilespmem:v6+s5+$0x0], $0xffff  }
0x304: {  	v4 =	vld.idx.msk [tilespmem:v4+s5+$0x0], $0xffff  }
0x305: {  	v5 =	vld.idx.msk [tilespmem:v5+s5+$0x0], $0xffff  }
0x306: {  	[tilespmem:s11+$0xFFFFFF60] =	vst v2  }
0x307: {  	v61 =	vld [tilespmem:s12+$0xFFFFFF70];
	[tilespmem:s14+$0xFFFFFFE0] =	vst v3  }
0x308: {  	v60 =	vld [tilespmem:s13+$0xFFFFFFF0];
	[tilespmem:s14+$0xFFFFFF60] =	vst v6  }
0x309: {  	v6 =	vld [tilespmem:s13+$0xFFFFFF70];
	[tilespmem:s16+$0xFFFFFFE0] =	vst v4  }
0x30a: {  	v4 =	vld [tilespmem:s15+$0xFFFFFFF0];
	[tilespmem:s16+$0xFFFFFF60] =	vst v5  }
0x30b: {  	v5 =	vld [tilespmem:s15+$0xFFFFFF70];
	_ =	sdelay $0x2  }
0x30c: {  	v1 =	vld.idx.msk [tilespmem:v1+s5+$0x0], $0xffff  }
0x30d: {  	v3 =	vld.idx.msk [tilespmem:v61+s5+$0x0], $0xffff  }
0x30e: {  	v2 =	vld.idx.msk [tilespmem:v60+s5+$0x0], $0xffff  }
0x30f: {  	v6 =	vld.idx.msk [tilespmem:v6+s5+$0x0], $0xffff  }
0x310: {  	v4 =	vld.idx.msk [tilespmem:v4+s5+$0x0], $0xffff  }
0x311: {  	[tilespmem:s11+$0xFFFFFFF0] =	vst v1;
	v5 =	vld.idx.msk [tilespmem:v5+s5+$0x0], $0xffff  }
0x312: {  	v1 =	vld [tilespmem:s12+$0x0];
	[tilespmem:s11+$0xFFFFFF70] =	vst v3  }
0x313: {  	v3 =	vld [tilespmem:s12+$0xFFFFFF80];
	[tilespmem:s14+$0xFFFFFFF0] =	vst v2  }
0x314: {  	v2 =	vld [tilespmem:s13+$0x0];
	[tilespmem:s14+$0xFFFFFF70] =	vst v6  }
0x315: {  	v6 =	vld [tilespmem:s13+$0xFFFFFF80];
	[tilespmem:s16+$0xFFFFFFF0] =	vst v4  }
0x316: {  	v4 =	vld [tilespmem:s15+$0x0];
	[tilespmem:s16+$0xFFFFFF70] =	vst v5  }
0x317: {  	v5 =	vld [tilespmem:s15+$0xFFFFFF80];
	_ =	sdelay $0x1  }
0x318: {  	v0 =	vld.idx.msk [tilespmem:v0+s5+$0x0], $0xffff  }
0x319: {  	v1 =	vld.idx.msk [tilespmem:v1+s5+$0x0], $0xffff  }
0x31a: {  	v3 =	vld.idx.msk [tilespmem:v3+s5+$0x0], $0xffff  }
0x31b: {  	v2 =	vld.idx.msk [tilespmem:v2+s5+$0x0], $0xffff  }
0x31c: {  	v62 =	vld.idx.msk [tilespmem:v6+s5+$0x0], $0xffff  }
0x31d: {  	[tilespmem:s10+$0xFFFFFF80] =	vst v0;
	v4 =	vld.idx.msk [tilespmem:v4+s5+$0x0], $0xffff  }
0x31e: {  	[tilespmem:s11+$0x0] =	vst v1;
	v63 =	vld.idx.msk [tilespmem:v5+s5+$0x0], $0xffff  }
0x31f: {  	[tilespmem:s11+$0xFFFFFF80] =	vst v3  }
0x320: {  	[tilespmem:s14+$0x0] =	vst v2  }
0x321: {  	[tilespmem:s14+$0xFFFFFF80] =	vst v62  }
0x322: {  	[tilespmem:s16+$0x0] =	vst v4  }
0x323: {  	[tilespmem:s16+$0xFFFFFF80] =	vst v63  }
0x324: {  	s6 =	rddreg [dreg:$0xe]  }
0x325: {  	[hbm4b:s6+s21] =	stream.strided.scatter [tilespmem:s23], [sflag:$0x8], $0x1400, s22, s21, $0x38;
	[tilespmem:$0xA080] =	vst v63  }
0x326: {  	s10 =	simm.s32 $0x0;
	s20 =	rddreg [dreg:$0xf]  }
0x327: {  	[tilespmem:s26], [sflag:$0x4] =	stream.strided.gather [hbm4b:s20+s21], $0x1400, s22, s21, $0x38;
	[tilespmem:$0xA080] =	vst v63  }
.LBB2_10:
0x328: {  	_ =	swait.ge [sflag:s28], $0x1400  }
0x329: {  	[sflag:s28] =	ssyncset.done $0x0  }
0x32a: {  	[sflag:s28] =	ssyncadd.s32 $0xFFFFEC00  }
0x32b: {  	_ =	swait.ge [sflag:s24], $0x1400  }
0x32c: {  	[sflag:s24] =	ssyncset.done $0x0  }
0x32d: {  	s19 =	simm.s32 $0x100;
	[sflag:s24] =	ssyncadd.s32 $0xFFFFEC00  }
0x32e: {  	v0 =	vld [tilespmem:s19+$0x0];
	_ =	sdelay $0x1  }
0x32f: {  	v1 =	vld [tilespmem:s19+$0xFFFFFF80];
	_ =	sdelay $0x5  }
0x330: {  	v0 =	vld.idx.msk [tilespmem:v0+s5+$0x0], $0xffff;
	_ =	sdelay $0x1  }
0x331: {  	v1 =	vld.idx.msk [tilespmem:v1+s5+$0x0], $0xffff;
	_ =	sdelay $0x1  }
0x332: {  	s12 =	simm.s32 $0x5100  }
0x333: {  	[tilespmem:s12+$0x0] =	vst v0  }
0x334: {  	v0 =	vld [tilespmem:s19+$0x10]  }
0x335: {  	[tilespmem:s12+$0xFFFFFF80] =	vst v1  }
0x336: {  	v1 =	vld [tilespmem:s19+$0xFFFFFF90];
	_ =	sdelay $0x3  }
0x337: {  	s11 =	simm.s32 $0x200  }
0x338: {  	v2 =	vld [tilespmem:s11+$0x0]  }
0x339: {  	v0 =	vld.idx.msk [tilespmem:v0+s5+$0x0], $0xffff;
	_ =	sdelay $0x1  }
0x33a: {  	v1 =	vld.idx.msk [tilespmem:v1+s5+$0x0], $0xffff;
	_ =	sdelay $0x2  }
0x33b: {  	[tilespmem:s12+$0x10] =	vst v0  }
0x33c: {  	v0 =	vld [tilespmem:s19+$0x20]  }
0x33d: {  	[tilespmem:s12+$0xFFFFFF90] =	vst v1;
	v1 =	vld.idx.msk [tilespmem:v2+s5+$0x0], $0xffff  }
0x33e: {  	v3 =	vld [tilespmem:s11+$0xFFFFFF80];
	_ =	sdelay $0x1  }
0x33f: {  	v2 =	vld [tilespmem:s19+$0xFFFFFFA0]  }
0x340: {  	s13 =	simm.s32 $0x5200  }
0x341: {  	[tilespmem:s13+$0x0] =	vst v1  }
0x342: {  	v1 =	vld [tilespmem:s11+$0x10]  }
0x343: {  	v0 =	vld.idx.msk [tilespmem:v0+s5+$0x0], $0xffff;
	_ =	sdelay $0x1  }
0x344: {  	v3 =	vld.idx.msk [tilespmem:v3+s5+$0x0], $0xffff;
	_ =	sdelay $0x1  }
0x345: {  	v2 =	vld.idx.msk [tilespmem:v2+s5+$0x0], $0xffff  }
0x346: {  	[tilespmem:s12+$0x20] =	vst v0  }
0x347: {  	v0 =	vld [tilespmem:s19+$0x30]  }
0x348: {  	[tilespmem:s13+$0xFFFFFF80] =	vst v3;
	v1 =	vld.idx.msk [tilespmem:v1+s5+$0x0], $0xffff  }
0x349: {  	v3 =	vld [tilespmem:s11+$0xFFFFFF90]  }
0x34a: {  	[tilespmem:s12+$0xFFFFFFA0] =	vst v2  }
0x34b: {  	v2 =	vld [tilespmem:s19+$0xFFFFFFB0];
	_ =	sdelay $0x1  }
0x34c: {  	[tilespmem:s13+$0x10] =	vst v1  }
0x34d: {  	v1 =	vld [tilespmem:s11+$0x20]  }
0x34e: {  	s15 =	simm.s32 $0x300;
	v0 =	vld.idx.msk [tilespmem:v0+s5+$0x0], $0xffff  }
0x34f: {  	v4 =	vld [tilespmem:s15+$0x0]  }
0x350: {  	v3 =	vld.idx.msk [tilespmem:v3+s5+$0x0], $0xffff  }
0x351: {  	v5 =	vld [tilespmem:s15+$0xFFFFFF80]  }
0x352: {  	v2 =	vld.idx.msk [tilespmem:v2+s5+$0x0], $0xffff  }
0x353: {  	[tilespmem:s12+$0x30] =	vst v0  }
0x354: {  	v0 =	vld [tilespmem:s19+$0x40]  }
0x355: {  	[tilespmem:s13+$0xFFFFFF90] =	vst v3;
	v1 =	vld.idx.msk [tilespmem:v1+s5+$0x0], $0xffff  }
0x356: {  	v3 =	vld [tilespmem:s11+$0xFFFFFFA0]  }
0x357: {  	v4 =	vld.idx.msk [tilespmem:v4+s5+$0x0], $0xffff;
	[tilespmem:s12+$0xFFFFFFB0] =	vst v2  }
0x358: {  	v2 =	vld [tilespmem:s19+$0xFFFFFFC0]  }
0x359: {  	s17 =	simm.s32 $0x400;
	v5 =	vld.idx.msk [tilespmem:v5+s5+$0x0], $0xffff  }
0x35a: {  	v6 =	vld [tilespmem:s17+$0x0];
	[tilespmem:s13+$0x20] =	vst v1  }
0x35b: {  	s14 =	simm.s32 $0x5300;
	v1 =	vld [tilespmem:s11+$0x30]  }
0x35c: {  	[tilespmem:s14+$0x0] =	vst v4;
	v0 =	vld.idx.msk [tilespmem:v0+s5+$0x0], $0xffff  }
0x35d: {  	v4 =	vld [tilespmem:s15+$0x10]  }
0x35e: {  	[tilespmem:s14+$0xFFFFFF80] =	vst v5;
	v3 =	vld.idx.msk [tilespmem:v3+s5+$0x0], $0xffff  }
0x35f: {  	v5 =	vld [tilespmem:s15+$0xFFFFFF90]  }
0x360: {  	v2 =	vld.idx.msk [tilespmem:v2+s5+$0x0], $0xffff  }
0x361: {  	v7 =	vld [tilespmem:s17+$0xFFFFFF80];
	[tilespmem:s12+$0x40] =	vst v0  }
0x362: {  	v0 =	vld [tilespmem:s19+$0x50]  }
0x363: {  	[tilespmem:s13+$0xFFFFFFA0] =	vst v3;
	v1 =	vld.idx.msk [tilespmem:v1+s5+$0x0], $0xffff  }
0x364: {  	v3 =	vld [tilespmem:s11+$0xFFFFFFB0]  }
0x365: {  	v4 =	vld.idx.msk [tilespmem:v4+s5+$0x0], $0xffff;
	[tilespmem:s12+$0xFFFFFFC0] =	vst v2  }
0x366: {  	v2 =	vld [tilespmem:s19+$0xFFFFFFD0]  }
0x367: {  	v5 =	vld.idx.msk [tilespmem:v5+s5+$0x0], $0xffff  }
0x368: {  	v6 =	vld.idx.msk [tilespmem:v6+s5+$0x0], $0xffff;
	[tilespmem:s13+$0x30] =	vst v1  }
0x369: {  	v1 =	vld [tilespmem:s11+$0x40]  }
0x36a: {  	[tilespmem:s14+$0x10] =	vst v4;
	v0 =	vld.idx.msk [tilespmem:v0+s5+$0x0], $0xffff  }
0x36b: {  	v4 =	vld [tilespmem:s15+$0x20]  }
0x36c: {  	[tilespmem:s14+$0xFFFFFF90] =	vst v5;
	v3 =	vld.idx.msk [tilespmem:v3+s5+$0x0], $0xffff  }
0x36d: {  	v5 =	vld [tilespmem:s15+$0xFFFFFFA0]  }
0x36e: {  	v2 =	vld.idx.msk [tilespmem:v2+s5+$0x0], $0xffff  }
0x36f: {  	v7 =	vld.idx.msk [tilespmem:v7+s5+$0x0], $0xffff;
	[tilespmem:s12+$0x50] =	vst v0  }
0x370: {  	v0 =	vld [tilespmem:s19+$0x60]  }
0x371: {  	s16 =	simm.s32 $0x5400;
	[tilespmem:s13+$0xFFFFFFB0] =	vst v3;
	v1 =	vld.idx.msk [tilespmem:v1+s5+$0x0], $0xffff  }
0x372: {  	[tilespmem:s16+$0x0] =	vst v6;
	v3 =	vld [tilespmem:s11+$0xFFFFFFC0]  }
0x373: {  	[tilespmem:s12+$0xFFFFFFD0] =	vst v2;
	v2 =	vld.idx.msk [tilespmem:v4+s5+$0x0], $0xffff  }
0x374: {  	v6 =	vld [tilespmem:s17+$0x10]  }
0x375: {  	v4 =	vld [tilespmem:s19+$0xFFFFFFE0]  }
0x376: {  	v5 =	vld.idx.msk [tilespmem:v5+s5+$0x0], $0xffff;
	[tilespmem:s13+$0x40] =	vst v1  }
0x377: {  	v1 =	vld [tilespmem:s11+$0x50]  }
0x378: {  	[tilespmem:s14+$0x20] =	vst v2;
	v0 =	vld.idx.msk [tilespmem:v0+s5+$0x0], $0xffff  }
0x379: {  	v2 =	vld [tilespmem:s15+$0x30]  }
0x37a: {  	[tilespmem:s16+$0xFFFFFF80] =	vst v7;
	v3 =	vld.idx.msk [tilespmem:v3+s5+$0x0], $0xffff  }
0x37b: {  	v8 =	vld [tilespmem:s17+$0xFFFFFF90];
	[tilespmem:s14+$0xFFFFFFA0] =	vst v5  }
0x37c: {  	v9 =	vld [tilespmem:s15+$0xFFFFFFB0]  }
0x37d: {  	v4 =	vld.idx.msk [tilespmem:v4+s5+$0x0], $0xffff;
	[tilespmem:s12+$0x60] =	vst v0  }
0x37e: {  	v0 =	vld [tilespmem:s19+$0x70]  }
0x37f: {  	[tilespmem:s13+$0xFFFFFFC0] =	vst v3;
	v1 =	vld.idx.msk [tilespmem:v1+s5+$0x0], $0xffff  }
0x380: {  	v10 =	vld [tilespmem:s11+$0xFFFFFFD0]  }
0x381: {  	v2 =	vld.idx.msk [tilespmem:v2+s5+$0x0], $0xffff  }
0x382: {  	[tilespmem:s12+$0xFFFFFFE0] =	vst v4;
	v4 =	vld.idx.msk [tilespmem:v6+s5+$0x0], $0xffff;
	_ =	sdelay $0x1  }
0x383: {  	v5 =	vld.idx.msk [tilespmem:v8+s5+$0x0], $0xffff;
	[tilespmem:s13+$0x50] =	vst v1  }
0x384: {  	v1 =	vld [tilespmem:s11+$0x60]  }
0x385: {  	[tilespmem:s14+$0x30] =	vst v2;
	v7 =	vld.idx.msk [tilespmem:v0+s5+$0x0], $0xffff  }
0x386: {  	[tilespmem:s16+$0x10] =	vst v4;
	v4 =	vld.idx.msk [tilespmem:v9+s5+$0x0], $0xffff  }
0x387: {  	v3 =	vld [tilespmem:s15+$0x40]  }
0x388: {  	v2 =	vld.idx.msk [tilespmem:v10+s5+$0x0], $0xffff  }
0x389: {  	v6 =	vld [tilespmem:s17+$0x20]  }
0x38a: {  	s6 =	simm.s32 $0x6;
	v0 =	vld [tilespmem:s19+$0xFFFFFFF0];
	s19 =	simm.s32 $0x500;
	[tilespmem:s12+$0x70] =	vst v7  }
.LBB2_11:
0x38b: {  	v7 =	vld [tilespmem:s19+$0x0];
	s6 =	sadd.s32 $0x2, s6;
	s20 =	smov.u32 s14;
	s14 =	smov.u32 s16  }
0x38c: {  	v8 =	vld [tilespmem:s19+$0xFFFFFF80];
	p0 =	slt.u32 s6, $0x26;
	[tilespmem:s16+$0xFFFFFF90] =	vst v5  }
0x38d: {  	v1 =	vld.idx.msk [tilespmem:v1+s5+$0x0], $0xffff  }
0x38e: {  	v5 =	vld [tilespmem:s17+$0xFFFFFFA0];
	[tilespmem:s20+$0xFFFFFFB0] =	vst v4  }
0x38f: {  	v3 =	vld.idx.msk [tilespmem:v3+s5+$0x0], $0xffff  }
0x390: {  	v4 =	vld [tilespmem:s15+$0xFFFFFFC0];
	[tilespmem:s13+$0xFFFFFFD0] =	vst v2  }
0x391: {  	v2 =	vld.idx.msk [tilespmem:v6+s5+$0x0], $0xffff  }
0x392: {  	v6 =	vld [tilespmem:s11+$0xFFFFFFE0]  }
0x393: {  	v7 =	vld.idx.msk [tilespmem:v7+s5+$0x0], $0xffff;
	[tilespmem:s13+$0x60] =	vst v1  }
0x394: {  	v1 =	vld [tilespmem:s11+$0x70]  }
0x395: {  	v8 =	vld.idx.msk [tilespmem:v8+s5+$0x0], $0xffff;
	[tilespmem:s20+$0x40] =	vst v3  }
0x396: {  	v3 =	vld [tilespmem:s15+$0x50]  }
0x397: {  	v5 =	vld.idx.msk [tilespmem:v5+s5+$0x0], $0xffff;
	[tilespmem:s16+$0x20] =	vst v2  }
0x398: {  	s16 =	sadd.s32 $0x100, s16;
	v2 =	vld [tilespmem:s17+$0x30]  }
0x399: {  	[tilespmem:s16+$0x0] =	vst v7;
	v4 =	vld.idx.msk [tilespmem:v4+s5+$0x0], $0xffff  }
0x39a: {  	v7 =	vld [tilespmem:s19+$0x10]  }
0x39b: {  	[tilespmem:s16+$0xFFFFFF80] =	vst v8;
	v6 =	vld.idx.msk [tilespmem:v6+s5+$0x0], $0xffff  }
0x39c: {  	v1 =	vld.idx.msk [tilespmem:v1+s5+$0x0], $0xffff  }
0x39d: {  	v8 =	vld [tilespmem:s19+$0xFFFFFF90];
	[tilespmem:s14+$0xFFFFFFA0] =	vst v5  }
0x39e: {  	v3 =	vld.idx.msk [tilespmem:v3+s5+$0x0], $0xffff  }
0x39f: {  	v9 =	vld [tilespmem:s17+$0xFFFFFFB0];
	[tilespmem:s20+$0xFFFFFFC0] =	vst v4  }
0x3a0: {  	v2 =	vld.idx.msk [tilespmem:v2+s5+$0x0], $0xffff  }
0x3a1: {  	v10 =	vld [tilespmem:s15+$0xFFFFFFD0];
	[tilespmem:s13+$0xFFFFFFE0] =	vst v6  }
0x3a2: {  	v4 =	vld.idx.msk [tilespmem:v7+s5+$0x0], $0xffff;
	[tilespmem:s13+$0x70] =	vst v1  }
0x3a3: {  	v6 =	vld [tilespmem:s11+$0xFFFFFFF0];
	s11 =	smov.u32 s15;
	s15 =	smov.u32 s17;
	s17 =	smov.u32 s19  }
0x3a4: {  	[tilespmem:s20+$0x50] =	vst v3;
	v7 =	vld.idx.msk [tilespmem:v0+s5+$0x0], $0xffff  }
0x3a5: {  	v1 =	vld [tilespmem:s11+$0x60]  }
.Ltmp6:
0x3a6: {  	v5 =	vld.idx.msk [tilespmem:v8+s5+$0x0], $0xffff;
	[tilespmem:s14+$0x30] =	vst v2;
	(pc) =	sbr.rel @p0 .LBB2_11-.Ltmp6, $4  }
0x3a7: {  	v3 =	vld [tilespmem:s15+$0x40]  }
0x3a8: {  	[tilespmem:s16+$0x10] =	vst v4;
	v4 =	vld.idx.msk [tilespmem:v9+s5+$0x0], $0xffff;
	v0 =	vmov v6  }
0x3a9: {  	v6 =	vld [tilespmem:s19+$0x20]  }
0x3aa: {  	s19 =	sadd.s32 $0x100, s19;
	v2 =	vld.idx.msk [tilespmem:v10+s5+$0x0], $0xffff;
	[tilespmem:s12+$0xFFFFFFF0] =	vst v7;
	s12 =	smov.u32 s13;
	s13 =	smov.u32 s20  }
0x3ab: {  	[tilespmem:s16+$0xFFFFFF90] =	vst v5  }
0x3ac: {  	v5 =	vld [tilespmem:s17+$0xFFFFFFA0];
	_ =	sdelay $0x6  }
0x3ad: {  	v6 =	vld.idx.msk [tilespmem:v6+s5+$0x0], $0xffff  }
0x3ae: {  	v5 =	vld.idx.msk [tilespmem:v5+s5+$0x0], $0xffff;
	_ =	sdelay $0x3  }
0x3af: {  	[tilespmem:s16+$0x20] =	vst v6  }
0x3b0: {  	v6 =	vld [tilespmem:s17+$0x30];
	[tilespmem:s16+$0xFFFFFFA0] =	vst v5  }
0x3b1: {  	v5 =	vld [tilespmem:s17+$0xFFFFFFB0];
	_ =	sdelay $0x6  }
0x3b2: {  	v6 =	vld.idx.msk [tilespmem:v6+s5+$0x0], $0xffff  }
0x3b3: {  	v5 =	vld.idx.msk [tilespmem:v5+s5+$0x0], $0xffff;
	_ =	sdelay $0x2  }
0x3b4: {  	[tilespmem:s14+$0xFFFFFFB0] =	vst v4  }
0x3b5: {  	[tilespmem:s16+$0x30] =	vst v6;
	v6 =	vld [tilespmem:s15+$0xFFFFFFC0]  }
0x3b6: {  	v4 =	vld [tilespmem:s17+$0x40];
	[tilespmem:s16+$0xFFFFFFB0] =	vst v5  }
0x3b7: {  	v5 =	vld [tilespmem:s17+$0xFFFFFFC0];
	_ =	sdelay $0x4  }
0x3b8: {  	v3 =	vld.idx.msk [tilespmem:v3+s5+$0x0], $0xffff  }
0x3b9: {  	v6 =	vld.idx.msk [tilespmem:v6+s5+$0x0], $0xffff  }
0x3ba: {  	v4 =	vld.idx.msk [tilespmem:v4+s5+$0x0], $0xffff  }
0x3bb: {  	v5 =	vld.idx.msk [tilespmem:v5+s5+$0x0], $0xffff;
	_ =	sdelay $0x1  }
0x3bc: {  	[tilespmem:s14+$0x40] =	vst v3  }
0x3bd: {  	v3 =	vld [tilespmem:s15+$0x50];
	[tilespmem:s14+$0xFFFFFFC0] =	vst v6  }
0x3be: {  	[tilespmem:s16+$0x40] =	vst v4;
	v6 =	vld [tilespmem:s15+$0xFFFFFFD0]  }
0x3bf: {  	v4 =	vld [tilespmem:s17+$0x50];
	[tilespmem:s16+$0xFFFFFFC0] =	vst v5  }
0x3c0: {  	v5 =	vld [tilespmem:s17+$0xFFFFFFD0];
	_ =	sdelay $0x4  }
0x3c1: {  	v3 =	vld.idx.msk [tilespmem:v3+s5+$0x0], $0xffff  }
0x3c2: {  	v6 =	vld.idx.msk [tilespmem:v6+s5+$0x0], $0xffff  }
0x3c3: {  	v4 =	vld.idx.msk [tilespmem:v4+s5+$0x0], $0xffff  }
0x3c4: {  	v5 =	vld.idx.msk [tilespmem:v5+s5+$0x0], $0xffff  }
0x3c5: {  	v1 =	vld.idx.msk [tilespmem:v1+s5+$0x0], $0xffff;
	[tilespmem:s13+$0xFFFFFFD0] =	vst v2  }
0x3c6: {  	[tilespmem:s14+$0x50] =	vst v3;
	v3 =	vld [tilespmem:s11+$0xFFFFFFE0]  }
0x3c7: {  	v2 =	vld [tilespmem:s15+$0x60];
	[tilespmem:s14+$0xFFFFFFD0] =	vst v6  }
0x3c8: {  	[tilespmem:s16+$0x50] =	vst v4;
	v6 =	vld [tilespmem:s15+$0xFFFFFFE0]  }
0x3c9: {  	v4 =	vld [tilespmem:s17+$0x60];
	[tilespmem:s16+$0xFFFFFFD0] =	vst v5  }
0x3ca: {  	v5 =	vld [tilespmem:s17+$0xFFFFFFE0];
	_ =	sdelay $0x1  }
0x3cb: {  	[tilespmem:s13+$0x60] =	vst v1  }
0x3cc: {  	v1 =	vld [tilespmem:s11+$0x70]  }
0x3cd: {  	v3 =	vld.idx.msk [tilespmem:v3+s5+$0x0], $0xffff  }
0x3ce: {  	v2 =	vld.idx.msk [tilespmem:v2+s5+$0x0], $0xffff  }
0x3cf: {  	v6 =	vld.idx.msk [tilespmem:v6+s5+$0x0], $0xffff  }
0x3d0: {  	v4 =	vld.idx.msk [tilespmem:v4+s5+$0x0], $0xffff  }
0x3d1: {  	v5 =	vld.idx.msk [tilespmem:v5+s5+$0x0], $0xffff  }
0x3d2: {  	[tilespmem:s13+$0xFFFFFFE0] =	vst v3  }
0x3d3: {  	[tilespmem:s14+$0x60] =	vst v2;
	v3 =	vld [tilespmem:s11+$0xFFFFFFF0]  }
0x3d4: {  	v2 =	vld [tilespmem:s15+$0x70];
	[tilespmem:s14+$0xFFFFFFE0] =	vst v6  }
0x3d5: {  	[tilespmem:s16+$0x60] =	vst v4;
	v6 =	vld [tilespmem:s15+$0xFFFFFFF0]  }
0x3d6: {  	s11 =	sshll.u32 s10, $0x2;
	v4 =	vld [tilespmem:s17+$0x70];
	[tilespmem:s16+$0xFFFFFFE0] =	vst v5  }
0x3d7: {  	s6 =	sadd.s32 $0x4, s11;
	v5 =	vld [tilespmem:s17+$0xFFFFFFF0]  }
0x3d8: {  	v1 =	vld.idx.msk [tilespmem:v1+s5+$0x0], $0xffff;
	s9 =	sand.u32 $0xFC, s6  }
0x3d9: {  	s9 =	smul.u32 $0xCD, s9  }
0x3da: {  	v0 =	vld.idx.msk [tilespmem:v0+s5+$0x0], $0xffff  }
0x3db: {  	s9 =	sshrl.u32 s9, $0xA;
	v3 =	vld.idx.msk [tilespmem:v3+s5+$0x0], $0xffff  }
0x3dc: {  	s19 =	smul.u32 $0x5, s9;
	v2 =	vld.idx.msk [tilespmem:v2+s5+$0x0], $0xffff  }
0x3dd: {  	[tilespmem:s13+$0x70] =	vst v1;
	v1 =	vld.idx.msk [tilespmem:v6+s5+$0x0], $0xffff  }
0x3de: {  	s6 =	ssub.s32 s6, s19;
	v4 =	vld.idx.msk [tilespmem:v4+s5+$0x0], $0xffff  }
0x3df: {  	p0 =	seq.s32 s10, $0x3;
	[tilespmem:s12+$0xFFFFFFF0] =	vst v0;
	s6 =	sand.u32 $0xFF, s6;
	v0 =	vld.idx.msk [tilespmem:v5+s5+$0x0], $0xffff  }
0x3e0: {  	s12 =	sadd.s32 @!p0 $0x8, s11;
	s9 =	sadd.s32 s9, s18;
	s6 =	smul.u32 $0xA0000, s6;
	[tilespmem:s13+$0xFFFFFFF0] =	vst v3  }
0x3e1: {  	s9 =	sshll.u32 s9, $0xA;
	s13 =	smulhi.u32 @!p0 $0x66666667, s12;
	[tilespmem:s14+$0x70] =	vst v2  }
0x3e2: {  	s6 =	sadd.s32 s6, s9;
	[tilespmem:s14+$0xFFFFFFF0] =	vst v1  }
0x3e3: {  	s6 =	sshrl.u32 s6, $0x3;
	s9 =	sshrl.u32 @!p0 s13, $0x1;
	[tilespmem:s16+$0x70] =	vst v4  }
0x3e4: {  	s6 =	sadd.s32 s4, s6;
	s13 =	smul.u32 @!p0 $0x5, s9;
	[tilespmem:s16+$0xFFFFFFF0] =	vst v0  }
0x3e5: {  	[hbm4b:s6+s21] =	stream.strided.scatter [tilespmem:s29], [sflag:$0x5], $0x1400, s22, s21, $0x38;
	[tilespmem:$0xA080] =	vst v63  }
0x3e6: {  	s6 =	ssub.s32 @!p0 s12, s13  }
0x3e7: {  	s9 =	sadd.s32 @!p0 s18, s9;
	s6 =	smul.u32 @!p0 $0xA0000, s6  }
0x3e8: {  	s9 =	sshll.u32 @!p0 s9, $0xA  }
0x3e9: {  	s6 =	sadd.s32 @!p0 s6, s9  }
0x3ea: {  	s12 =	simm.s32 @!p0 $0x20000;
	s6 =	sshrl.u32 @!p0 s6, $0x3  }
0x3eb: {  	s13 =	simm.s32 @!p0 $0x80;
	s9 =	simm.s32 @!p0 $0x400;
	s6 =	sadd.s32 @!p0 s1, s6  }
0x3ec: {  	[tilespmem:s13], [sflag:$0x1] =	stream.strided.gather @!p0 [hbm4b:s6+s9], $0x1400, s12, s9, $0x38;
	[tilespmem:$0xA080] =	vst v63  }
0x3ed: {  	_ =	swait.ge [sflag:s30], $0x1400  }
0x3ee: {  	[sflag:s30] =	ssyncset.done $0x0  }
0x3ef: {  	[sflag:s30] =	ssyncadd.s32 $0xFFFFEC00  }
0x3f0: {  	_ =	swait.ge [sflag:s25], $0x1400  }
0x3f1: {  	[sflag:s25] =	ssyncset.done $0x0  }
0x3f2: {  	s20 =	simm.s32 $0x1570;
	[sflag:s25] =	ssyncadd.s32 $0xFFFFEC00  }
0x3f3: {  	v0 =	vld [tilespmem:s20+$0xFFFFFF90];
	_ =	sdelay $0x1  }
0x3f4: {  	v1 =	vld [tilespmem:s20+$0xFFFFFF10];
	_ =	sdelay $0x5  }
0x3f5: {  	v0 =	vld.idx.msk [tilespmem:v0+s5+$0x0], $0xffff;
	_ =	sdelay $0x1  }
0x3f6: {  	v1 =	vld.idx.msk [tilespmem:v1+s5+$0x0], $0xffff;
	_ =	sdelay $0x1  }
0x3f7: {  	s12 =	simm.s32 $0x6570  }
0x3f8: {  	[tilespmem:s12+$0xFFFFFF90] =	vst v0  }
0x3f9: {  	v0 =	vld [tilespmem:s20+$0xFFFFFFA0]  }
0x3fa: {  	[tilespmem:s12+$0xFFFFFF10] =	vst v1  }
0x3fb: {  	v1 =	vld [tilespmem:s20+$0xFFFFFF20];
	_ =	sdelay $0x3  }
0x3fc: {  	s14 =	simm.s32 $0x1670  }
0x3fd: {  	v2 =	vld [tilespmem:s14+$0xFFFFFF90]  }
0x3fe: {  	v0 =	vld.idx.msk [tilespmem:v0+s5+$0x0], $0xffff;
	_ =	sdelay $0x1  }
0x3ff: {  	v1 =	vld.idx.msk [tilespmem:v1+s5+$0x0], $0xffff;
	_ =	sdelay $0x2  }
0x400: {  	[tilespmem:s12+$0xFFFFFFA0] =	vst v0  }
0x401: {  	v0 =	vld [tilespmem:s20+$0xFFFFFFB0]  }
0x402: {  	[tilespmem:s12+$0xFFFFFF20] =	vst v1;
	v1 =	vld.idx.msk [tilespmem:v2+s5+$0x0], $0xffff  }
0x403: {  	v3 =	vld [tilespmem:s14+$0xFFFFFF10];
	_ =	sdelay $0x1  }
0x404: {  	v2 =	vld [tilespmem:s20+$0xFFFFFF30]  }
0x405: {  	s13 =	simm.s32 $0x6670  }
0x406: {  	[tilespmem:s13+$0xFFFFFF90] =	vst v1  }
0x407: {  	v1 =	vld [tilespmem:s14+$0xFFFFFFA0]  }
0x408: {  	v0 =	vld.idx.msk [tilespmem:v0+s5+$0x0], $0xffff;
	_ =	sdelay $0x1  }
0x409: {  	v3 =	vld.idx.msk [tilespmem:v3+s5+$0x0], $0xffff;
	_ =	sdelay $0x1  }
0x40a: {  	v2 =	vld.idx.msk [tilespmem:v2+s5+$0x0], $0xffff  }
0x40b: {  	[tilespmem:s12+$0xFFFFFFB0] =	vst v0  }
0x40c: {  	v0 =	vld [tilespmem:s20+$0xFFFFFFC0]  }
0x40d: {  	[tilespmem:s13+$0xFFFFFF10] =	vst v3;
	v1 =	vld.idx.msk [tilespmem:v1+s5+$0x0], $0xffff  }
0x40e: {  	v3 =	vld [tilespmem:s14+$0xFFFFFF20]  }
0x40f: {  	[tilespmem:s12+$0xFFFFFF30] =	vst v2  }
0x410: {  	v2 =	vld [tilespmem:s20+$0xFFFFFF40];
	_ =	sdelay $0x1  }
0x411: {  	[tilespmem:s13+$0xFFFFFFA0] =	vst v1  }
0x412: {  	v1 =	vld [tilespmem:s14+$0xFFFFFFB0]  }
0x413: {  	s16 =	simm.s32 $0x1770;
	v0 =	vld.idx.msk [tilespmem:v0+s5+$0x0], $0xffff  }
0x414: {  	v4 =	vld [tilespmem:s16+$0xFFFFFF90]  }
0x415: {  	v3 =	vld.idx.msk [tilespmem:v3+s5+$0x0], $0xffff  }
0x416: {  	v5 =	vld [tilespmem:s16+$0xFFFFFF10]  }
0x417: {  	v2 =	vld.idx.msk [tilespmem:v2+s5+$0x0], $0xffff  }
0x418: {  	[tilespmem:s12+$0xFFFFFFC0] =	vst v0  }
0x419: {  	v0 =	vld [tilespmem:s20+$0xFFFFFFD0]  }
0x41a: {  	[tilespmem:s13+$0xFFFFFF20] =	vst v3;
	v1 =	vld.idx.msk [tilespmem:v1+s5+$0x0], $0xffff  }
0x41b: {  	v3 =	vld [tilespmem:s14+$0xFFFFFF30]  }
0x41c: {  	v4 =	vld.idx.msk [tilespmem:v4+s5+$0x0], $0xffff;
	[tilespmem:s12+$0xFFFFFF40] =	vst v2  }
0x41d: {  	v2 =	vld [tilespmem:s20+$0xFFFFFF50]  }
0x41e: {  	s19 =	simm.s32 $0x1870;
	v5 =	vld.idx.msk [tilespmem:v5+s5+$0x0], $0xffff  }
0x41f: {  	v6 =	vld [tilespmem:s19+$0xFFFFFF90];
	[tilespmem:s13+$0xFFFFFFB0] =	vst v1  }
0x420: {  	s15 =	simm.s32 $0x6770;
	v1 =	vld [tilespmem:s14+$0xFFFFFFC0]  }
0x421: {  	[tilespmem:s15+$0xFFFFFF90] =	vst v4;
	v0 =	vld.idx.msk [tilespmem:v0+s5+$0x0], $0xffff  }
0x422: {  	v4 =	vld [tilespmem:s16+$0xFFFFFFA0]  }
0x423: {  	[tilespmem:s15+$0xFFFFFF10] =	vst v5;
	v3 =	vld.idx.msk [tilespmem:v3+s5+$0x0], $0xffff  }
0x424: {  	v5 =	vld [tilespmem:s16+$0xFFFFFF20]  }
0x425: {  	v2 =	vld.idx.msk [tilespmem:v2+s5+$0x0], $0xffff  }
0x426: {  	v7 =	vld [tilespmem:s19+$0xFFFFFF10];
	[tilespmem:s12+$0xFFFFFFD0] =	vst v0  }
0x427: {  	v0 =	vld [tilespmem:s20+$0xFFFFFFE0]  }
0x428: {  	[tilespmem:s13+$0xFFFFFF30] =	vst v3;
	v1 =	vld.idx.msk [tilespmem:v1+s5+$0x0], $0xffff  }
0x429: {  	v3 =	vld [tilespmem:s14+$0xFFFFFF40]  }
0x42a: {  	v4 =	vld.idx.msk [tilespmem:v4+s5+$0x0], $0xffff;
	[tilespmem:s12+$0xFFFFFF50] =	vst v2  }
0x42b: {  	v2 =	vld [tilespmem:s20+$0xFFFFFF60]  }
0x42c: {  	v5 =	vld.idx.msk [tilespmem:v5+s5+$0x0], $0xffff  }
0x42d: {  	v6 =	vld.idx.msk [tilespmem:v6+s5+$0x0], $0xffff;
	[tilespmem:s13+$0xFFFFFFC0] =	vst v1  }
0x42e: {  	v1 =	vld [tilespmem:s14+$0xFFFFFFD0]  }
0x42f: {  	[tilespmem:s15+$0xFFFFFFA0] =	vst v4;
	v0 =	vld.idx.msk [tilespmem:v0+s5+$0x0], $0xffff  }
0x430: {  	v4 =	vld [tilespmem:s16+$0xFFFFFFB0]  }
0x431: {  	[tilespmem:s15+$0xFFFFFF20] =	vst v5;
	v3 =	vld.idx.msk [tilespmem:v3+s5+$0x0], $0xffff  }
0x432: {  	v5 =	vld [tilespmem:s16+$0xFFFFFF30]  }
0x433: {  	v2 =	vld.idx.msk [tilespmem:v2+s5+$0x0], $0xffff  }
0x434: {  	v7 =	vld.idx.msk [tilespmem:v7+s5+$0x0], $0xffff;
	[tilespmem:s12+$0xFFFFFFE0] =	vst v0  }
0x435: {  	v0 =	vld [tilespmem:s20+$0xFFFFFFF0]  }
0x436: {  	s17 =	simm.s32 $0x6870;
	[tilespmem:s13+$0xFFFFFF40] =	vst v3;
	v1 =	vld.idx.msk [tilespmem:v1+s5+$0x0], $0xffff  }
0x437: {  	[tilespmem:s17+$0xFFFFFF90] =	vst v6;
	v3 =	vld [tilespmem:s14+$0xFFFFFF50]  }
0x438: {  	[tilespmem:s12+$0xFFFFFF60] =	vst v2;
	v2 =	vld.idx.msk [tilespmem:v4+s5+$0x0], $0xffff  }
0x439: {  	v6 =	vld [tilespmem:s19+$0xFFFFFFA0]  }
0x43a: {  	v4 =	vld [tilespmem:s20+$0xFFFFFF70]  }
0x43b: {  	v5 =	vld.idx.msk [tilespmem:v5+s5+$0x0], $0xffff;
	[tilespmem:s13+$0xFFFFFFD0] =	vst v1  }
0x43c: {  	v1 =	vld [tilespmem:s14+$0xFFFFFFE0]  }
0x43d: {  	[tilespmem:s15+$0xFFFFFFB0] =	vst v2;
	v0 =	vld.idx.msk [tilespmem:v0+s5+$0x0], $0xffff  }
0x43e: {  	v2 =	vld [tilespmem:s16+$0xFFFFFFC0]  }
0x43f: {  	[tilespmem:s17+$0xFFFFFF10] =	vst v7;
	v3 =	vld.idx.msk [tilespmem:v3+s5+$0x0], $0xffff  }
0x440: {  	v8 =	vld [tilespmem:s19+$0xFFFFFF20];
	[tilespmem:s15+$0xFFFFFF30] =	vst v5  }
0x441: {  	v9 =	vld [tilespmem:s16+$0xFFFFFF40]  }
0x442: {  	v4 =	vld.idx.msk [tilespmem:v4+s5+$0x0], $0xffff;
	[tilespmem:s12+$0xFFFFFFF0] =	vst v0  }
0x443: {  	v0 =	vld [tilespmem:s20+$0x0]  }
0x444: {  	[tilespmem:s13+$0xFFFFFF50] =	vst v3;
	v1 =	vld.idx.msk [tilespmem:v1+s5+$0x0], $0xffff  }
0x445: {  	v10 =	vld [tilespmem:s14+$0xFFFFFF60]  }
0x446: {  	v2 =	vld.idx.msk [tilespmem:v2+s5+$0x0], $0xffff  }
0x447: {  	[tilespmem:s12+$0xFFFFFF70] =	vst v4;
	v4 =	vld.idx.msk [tilespmem:v6+s5+$0x0], $0xffff;
	_ =	sdelay $0x1  }
0x448: {  	v5 =	vld.idx.msk [tilespmem:v8+s5+$0x0], $0xffff;
	[tilespmem:s13+$0xFFFFFFE0] =	vst v1  }
0x449: {  	v1 =	vld [tilespmem:s14+$0xFFFFFFF0]  }
0x44a: {  	[tilespmem:s15+$0xFFFFFFC0] =	vst v2;
	v7 =	vld.idx.msk [tilespmem:v0+s5+$0x0], $0xffff  }
0x44b: {  	[tilespmem:s17+$0xFFFFFFA0] =	vst v4;
	v4 =	vld.idx.msk [tilespmem:v9+s5+$0x0], $0xffff  }
0x44c: {  	v3 =	vld [tilespmem:s16+$0xFFFFFFD0]  }
0x44d: {  	v2 =	vld.idx.msk [tilespmem:v10+s5+$0x0], $0xffff  }
0x44e: {  	v6 =	vld [tilespmem:s19+$0xFFFFFFB0]  }
0x44f: {  	s6 =	simm.s32 $0x6;
	v0 =	vld [tilespmem:s20+$0xFFFFFF80];
	s20 =	simm.s32 $0x1970;
	[tilespmem:s12+$0x0] =	vst v7  }
.LBB2_13:
0x450: {  	v7 =	vld [tilespmem:s20+$0xFFFFFF90];
	s6 =	sadd.s32 $0x2, s6;
	s9 =	smov.u32 s15;
	s15 =	smov.u32 s17  }
0x451: {  	v8 =	vld [tilespmem:s20+$0xFFFFFF10];
	p1 =	slt.u32 s6, $0x26;
	[tilespmem:s17+$0xFFFFFF20] =	vst v5  }
0x452: {  	v1 =	vld.idx.msk [tilespmem:v1+s5+$0x0], $0xffff  }
0x453: {  	v5 =	vld [tilespmem:s19+$0xFFFFFF30];
	[tilespmem:s9+$0xFFFFFF40] =	vst v4  }
0x454: {  	v3 =	vld.idx.msk [tilespmem:v3+s5+$0x0], $0xffff  }
0x455: {  	v4 =	vld [tilespmem:s16+$0xFFFFFF50];
	[tilespmem:s13+$0xFFFFFF60] =	vst v2  }
0x456: {  	v2 =	vld.idx.msk [tilespmem:v6+s5+$0x0], $0xffff  }
0x457: {  	v6 =	vld [tilespmem:s14+$0xFFFFFF70]  }
0x458: {  	v7 =	vld.idx.msk [tilespmem:v7+s5+$0x0], $0xffff;
	[tilespmem:s13+$0xFFFFFFF0] =	vst v1  }
0x459: {  	v1 =	vld [tilespmem:s14+$0x0]  }
0x45a: {  	v8 =	vld.idx.msk [tilespmem:v8+s5+$0x0], $0xffff;
	[tilespmem:s9+$0xFFFFFFD0] =	vst v3  }
0x45b: {  	v3 =	vld [tilespmem:s16+$0xFFFFFFE0]  }
0x45c: {  	v5 =	vld.idx.msk [tilespmem:v5+s5+$0x0], $0xffff;
	[tilespmem:s17+$0xFFFFFFB0] =	vst v2  }
0x45d: {  	s17 =	sadd.s32 $0x100, s17;
	v2 =	vld [tilespmem:s19+$0xFFFFFFC0]  }
0x45e: {  	[tilespmem:s17+$0xFFFFFF90] =	vst v7;
	v4 =	vld.idx.msk [tilespmem:v4+s5+$0x0], $0xffff  }
0x45f: {  	v7 =	vld [tilespmem:s20+$0xFFFFFFA0]  }
0x460: {  	[tilespmem:s17+$0xFFFFFF10] =	vst v8;
	v6 =	vld.idx.msk [tilespmem:v6+s5+$0x0], $0xffff  }
0x461: {  	v1 =	vld.idx.msk [tilespmem:v1+s5+$0x0], $0xffff  }
0x462: {  	v8 =	vld [tilespmem:s20+$0xFFFFFF20];
	[tilespmem:s15+$0xFFFFFF30] =	vst v5  }
0x463: {  	v3 =	vld.idx.msk [tilespmem:v3+s5+$0x0], $0xffff  }
0x464: {  	v9 =	vld [tilespmem:s19+$0xFFFFFF40];
	[tilespmem:s9+$0xFFFFFF50] =	vst v4  }
0x465: {  	v2 =	vld.idx.msk [tilespmem:v2+s5+$0x0], $0xffff  }
0x466: {  	v10 =	vld [tilespmem:s16+$0xFFFFFF60];
	[tilespmem:s13+$0xFFFFFF70] =	vst v6  }
0x467: {  	v4 =	vld.idx.msk [tilespmem:v7+s5+$0x0], $0xffff;
	[tilespmem:s13+$0x0] =	vst v1  }
0x468: {  	v6 =	vld [tilespmem:s14+$0xFFFFFF80];
	s14 =	smov.u32 s16;
	s16 =	smov.u32 s19;
	s19 =	smov.u32 s20  }
0x469: {  	[tilespmem:s9+$0xFFFFFFE0] =	vst v3;
	v7 =	vld.idx.msk [tilespmem:v0+s5+$0x0], $0xffff  }
0x46a: {  	v1 =	vld [tilespmem:s14+$0xFFFFFFF0]  }
.Ltmp7:
0x46b: {  	v5 =	vld.idx.msk [tilespmem:v8+s5+$0x0], $0xffff;
	[tilespmem:s15+$0xFFFFFFC0] =	vst v2;
	(pc) =	sbr.rel @p1 .LBB2_13-.Ltmp7, $4  }
0x46c: {  	v3 =	vld [tilespmem:s16+$0xFFFFFFD0]  }
0x46d: {  	[tilespmem:s17+$0xFFFFFFA0] =	vst v4;
	v4 =	vld.idx.msk [tilespmem:v9+s5+$0x0], $0xffff;
	v0 =	vmov v6  }
0x46e: {  	v6 =	vld [tilespmem:s20+$0xFFFFFFB0]  }
0x46f: {  	s20 =	sadd.s32 $0x100, s20;
	v2 =	vld.idx.msk [tilespmem:v10+s5+$0x0], $0xffff;
	[tilespmem:s12+$0xFFFFFF80] =	vst v7;
	s12 =	smov.u32 s13;
	s13 =	smov.u32 s9  }
0x470: {  	[tilespmem:s17+$0xFFFFFF20] =	vst v5  }
0x471: {  	v5 =	vld [tilespmem:s19+$0xFFFFFF30];
	_ =	sdelay $0x6  }
0x472: {  	v6 =	vld.idx.msk [tilespmem:v6+s5+$0x0], $0xffff  }
0x473: {  	v5 =	vld.idx.msk [tilespmem:v5+s5+$0x0], $0xffff;
	_ =	sdelay $0x3  }
0x474: {  	[tilespmem:s17+$0xFFFFFFB0] =	vst v6  }
0x475: {  	v6 =	vld [tilespmem:s19+$0xFFFFFFC0];
	[tilespmem:s17+$0xFFFFFF30] =	vst v5  }
0x476: {  	v5 =	vld [tilespmem:s19+$0xFFFFFF40];
	_ =	sdelay $0x6  }
0x477: {  	v6 =	vld.idx.msk [tilespmem:v6+s5+$0x0], $0xffff  }
0x478: {  	v5 =	vld.idx.msk [tilespmem:v5+s5+$0x0], $0xffff;
	_ =	sdelay $0x2  }
0x479: {  	[tilespmem:s15+$0xFFFFFF40] =	vst v4  }
0x47a: {  	[tilespmem:s17+$0xFFFFFFC0] =	vst v6;
	v6 =	vld [tilespmem:s16+$0xFFFFFF50]  }
0x47b: {  	v4 =	vld [tilespmem:s19+$0xFFFFFFD0];
	[tilespmem:s17+$0xFFFFFF40] =	vst v5  }
0x47c: {  	v5 =	vld [tilespmem:s19+$0xFFFFFF50];
	_ =	sdelay $0x4  }
0x47d: {  	v3 =	vld.idx.msk [tilespmem:v3+s5+$0x0], $0xffff  }
0x47e: {  	v6 =	vld.idx.msk [tilespmem:v6+s5+$0x0], $0xffff  }
0x47f: {  	v4 =	vld.idx.msk [tilespmem:v4+s5+$0x0], $0xffff  }
0x480: {  	v5 =	vld.idx.msk [tilespmem:v5+s5+$0x0], $0xffff;
	_ =	sdelay $0x1  }
0x481: {  	[tilespmem:s15+$0xFFFFFFD0] =	vst v3  }
0x482: {  	v3 =	vld [tilespmem:s16+$0xFFFFFFE0];
	[tilespmem:s15+$0xFFFFFF50] =	vst v6  }
0x483: {  	[tilespmem:s17+$0xFFFFFFD0] =	vst v4;
	v6 =	vld [tilespmem:s16+$0xFFFFFF60]  }
0x484: {  	v4 =	vld [tilespmem:s19+$0xFFFFFFE0];
	[tilespmem:s17+$0xFFFFFF50] =	vst v5  }
0x485: {  	v5 =	vld [tilespmem:s19+$0xFFFFFF60];
	_ =	sdelay $0x4  }
0x486: {  	v3 =	vld.idx.msk [tilespmem:v3+s5+$0x0], $0xffff  }
0x487: {  	v6 =	vld.idx.msk [tilespmem:v6+s5+$0x0], $0xffff  }
0x488: {  	v4 =	vld.idx.msk [tilespmem:v4+s5+$0x0], $0xffff  }
0x489: {  	v5 =	vld.idx.msk [tilespmem:v5+s5+$0x0], $0xffff  }
0x48a: {  	v1 =	vld.idx.msk [tilespmem:v1+s5+$0x0], $0xffff;
	[tilespmem:s13+$0xFFFFFF60] =	vst v2  }
0x48b: {  	[tilespmem:s15+$0xFFFFFFE0] =	vst v3;
	v3 =	vld [tilespmem:s14+$0xFFFFFF70]  }
0x48c: {  	v2 =	vld [tilespmem:s16+$0xFFFFFFF0];
	[tilespmem:s15+$0xFFFFFF60] =	vst v6  }
0x48d: {  	[tilespmem:s17+$0xFFFFFFE0] =	vst v4;
	v6 =	vld [tilespmem:s16+$0xFFFFFF70]  }
0x48e: {  	v4 =	vld [tilespmem:s19+$0xFFFFFFF0];
	[tilespmem:s17+$0xFFFFFF60] =	vst v5  }
0x48f: {  	v5 =	vld [tilespmem:s19+$0xFFFFFF70];
	_ =	sdelay $0x1  }
0x490: {  	[tilespmem:s13+$0xFFFFFFF0] =	vst v1  }
0x491: {  	v1 =	vld [tilespmem:s14+$0x0]  }
0x492: {  	v3 =	vld.idx.msk [tilespmem:v3+s5+$0x0], $0xffff  }
0x493: {  	v2 =	vld.idx.msk [tilespmem:v2+s5+$0x0], $0xffff  }
0x494: {  	v6 =	vld.idx.msk [tilespmem:v6+s5+$0x0], $0xffff  }
0x495: {  	v4 =	vld.idx.msk [tilespmem:v4+s5+$0x0], $0xffff  }
0x496: {  	v5 =	vld.idx.msk [tilespmem:v5+s5+$0x0], $0xffff  }
0x497: {  	[tilespmem:s13+$0xFFFFFF70] =	vst v3  }
0x498: {  	[tilespmem:s15+$0xFFFFFFF0] =	vst v2;
	v3 =	vld [tilespmem:s14+$0xFFFFFF80]  }
0x499: {  	v2 =	vld [tilespmem:s16+$0x0];
	[tilespmem:s15+$0xFFFFFF70] =	vst v6  }
0x49a: {  	[tilespmem:s17+$0xFFFFFFF0] =	vst v4;
	v6 =	vld [tilespmem:s16+$0xFFFFFF80]  }
0x49b: {  	v4 =	vld [tilespmem:s19+$0x0];
	[tilespmem:s17+$0xFFFFFF70] =	vst v5  }
0x49c: {  	v5 =	vld [tilespmem:s19+$0xFFFFFF80]  }
0x49d: {  	v1 =	vld.idx.msk [tilespmem:v1+s5+$0x0], $0xffff  }
0x49e: {  	s6 =	sadd.s32 $0x5, s11  }
0x49f: {  	v0 =	vld.idx.msk [tilespmem:v0+s5+$0x0], $0xffff;
	s9 =	smulhi.u32 $0x66666667, s6  }
0x4a0: {  	v3 =	vld.idx.msk [tilespmem:v3+s5+$0x0], $0xffff  }
0x4a1: {  	s9 =	sshrl.u32 s9, $0x1;
	v2 =	vld.idx.msk [tilespmem:v2+s5+$0x0], $0xffff  }
0x4a2: {  	[tilespmem:s13+$0x0] =	vst v1;
	s19 =	smul.u32 $0x5, s9;
	v1 =	vld.idx.msk [tilespmem:v6+s5+$0x0], $0xffff  }
0x4a3: {  	v4 =	vld.idx.msk [tilespmem:v4+s5+$0x0], $0xffff  }
0x4a4: {  	[tilespmem:s12+$0xFFFFFF80] =	vst v0;
	s6 =	ssub.s32 s6, s19;
	v0 =	vld.idx.msk [tilespmem:v5+s5+$0x0], $0xffff  }
0x4a5: {  	s12 =	sadd.s32 @!p0 $0x9, s11;
	[tilespmem:s13+$0xFFFFFF80] =	vst v3;
	s9 =	sadd.s32 s18, s9;
	s6 =	smul.u32 $0xA0000, s6  }
0x4a6: {  	s13 =	smulhi.u32 @!p0 $0x66666667, s12;
	[tilespmem:s15+$0x0] =	vst v2;
	s9 =	sshll.u32 s9, $0xA  }
0x4a7: {  	s6 =	sadd.s32 s6, s9;
	[tilespmem:s15+$0xFFFFFF80] =	vst v1  }
0x4a8: {  	s9 =	sshrl.u32 @!p0 s13, $0x1;
	s6 =	sshrl.u32 s6, $0x3;
	[tilespmem:s17+$0x0] =	vst v4  }
0x4a9: {  	s13 =	smul.u32 @!p0 $0x5, s9;
	s6 =	sadd.s32 s4, s6;
	[tilespmem:s17+$0xFFFFFF80] =	vst v0  }
0x4aa: {  	[hbm4b:s6+s21] =	stream.strided.scatter [tilespmem:s31], [sflag:$0x6], $0x1400, s22, s21, $0x38;
	[tilespmem:$0xA080] =	vst v63  }
0x4ab: {  	s6 =	ssub.s32 @!p0 s12, s13  }
0x4ac: {  	s9 =	sadd.s32 @!p0 s18, s9;
	s6 =	smul.u32 @!p0 $0xA0000, s6  }
0x4ad: {  	s9 =	sshll.u32 @!p0 s9, $0xA  }
0x4ae: {  	s6 =	sadd.s32 @!p0 s6, s9  }
0x4af: {  	s12 =	simm.s32 @!p0 $0x20000;
	s6 =	sshrl.u32 @!p0 s6, $0x3  }
0x4b0: {  	s13 =	simm.s32 @!p0 $0x1480;
	s9 =	simm.s32 @!p0 $0x400;
	s6 =	sadd.s32 @!p0 s1, s6  }
0x4b1: {  	[tilespmem:s13], [sflag:$0x2] =	stream.strided.gather @!p0 [hbm4b:s6+s9], $0x1400, s12, s9, $0x38;
	[tilespmem:$0xA080] =	vst v63  }
0x4b2: {  	_ =	swait.ge [sflag:s0], $0x1400  }
0x4b3: {  	[sflag:s0] =	ssyncset.done $0x0  }
0x4b4: {  	[sflag:s0] =	ssyncadd.s32 $0xFFFFEC00  }
0x4b5: {  	_ =	swait.ge [sflag:s7], $0x1400  }
0x4b6: {  	[sflag:s7] =	ssyncset.done $0x0  }
0x4b7: {  	s20 =	simm.s32 $0x2970;
	[sflag:s7] =	ssyncadd.s32 $0xFFFFEC00  }
0x4b8: {  	v0 =	vld [tilespmem:s20+$0xFFFFFF90];
	_ =	sdelay $0x1  }
0x4b9: {  	v1 =	vld [tilespmem:s20+$0xFFFFFF10];
	_ =	sdelay $0x5  }
0x4ba: {  	v0 =	vld.idx.msk [tilespmem:v0+s5+$0x0], $0xffff;
	_ =	sdelay $0x1  }
0x4bb: {  	v1 =	vld.idx.msk [tilespmem:v1+s5+$0x0], $0xffff;
	_ =	sdelay $0x1  }
0x4bc: {  	s12 =	simm.s32 $0x7970  }
0x4bd: {  	[tilespmem:s12+$0xFFFFFF90] =	vst v0  }
0x4be: {  	v0 =	vld [tilespmem:s20+$0xFFFFFFA0]  }
0x4bf: {  	[tilespmem:s12+$0xFFFFFF10] =	vst v1  }
0x4c0: {  	v1 =	vld [tilespmem:s20+$0xFFFFFF20];
	_ =	sdelay $0x3  }
0x4c1: {  	s14 =	simm.s32 $0x2A70  }
0x4c2: {  	v2 =	vld [tilespmem:s14+$0xFFFFFF90]  }
0x4c3: {  	v0 =	vld.idx.msk [tilespmem:v0+s5+$0x0], $0xffff;
	_ =	sdelay $0x1  }
0x4c4: {  	v1 =	vld.idx.msk [tilespmem:v1+s5+$0x0], $0xffff;
	_ =	sdelay $0x2  }
0x4c5: {  	[tilespmem:s12+$0xFFFFFFA0] =	vst v0  }
0x4c6: {  	v0 =	vld [tilespmem:s20+$0xFFFFFFB0]  }
0x4c7: {  	[tilespmem:s12+$0xFFFFFF20] =	vst v1;
	v1 =	vld.idx.msk [tilespmem:v2+s5+$0x0], $0xffff  }
0x4c8: {  	v3 =	vld [tilespmem:s14+$0xFFFFFF10];
	_ =	sdelay $0x1  }
0x4c9: {  	v2 =	vld [tilespmem:s20+$0xFFFFFF30]  }
0x4ca: {  	s13 =	simm.s32 $0x7A70  }
0x4cb: {  	[tilespmem:s13+$0xFFFFFF90] =	vst v1  }
0x4cc: {  	v1 =	vld [tilespmem:s14+$0xFFFFFFA0]  }
0x4cd: {  	v0 =	vld.idx.msk [tilespmem:v0+s5+$0x0], $0xffff;
	_ =	sdelay $0x1  }
0x4ce: {  	v3 =	vld.idx.msk [tilespmem:v3+s5+$0x0], $0xffff;
	_ =	sdelay $0x1  }
0x4cf: {  	v2 =	vld.idx.msk [tilespmem:v2+s5+$0x0], $0xffff  }
0x4d0: {  	[tilespmem:s12+$0xFFFFFFB0] =	vst v0  }
0x4d1: {  	v0 =	vld [tilespmem:s20+$0xFFFFFFC0]  }
0x4d2: {  	[tilespmem:s13+$0xFFFFFF10] =	vst v3;
	v1 =	vld.idx.msk [tilespmem:v1+s5+$0x0], $0xffff  }
0x4d3: {  	v3 =	vld [tilespmem:s14+$0xFFFFFF20]  }
0x4d4: {  	[tilespmem:s12+$0xFFFFFF30] =	vst v2  }
0x4d5: {  	v2 =	vld [tilespmem:s20+$0xFFFFFF40];
	_ =	sdelay $0x1  }
0x4d6: {  	[tilespmem:s13+$0xFFFFFFA0] =	vst v1  }
0x4d7: {  	v1 =	vld [tilespmem:s14+$0xFFFFFFB0]  }
0x4d8: {  	s16 =	simm.s32 $0x2B70;
	v0 =	vld.idx.msk [tilespmem:v0+s5+$0x0], $0xffff  }
0x4d9: {  	v4 =	vld [tilespmem:s16+$0xFFFFFF90]  }
0x4da: {  	v3 =	vld.idx.msk [tilespmem:v3+s5+$0x0], $0xffff  }
0x4db: {  	v5 =	vld [tilespmem:s16+$0xFFFFFF10]  }
0x4dc: {  	v2 =	vld.idx.msk [tilespmem:v2+s5+$0x0], $0xffff  }
0x4dd: {  	[tilespmem:s12+$0xFFFFFFC0] =	vst v0  }
0x4de: {  	v0 =	vld [tilespmem:s20+$0xFFFFFFD0]  }
0x4df: {  	[tilespmem:s13+$0xFFFFFF20] =	vst v3;
	v1 =	vld.idx.msk [tilespmem:v1+s5+$0x0], $0xffff  }
0x4e0: {  	v3 =	vld [tilespmem:s14+$0xFFFFFF30]  }
0x4e1: {  	v4 =	vld.idx.msk [tilespmem:v4+s5+$0x0], $0xffff;
	[tilespmem:s12+$0xFFFFFF40] =	vst v2  }
0x4e2: {  	v2 =	vld [tilespmem:s20+$0xFFFFFF50]  }
0x4e3: {  	s19 =	simm.s32 $0x2C70;
	v5 =	vld.idx.msk [tilespmem:v5+s5+$0x0], $0xffff  }
0x4e4: {  	v6 =	vld [tilespmem:s19+$0xFFFFFF90];
	[tilespmem:s13+$0xFFFFFFB0] =	vst v1  }
0x4e5: {  	s15 =	simm.s32 $0x7B70;
	v1 =	vld [tilespmem:s14+$0xFFFFFFC0]  }
0x4e6: {  	[tilespmem:s15+$0xFFFFFF90] =	vst v4;
	v0 =	vld.idx.msk [tilespmem:v0+s5+$0x0], $0xffff  }
0x4e7: {  	v4 =	vld [tilespmem:s16+$0xFFFFFFA0]  }
0x4e8: {  	[tilespmem:s15+$0xFFFFFF10] =	vst v5;
	v3 =	vld.idx.msk [tilespmem:v3+s5+$0x0], $0xffff  }
0x4e9: {  	v5 =	vld [tilespmem:s16+$0xFFFFFF20]  }
0x4ea: {  	v2 =	vld.idx.msk [tilespmem:v2+s5+$0x0], $0xffff  }
0x4eb: {  	v7 =	vld [tilespmem:s19+$0xFFFFFF10];
	[tilespmem:s12+$0xFFFFFFD0] =	vst v0  }
0x4ec: {  	v0 =	vld [tilespmem:s20+$0xFFFFFFE0]  }
0x4ed: {  	[tilespmem:s13+$0xFFFFFF30] =	vst v3;
	v1 =	vld.idx.msk [tilespmem:v1+s5+$0x0], $0xffff  }
0x4ee: {  	v3 =	vld [tilespmem:s14+$0xFFFFFF40]  }
0x4ef: {  	v4 =	vld.idx.msk [tilespmem:v4+s5+$0x0], $0xffff;
	[tilespmem:s12+$0xFFFFFF50] =	vst v2  }
0x4f0: {  	v2 =	vld [tilespmem:s20+$0xFFFFFF60]  }
0x4f1: {  	v5 =	vld.idx.msk [tilespmem:v5+s5+$0x0], $0xffff  }
0x4f2: {  	v6 =	vld.idx.msk [tilespmem:v6+s5+$0x0], $0xffff;
	[tilespmem:s13+$0xFFFFFFC0] =	vst v1  }
0x4f3: {  	v1 =	vld [tilespmem:s14+$0xFFFFFFD0]  }
0x4f4: {  	[tilespmem:s15+$0xFFFFFFA0] =	vst v4;
	v0 =	vld.idx.msk [tilespmem:v0+s5+$0x0], $0xffff  }
0x4f5: {  	v4 =	vld [tilespmem:s16+$0xFFFFFFB0]  }
0x4f6: {  	[tilespmem:s15+$0xFFFFFF20] =	vst v5;
	v3 =	vld.idx.msk [tilespmem:v3+s5+$0x0], $0xffff  }
0x4f7: {  	v5 =	vld [tilespmem:s16+$0xFFFFFF30]  }
0x4f8: {  	v2 =	vld.idx.msk [tilespmem:v2+s5+$0x0], $0xffff  }
0x4f9: {  	v7 =	vld.idx.msk [tilespmem:v7+s5+$0x0], $0xffff;
	[tilespmem:s12+$0xFFFFFFE0] =	vst v0  }
0x4fa: {  	v0 =	vld [tilespmem:s20+$0xFFFFFFF0]  }
0x4fb: {  	s17 =	simm.s32 $0x7C70;
	[tilespmem:s13+$0xFFFFFF40] =	vst v3;
	v1 =	vld.idx.msk [tilespmem:v1+s5+$0x0], $0xffff  }
0x4fc: {  	[tilespmem:s17+$0xFFFFFF90] =	vst v6;
	v3 =	vld [tilespmem:s14+$0xFFFFFF50]  }
0x4fd: {  	[tilespmem:s12+$0xFFFFFF60] =	vst v2;
	v2 =	vld.idx.msk [tilespmem:v4+s5+$0x0], $0xffff  }
0x4fe: {  	v6 =	vld [tilespmem:s19+$0xFFFFFFA0]  }
0x4ff: {  	v4 =	vld [tilespmem:s20+$0xFFFFFF70]  }
0x500: {  	v5 =	vld.idx.msk [tilespmem:v5+s5+$0x0], $0xffff;
	[tilespmem:s13+$0xFFFFFFD0] =	vst v1  }
0x501: {  	v1 =	vld [tilespmem:s14+$0xFFFFFFE0]  }
0x502: {  	[tilespmem:s15+$0xFFFFFFB0] =	vst v2;
	v0 =	vld.idx.msk [tilespmem:v0+s5+$0x0], $0xffff  }
0x503: {  	v2 =	vld [tilespmem:s16+$0xFFFFFFC0]  }
0x504: {  	[tilespmem:s17+$0xFFFFFF10] =	vst v7;
	v3 =	vld.idx.msk [tilespmem:v3+s5+$0x0], $0xffff  }
0x505: {  	v8 =	vld [tilespmem:s19+$0xFFFFFF20];
	[tilespmem:s15+$0xFFFFFF30] =	vst v5  }
0x506: {  	v9 =	vld [tilespmem:s16+$0xFFFFFF40]  }
0x507: {  	v4 =	vld.idx.msk [tilespmem:v4+s5+$0x0], $0xffff;
	[tilespmem:s12+$0xFFFFFFF0] =	vst v0  }
0x508: {  	v0 =	vld [tilespmem:s20+$0x0]  }
0x509: {  	[tilespmem:s13+$0xFFFFFF50] =	vst v3;
	v1 =	vld.idx.msk [tilespmem:v1+s5+$0x0], $0xffff  }
0x50a: {  	v10 =	vld [tilespmem:s14+$0xFFFFFF60]  }
0x50b: {  	v2 =	vld.idx.msk [tilespmem:v2+s5+$0x0], $0xffff  }
0x50c: {  	[tilespmem:s12+$0xFFFFFF70] =	vst v4;
	v4 =	vld.idx.msk [tilespmem:v6+s5+$0x0], $0xffff;
	_ =	sdelay $0x1  }
0x50d: {  	v5 =	vld.idx.msk [tilespmem:v8+s5+$0x0], $0xffff;
	[tilespmem:s13+$0xFFFFFFE0] =	vst v1  }
0x50e: {  	v1 =	vld [tilespmem:s14+$0xFFFFFFF0]  }
0x50f: {  	[tilespmem:s15+$0xFFFFFFC0] =	vst v2;
	v7 =	vld.idx.msk [tilespmem:v0+s5+$0x0], $0xffff  }
0x510: {  	[tilespmem:s17+$0xFFFFFFA0] =	vst v4;
	v4 =	vld.idx.msk [tilespmem:v9+s5+$0x0], $0xffff  }
0x511: {  	v3 =	vld [tilespmem:s16+$0xFFFFFFD0]  }
0x512: {  	v2 =	vld.idx.msk [tilespmem:v10+s5+$0x0], $0xffff  }
0x513: {  	v6 =	vld [tilespmem:s19+$0xFFFFFFB0]  }
0x514: {  	s6 =	simm.s32 $0x6;
	v0 =	vld [tilespmem:s20+$0xFFFFFF80];
	s20 =	simm.s32 $0x2D70;
	[tilespmem:s12+$0x0] =	vst v7  }
.LBB2_15:
0x515: {  	v7 =	vld [tilespmem:s20+$0xFFFFFF90];
	s6 =	sadd.s32 $0x2, s6;
	s9 =	smov.u32 s15;
	s15 =	smov.u32 s17  }
0x516: {  	v8 =	vld [tilespmem:s20+$0xFFFFFF10];
	p1 =	slt.u32 s6, $0x26;
	[tilespmem:s17+$0xFFFFFF20] =	vst v5  }
0x517: {  	v1 =	vld.idx.msk [tilespmem:v1+s5+$0x0], $0xffff  }
0x518: {  	v5 =	vld [tilespmem:s19+$0xFFFFFF30];
	[tilespmem:s9+$0xFFFFFF40] =	vst v4  }
0x519: {  	v3 =	vld.idx.msk [tilespmem:v3+s5+$0x0], $0xffff  }
0x51a: {  	v4 =	vld [tilespmem:s16+$0xFFFFFF50];
	[tilespmem:s13+$0xFFFFFF60] =	vst v2  }
0x51b: {  	v2 =	vld.idx.msk [tilespmem:v6+s5+$0x0], $0xffff  }
0x51c: {  	v6 =	vld [tilespmem:s14+$0xFFFFFF70]  }
0x51d: {  	v7 =	vld.idx.msk [tilespmem:v7+s5+$0x0], $0xffff;
	[tilespmem:s13+$0xFFFFFFF0] =	vst v1  }
0x51e: {  	v1 =	vld [tilespmem:s14+$0x0]  }
0x51f: {  	v8 =	vld.idx.msk [tilespmem:v8+s5+$0x0], $0xffff;
	[tilespmem:s9+$0xFFFFFFD0] =	vst v3  }
0x520: {  	v3 =	vld [tilespmem:s16+$0xFFFFFFE0]  }
0x521: {  	v5 =	vld.idx.msk [tilespmem:v5+s5+$0x0], $0xffff;
	[tilespmem:s17+$0xFFFFFFB0] =	vst v2  }
0x522: {  	s17 =	sadd.s32 $0x100, s17;
	v2 =	vld [tilespmem:s19+$0xFFFFFFC0]  }
0x523: {  	[tilespmem:s17+$0xFFFFFF90] =	vst v7;
	v4 =	vld.idx.msk [tilespmem:v4+s5+$0x0], $0xffff  }
0x524: {  	v7 =	vld [tilespmem:s20+$0xFFFFFFA0]  }
0x525: {  	[tilespmem:s17+$0xFFFFFF10] =	vst v8;
	v6 =	vld.idx.msk [tilespmem:v6+s5+$0x0], $0xffff  }
0x526: {  	v1 =	vld.idx.msk [tilespmem:v1+s5+$0x0], $0xffff  }
0x527: {  	v8 =	vld [tilespmem:s20+$0xFFFFFF20];
	[tilespmem:s15+$0xFFFFFF30] =	vst v5  }
0x528: {  	v3 =	vld.idx.msk [tilespmem:v3+s5+$0x0], $0xffff  }
0x529: {  	v9 =	vld [tilespmem:s19+$0xFFFFFF40];
	[tilespmem:s9+$0xFFFFFF50] =	vst v4  }
0x52a: {  	v2 =	vld.idx.msk [tilespmem:v2+s5+$0x0], $0xffff  }
0x52b: {  	v10 =	vld [tilespmem:s16+$0xFFFFFF60];
	[tilespmem:s13+$0xFFFFFF70] =	vst v6  }
0x52c: {  	v4 =	vld.idx.msk [tilespmem:v7+s5+$0x0], $0xffff;
	[tilespmem:s13+$0x0] =	vst v1  }
0x52d: {  	v6 =	vld [tilespmem:s14+$0xFFFFFF80];
	s14 =	smov.u32 s16;
	s16 =	smov.u32 s19;
	s19 =	smov.u32 s20  }
0x52e: {  	[tilespmem:s9+$0xFFFFFFE0] =	vst v3;
	v7 =	vld.idx.msk [tilespmem:v0+s5+$0x0], $0xffff  }
0x52f: {  	v1 =	vld [tilespmem:s14+$0xFFFFFFF0]  }
.Ltmp8:
0x530: {  	v5 =	vld.idx.msk [tilespmem:v8+s5+$0x0], $0xffff;
	[tilespmem:s15+$0xFFFFFFC0] =	vst v2;
	(pc) =	sbr.rel @p1 .LBB2_15-.Ltmp8, $4  }
0x531: {  	v3 =	vld [tilespmem:s16+$0xFFFFFFD0]  }
0x532: {  	[tilespmem:s17+$0xFFFFFFA0] =	vst v4;
	v4 =	vld.idx.msk [tilespmem:v9+s5+$0x0], $0xffff;
	v0 =	vmov v6  }
0x533: {  	v6 =	vld [tilespmem:s20+$0xFFFFFFB0]  }
0x534: {  	s20 =	sadd.s32 $0x100, s20;
	v2 =	vld.idx.msk [tilespmem:v10+s5+$0x0], $0xffff;
	[tilespmem:s12+$0xFFFFFF80] =	vst v7;
	s12 =	smov.u32 s13;
	s13 =	smov.u32 s9  }
0x535: {  	[tilespmem:s17+$0xFFFFFF20] =	vst v5  }
0x536: {  	v5 =	vld [tilespmem:s19+$0xFFFFFF30];
	_ =	sdelay $0x6  }
0x537: {  	v6 =	vld.idx.msk [tilespmem:v6+s5+$0x0], $0xffff  }
0x538: {  	v5 =	vld.idx.msk [tilespmem:v5+s5+$0x0], $0xffff;
	_ =	sdelay $0x3  }
0x539: {  	[tilespmem:s17+$0xFFFFFFB0] =	vst v6  }
0x53a: {  	v6 =	vld [tilespmem:s19+$0xFFFFFFC0];
	[tilespmem:s17+$0xFFFFFF30] =	vst v5  }
0x53b: {  	v5 =	vld [tilespmem:s19+$0xFFFFFF40];
	_ =	sdelay $0x6  }
0x53c: {  	v6 =	vld.idx.msk [tilespmem:v6+s5+$0x0], $0xffff  }
0x53d: {  	v5 =	vld.idx.msk [tilespmem:v5+s5+$0x0], $0xffff;
	_ =	sdelay $0x2  }
0x53e: {  	[tilespmem:s15+$0xFFFFFF40] =	vst v4  }
0x53f: {  	[tilespmem:s17+$0xFFFFFFC0] =	vst v6;
	v6 =	vld [tilespmem:s16+$0xFFFFFF50]  }
0x540: {  	v4 =	vld [tilespmem:s19+$0xFFFFFFD0];
	[tilespmem:s17+$0xFFFFFF40] =	vst v5  }
0x541: {  	v5 =	vld [tilespmem:s19+$0xFFFFFF50];
	_ =	sdelay $0x4  }
0x542: {  	v3 =	vld.idx.msk [tilespmem:v3+s5+$0x0], $0xffff  }
0x543: {  	v6 =	vld.idx.msk [tilespmem:v6+s5+$0x0], $0xffff  }
0x544: {  	v4 =	vld.idx.msk [tilespmem:v4+s5+$0x0], $0xffff  }
0x545: {  	v5 =	vld.idx.msk [tilespmem:v5+s5+$0x0], $0xffff;
	_ =	sdelay $0x1  }
0x546: {  	[tilespmem:s15+$0xFFFFFFD0] =	vst v3  }
0x547: {  	v3 =	vld [tilespmem:s16+$0xFFFFFFE0];
	[tilespmem:s15+$0xFFFFFF50] =	vst v6  }
0x548: {  	[tilespmem:s17+$0xFFFFFFD0] =	vst v4;
	v6 =	vld [tilespmem:s16+$0xFFFFFF60]  }
0x549: {  	v4 =	vld [tilespmem:s19+$0xFFFFFFE0];
	[tilespmem:s17+$0xFFFFFF50] =	vst v5  }
0x54a: {  	v5 =	vld [tilespmem:s19+$0xFFFFFF60];
	_ =	sdelay $0x4  }
0x54b: {  	v3 =	vld.idx.msk [tilespmem:v3+s5+$0x0], $0xffff  }
0x54c: {  	v6 =	vld.idx.msk [tilespmem:v6+s5+$0x0], $0xffff  }
0x54d: {  	v4 =	vld.idx.msk [tilespmem:v4+s5+$0x0], $0xffff  }
0x54e: {  	v5 =	vld.idx.msk [tilespmem:v5+s5+$0x0], $0xffff  }
0x54f: {  	v1 =	vld.idx.msk [tilespmem:v1+s5+$0x0], $0xffff;
	[tilespmem:s13+$0xFFFFFF60] =	vst v2  }
0x550: {  	[tilespmem:s15+$0xFFFFFFE0] =	vst v3;
	v3 =	vld [tilespmem:s14+$0xFFFFFF70]  }
0x551: {  	v2 =	vld [tilespmem:s16+$0xFFFFFFF0];
	[tilespmem:s15+$0xFFFFFF60] =	vst v6  }
0x552: {  	[tilespmem:s17+$0xFFFFFFE0] =	vst v4;
	v6 =	vld [tilespmem:s16+$0xFFFFFF70]  }
0x553: {  	v4 =	vld [tilespmem:s19+$0xFFFFFFF0];
	[tilespmem:s17+$0xFFFFFF60] =	vst v5  }
0x554: {  	v5 =	vld [tilespmem:s19+$0xFFFFFF70];
	_ =	sdelay $0x1  }
0x555: {  	[tilespmem:s13+$0xFFFFFFF0] =	vst v1  }
0x556: {  	v1 =	vld [tilespmem:s14+$0x0]  }
0x557: {  	v3 =	vld.idx.msk [tilespmem:v3+s5+$0x0], $0xffff  }
0x558: {  	v2 =	vld.idx.msk [tilespmem:v2+s5+$0x0], $0xffff  }
0x559: {  	v6 =	vld.idx.msk [tilespmem:v6+s5+$0x0], $0xffff  }
0x55a: {  	v4 =	vld.idx.msk [tilespmem:v4+s5+$0x0], $0xffff  }
0x55b: {  	v5 =	vld.idx.msk [tilespmem:v5+s5+$0x0], $0xffff  }
0x55c: {  	[tilespmem:s13+$0xFFFFFF70] =	vst v3  }
0x55d: {  	[tilespmem:s15+$0xFFFFFFF0] =	vst v2;
	v3 =	vld [tilespmem:s14+$0xFFFFFF80]  }
0x55e: {  	v2 =	vld [tilespmem:s16+$0x0];
	[tilespmem:s15+$0xFFFFFF70] =	vst v6  }
0x55f: {  	[tilespmem:s17+$0xFFFFFFF0] =	vst v4;
	v6 =	vld [tilespmem:s16+$0xFFFFFF80]  }
0x560: {  	v4 =	vld [tilespmem:s19+$0x0];
	[tilespmem:s17+$0xFFFFFF70] =	vst v5  }
0x561: {  	v5 =	vld [tilespmem:s19+$0xFFFFFF80]  }
0x562: {  	v1 =	vld.idx.msk [tilespmem:v1+s5+$0x0], $0xffff  }
0x563: {  	s6 =	sadd.s32 $0x6, s11  }
0x564: {  	v0 =	vld.idx.msk [tilespmem:v0+s5+$0x0], $0xffff;
	s9 =	smulhi.u32 $0x66666667, s6  }
0x565: {  	v3 =	vld.idx.msk [tilespmem:v3+s5+$0x0], $0xffff  }
0x566: {  	s9 =	sshrl.u32 s9, $0x1;
	v2 =	vld.idx.msk [tilespmem:v2+s5+$0x0], $0xffff  }
0x567: {  	[tilespmem:s13+$0x0] =	vst v1;
	s19 =	smul.u32 $0x5, s9;
	v1 =	vld.idx.msk [tilespmem:v6+s5+$0x0], $0xffff  }
0x568: {  	v4 =	vld.idx.msk [tilespmem:v4+s5+$0x0], $0xffff  }
0x569: {  	[tilespmem:s12+$0xFFFFFF80] =	vst v0;
	s6 =	ssub.s32 s6, s19;
	v0 =	vld.idx.msk [tilespmem:v5+s5+$0x0], $0xffff  }
0x56a: {  	s12 =	sadd.s32 @!p0 $0xA, s11;
	[tilespmem:s13+$0xFFFFFF80] =	vst v3;
	s9 =	sadd.s32 s18, s9;
	s6 =	smul.u32 $0xA0000, s6  }
0x56b: {  	s13 =	smulhi.u32 @!p0 $0x66666667, s12;
	[tilespmem:s15+$0x0] =	vst v2;
	s9 =	sshll.u32 s9, $0xA  }
0x56c: {  	s6 =	sadd.s32 s6, s9;
	[tilespmem:s15+$0xFFFFFF80] =	vst v1  }
0x56d: {  	s9 =	sshrl.u32 @!p0 s13, $0x1;
	s6 =	sshrl.u32 s6, $0x3;
	[tilespmem:s17+$0x0] =	vst v4  }
0x56e: {  	s13 =	smul.u32 @!p0 $0x5, s9;
	s6 =	sadd.s32 s4, s6;
	[tilespmem:s17+$0xFFFFFF80] =	vst v0  }
0x56f: {  	[hbm4b:s6+s21] =	stream.strided.scatter [tilespmem:s3], [sflag:$0x7], $0x1400, s22, s21, $0x38;
	[tilespmem:$0xA080] =	vst v63  }
0x570: {  	s6 =	ssub.s32 @!p0 s12, s13  }
0x571: {  	s9 =	sadd.s32 @!p0 s18, s9;
	s6 =	smul.u32 @!p0 $0xA0000, s6  }
0x572: {  	s9 =	sshll.u32 @!p0 s9, $0xA  }
0x573: {  	s6 =	sadd.s32 @!p0 s6, s9  }
0x574: {  	s12 =	simm.s32 @!p0 $0x20000;
	s6 =	sshrl.u32 @!p0 s6, $0x3  }
0x575: {  	s13 =	simm.s32 @!p0 $0x2880;
	s9 =	simm.s32 @!p0 $0x400;
	s6 =	sadd.s32 @!p0 s1, s6  }
0x576: {  	[tilespmem:s13], [sflag:$0x3] =	stream.strided.gather @!p0 [hbm4b:s6+s9], $0x1400, s12, s9, $0x38;
	[tilespmem:$0xA080] =	vst v63  }
0x577: {  	_ =	swait.ge [sflag:s2], $0x1400  }
0x578: {  	[sflag:s2] =	ssyncset.done $0x0  }
0x579: {  	[sflag:s2] =	ssyncadd.s32 $0xFFFFEC00  }
0x57a: {  	_ =	swait.ge [sflag:s8], $0x1400  }
0x57b: {  	[sflag:s8] =	ssyncset.done $0x0  }
0x57c: {  	s20 =	simm.s32 $0x3D70;
	[sflag:s8] =	ssyncadd.s32 $0xFFFFEC00  }
0x57d: {  	v0 =	vld [tilespmem:s20+$0xFFFFFF90];
	_ =	sdelay $0x1  }
0x57e: {  	v1 =	vld [tilespmem:s20+$0xFFFFFF10];
	_ =	sdelay $0x5  }
0x57f: {  	v0 =	vld.idx.msk [tilespmem:v0+s5+$0x0], $0xffff;
	_ =	sdelay $0x1  }
0x580: {  	v1 =	vld.idx.msk [tilespmem:v1+s5+$0x0], $0xffff;
	_ =	sdelay $0x1  }
0x581: {  	s12 =	simm.s32 $0x8D70  }
0x582: {  	[tilespmem:s12+$0xFFFFFF90] =	vst v0  }
0x583: {  	v0 =	vld [tilespmem:s20+$0xFFFFFFA0]  }
0x584: {  	[tilespmem:s12+$0xFFFFFF10] =	vst v1  }
0x585: {  	v1 =	vld [tilespmem:s20+$0xFFFFFF20];
	_ =	sdelay $0x3  }
0x586: {  	s14 =	simm.s32 $0x3E70  }
0x587: {  	v2 =	vld [tilespmem:s14+$0xFFFFFF90]  }
0x588: {  	v0 =	vld.idx.msk [tilespmem:v0+s5+$0x0], $0xffff;
	_ =	sdelay $0x1  }
0x589: {  	v1 =	vld.idx.msk [tilespmem:v1+s5+$0x0], $0xffff;
	_ =	sdelay $0x2  }
0x58a: {  	[tilespmem:s12+$0xFFFFFFA0] =	vst v0  }
0x58b: {  	v0 =	vld [tilespmem:s20+$0xFFFFFFB0]  }
0x58c: {  	[tilespmem:s12+$0xFFFFFF20] =	vst v1;
	v1 =	vld.idx.msk [tilespmem:v2+s5+$0x0], $0xffff  }
0x58d: {  	v3 =	vld [tilespmem:s14+$0xFFFFFF10];
	_ =	sdelay $0x1  }
0x58e: {  	v2 =	vld [tilespmem:s20+$0xFFFFFF30]  }
0x58f: {  	s13 =	simm.s32 $0x8E70  }
0x590: {  	[tilespmem:s13+$0xFFFFFF90] =	vst v1  }
0x591: {  	v1 =	vld [tilespmem:s14+$0xFFFFFFA0]  }
0x592: {  	v0 =	vld.idx.msk [tilespmem:v0+s5+$0x0], $0xffff;
	_ =	sdelay $0x1  }
0x593: {  	v3 =	vld.idx.msk [tilespmem:v3+s5+$0x0], $0xffff;
	_ =	sdelay $0x1  }
0x594: {  	v2 =	vld.idx.msk [tilespmem:v2+s5+$0x0], $0xffff  }
0x595: {  	[tilespmem:s12+$0xFFFFFFB0] =	vst v0  }
0x596: {  	v0 =	vld [tilespmem:s20+$0xFFFFFFC0]  }
0x597: {  	[tilespmem:s13+$0xFFFFFF10] =	vst v3;
	v1 =	vld.idx.msk [tilespmem:v1+s5+$0x0], $0xffff  }
0x598: {  	v3 =	vld [tilespmem:s14+$0xFFFFFF20]  }
0x599: {  	[tilespmem:s12+$0xFFFFFF30] =	vst v2  }
0x59a: {  	v2 =	vld [tilespmem:s20+$0xFFFFFF40];
	_ =	sdelay $0x1  }
0x59b: {  	[tilespmem:s13+$0xFFFFFFA0] =	vst v1  }
0x59c: {  	v1 =	vld [tilespmem:s14+$0xFFFFFFB0]  }
0x59d: {  	s16 =	simm.s32 $0x3F70;
	v0 =	vld.idx.msk [tilespmem:v0+s5+$0x0], $0xffff  }
0x59e: {  	v4 =	vld [tilespmem:s16+$0xFFFFFF90]  }
0x59f: {  	v3 =	vld.idx.msk [tilespmem:v3+s5+$0x0], $0xffff  }
0x5a0: {  	v5 =	vld [tilespmem:s16+$0xFFFFFF10]  }
0x5a1: {  	v2 =	vld.idx.msk [tilespmem:v2+s5+$0x0], $0xffff  }
0x5a2: {  	[tilespmem:s12+$0xFFFFFFC0] =	vst v0  }
0x5a3: {  	v0 =	vld [tilespmem:s20+$0xFFFFFFD0]  }
0x5a4: {  	[tilespmem:s13+$0xFFFFFF20] =	vst v3;
	v1 =	vld.idx.msk [tilespmem:v1+s5+$0x0], $0xffff  }
0x5a5: {  	v3 =	vld [tilespmem:s14+$0xFFFFFF30]  }
0x5a6: {  	v4 =	vld.idx.msk [tilespmem:v4+s5+$0x0], $0xffff;
	[tilespmem:s12+$0xFFFFFF40] =	vst v2  }
0x5a7: {  	v2 =	vld [tilespmem:s20+$0xFFFFFF50]  }
0x5a8: {  	s19 =	simm.s32 $0x4070;
	v5 =	vld.idx.msk [tilespmem:v5+s5+$0x0], $0xffff  }
0x5a9: {  	v6 =	vld [tilespmem:s19+$0xFFFFFF90];
	[tilespmem:s13+$0xFFFFFFB0] =	vst v1  }
0x5aa: {  	s15 =	simm.s32 $0x8F70;
	v1 =	vld [tilespmem:s14+$0xFFFFFFC0]  }
0x5ab: {  	[tilespmem:s15+$0xFFFFFF90] =	vst v4;
	v0 =	vld.idx.msk [tilespmem:v0+s5+$0x0], $0xffff  }
0x5ac: {  	v4 =	vld [tilespmem:s16+$0xFFFFFFA0]  }
0x5ad: {  	[tilespmem:s15+$0xFFFFFF10] =	vst v5;
	v3 =	vld.idx.msk [tilespmem:v3+s5+$0x0], $0xffff  }
0x5ae: {  	v5 =	vld [tilespmem:s16+$0xFFFFFF20]  }
0x5af: {  	v2 =	vld.idx.msk [tilespmem:v2+s5+$0x0], $0xffff  }
0x5b0: {  	v7 =	vld [tilespmem:s19+$0xFFFFFF10];
	[tilespmem:s12+$0xFFFFFFD0] =	vst v0  }
0x5b1: {  	v0 =	vld [tilespmem:s20+$0xFFFFFFE0]  }
0x5b2: {  	[tilespmem:s13+$0xFFFFFF30] =	vst v3;
	v1 =	vld.idx.msk [tilespmem:v1+s5+$0x0], $0xffff  }
0x5b3: {  	v3 =	vld [tilespmem:s14+$0xFFFFFF40]  }
0x5b4: {  	v4 =	vld.idx.msk [tilespmem:v4+s5+$0x0], $0xffff;
	[tilespmem:s12+$0xFFFFFF50] =	vst v2  }
0x5b5: {  	v2 =	vld [tilespmem:s20+$0xFFFFFF60]  }
0x5b6: {  	v5 =	vld.idx.msk [tilespmem:v5+s5+$0x0], $0xffff  }
0x5b7: {  	v6 =	vld.idx.msk [tilespmem:v6+s5+$0x0], $0xffff;
	[tilespmem:s13+$0xFFFFFFC0] =	vst v1  }
0x5b8: {  	v1 =	vld [tilespmem:s14+$0xFFFFFFD0]  }
0x5b9: {  	[tilespmem:s15+$0xFFFFFFA0] =	vst v4;
	v0 =	vld.idx.msk [tilespmem:v0+s5+$0x0], $0xffff  }
0x5ba: {  	v4 =	vld [tilespmem:s16+$0xFFFFFFB0]  }
0x5bb: {  	[tilespmem:s15+$0xFFFFFF20] =	vst v5;
	v3 =	vld.idx.msk [tilespmem:v3+s5+$0x0], $0xffff  }
0x5bc: {  	v5 =	vld [tilespmem:s16+$0xFFFFFF30]  }
0x5bd: {  	v2 =	vld.idx.msk [tilespmem:v2+s5+$0x0], $0xffff  }
0x5be: {  	v7 =	vld.idx.msk [tilespmem:v7+s5+$0x0], $0xffff;
	[tilespmem:s12+$0xFFFFFFE0] =	vst v0  }
0x5bf: {  	v0 =	vld [tilespmem:s20+$0xFFFFFFF0]  }
0x5c0: {  	s17 =	simm.s32 $0x9070;
	[tilespmem:s13+$0xFFFFFF40] =	vst v3;
	v1 =	vld.idx.msk [tilespmem:v1+s5+$0x0], $0xffff  }
0x5c1: {  	[tilespmem:s17+$0xFFFFFF90] =	vst v6;
	v3 =	vld [tilespmem:s14+$0xFFFFFF50]  }
0x5c2: {  	[tilespmem:s12+$0xFFFFFF60] =	vst v2;
	v2 =	vld.idx.msk [tilespmem:v4+s5+$0x0], $0xffff  }
0x5c3: {  	v6 =	vld [tilespmem:s19+$0xFFFFFFA0]  }
0x5c4: {  	v4 =	vld [tilespmem:s20+$0xFFFFFF70]  }
0x5c5: {  	v5 =	vld.idx.msk [tilespmem:v5+s5+$0x0], $0xffff;
	[tilespmem:s13+$0xFFFFFFD0] =	vst v1  }
0x5c6: {  	v1 =	vld [tilespmem:s14+$0xFFFFFFE0]  }
0x5c7: {  	[tilespmem:s15+$0xFFFFFFB0] =	vst v2;
	v0 =	vld.idx.msk [tilespmem:v0+s5+$0x0], $0xffff  }
0x5c8: {  	v2 =	vld [tilespmem:s16+$0xFFFFFFC0]  }
0x5c9: {  	[tilespmem:s17+$0xFFFFFF10] =	vst v7;
	v3 =	vld.idx.msk [tilespmem:v3+s5+$0x0], $0xffff  }
0x5ca: {  	v8 =	vld [tilespmem:s19+$0xFFFFFF20];
	[tilespmem:s15+$0xFFFFFF30] =	vst v5  }
0x5cb: {  	v9 =	vld [tilespmem:s16+$0xFFFFFF40]  }
0x5cc: {  	v4 =	vld.idx.msk [tilespmem:v4+s5+$0x0], $0xffff;
	[tilespmem:s12+$0xFFFFFFF0] =	vst v0  }
0x5cd: {  	v0 =	vld [tilespmem:s20+$0x0]  }
0x5ce: {  	[tilespmem:s13+$0xFFFFFF50] =	vst v3;
	v1 =	vld.idx.msk [tilespmem:v1+s5+$0x0], $0xffff  }
0x5cf: {  	v10 =	vld [tilespmem:s14+$0xFFFFFF60]  }
0x5d0: {  	v2 =	vld.idx.msk [tilespmem:v2+s5+$0x0], $0xffff  }
0x5d1: {  	[tilespmem:s12+$0xFFFFFF70] =	vst v4;
	v4 =	vld.idx.msk [tilespmem:v6+s5+$0x0], $0xffff;
	_ =	sdelay $0x1  }
0x5d2: {  	v5 =	vld.idx.msk [tilespmem:v8+s5+$0x0], $0xffff;
	[tilespmem:s13+$0xFFFFFFE0] =	vst v1  }
0x5d3: {  	v1 =	vld [tilespmem:s14+$0xFFFFFFF0]  }
0x5d4: {  	[tilespmem:s15+$0xFFFFFFC0] =	vst v2;
	v7 =	vld.idx.msk [tilespmem:v0+s5+$0x0], $0xffff  }
0x5d5: {  	[tilespmem:s17+$0xFFFFFFA0] =	vst v4;
	v4 =	vld.idx.msk [tilespmem:v9+s5+$0x0], $0xffff  }
0x5d6: {  	v3 =	vld [tilespmem:s16+$0xFFFFFFD0]  }
0x5d7: {  	v2 =	vld.idx.msk [tilespmem:v10+s5+$0x0], $0xffff  }
0x5d8: {  	v6 =	vld [tilespmem:s19+$0xFFFFFFB0]  }
0x5d9: {  	s6 =	simm.s32 $0x6;
	v0 =	vld [tilespmem:s20+$0xFFFFFF80];
	s20 =	simm.s32 $0x4170;
	[tilespmem:s12+$0x0] =	vst v7  }
.LBB2_17:
0x5da: {  	v7 =	vld [tilespmem:s20+$0xFFFFFF90];
	s6 =	sadd.s32 $0x2, s6;
	s9 =	smov.u32 s15;
	s15 =	smov.u32 s17  }
0x5db: {  	v8 =	vld [tilespmem:s20+$0xFFFFFF10];
	p1 =	slt.u32 s6, $0x26;
	[tilespmem:s17+$0xFFFFFF20] =	vst v5  }
0x5dc: {  	v1 =	vld.idx.msk [tilespmem:v1+s5+$0x0], $0xffff  }
0x5dd: {  	v5 =	vld [tilespmem:s19+$0xFFFFFF30];
	[tilespmem:s9+$0xFFFFFF40] =	vst v4  }
0x5de: {  	v3 =	vld.idx.msk [tilespmem:v3+s5+$0x0], $0xffff  }
0x5df: {  	v4 =	vld [tilespmem:s16+$0xFFFFFF50];
	[tilespmem:s13+$0xFFFFFF60] =	vst v2  }
0x5e0: {  	v2 =	vld.idx.msk [tilespmem:v6+s5+$0x0], $0xffff  }
0x5e1: {  	v6 =	vld [tilespmem:s14+$0xFFFFFF70]  }
0x5e2: {  	v7 =	vld.idx.msk [tilespmem:v7+s5+$0x0], $0xffff;
	[tilespmem:s13+$0xFFFFFFF0] =	vst v1  }
0x5e3: {  	v1 =	vld [tilespmem:s14+$0x0]  }
0x5e4: {  	v8 =	vld.idx.msk [tilespmem:v8+s5+$0x0], $0xffff;
	[tilespmem:s9+$0xFFFFFFD0] =	vst v3  }
0x5e5: {  	v3 =	vld [tilespmem:s16+$0xFFFFFFE0]  }
0x5e6: {  	v5 =	vld.idx.msk [tilespmem:v5+s5+$0x0], $0xffff;
	[tilespmem:s17+$0xFFFFFFB0] =	vst v2  }
0x5e7: {  	s17 =	sadd.s32 $0x100, s17;
	v2 =	vld [tilespmem:s19+$0xFFFFFFC0]  }
0x5e8: {  	[tilespmem:s17+$0xFFFFFF90] =	vst v7;
	v4 =	vld.idx.msk [tilespmem:v4+s5+$0x0], $0xffff  }
0x5e9: {  	v7 =	vld [tilespmem:s20+$0xFFFFFFA0]  }
0x5ea: {  	[tilespmem:s17+$0xFFFFFF10] =	vst v8;
	v6 =	vld.idx.msk [tilespmem:v6+s5+$0x0], $0xffff  }
0x5eb: {  	v1 =	vld.idx.msk [tilespmem:v1+s5+$0x0], $0xffff  }
0x5ec: {  	v8 =	vld [tilespmem:s20+$0xFFFFFF20];
	[tilespmem:s15+$0xFFFFFF30] =	vst v5  }
0x5ed: {  	v3 =	vld.idx.msk [tilespmem:v3+s5+$0x0], $0xffff  }
0x5ee: {  	v9 =	vld [tilespmem:s19+$0xFFFFFF40];
	[tilespmem:s9+$0xFFFFFF50] =	vst v4  }
0x5ef: {  	v2 =	vld.idx.msk [tilespmem:v2+s5+$0x0], $0xffff  }
0x5f0: {  	v10 =	vld [tilespmem:s16+$0xFFFFFF60];
	[tilespmem:s13+$0xFFFFFF70] =	vst v6  }
0x5f1: {  	v4 =	vld.idx.msk [tilespmem:v7+s5+$0x0], $0xffff;
	[tilespmem:s13+$0x0] =	vst v1  }
0x5f2: {  	v6 =	vld [tilespmem:s14+$0xFFFFFF80];
	s14 =	smov.u32 s16;
	s16 =	smov.u32 s19;
	s19 =	smov.u32 s20  }
0x5f3: {  	[tilespmem:s9+$0xFFFFFFE0] =	vst v3;
	v7 =	vld.idx.msk [tilespmem:v0+s5+$0x0], $0xffff  }
0x5f4: {  	v1 =	vld [tilespmem:s14+$0xFFFFFFF0]  }
.Ltmp9:
0x5f5: {  	v5 =	vld.idx.msk [tilespmem:v8+s5+$0x0], $0xffff;
	[tilespmem:s15+$0xFFFFFFC0] =	vst v2;
	(pc) =	sbr.rel @p1 .LBB2_17-.Ltmp9, $4  }
0x5f6: {  	v3 =	vld [tilespmem:s16+$0xFFFFFFD0]  }
0x5f7: {  	[tilespmem:s17+$0xFFFFFFA0] =	vst v4;
	v4 =	vld.idx.msk [tilespmem:v9+s5+$0x0], $0xffff;
	v0 =	vmov v6  }
0x5f8: {  	v6 =	vld [tilespmem:s20+$0xFFFFFFB0]  }
0x5f9: {  	s20 =	sadd.s32 $0x100, s20;
	v2 =	vld.idx.msk [tilespmem:v10+s5+$0x0], $0xffff;
	[tilespmem:s12+$0xFFFFFF80] =	vst v7;
	s12 =	smov.u32 s13;
	s13 =	smov.u32 s9  }
0x5fa: {  	[tilespmem:s17+$0xFFFFFF20] =	vst v5  }
0x5fb: {  	v5 =	vld [tilespmem:s19+$0xFFFFFF30];
	_ =	sdelay $0x6  }
0x5fc: {  	v6 =	vld.idx.msk [tilespmem:v6+s5+$0x0], $0xffff  }
0x5fd: {  	v5 =	vld.idx.msk [tilespmem:v5+s5+$0x0], $0xffff;
	_ =	sdelay $0x3  }
0x5fe: {  	[tilespmem:s17+$0xFFFFFFB0] =	vst v6  }
0x5ff: {  	v6 =	vld [tilespmem:s19+$0xFFFFFFC0];
	[tilespmem:s17+$0xFFFFFF30] =	vst v5  }
0x600: {  	v5 =	vld [tilespmem:s19+$0xFFFFFF40];
	_ =	sdelay $0x6  }
0x601: {  	v6 =	vld.idx.msk [tilespmem:v6+s5+$0x0], $0xffff  }
0x602: {  	v5 =	vld.idx.msk [tilespmem:v5+s5+$0x0], $0xffff;
	_ =	sdelay $0x2  }
0x603: {  	[tilespmem:s15+$0xFFFFFF40] =	vst v4  }
0x604: {  	v59 =	vld [tilespmem:s16+$0xFFFFFF50];
	[tilespmem:s17+$0xFFFFFFC0] =	vst v6  }
0x605: {  	v58 =	vld [tilespmem:s19+$0xFFFFFFD0];
	[tilespmem:s17+$0xFFFFFF40] =	vst v5  }
0x606: {  	v5 =	vld [tilespmem:s19+$0xFFFFFF50];
	_ =	sdelay $0x4  }
0x607: {  	v3 =	vld.idx.msk [tilespmem:v3+s5+$0x0], $0xffff  }
0x608: {  	v6 =	vld.idx.msk [tilespmem:v59+s5+$0x0], $0xffff  }
0x609: {  	v4 =	vld.idx.msk [tilespmem:v58+s5+$0x0], $0xffff  }
0x60a: {  	v5 =	vld.idx.msk [tilespmem:v5+s5+$0x0], $0xffff;
	_ =	sdelay $0x1  }
0x60b: {  	[tilespmem:s15+$0xFFFFFFD0] =	vst v3  }
0x60c: {  	v3 =	vld [tilespmem:s16+$0xFFFFFFE0];
	[tilespmem:s15+$0xFFFFFF50] =	vst v6  }
0x60d: {  	v6 =	vld [tilespmem:s16+$0xFFFFFF60];
	[tilespmem:s17+$0xFFFFFFD0] =	vst v4  }
0x60e: {  	v4 =	vld [tilespmem:s19+$0xFFFFFFE0];
	[tilespmem:s17+$0xFFFFFF50] =	vst v5  }
0x60f: {  	v5 =	vld [tilespmem:s19+$0xFFFFFF60];
	_ =	sdelay $0x4  }
0x610: {  	v3 =	vld.idx.msk [tilespmem:v3+s5+$0x0], $0xffff  }
0x611: {  	v6 =	vld.idx.msk [tilespmem:v6+s5+$0x0], $0xffff  }
0x612: {  	v4 =	vld.idx.msk [tilespmem:v4+s5+$0x0], $0xffff  }
0x613: {  	v5 =	vld.idx.msk [tilespmem:v5+s5+$0x0], $0xffff  }
0x614: {  	[tilespmem:s13+$0xFFFFFF60] =	vst v2  }
0x615: {  	v61 =	vld [tilespmem:s14+$0xFFFFFF70];
	[tilespmem:s15+$0xFFFFFFE0] =	vst v3  }
0x616: {  	v60 =	vld [tilespmem:s16+$0xFFFFFFF0];
	[tilespmem:s15+$0xFFFFFF60] =	vst v6  }
0x617: {  	v6 =	vld [tilespmem:s16+$0xFFFFFF70];
	[tilespmem:s17+$0xFFFFFFE0] =	vst v4  }
0x618: {  	v4 =	vld [tilespmem:s19+$0xFFFFFFF0];
	[tilespmem:s17+$0xFFFFFF60] =	vst v5  }
0x619: {  	v5 =	vld [tilespmem:s19+$0xFFFFFF70];
	_ =	sdelay $0x2  }
0x61a: {  	v1 =	vld.idx.msk [tilespmem:v1+s5+$0x0], $0xffff  }
0x61b: {  	v3 =	vld.idx.msk [tilespmem:v61+s5+$0x0], $0xffff  }
0x61c: {  	v2 =	vld.idx.msk [tilespmem:v60+s5+$0x0], $0xffff  }
0x61d: {  	v6 =	vld.idx.msk [tilespmem:v6+s5+$0x0], $0xffff  }
0x61e: {  	v4 =	vld.idx.msk [tilespmem:v4+s5+$0x0], $0xffff  }
0x61f: {  	[tilespmem:s13+$0xFFFFFFF0] =	vst v1;
	v5 =	vld.idx.msk [tilespmem:v5+s5+$0x0], $0xffff  }
0x620: {  	v1 =	vld [tilespmem:s14+$0x0];
	[tilespmem:s13+$0xFFFFFF70] =	vst v3  }
0x621: {  	v3 =	vld [tilespmem:s14+$0xFFFFFF80];
	[tilespmem:s15+$0xFFFFFFF0] =	vst v2  }
0x622: {  	v2 =	vld [tilespmem:s16+$0x0];
	[tilespmem:s15+$0xFFFFFF70] =	vst v6  }
0x623: {  	v6 =	vld [tilespmem:s16+$0xFFFFFF80];
	[tilespmem:s17+$0xFFFFFFF0] =	vst v4  }
0x624: {  	v4 =	vld [tilespmem:s19+$0x0];
	[tilespmem:s17+$0xFFFFFF70] =	vst v5  }
0x625: {  	v5 =	vld [tilespmem:s19+$0xFFFFFF80];
	_ =	sdelay $0x1  }
0x626: {  	s6 =	sadd.s32 $0x7, s11;
	v0 =	vld.idx.msk [tilespmem:v0+s5+$0x0], $0xffff  }
0x627: {  	s9 =	smulhi.u32 $0x66666667, s6;
	v1 =	vld.idx.msk [tilespmem:v1+s5+$0x0], $0xffff  }
0x628: {  	v3 =	vld.idx.msk [tilespmem:v3+s5+$0x0], $0xffff  }
0x629: {  	s9 =	sshrl.u32 s9, $0x1;
	v2 =	vld.idx.msk [tilespmem:v2+s5+$0x0], $0xffff  }
0x62a: {  	s20 =	smul.u32 $0x5, s9;
	v62 =	vld.idx.msk [tilespmem:v6+s5+$0x0], $0xffff  }
0x62b: {  	[tilespmem:s12+$0xFFFFFF80] =	vst v0;
	v4 =	vld.idx.msk [tilespmem:v4+s5+$0x0], $0xffff  }
0x62c: {  	s6 =	ssub.s32 s6, s20;
	[tilespmem:s13+$0x0] =	vst v1;
	v63 =	vld.idx.msk [tilespmem:v5+s5+$0x0], $0xffff  }
0x62d: {  	s9 =	sadd.s32 s18, s9;
	s6 =	smul.u32 $0xA0000, s6;
	[tilespmem:s13+$0xFFFFFF80] =	vst v3  }
.Ltmp10:
0x62e: {  	s9 =	sshll.u32 s9, $0xA;
	[tilespmem:s15+$0x0] =	vst v2;
	(pc) =	sbr.rel @p0 .LBB2_20-.Ltmp10, $4  }
0x62f: {  	s6 =	sadd.s32 s6, s9;
	[tilespmem:s15+$0xFFFFFF80] =	vst v62  }
0x630: {  	s6 =	sshrl.u32 s6, $0x3;
	[tilespmem:s17+$0x0] =	vst v4  }
0x631: {  	s6 =	sadd.s32 s4, s6;
	[tilespmem:s17+$0xFFFFFF80] =	vst v63  }
0x632: {  	[hbm4b:s6+s21] =	stream.strided.scatter [tilespmem:s23], [sflag:$0x8], $0x1400, s22, s21, $0x38;
	[tilespmem:$0xA080] =	vst v63  }
0x633: {  	s6 =	sadd.s32 $0xB, s11  }
0x634: {  	s9 =	smulhi.u32 $0x66666667, s6;
	_ =	sdelay $0x1  }
0x635: {  	s9 =	sshrl.u32 s9, $0x1  }
0x636: {  	s20 =	smul.u32 $0x5, s9;
	_ =	sdelay $0x1  }
0x637: {  	s6 =	ssub.s32 s6, s20  }
0x638: {  	s9 =	sadd.s32 s18, s9;
	s6 =	smul.u32 $0xA0000, s6  }
.Ltmp11:
0x639: {  	s9 =	sshll.u32 s9, $0xA;
	(pc) =	sbr.rel .LBB2_10-.Ltmp11, $4  }
0x63a: {  	s6 =	sadd.s32 s6, s9  }
0x63b: {  	s6 =	sshrl.u32 s6, $0x3  }
0x63c: {  	s10 =	sadd.s32 $0x1, s10;
	s6 =	sadd.s32 s1, s6  }
0x63d: {  	[tilespmem:s26], [sflag:$0x4] =	stream.strided.gather [hbm4b:s6+s21], $0x1400, s22, s21, $0x38;
	[tilespmem:$0xA080] =	vst v63  }
.LBB2_21:
0x63e: {  	_ =	sfence.sel $0x180000  }
0x63f: {  	[bflag:$0x0] =	sbarrier.arrive $0xFFFF  }
0x640: {  	_ =	strace $0x90000047  }
0x641: {  	s0 =	stileid.u32;
	[bflag:$0x2] =	sbarrier.arrive $0xFFFF  }
0x642: {  	p0 =	sne.s32 s0, $0x0;
	s0 =	rddreg [dreg:$0x3]  }
0x643: {  	s0 =	sadd.s32 @!p0 $0x100000, s0  }
0x644: {  	[sflag:s0] =	ssyncadd.tile.s32 @!p0 $0x1;
	_ =	shalt  }
.Lfunc_end2:
_tile_overlayer_lowered:
.L_overlay_start_2:
0x645: {  	(tag) =	ssettag $0x2  }
0x646: {  	s0 =	rddreg [dreg:$0x0];
	s2 =	stileid.u32  }
0x647: {  	s1 =	rddreg [dreg:$0x1];
	p0 =	sne.s32 s2, $0x0  }
0x648: {  	s3 =	rddreg [dreg:$0x2];
	[bflag:$0x3] =	sbarrier.arrive $0xFFFF;
	s2 =	simm.s32 @!p0 $0x1C09  }
0x649: {  	[timem:s3], [sflag:s2] =	dma.local @!p0 [hbm:s0], s1  }
0x64a: {  	s0 =	simm.s32 @!p0 $0x9  }
0x64b: {  	_ =	swait.ge @!p0 [sflag:s0], s1  }
0x64c: {  	s1 =	ssub.s32 @!p0 $0x0, s1;
	[sflag:s0] =	ssyncset.done @!p0 $0x0  }
0x64d: {  	[sflag:s0] =	ssyncadd.s32 @!p0 s1  }
0x64e: {  	[bflag:$0x3] =	sbarrier.arrive $0xFFFF  }
0x64f: {  	_ =	shalt  }

</sc_bundles>
